<compile_context>
chip_gen: v7x
topology: tpu7x:2x2x1
jax: 0.10.2.dev20260603
libtpu: 0.0.44.dev20260713+nightly
codegen_flags: <defaults>
</compile_context>

<pallas_src>
import functools

import jax
import jax.numpy as jnp
from jax import lax
from jax.experimental import pallas as pl
from jax.experimental.pallas import tpu as pltpu
from jax.experimental.pallas import tpu_sc as plsc

_NC = 2
_NS = 16
_NW = _NC * _NS
_L = 16


def _mm_body(x_ref, w_ref, b_ref, o_ref):
    o_ref[...] = (
        jnp.dot(x_ref[...], w_ref[...], preferred_element_type=jnp.float32)
        + b_ref[...]
    )


def _transform(x_flat, Ws, bs):
    BN, D = x_flat.shape
    BLK = 2000
    return pl.pallas_call(
        _mm_body,
        grid=(BN // BLK,),
        in_specs=[
            pl.BlockSpec((BLK, D), lambda i: (i, 0)),
            pl.BlockSpec((D, D), lambda i: (0, 0)),
            pl.BlockSpec((1, D), lambda i: (0, 0)),
        ],
        out_specs=pl.BlockSpec((BLK, D), lambda i: (i, 0)),
        out_shape=jax.ShapeDtypeStruct((BN, D), jnp.float32),
    )(x_flat, Ws, bs)


def _make_gather_sum(BN, D, K, N):
    CH = 8
    CHK = CH * K
    ngroups = BN // CH
    base_g, extra = divmod(ngroups, _NW)
    ngmax = base_g + (extra > 0)
    NB = 4
    assert BN % CH == 0 and N % CH == 0 and D % _L == 0 and base_g >= NB

    mesh = plsc.VectorSubcoreMesh(
        core_axis_name="c", subcore_axis_name="s", num_cores=_NC,
        num_subcores=_NS)

    @functools.partial(
        pl.kernel,
        mesh=mesh,
        out_type=jax.ShapeDtypeStruct((BN, D), jnp.float32),
        scratch_types=[
            pltpu.VMEM((ngmax * CHK,), jnp.int32),
            [pltpu.VMEM((CHK, D), jnp.float32) for _ in range(NB)],
            [pltpu.VMEM((CH, D), jnp.float32) for _ in range(NB)],
            [pltpu.SemaphoreType.DMA for _ in range(NB)],
            [pltpu.SemaphoreType.DMA for _ in range(NB)],
        ],
    )
    def gather_sum(y_hbm, gidx_hbm, out_hbm, idx_all, rows, outs, sg, so):
        wid = lax.axis_index("s") * _NC + lax.axis_index("c")
        g0 = wid * base_g + lax.min(wid, extra)
        ng = base_g + jnp.where(wid < extra, 1, 0)
        ibase = g0 * CHK

        pltpu.sync_copy(gidx_hbm.at[pl.ds(ibase, base_g * CHK)],
                        idx_all.at[pl.ds(0, base_g * CHK)])

        @pl.when(wid < extra)
        def _tail():
            pltpu.sync_copy(gidx_hbm.at[pl.ds(ibase + base_g * CHK, CHK)],
                            idx_all.at[pl.ds(base_g * CHK, CHK)])

        @pl.loop(0, ng)
        def _off(c):
            boff = ((g0 + c) * CH // N) * N
            for j in range(CHK // _L):
                sl = pl.ds(c * CHK + j * _L, _L)
                idx_all[sl] = idx_all[sl] + boff

        def start_gather(c, bi):
            pltpu.async_copy(
                y_hbm.at[idx_all.at[pl.ds(c * CHK, CHK)]], rows[bi], sg[bi])

        def wait_gather(bi):
            pltpu.make_async_copy(
                y_hbm.at[idx_all.at[pl.ds(0, CHK)]], rows[bi], sg[bi]).wait()

        def wait_out(bi):
            pltpu.make_async_copy(
                outs[bi], out_hbm.at[pl.ds(0, CH)], so[bi]).wait()

        for _b in range(NB):
            start_gather(_b, _b)

        @pl.loop(0, (ngmax + NB - 1) // NB)
        def _pair(p):
            for bi in range(NB):
                cc = p * NB + bi

                @pl.when(cc < ng)
                def _do():
                    wait_gather(bi)

                    @pl.when(cc >= NB)
                    def _wo():
                        wait_out(bi)

                    @pl.loop(0, CH)
                    def _row(r):
                        nd = D // _L
                        accs = [rows[bi][r * K, pl.ds(dd * _L, _L)]
                                for dd in range(nd)]
                        for kk in range(1, K):
                            for dd in range(nd):
                                accs[dd] = accs[dd] + rows[bi][
                                    r * K + kk, pl.ds(dd * _L, _L)]
                        for dd in range(nd):
                            outs[bi][r, pl.ds(dd * _L, _L)] = accs[dd]

                    pltpu.async_copy(
                        outs[bi], out_hbm.at[pl.ds((g0 + cc) * CH, CH)],
                        so[bi])

                    @pl.when(cc + NB < ng)
                    def _ng():
                        start_gather(cc + NB, bi)

        for bi in range(NB):
            wait_out(bi)

    return gather_sum


def kernel(x, knn_idx, W, b):
    B, N, D = x.shape
    K = knn_idx.shape[-1]
    BN = B * N

    x_flat = x.reshape(BN, D)
    Ws = W.T / K
    bs = (b / K).reshape(1, D)
    y = _transform(x_flat, Ws, bs)

    gidx = knn_idx.reshape(BN * K).astype(jnp.int32)
    out_flat = _make_gather_sum(BN, D, K, N)(y, gidx)
    return out_flat.reshape(B, N, D)

# --- scband reference (transcript-rebuilt; emitter-appended) ---
"""Pipeline reference for scband-simple-message-passing-7876970021340 (READ-ONLY COPY).

The authoritative reference and input builder live on the scoring server;
editing this copy changes nothing except your own understanding.
"""

import jax, jax.numpy as jnp
import numpy as np

B, N, D, K = 4, 10000, 128, 16

def setup_inputs(seed: int = 0) -> dict:
    key = jax.random.key(seed)
    k1, k2, k3, k4 = jax.random.split(key, 4)
    x = jax.random.normal(k1, (B, N, D), dtype=jnp.float32)
    knn_idx = jax.random.randint(k2, (B, N, K), 0, N, dtype=jnp.int64) if jax.config.jax_enable_x64 else jax.random.randint(k2, (B, N, K), 0, N, dtype=jnp.int32)
    # nn.Linear(dim, dim): weight [D, D], bias [D], kaiming-uniform-like init
    bound = 1.0 / np.sqrt(D)
    W = jax.random.uniform(k3, (D, D), dtype=jnp.float32, minval=-bound, maxval=bound)
    b = jax.random.uniform(k4, (D,), dtype=jnp.float32, minval=-bound, maxval=bound)
    return {"x": x, "knn_idx": knn_idx, "W": W, "b": b}

def reference(x, knn_idx, W, b):
    Bx, Nx, Dx = x.shape
    k = knn_idx.shape[-1]
    flat_idx = knn_idx.reshape(Bx, Nx * k)
    # gather along node axis (axis=1): SparseCore-friendly gather
    neighbors = jnp.take_along_axis(x, flat_idx[:, :, None], axis=1)
    neighbors = neighbors.reshape(Bx, Nx, k, Dx)
    pooled = neighbors.mean(axis=2)
    # nn.Linear: y = pooled @ W^T + b
    return pooled @ W.T + b

if __name__ == "__main__":
    import jax
    _d = setup_inputs()
    print(jax.jit(kernel)(*tuple(_d.values())))

</pallas_src>

<mosaic_0001>
#map = affine_map<(d0, d1) -> (0, 0)>
#map1 = affine_map<(d0, d1) -> (0)>
module attributes {stable_mosaic.version = 14 : i64} {
  func.func @gather_sum(%arg0: i32, %arg1: i32, %arg2: memref<40000x128xf32, #tpu.memory_space<hbm>>, %arg3: memref<640000xi32, #tpu.memory_space<hbm>>, %arg4: memref<40000x128xf32, #tpu.memory_space<hbm>>, %arg5: memref<20096xi32, #tpu.memory_space<vmem>>, %arg6: memref<128x128xf32, #tpu.memory_space<vmem>>, %arg7: memref<128x128xf32, #tpu.memory_space<vmem>>, %arg8: memref<128x128xf32, #tpu.memory_space<vmem>>, %arg9: memref<128x128xf32, #tpu.memory_space<vmem>>, %arg10: memref<8x128xf32, #tpu.memory_space<vmem>>, %arg11: memref<8x128xf32, #tpu.memory_space<vmem>>, %arg12: memref<8x128xf32, #tpu.memory_space<vmem>>, %arg13: memref<8x128xf32, #tpu.memory_space<vmem>>, %arg14: memref<!tpu.dma_semaphore, #tpu.memory_space<semaphore_mem>>, %arg15: memref<!tpu.dma_semaphore, #tpu.memory_space<semaphore_mem>>, %arg16: memref<!tpu.dma_semaphore, #tpu.memory_space<semaphore_mem>>, %arg17: memref<!tpu.dma_semaphore, #tpu.memory_space<semaphore_mem>>, %arg18: memref<!tpu.dma_semaphore, #tpu.memory_space<semaphore_mem>>, %arg19: memref<!tpu.dma_semaphore, #tpu.memory_space<semaphore_mem>>, %arg20: memref<!tpu.dma_semaphore, #tpu.memory_space<semaphore_mem>>, %arg21: memref<!tpu.dma_semaphore, #tpu.memory_space<semaphore_mem>>) attributes {dimension_semantics = [#tpu.dimension_semantics<core_parallel>, #tpu.dimension_semantics<subcore_parallel>], iteration_bounds = array<i64: 2, 16>, scalar_prefetch = 0 : i64, scratch_operands = 17 : i64, tpu.core_type = #tpu.core_type<sc_vector_subcore>, window_params = [{transform_indices = #map}, {transform_indices = #map1}, {transform_indices = #map}]} {
    %mul3A = arith.constant 2 : i32
    %mul3A_0 = arith.muli %arg1, %mul3A : i32
    %add3A = arith.addi %mul3A_0, %arg0 : i32
    %mul3A_1 = arith.constant 156 : i32
    %mul3A_2 = arith.muli %add3A, %mul3A_1 : i32
    %min3A = arith.constant 8 : i32
    %min3A_3 = arith.minsi %add3A, %min3A : i32
    %add3A_4 = arith.addi %mul3A_2, %min3A_3 : i32
    %lt3A = arith.constant 8 : i32
    %lt3A_5 = arith.cmpi slt, %add3A, %lt3A : i32
    %jit3A = arith.constant 1 : i32
    %jit3A_6 = arith.constant 0 : i32
    %select_n3A = arith.select %lt3A_5, %jit3A, %jit3A_6 : i32
    %add3A_7 = arith.constant 156 : i32
    %add3A_8 = arith.addi %add3A_7, %select_n3A : i32
    %mul3A_9 = arith.constant 128 : i32
    %mul3A_10 = arith.muli %add3A_4, %mul3A_9 : i32
    "tpu.region"() ({
      %run_scoped3A = tpu.sem_alloc : memref<!tpu.dma_semaphore, #tpu.memory_space<semaphore_mem>>
      %dma_start3A_76 = arith.constant 0 : i32
      %dma_start3A_77 = tpu.memref_slice %arg5[%dma_start3A_76] : memref<20096xi32, #tpu.memory_space<vmem>> -> memref<19968xi32, #tpu.memory_space<vmem>>
      %dma_start3A_78 = tpu.memref_slice %arg3[%mul3A_10] : memref<640000xi32, #tpu.memory_space<hbm>> -> memref<19968xi32, #tpu.memory_space<hbm>>
      %dma_start3A_79 = arith.constant 0 : i32
      %dma_start3A_80 = tpu.memref_slice %arg5[%dma_start3A_79] : memref<20096xi32, #tpu.memory_space<vmem>> -> memref<19968xi32, #tpu.memory_space<vmem>>
      %dma_start3A_81 = tpu.memref_slice %arg3[%mul3A_10] : memref<640000xi32, #tpu.memory_space<hbm>> -> memref<19968xi32, #tpu.memory_space<hbm>>
      tpu.enqueue_dma source(%dma_start3A_81 : memref<19968xi32, #tpu.memory_space<hbm>>) target(%dma_start3A_80 : memref<19968xi32, #tpu.memory_space<vmem>>) target_semaphore(%run_scoped3A : memref<!tpu.dma_semaphore, #tpu.memory_space<semaphore_mem>>)
      %dma_wait3A_82 = arith.constant 0 : i32
      %dma_wait3A_83 = tpu.memref_slice %arg5[%dma_wait3A_82] : memref<20096xi32, #tpu.memory_space<vmem>> -> memref<19968xi32, #tpu.memory_space<vmem>>
      %dma_wait3A_84 = tpu.memref_slice %arg3[%mul3A_10] : memref<640000xi32, #tpu.memory_space<hbm>> -> memref<19968xi32, #tpu.memory_space<hbm>>
      %dma_wait3A_85 = arith.constant 0 : i32
      %dma_wait3A_86 = tpu.memref_slice %arg5[%dma_wait3A_85] : memref<20096xi32, #tpu.memory_space<vmem>> -> memref<19968xi32, #tpu.memory_space<vmem>>
      %dma_wait3A_87 = tpu.memref_slice %arg3[%mul3A_10] : memref<640000xi32, #tpu.memory_space<hbm>> -> memref<19968xi32, #tpu.memory_space<hbm>>
      tpu.wait_dma2 semaphore(%run_scoped3A : memref<!tpu.dma_semaphore, #tpu.memory_space<semaphore_mem>>) src(%dma_wait3A_87 : memref<19968xi32, #tpu.memory_space<hbm>>) dst(%dma_wait3A_86 : memref<19968xi32, #tpu.memory_space<vmem>>)
      tpu.yield
    }) : () -> ()
    %lt3A_11 = arith.constant 8 : i32
    %lt3A_12 = arith.cmpi slt, %add3A, %lt3A_11 : i32
    %convert_element_type3A = arith.extui %lt3A_12 : i1 to i32
    %cond3A = arith.constant 0 : i32
    %cond3A_13 = arith.cmpi ne, %convert_element_type3A, %cond3A : i32
    scf.if %cond3A_13 {
      %add3A_76 = arith.constant 19968 : i32
      %add3A_77 = arith.addi %mul3A_10, %add3A_76 : i32
      "tpu.region"() ({
        %run_scoped3A = tpu.sem_alloc : memref<!tpu.dma_semaphore, #tpu.memory_space<semaphore_mem>>
        %dma_start3A_78 = arith.constant 19968 : i32
        %dma_start3A_79 = tpu.memref_slice %arg5[%dma_start3A_78] : memref<20096xi32, #tpu.memory_space<vmem>> -> memref<128xi32, #tpu.memory_space<vmem>>
        %dma_start3A_80 = tpu.memref_slice %arg3[%add3A_77] : memref<640000xi32, #tpu.memory_space<hbm>> -> memref<128xi32, #tpu.memory_space<hbm>>
        %dma_start3A_81 = arith.constant 19968 : i32
        %dma_start3A_82 = tpu.memref_slice %arg5[%dma_start3A_81] : memref<20096xi32, #tpu.memory_space<vmem>> -> memref<128xi32, #tpu.memory_space<vmem>>
        %dma_start3A_83 = tpu.memref_slice %arg3[%add3A_77] : memref<640000xi32, #tpu.memory_space<hbm>> -> memref<128xi32, #tpu.memory_space<hbm>>
        tpu.enqueue_dma source(%dma_start3A_83 : memref<128xi32, #tpu.memory_space<hbm>>) target(%dma_start3A_82 : memref<128xi32, #tpu.memory_space<vmem>>) target_semaphore(%run_scoped3A : memref<!tpu.dma_semaphore, #tpu.memory_space<semaphore_mem>>)
        %dma_wait3A_84 = arith.constant 19968 : i32
        %dma_wait3A_85 = tpu.memref_slice %arg5[%dma_wait3A_84] : memref<20096xi32, #tpu.memory_space<vmem>> -> memref<128xi32, #tpu.memory_space<vmem>>
        %dma_wait3A_86 = tpu.memref_slice %arg3[%add3A_77] : memref<640000xi32, #tpu.memory_space<hbm>> -> memref<128xi32, #tpu.memory_space<hbm>>
        %dma_wait3A_87 = arith.constant 19968 : i32
        %dma_wait3A_88 = tpu.memref_slice %arg5[%dma_wait3A_87] : memref<20096xi32, #tpu.memory_space<vmem>> -> memref<128xi32, #tpu.memory_space<vmem>>
        %dma_wait3A_89 = tpu.memref_slice %arg3[%add3A_77] : memref<640000xi32, #tpu.memory_space<hbm>> -> memref<128xi32, #tpu.memory_space<hbm>>
        tpu.wait_dma2 semaphore(%run_scoped3A : memref<!tpu.dma_semaphore, #tpu.memory_space<semaphore_mem>>) src(%dma_wait3A_89 : memref<128xi32, #tpu.memory_space<hbm>>) dst(%dma_wait3A_88 : memref<128xi32, #tpu.memory_space<vmem>>)
        tpu.yield
      }) : () -> ()
    } else {
    }
    %sub3A = arith.constant 0 : i32
    %sub3A_14 = arith.subi %add3A_8, %sub3A : i32
    %sub3A_15 = arith.constant 1 : i32
    %sub3A_16 = arith.constant 1 : i32
    %sub3A_17 = arith.subi %sub3A_15, %sub3A_16 : i32
    %add3A_18 = arith.addi %sub3A_14, %sub3A_17 : i32
    %div3A = arith.constant 1 : i32
    %div3A_19 = arith.divsi %add3A_18, %div3A : i32
    %while3A = arith.constant 1 : i32
    %while3A_20 = arith.constant 0 : i32
    %while3A_21 = arith.constant 0 : i32
    %while3A_22 = arith.subi %div3A_19, %while3A_21 : i32
    %while3A_23 = arith.addi %while3A_21, %while3A_22 : i32
    %while3A_24 = arith.constant 1 : i32
    %while3A_25 = arith.divsi %while3A_22, %while3A_24 : i32
    %while3A_26 = arith.muli %while3A_25, %while3A_24 : i32
    %while3A_27 = arith.addi %while3A_21, %while3A_26 : i32
    %while3A_28 = arith.constant 1 : i32
    scf.for %while3A_76 = %while3A_21 to %while3A_27 step %while3A_28  : i32 {
      %mul3A_77 = arith.muli %while3A_76, %while3A : i32
      %add3A_78 = arith.addi %while3A_20, %mul3A_77 : i32
      %add3A_79 = arith.addi %add3A_4, %add3A_78 : i32
      %mul3A_80 = arith.constant 8 : i32
      %mul3A_81 = arith.muli %add3A_79, %mul3A_80 : i32
      %jit3A_82 = arith.constant 10000 : i32
      %div3A_83 = arith.divsi %mul3A_81, %jit3A_82 : i32
      %sign3A = arith.constant 0 : i32
      %sign3A_84 = arith.cmpi sgt, %mul3A_81, %sign3A : i32
      %sign3A_85 = arith.extui %sign3A_84 : i1 to i32
      %sign3A_86 = arith.constant 0 : i32
      %sign3A_87 = arith.cmpi slt, %mul3A_81, %sign3A_86 : i32
      %sign3A_88 = arith.extui %sign3A_87 : i1 to i32
      %sign3A_89 = arith.subi %sign3A_85, %sign3A_88 : i32
      %sign3A_90 = arith.constant 0 : i32
      %sign3A_91 = arith.cmpi sgt, %jit3A_82, %sign3A_90 : i32
      %sign3A_92 = arith.extui %sign3A_91 : i1 to i32
      %sign3A_93 = arith.constant 0 : i32
      %sign3A_94 = arith.cmpi slt, %jit3A_82, %sign3A_93 : i32
      %sign3A_95 = arith.extui %sign3A_94 : i1 to i32
      %sign3A_96 = arith.subi %sign3A_92, %sign3A_95 : i32
      %ne3A = arith.cmpi ne, %sign3A_89, %sign3A_96 : i32
      %rem3A = arith.remsi %mul3A_81, %jit3A_82 : i32
      %ne3A_97 = arith.constant 0 : i32
      %ne3A_98 = arith.cmpi ne, %rem3A, %ne3A_97 : i32
      %and3A = arith.andi %ne3A, %ne3A_98 : i1
      %sub3A_99 = arith.constant 1 : i32
      %sub3A_100 = arith.subi %div3A_83, %sub3A_99 : i32
      %select_n3A_101 = arith.select %and3A, %sub3A_100, %div3A_83 : i32
      %mul3A_102 = arith.constant 10000 : i32
      %mul3A_103 = arith.muli %select_n3A_101, %mul3A_102 : i32
      %mul3A_104 = arith.constant 128 : i32
      %mul3A_105 = arith.muli %add3A_78, %mul3A_104 : i32
      %add3A_106 = arith.constant 0 : i32
      %add3A_107 = arith.addi %mul3A_105, %add3A_106 : i32
      %get3A = arith.index_cast %add3A_107 : i32 to index
      %get3A_108 = tpu.vector_load %arg5[%get3A] {strides = array<i32>} : memref<20096xi32, #tpu.memory_space<vmem>>, vector<16xi32>,
      %get3A_109 = vector.shape_cast %get3A_108 : vector<16xi32> to vector<16xi32>
      %add3A_110 = vector.broadcast %mul3A_103 : i32 to vector<16xi32>
      %add3A_111 = arith.addi %get3A_109, %add3A_110 : vector<16xi32>
      %swap3A = arith.index_cast %add3A_107 : i32 to index
      %swap3A_112 = tpu.vector_load %arg5[%swap3A] {strides = array<i32>} : memref<20096xi32, #tpu.memory_space<vmem>>, vector<16xi32>,
      %swap3A_113 = vector.shape_cast %swap3A_112 : vector<16xi32> to vector<16xi32>
      %swap3A_114 = vector.shape_cast %add3A_111 : vector<16xi32> to vector<16xi32>
      tpu.vector_store %arg5[%swap3A], %swap3A_114 {strides = array<i32>} : memref<20096xi32, #tpu.memory_space<vmem>>, vector<16xi32>,
      %mul3A_115 = arith.constant 128 : i32
      %mul3A_116 = arith.muli %add3A_78, %mul3A_115 : i32
      %add3A_117 = arith.constant 16 : i32
      %add3A_118 = arith.addi %mul3A_116, %add3A_117 : i32
      %get3A_119 = arith.index_cast %add3A_118 : i32 to index
      %get3A_120 = tpu.vector_load %arg5[%get3A_119] {strides = array<i32>} : memref<20096xi32, #tpu.memory_space<vmem>>, vector<16xi32>,
      %get3A_121 = vector.shape_cast %get3A_120 : vector<16xi32> to vector<16xi32>
      %add3A_122 = vector.broadcast %mul3A_103 : i32 to vector<16xi32>
      %add3A_123 = arith.addi %get3A_121, %add3A_122 : vector<16xi32>
      %swap3A_124 = arith.index_cast %add3A_118 : i32 to index
      %swap3A_125 = tpu.vector_load %arg5[%swap3A_124] {strides = array<i32>} : memref<20096xi32, #tpu.memory_space<vmem>>, vector<16xi32>,
      %swap3A_126 = vector.shape_cast %swap3A_125 : vector<16xi32> to vector<16xi32>
      %swap3A_127 = vector.shape_cast %add3A_123 : vector<16xi32> to vector<16xi32>
      tpu.vector_store %arg5[%swap3A_124], %swap3A_127 {strides = array<i32>} : memref<20096xi32, #tpu.memory_space<vmem>>, vector<16xi32>,
      %mul3A_128 = arith.constant 128 : i32
      %mul3A_129 = arith.muli %add3A_78, %mul3A_128 : i32
      %add3A_130 = arith.constant 32 : i32
      %add3A_131 = arith.addi %mul3A_129, %add3A_130 : i32
      %get3A_132 = arith.index_cast %add3A_131 : i32 to index
      %get3A_133 = tpu.vector_load %arg5[%get3A_132] {strides = array<i32>} : memref<20096xi32, #tpu.memory_space<vmem>>, vector<16xi32>,
      %get3A_134 = vector.shape_cast %get3A_133 : vector<16xi32> to vector<16xi32>
      %add3A_135 = vector.broadcast %mul3A_103 : i32 to vector<16xi32>
      %add3A_136 = arith.addi %get3A_134, %add3A_135 : vector<16xi32>
      %swap3A_137 = arith.index_cast %add3A_131 : i32 to index
      %swap3A_138 = tpu.vector_load %arg5[%swap3A_137] {strides = array<i32>} : memref<20096xi32, #tpu.memory_space<vmem>>, vector<16xi32>,
      %swap3A_139 = vector.shape_cast %swap3A_138 : vector<16xi32> to vector<16xi32>
      %swap3A_140 = vector.shape_cast %add3A_136 : vector<16xi32> to vector<16xi32>
      tpu.vector_store %arg5[%swap3A_137], %swap3A_140 {strides = array<i32>} : memref<20096xi32, #tpu.memory_space<vmem>>, vector<16xi32>,
      %mul3A_141 = arith.constant 128 : i32
      %mul3A_142 = arith.muli %add3A_78, %mul3A_141 : i32
      %add3A_143 = arith.constant 48 : i32
      %add3A_144 = arith.addi %mul3A_142, %add3A_143 : i32
      %get3A_145 = arith.index_cast %add3A_144 : i32 to index
      %get3A_146 = tpu.vector_load %arg5[%get3A_145] {strides = array<i32>} : memref<20096xi32, #tpu.memory_space<vmem>>, vector<16xi32>,
      %get3A_147 = vector.shape_cast %get3A_146 : vector<16xi32> to vector<16xi32>
      %add3A_148 = vector.broadcast %mul3A_103 : i32 to vector<16xi32>
      %add3A_149 = arith.addi %get3A_147, %add3A_148 : vector<16xi32>
      %swap3A_150 = arith.index_cast %add3A_144 : i32 to index
      %swap3A_151 = tpu.vector_load %arg5[%swap3A_150] {strides = array<i32>} : memref<20096xi32, #tpu.memory_space<vmem>>, vector<16xi32>,
      %swap3A_152 = vector.shape_cast %swap3A_151 : vector<16xi32> to vector<16xi32>
      %swap3A_153 = vector.shape_cast %add3A_149 : vector<16xi32> to vector<16xi32>
      tpu.vector_store %arg5[%swap3A_150], %swap3A_153 {strides = array<i32>} : memref<20096xi32, #tpu.memory_space<vmem>>, vector<16xi32>,
      %mul3A_154 = arith.constant 128 : i32
      %mul3A_155 = arith.muli %add3A_78, %mul3A_154 : i32
      %add3A_156 = arith.constant 64 : i32
      %add3A_157 = arith.addi %mul3A_155, %add3A_156 : i32
      %get3A_158 = arith.index_cast %add3A_157 : i32 to index
      %get3A_159 = tpu.vector_load %arg5[%get3A_158] {strides = array<i32>} : memref<20096xi32, #tpu.memory_space<vmem>>, vector<16xi32>,
      %get3A_160 = vector.shape_cast %get3A_159 : vector<16xi32> to vector<16xi32>
      %add3A_161 = vector.broadcast %mul3A_103 : i32 to vector<16xi32>
      %add3A_162 = arith.addi %get3A_160, %add3A_161 : vector<16xi32>
      %swap3A_163 = arith.index_cast %add3A_157 : i32 to index
      %swap3A_164 = tpu.vector_load %arg5[%swap3A_163] {strides = array<i32>} : memref<20096xi32, #tpu.memory_space<vmem>>, vector<16xi32>,
      %swap3A_165 = vector.shape_cast %swap3A_164 : vector<16xi32> to vector<16xi32>
      %swap3A_166 = vector.shape_cast %add3A_162 : vector<16xi32> to vector<16xi32>
      tpu.vector_store %arg5[%swap3A_163], %swap3A_166 {strides = array<i32>} : memref<20096xi32, #tpu.memory_space<vmem>>, vector<16xi32>,
      %mul3A_167 = arith.constant 128 : i32
      %mul3A_168 = arith.muli %add3A_78, %mul3A_167 : i32
      %add3A_169 = arith.constant 80 : i32
      %add3A_170 = arith.addi %mul3A_168, %add3A_169 : i32
      %get3A_171 = arith.index_cast %add3A_170 : i32 to index
      %get3A_172 = tpu.vector_load %arg5[%get3A_171] {strides = array<i32>} : memref<20096xi32, #tpu.memory_space<vmem>>, vector<16xi32>,
      %get3A_173 = vector.shape_cast %get3A_172 : vector<16xi32> to vector<16xi32>
      %add3A_174 = vector.broadcast %mul3A_103 : i32 to vector<16xi32>
      %add3A_175 = arith.addi %get3A_173, %add3A_174 : vector<16xi32>
      %swap3A_176 = arith.index_cast %add3A_170 : i32 to index
      %swap3A_177 = tpu.vector_load %arg5[%swap3A_176] {strides = array<i32>} : memref<20096xi32, #tpu.memory_space<vmem>>, vector<16xi32>,
      %swap3A_178 = vector.shape_cast %swap3A_177 : vector<16xi32> to vector<16xi32>
      %swap3A_179 = vector.shape_cast %add3A_175 : vector<16xi32> to vector<16xi32>
      tpu.vector_store %arg5[%swap3A_176], %swap3A_179 {strides = array<i32>} : memref<20096xi32, #tpu.memory_space<vmem>>, vector<16xi32>,
      %mul3A_180 = arith.constant 128 : i32
      %mul3A_181 = arith.muli %add3A_78, %mul3A_180 : i32
      %add3A_182 = arith.constant 96 : i32
      %add3A_183 = arith.addi %mul3A_181, %add3A_182 : i32
      %get3A_184 = arith.index_cast %add3A_183 : i32 to index
      %get3A_185 = tpu.vector_load %arg5[%get3A_184] {strides = array<i32>} : memref<20096xi32, #tpu.memory_space<vmem>>, vector<16xi32>,
      %get3A_186 = vector.shape_cast %get3A_185 : vector<16xi32> to vector<16xi32>
      %add3A_187 = vector.broadcast %mul3A_103 : i32 to vector<16xi32>
      %add3A_188 = arith.addi %get3A_186, %add3A_187 : vector<16xi32>
      %swap3A_189 = arith.index_cast %add3A_183 : i32 to index
      %swap3A_190 = tpu.vector_load %arg5[%swap3A_189] {strides = array<i32>} : memref<20096xi32, #tpu.memory_space<vmem>>, vector<16xi32>,
      %swap3A_191 = vector.shape_cast %swap3A_190 : vector<16xi32> to vector<16xi32>
      %swap3A_192 = vector.shape_cast %add3A_188 : vector<16xi32> to vector<16xi32>
      tpu.vector_store %arg5[%swap3A_189], %swap3A_192 {strides = array<i32>} : memref<20096xi32, #tpu.memory_space<vmem>>, vector<16xi32>,
      %mul3A_193 = arith.constant 128 : i32
      %mul3A_194 = arith.muli %add3A_78, %mul3A_193 : i32
      %add3A_195 = arith.constant 112 : i32
      %add3A_196 = arith.addi %mul3A_194, %add3A_195 : i32
      %get3A_197 = arith.index_cast %add3A_196 : i32 to index
      %get3A_198 = tpu.vector_load %arg5[%get3A_197] {strides = array<i32>} : memref<20096xi32, #tpu.memory_space<vmem>>, vector<16xi32>,
      %get3A_199 = vector.shape_cast %get3A_198 : vector<16xi32> to vector<16xi32>
      %add3A_200 = vector.broadcast %mul3A_103 : i32 to vector<16xi32>
      %add3A_201 = arith.addi %get3A_199, %add3A_200 : vector<16xi32>
      %swap3A_202 = arith.index_cast %add3A_196 : i32 to index
      %swap3A_203 = tpu.vector_load %arg5[%swap3A_202] {strides = array<i32>} : memref<20096xi32, #tpu.memory_space<vmem>>, vector<16xi32>,
      %swap3A_204 = vector.shape_cast %swap3A_203 : vector<16xi32> to vector<16xi32>
      %swap3A_205 = vector.shape_cast %add3A_201 : vector<16xi32> to vector<16xi32>
      tpu.vector_store %arg5[%swap3A_202], %swap3A_205 {strides = array<i32>} : memref<20096xi32, #tpu.memory_space<vmem>>, vector<16xi32>,
    }
    %while3A_29 = arith.constant 1 : i32
    scf.for %while3A_76 = %while3A_27 to %while3A_23 step %while3A_29  : i32 {
      %mul3A_77 = arith.muli %while3A_76, %while3A : i32
      %add3A_78 = arith.addi %while3A_20, %mul3A_77 : i32
      %add3A_79 = arith.addi %add3A_4, %add3A_78 : i32
      %mul3A_80 = arith.constant 8 : i32
      %mul3A_81 = arith.muli %add3A_79, %mul3A_80 : i32
      %jit3A_82 = arith.constant 10000 : i32
      %div3A_83 = arith.divsi %mul3A_81, %jit3A_82 : i32
      %sign3A = arith.constant 0 : i32
      %sign3A_84 = arith.cmpi sgt, %mul3A_81, %sign3A : i32
      %sign3A_85 = arith.extui %sign3A_84 : i1 to i32
      %sign3A_86 = arith.constant 0 : i32
      %sign3A_87 = arith.cmpi slt, %mul3A_81, %sign3A_86 : i32
      %sign3A_88 = arith.extui %sign3A_87 : i1 to i32
      %sign3A_89 = arith.subi %sign3A_85, %sign3A_88 : i32
      %sign3A_90 = arith.constant 0 : i32
      %sign3A_91 = arith.cmpi sgt, %jit3A_82, %sign3A_90 : i32
      %sign3A_92 = arith.extui %sign3A_91 : i1 to i32
      %sign3A_93 = arith.constant 0 : i32
      %sign3A_94 = arith.cmpi slt, %jit3A_82, %sign3A_93 : i32
      %sign3A_95 = arith.extui %sign3A_94 : i1 to i32
      %sign3A_96 = arith.subi %sign3A_92, %sign3A_95 : i32
      %ne3A = arith.cmpi ne, %sign3A_89, %sign3A_96 : i32
      %rem3A = arith.remsi %mul3A_81, %jit3A_82 : i32
      %ne3A_97 = arith.constant 0 : i32
      %ne3A_98 = arith.cmpi ne, %rem3A, %ne3A_97 : i32
      %and3A = arith.andi %ne3A, %ne3A_98 : i1
      %sub3A_99 = arith.constant 1 : i32
      %sub3A_100 = arith.subi %div3A_83, %sub3A_99 : i32
      %select_n3A_101 = arith.select %and3A, %sub3A_100, %div3A_83 : i32
      %mul3A_102 = arith.constant 10000 : i32
      %mul3A_103 = arith.muli %select_n3A_101, %mul3A_102 : i32
      %mul3A_104 = arith.constant 128 : i32
      %mul3A_105 = arith.muli %add3A_78, %mul3A_104 : i32
      %add3A_106 = arith.constant 0 : i32
      %add3A_107 = arith.addi %mul3A_105, %add3A_106 : i32
      %get3A = arith.index_cast %add3A_107 : i32 to index
      %get3A_108 = tpu.vector_load %arg5[%get3A] {strides = array<i32>} : memref<20096xi32, #tpu.memory_space<vmem>>, vector<16xi32>,
      %get3A_109 = vector.shape_cast %get3A_108 : vector<16xi32> to vector<16xi32>
      %add3A_110 = vector.broadcast %mul3A_103 : i32 to vector<16xi32>
      %add3A_111 = arith.addi %get3A_109, %add3A_110 : vector<16xi32>
      %swap3A = arith.index_cast %add3A_107 : i32 to index
      %swap3A_112 = tpu.vector_load %arg5[%swap3A] {strides = array<i32>} : memref<20096xi32, #tpu.memory_space<vmem>>, vector<16xi32>,
      %swap3A_113 = vector.shape_cast %swap3A_112 : vector<16xi32> to vector<16xi32>
      %swap3A_114 = vector.shape_cast %add3A_111 : vector<16xi32> to vector<16xi32>
      tpu.vector_store %arg5[%swap3A], %swap3A_114 {strides = array<i32>} : memref<20096xi32, #tpu.memory_space<vmem>>, vector<16xi32>,
      %mul3A_115 = arith.constant 128 : i32
      %mul3A_116 = arith.muli %add3A_78, %mul3A_115 : i32
      %add3A_117 = arith.constant 16 : i32
      %add3A_118 = arith.addi %mul3A_116, %add3A_117 : i32
      %get3A_119 = arith.index_cast %add3A_118 : i32 to index
      %get3A_120 = tpu.vector_load %arg5[%get3A_119] {strides = array<i32>} : memref<20096xi32, #tpu.memory_space<vmem>>, vector<16xi32>,
      %get3A_121 = vector.shape_cast %get3A_120 : vector<16xi32> to vector<16xi32>
      %add3A_122 = vector.broadcast %mul3A_103 : i32 to vector<16xi32>
      %add3A_123 = arith.addi %get3A_121, %add3A_122 : vector<16xi32>
      %swap3A_124 = arith.index_cast %add3A_118 : i32 to index
      %swap3A_125 = tpu.vector_load %arg5[%swap3A_124] {strides = array<i32>} : memref<20096xi32, #tpu.memory_space<vmem>>, vector<16xi32>,
      %swap3A_126 = vector.shape_cast %swap3A_125 : vector<16xi32> to vector<16xi32>
      %swap3A_127 = vector.shape_cast %add3A_123 : vector<16xi32> to vector<16xi32>
      tpu.vector_store %arg5[%swap3A_124], %swap3A_127 {strides = array<i32>} : memref<20096xi32, #tpu.memory_space<vmem>>, vector<16xi32>,
      %mul3A_128 = arith.constant 128 : i32
      %mul3A_129 = arith.muli %add3A_78, %mul3A_128 : i32
      %add3A_130 = arith.constant 32 : i32
      %add3A_131 = arith.addi %mul3A_129, %add3A_130 : i32
      %get3A_132 = arith.index_cast %add3A_131 : i32 to index
      %get3A_133 = tpu.vector_load %arg5[%get3A_132] {strides = array<i32>} : memref<20096xi32, #tpu.memory_space<vmem>>, vector<16xi32>,
      %get3A_134 = vector.shape_cast %get3A_133 : vector<16xi32> to vector<16xi32>
      %add3A_135 = vector.broadcast %mul3A_103 : i32 to vector<16xi32>
      %add3A_136 = arith.addi %get3A_134, %add3A_135 : vector<16xi32>
      %swap3A_137 = arith.index_cast %add3A_131 : i32 to index
      %swap3A_138 = tpu.vector_load %arg5[%swap3A_137] {strides = array<i32>} : memref<20096xi32, #tpu.memory_space<vmem>>, vector<16xi32>,
      %swap3A_139 = vector.shape_cast %swap3A_138 : vector<16xi32> to vector<16xi32>
      %swap3A_140 = vector.shape_cast %add3A_136 : vector<16xi32> to vector<16xi32>
      tpu.vector_store %arg5[%swap3A_137], %swap3A_140 {strides = array<i32>} : memref<20096xi32, #tpu.memory_space<vmem>>, vector<16xi32>,
      %mul3A_141 = arith.constant 128 : i32
      %mul3A_142 = arith.muli %add3A_78, %mul3A_141 : i32
      %add3A_143 = arith.constant 48 : i32
      %add3A_144 = arith.addi %mul3A_142, %add3A_143 : i32
      %get3A_145 = arith.index_cast %add3A_144 : i32 to index
      %get3A_146 = tpu.vector_load %arg5[%get3A_145] {strides = array<i32>} : memref<20096xi32, #tpu.memory_space<vmem>>, vector<16xi32>,
      %get3A_147 = vector.shape_cast %get3A_146 : vector<16xi32> to vector<16xi32>
      %add3A_148 = vector.broadcast %mul3A_103 : i32 to vector<16xi32>
      %add3A_149 = arith.addi %get3A_147, %add3A_148 : vector<16xi32>
      %swap3A_150 = arith.index_cast %add3A_144 : i32 to index
      %swap3A_151 = tpu.vector_load %arg5[%swap3A_150] {strides = array<i32>} : memref<20096xi32, #tpu.memory_space<vmem>>, vector<16xi32>,
      %swap3A_152 = vector.shape_cast %swap3A_151 : vector<16xi32> to vector<16xi32>
      %swap3A_153 = vector.shape_cast %add3A_149 : vector<16xi32> to vector<16xi32>
      tpu.vector_store %arg5[%swap3A_150], %swap3A_153 {strides = array<i32>} : memref<20096xi32, #tpu.memory_space<vmem>>, vector<16xi32>,
      %mul3A_154 = arith.constant 128 : i32
      %mul3A_155 = arith.muli %add3A_78, %mul3A_154 : i32
      %add3A_156 = arith.constant 64 : i32
      %add3A_157 = arith.addi %mul3A_155, %add3A_156 : i32
      %get3A_158 = arith.index_cast %add3A_157 : i32 to index
      %get3A_159 = tpu.vector_load %arg5[%get3A_158] {strides = array<i32>} : memref<20096xi32, #tpu.memory_space<vmem>>, vector<16xi32>,
      %get3A_160 = vector.shape_cast %get3A_159 : vector<16xi32> to vector<16xi32>
      %add3A_161 = vector.broadcast %mul3A_103 : i32 to vector<16xi32>
      %add3A_162 = arith.addi %get3A_160, %add3A_161 : vector<16xi32>
      %swap3A_163 = arith.index_cast %add3A_157 : i32 to index
      %swap3A_164 = tpu.vector_load %arg5[%swap3A_163] {strides = array<i32>} : memref<20096xi32, #tpu.memory_space<vmem>>, vector<16xi32>,
      %swap3A_165 = vector.shape_cast %swap3A_164 : vector<16xi32> to vector<16xi32>
      %swap3A_166 = vector.shape_cast %add3A_162 : vector<16xi32> to vector<16xi32>
      tpu.vector_store %arg5[%swap3A_163], %swap3A_166 {strides = array<i32>} : memref<20096xi32, #tpu.memory_space<vmem>>, vector<16xi32>,
      %mul3A_167 = arith.constant 128 : i32
      %mul3A_168 = arith.muli %add3A_78, %mul3A_167 : i32
      %add3A_169 = arith.constant 80 : i32
      %add3A_170 = arith.addi %mul3A_168, %add3A_169 : i32
      %get3A_171 = arith.index_cast %add3A_170 : i32 to index
      %get3A_172 = tpu.vector_load %arg5[%get3A_171] {strides = array<i32>} : memref<20096xi32, #tpu.memory_space<vmem>>, vector<16xi32>,
      %get3A_173 = vector.shape_cast %get3A_172 : vector<16xi32> to vector<16xi32>
      %add3A_174 = vector.broadcast %mul3A_103 : i32 to vector<16xi32>
      %add3A_175 = arith.addi %get3A_173, %add3A_174 : vector<16xi32>
      %swap3A_176 = arith.index_cast %add3A_170 : i32 to index
      %swap3A_177 = tpu.vector_load %arg5[%swap3A_176] {strides = array<i32>} : memref<20096xi32, #tpu.memory_space<vmem>>, vector<16xi32>,
      %swap3A_178 = vector.shape_cast %swap3A_177 : vector<16xi32> to vector<16xi32>
      %swap3A_179 = vector.shape_cast %add3A_175 : vector<16xi32> to vector<16xi32>
      tpu.vector_store %arg5[%swap3A_176], %swap3A_179 {strides = array<i32>} : memref<20096xi32, #tpu.memory_space<vmem>>, vector<16xi32>,
      %mul3A_180 = arith.constant 128 : i32
      %mul3A_181 = arith.muli %add3A_78, %mul3A_180 : i32
      %add3A_182 = arith.constant 96 : i32
      %add3A_183 = arith.addi %mul3A_181, %add3A_182 : i32
      %get3A_184 = arith.index_cast %add3A_183 : i32 to index
      %get3A_185 = tpu.vector_load %arg5[%get3A_184] {strides = array<i32>} : memref<20096xi32, #tpu.memory_space<vmem>>, vector<16xi32>,
      %get3A_186 = vector.shape_cast %get3A_185 : vector<16xi32> to vector<16xi32>
      %add3A_187 = vector.broadcast %mul3A_103 : i32 to vector<16xi32>
      %add3A_188 = arith.addi %get3A_186, %add3A_187 : vector<16xi32>
      %swap3A_189 = arith.index_cast %add3A_183 : i32 to index
      %swap3A_190 = tpu.vector_load %arg5[%swap3A_189] {strides = array<i32>} : memref<20096xi32, #tpu.memory_space<vmem>>, vector<16xi32>,
      %swap3A_191 = vector.shape_cast %swap3A_190 : vector<16xi32> to vector<16xi32>
      %swap3A_192 = vector.shape_cast %add3A_188 : vector<16xi32> to vector<16xi32>
      tpu.vector_store %arg5[%swap3A_189], %swap3A_192 {strides = array<i32>} : memref<20096xi32, #tpu.memory_space<vmem>>, vector<16xi32>,
      %mul3A_193 = arith.constant 128 : i32
      %mul3A_194 = arith.muli %add3A_78, %mul3A_193 : i32
      %add3A_195 = arith.constant 112 : i32
      %add3A_196 = arith.addi %mul3A_194, %add3A_195 : i32
      %get3A_197 = arith.index_cast %add3A_196 : i32 to index
      %get3A_198 = tpu.vector_load %arg5[%get3A_197] {strides = array<i32>} : memref<20096xi32, #tpu.memory_space<vmem>>, vector<16xi32>,
      %get3A_199 = vector.shape_cast %get3A_198 : vector<16xi32> to vector<16xi32>
      %add3A_200 = vector.broadcast %mul3A_103 : i32 to vector<16xi32>
      %add3A_201 = arith.addi %get3A_199, %add3A_200 : vector<16xi32>
      %swap3A_202 = arith.index_cast %add3A_196 : i32 to index
      %swap3A_203 = tpu.vector_load %arg5[%swap3A_202] {strides = array<i32>} : memref<20096xi32, #tpu.memory_space<vmem>>, vector<16xi32>,
      %swap3A_204 = vector.shape_cast %swap3A_203 : vector<16xi32> to vector<16xi32>
      %swap3A_205 = vector.shape_cast %add3A_201 : vector<16xi32> to vector<16xi32>
      tpu.vector_store %arg5[%swap3A_202], %swap3A_205 {strides = array<i32>} : memref<20096xi32, #tpu.memory_space<vmem>>, vector<16xi32>,
    }
    %dma_start3A = arith.constant 0 : i32
    %dma_start3A_30 = tpu.memref_slice %arg5[%dma_start3A] : memref<20096xi32, #tpu.memory_space<vmem>> -> memref<128xi32, #tpu.memory_space<vmem>>
    %dma_start3A_31 = arith.constant 0 : i32
    %dma_start3A_32 = arith.constant 0 : i32
    %dma_start3A_33 = tpu.memref_slice %arg2[%dma_start3A_31, %dma_start3A_32] : memref<40000x128xf32, #tpu.memory_space<hbm>> -> memref<40000x128xf32, #tpu.memory_space<hbm>>
    tpu.enqueue_indirect_dma source(%dma_start3A_33 : memref<40000x128xf32, #tpu.memory_space<hbm>>) target(%arg6 : memref<128x128xf32, #tpu.memory_space<vmem>>) offsets(%dma_start3A_30 : memref<128xi32, #tpu.memory_space<vmem>>) semaphore(%arg14 : memref<!tpu.dma_semaphore, #tpu.memory_space<semaphore_mem>>)
    %dma_start3A_34 = arith.constant 128 : i32
    %dma_start3A_35 = tpu.memref_slice %arg5[%dma_start3A_34] : memref<20096xi32, #tpu.memory_space<vmem>> -> memref<128xi32, #tpu.memory_space<vmem>>
    %dma_start3A_36 = arith.constant 0 : i32
    %dma_start3A_37 = arith.constant 0 : i32
    %dma_start3A_38 = tpu.memref_slice %arg2[%dma_start3A_36, %dma_start3A_37] : memref<40000x128xf32, #tpu.memory_space<hbm>> -> memref<40000x128xf32, #tpu.memory_space<hbm>>
    tpu.enqueue_indirect_dma source(%dma_start3A_38 : memref<40000x128xf32, #tpu.memory_space<hbm>>) target(%arg7 : memref<128x128xf32, #tpu.memory_space<vmem>>) offsets(%dma_start3A_35 : memref<128xi32, #tpu.memory_space<vmem>>) semaphore(%arg15 : memref<!tpu.dma_semaphore, #tpu.memory_space<semaphore_mem>>)
    %dma_start3A_39 = arith.constant 256 : i32
    %dma_start3A_40 = tpu.memref_slice %arg5[%dma_start3A_39] : memref<20096xi32, #tpu.memory_space<vmem>> -> memref<128xi32, #tpu.memory_space<vmem>>
    %dma_start3A_41 = arith.constant 0 : i32
    %dma_start3A_42 = arith.constant 0 : i32
    %dma_start3A_43 = tpu.memref_slice %arg2[%dma_start3A_41, %dma_start3A_42] : memref<40000x128xf32, #tpu.memory_space<hbm>> -> memref<40000x128xf32, #tpu.memory_space<hbm>>
    tpu.enqueue_indirect_dma source(%dma_start3A_43 : memref<40000x128xf32, #tpu.memory_space<hbm>>) target(%arg8 : memref<128x128xf32, #tpu.memory_space<vmem>>) offsets(%dma_start3A_40 : memref<128xi32, #tpu.memory_space<vmem>>) semaphore(%arg16 : memref<!tpu.dma_semaphore, #tpu.memory_space<semaphore_mem>>)
    %dma_start3A_44 = arith.constant 384 : i32
    %dma_start3A_45 = tpu.memref_slice %arg5[%dma_start3A_44] : memref<20096xi32, #tpu.memory_space<vmem>> -> memref<128xi32, #tpu.memory_space<vmem>>
    %dma_start3A_46 = arith.constant 0 : i32
    %dma_start3A_47 = arith.constant 0 : i32
    %dma_start3A_48 = tpu.memref_slice %arg2[%dma_start3A_46, %dma_start3A_47] : memref<40000x128xf32, #tpu.memory_space<hbm>> -> memref<40000x128xf32, #tpu.memory_space<hbm>>
    tpu.enqueue_indirect_dma source(%dma_start3A_48 : memref<40000x128xf32, #tpu.memory_space<hbm>>) target(%arg9 : memref<128x128xf32, #tpu.memory_space<vmem>>) offsets(%dma_start3A_45 : memref<128xi32, #tpu.memory_space<vmem>>) semaphore(%arg17 : memref<!tpu.dma_semaphore, #tpu.memory_space<semaphore_mem>>)
    %scan3A = arith.constant 0 : i32
    %scan3A_49 = arith.constant 40 : i32
    %scan3A_50 = arith.addi %scan3A, %scan3A_49 : i32
    %scan3A_51 = arith.constant 1 : i32
    scf.for %scan3A_76 = %scan3A to %scan3A_50 step %scan3A_51  : i32 {
      %mul3A_77 = arith.constant 1 : i32
      %mul3A_78 = arith.muli %scan3A_76, %mul3A_77 : i32
      %add3A_79 = arith.constant 0 : i32
      %add3A_80 = arith.addi %add3A_79, %mul3A_78 : i32
      %mul3A_81 = arith.constant 4 : i32
      %mul3A_82 = arith.muli %add3A_80, %mul3A_81 : i32
      %add3A_83 = arith.constant 0 : i32
      %add3A_84 = arith.addi %mul3A_82, %add3A_83 : i32
      %lt3A_85 = arith.cmpi slt, %add3A_84, %add3A_8 : i32
      %convert_element_type3A_86 = arith.extui %lt3A_85 : i1 to i32
      %cond3A_87 = arith.constant 0 : i32
      %cond3A_88 = arith.cmpi ne, %convert_element_type3A_86, %cond3A_87 : i32
      scf.if %cond3A_88 {
        %dma_wait3A_113 = arith.constant 0 : i32
        %dma_wait3A_114 = tpu.memref_slice %arg5[%dma_wait3A_113] : memref<20096xi32, #tpu.memory_space<vmem>> -> memref<128xi32, #tpu.memory_space<vmem>>
        %dma_wait3A_115 = arith.constant 0 : i32
        %dma_wait3A_116 = arith.constant 0 : i32
        %dma_wait3A_117 = tpu.memref_slice %arg2[%dma_wait3A_115, %dma_wait3A_116] : memref<40000x128xf32, #tpu.memory_space<hbm>> -> memref<40000x128xf32, #tpu.memory_space<hbm>>
        tpu.wait_indirect_dma semaphore(%arg14 : memref<!tpu.dma_semaphore, #tpu.memory_space<semaphore_mem>>) src(%dma_wait3A_117 : memref<40000x128xf32, #tpu.memory_space<hbm>>) dst(%arg6 : memref<128x128xf32, #tpu.memory_space<vmem>>)
        %ge3A = arith.constant 4 : i32
        %ge3A_118 = arith.cmpi sge, %add3A_84, %ge3A : i32
        %convert_element_type3A_119 = arith.extui %ge3A_118 : i1 to i32
        %cond3A_120 = arith.constant 0 : i32
        %cond3A_121 = arith.cmpi ne, %convert_element_type3A_119, %cond3A_120 : i32
        scf.if %cond3A_121 {
          %dma_wait3A_140 = arith.constant 0 : i32
          %dma_wait3A_141 = arith.constant 0 : i32
          %dma_wait3A_142 = tpu.memref_slice %arg4[%dma_wait3A_140, %dma_wait3A_141] : memref<40000x128xf32, #tpu.memory_space<hbm>> -> memref<8x128xf32, #tpu.memory_space<hbm>>
          %dma_wait3A_143 = arith.constant 0 : i32
          %dma_wait3A_144 = arith.constant 0 : i32
          %dma_wait3A_145 = tpu.memref_slice %arg4[%dma_wait3A_143, %dma_wait3A_144] : memref<40000x128xf32, #tpu.memory_space<hbm>> -> memref<8x128xf32, #tpu.memory_space<hbm>>
          tpu.wait_dma2 semaphore(%arg18 : memref<!tpu.dma_semaphore, #tpu.memory_space<semaphore_mem>>) src(%arg10 : memref<8x128xf32, #tpu.memory_space<vmem>>) dst(%dma_wait3A_145 : memref<8x128xf32, #tpu.memory_space<hbm>>)
        } else {
        }
        %scan3A_122 = arith.constant 0 : i32
        %scan3A_123 = arith.constant 8 : i32
        %scan3A_124 = arith.addi %scan3A_122, %scan3A_123 : i32
        %scan3A_125 = arith.constant 1 : i32
        scf.for %scan3A_140 = %scan3A_122 to %scan3A_124 step %scan3A_125  : i32 {
          %mul3A_141 = arith.constant 1 : i32
          %mul3A_142 = arith.muli %scan3A_140, %mul3A_141 : i32
          %add3A_143 = arith.constant 0 : i32
          %add3A_144 = arith.addi %add3A_143, %mul3A_142 : i32
          %mul3A_145 = arith.constant 16 : i32
          %mul3A_146 = arith.muli %add3A_144, %mul3A_145 : i32
          %get3A = arith.index_cast %mul3A_146 : i32 to index
          %get3A_147 = arith.constant 0 : index
          %get3A_148 = tpu.vector_load %arg6[%get3A, %get3A_147] {strides = array<i32>} : memref<128x128xf32, #tpu.memory_space<vmem>>, vector<1x16xf32>,
          %get3A_149 = vector.shape_cast %get3A_148 : vector<1x16xf32> to vector<16xf32>
          %mul3A_150 = arith.constant 16 : i32
          %mul3A_151 = arith.muli %add3A_144, %mul3A_150 : i32
          %get3A_152 = arith.index_cast %mul3A_151 : i32 to index
          %get3A_153 = arith.constant 16 : index
          %get3A_154 = tpu.vector_load %arg6[%get3A_152, %get3A_153] {strides = array<i32>} : memref<128x128xf32, #tpu.memory_space<vmem>>, vector<1x16xf32>,
          %get3A_155 = vector.shape_cast %get3A_154 : vector<1x16xf32> to vector<16xf32>
          %mul3A_156 = arith.constant 16 : i32
          %mul3A_157 = arith.muli %add3A_144, %mul3A_156 : i32
          %get3A_158 = arith.index_cast %mul3A_157 : i32 to index
          %get3A_159 = arith.constant 32 : index
          %get3A_160 = tpu.vector_load %arg6[%get3A_158, %get3A_159] {strides = array<i32>} : memref<128x128xf32, #tpu.memory_space<vmem>>, vector<1x16xf32>,
          %get3A_161 = vector.shape_cast %get3A_160 : vector<1x16xf32> to vector<16xf32>
          %mul3A_162 = arith.constant 16 : i32
          %mul3A_163 = arith.muli %add3A_144, %mul3A_162 : i32
          %get3A_164 = arith.index_cast %mul3A_163 : i32 to index
          %get3A_165 = arith.constant 48 : index
          %get3A_166 = tpu.vector_load %arg6[%get3A_164, %get3A_165] {strides = array<i32>} : memref<128x128xf32, #tpu.memory_space<vmem>>, vector<1x16xf32>,
          %get3A_167 = vector.shape_cast %get3A_166 : vector<1x16xf32> to vector<16xf32>
          %mul3A_168 = arith.constant 16 : i32
          %mul3A_169 = arith.muli %add3A_144, %mul3A_168 : i32
          %get3A_170 = arith.index_cast %mul3A_169 : i32 to index
          %get3A_171 = arith.constant 64 : index
          %get3A_172 = tpu.vector_load %arg6[%get3A_170, %get3A_171] {strides = array<i32>} : memref<128x128xf32, #tpu.memory_space<vmem>>, vector<1x16xf32>,
          %get3A_173 = vector.shape_cast %get3A_172 : vector<1x16xf32> to vector<16xf32>
          %mul3A_174 = arith.constant 16 : i32
          %mul3A_175 = arith.muli %add3A_144, %mul3A_174 : i32
          %get3A_176 = arith.index_cast %mul3A_175 : i32 to index
          %get3A_177 = arith.constant 80 : index
          %get3A_178 = tpu.vector_load %arg6[%get3A_176, %get3A_177] {strides = array<i32>} : memref<128x128xf32, #tpu.memory_space<vmem>>, vector<1x16xf32>,
          %get3A_179 = vector.shape_cast %get3A_178 : vector<1x16xf32> to vector<16xf32>
          %mul3A_180 = arith.constant 16 : i32
          %mul3A_181 = arith.muli %add3A_144, %mul3A_180 : i32
          %get3A_182 = arith.index_cast %mul3A_181 : i32 to index
          %get3A_183 = arith.constant 96 : index
          %get3A_184 = tpu.vector_load %arg6[%get3A_182, %get3A_183] {strides = array<i32>} : memref<128x128xf32, #tpu.memory_space<vmem>>, vector<1x16xf32>,
          %get3A_185 = vector.shape_cast %get3A_184 : vector<1x16xf32> to vector<16xf32>
          %mul3A_186 = arith.constant 16 : i32
          %mul3A_187 = arith.muli %add3A_144, %mul3A_186 : i32
          %get3A_188 = arith.index_cast %mul3A_187 : i32 to index
          %get3A_189 = arith.constant 112 : index
          %get3A_190 = tpu.vector_load %arg6[%get3A_188, %get3A_189] {strides = array<i32>} : memref<128x128xf32, #tpu.memory_space<vmem>>, vector<1x16xf32>,
          %get3A_191 = vector.shape_cast %get3A_190 : vector<1x16xf32> to vector<16xf32>
          %mul3A_192 = arith.constant 16 : i32
          %mul3A_193 = arith.muli %add3A_144, %mul3A_192 : i32
          %add3A_194 = arith.constant 1 : i32
          %add3A_195 = arith.addi %mul3A_193, %add3A_194 : i32
          %get3A_196 = arith.index_cast %add3A_195 : i32 to index
          %get3A_197 = arith.constant 0 : index
          %get3A_198 = tpu.vector_load %arg6[%get3A_196, %get3A_197] {strides = array<i32>} : memref<128x128xf32, #tpu.memory_space<vmem>>, vector<1x16xf32>,
          %get3A_199 = vector.shape_cast %get3A_198 : vector<1x16xf32> to vector<16xf32>
          %add3A_200 = arith.addf %get3A_149, %get3A_199 : vector<16xf32>
          %mul3A_201 = arith.constant 16 : i32
          %mul3A_202 = arith.muli %add3A_144, %mul3A_201 : i32
          %add3A_203 = arith.constant 1 : i32
          %add3A_204 = arith.addi %mul3A_202, %add3A_203 : i32
          %get3A_205 = arith.index_cast %add3A_204 : i32 to index
          %get3A_206 = arith.constant 16 : index
          %get3A_207 = tpu.vector_load %arg6[%get3A_205, %get3A_206] {strides = array<i32>} : memref<128x128xf32, #tpu.memory_space<vmem>>, vector<1x16xf32>,
          %get3A_208 = vector.shape_cast %get3A_207 : vector<1x16xf32> to vector<16xf32>
          %add3A_209 = arith.addf %get3A_155, %get3A_208 : vector<16xf32>
          %mul3A_210 = arith.constant 16 : i32
          %mul3A_211 = arith.muli %add3A_144, %mul3A_210 : i32
          %add3A_212 = arith.constant 1 : i32
          %add3A_213 = arith.addi %mul3A_211, %add3A_212 : i32
          %get3A_214 = arith.index_cast %add3A_213 : i32 to index
          %get3A_215 = arith.constant 32 : index
          %get3A_216 = tpu.vector_load %arg6[%get3A_214, %get3A_215] {strides = array<i32>} : memref<128x128xf32, #tpu.memory_space<vmem>>, vector<1x16xf32>,
          %get3A_217 = vector.shape_cast %get3A_216 : vector<1x16xf32> to vector<16xf32>
          %add3A_218 = arith.addf %get3A_161, %get3A_217 : vector<16xf32>
          %mul3A_219 = arith.constant 16 : i32
          %mul3A_220 = arith.muli %add3A_144, %mul3A_219 : i32
          %add3A_221 = arith.constant 1 : i32
          %add3A_222 = arith.addi %mul3A_220, %add3A_221 : i32
          %get3A_223 = arith.index_cast %add3A_222 : i32 to index
          %get3A_224 = arith.constant 48 : index
          %get3A_225 = tpu.vector_load %arg6[%get3A_223, %get3A_224] {strides = array<i32>} : memref<128x128xf32, #tpu.memory_space<vmem>>, vector<1x16xf32>,
          %get3A_226 = vector.shape_cast %get3A_225 : vector<1x16xf32> to vector<16xf32>
          %add3A_227 = arith.addf %get3A_167, %get3A_226 : vector<16xf32>
          %mul3A_228 = arith.constant 16 : i32
          %mul3A_229 = arith.muli %add3A_144, %mul3A_228 : i32
          %add3A_230 = arith.constant 1 : i32
          %add3A_231 = arith.addi %mul3A_229, %add3A_230 : i32
          %get3A_232 = arith.index_cast %add3A_231 : i32 to index
          %get3A_233 = arith.constant 64 : index
          %get3A_234 = tpu.vector_load %arg6[%get3A_232, %get3A_233] {strides = array<i32>} : memref<128x128xf32, #tpu.memory_space<vmem>>, vector<1x16xf32>,
          %get3A_235 = vector.shape_cast %get3A_234 : vector<1x16xf32> to vector<16xf32>
          %add3A_236 = arith.addf %get3A_173, %get3A_235 : vector<16xf32>
          %mul3A_237 = arith.constant 16 : i32
          %mul3A_238 = arith.muli %add3A_144, %mul3A_237 : i32
          %add3A_239 = arith.constant 1 : i32
          %add3A_240 = arith.addi %mul3A_238, %add3A_239 : i32
          %get3A_241 = arith.index_cast %add3A_240 : i32 to index
          %get3A_242 = arith.constant 80 : index
          %get3A_243 = tpu.vector_load %arg6[%get3A_241, %get3A_242] {strides = array<i32>} : memref<128x128xf32, #tpu.memory_space<vmem>>, vector<1x16xf32>,
          %get3A_244 = vector.shape_cast %get3A_243 : vector<1x16xf32> to vector<16xf32>
          %add3A_245 = arith.addf %get3A_179, %get3A_244 : vector<16xf32>
          %mul3A_246 = arith.constant 16 : i32
          %mul3A_247 = arith.muli %add3A_144, %mul3A_246 : i32
          %add3A_248 = arith.constant 1 : i32
          %add3A_249 = arith.addi %mul3A_247, %add3A_248 : i32
          %get3A_250 = arith.index_cast %add3A_249 : i32 to index
          %get3A_251 = arith.constant 96 : index
          %get3A_252 = tpu.vector_load %arg6[%get3A_250, %get3A_251] {strides = array<i32>} : memref<128x128xf32, #tpu.memory_space<vmem>>, vector<1x16xf32>,
          %get3A_253 = vector.shape_cast %get3A_252 : vector<1x16xf32> to vector<16xf32>
          %add3A_254 = arith.addf %get3A_185, %get3A_253 : vector<16xf32>
          %mul3A_255 = arith.constant 16 : i32
          %mul3A_256 = arith.muli %add3A_144, %mul3A_255 : i32
          %add3A_257 = arith.constant 1 : i32
          %add3A_258 = arith.addi %mul3A_256, %add3A_257 : i32
          %get3A_259 = arith.index_cast %add3A_258 : i32 to index
          %get3A_260 = arith.constant 112 : index
          %get3A_261 = tpu.vector_load %arg6[%get3A_259, %get3A_260] {strides = array<i32>} : memref<128x128xf32, #tpu.memory_space<vmem>>, vector<1x16xf32>,
          %get3A_262 = vector.shape_cast %get3A_261 : vector<1x16xf32> to vector<16xf32>
          %add3A_263 = arith.addf %get3A_191, %get3A_262 : vector<16xf32>
          %mul3A_264 = arith.constant 16 : i32
          %mul3A_265 = arith.muli %add3A_144, %mul3A_264 : i32
          %add3A_266 = arith.constant 2 : i32
          %add3A_267 = arith.addi %mul3A_265, %add3A_266 : i32
          %get3A_268 = arith.index_cast %add3A_267 : i32 to index
          %get3A_269 = arith.constant 0 : index
          %get3A_270 = tpu.vector_load %arg6[%get3A_268, %get3A_269] {strides = array<i32>} : memref<128x128xf32, #tpu.memory_space<vmem>>, vector<1x16xf32>,
          %get3A_271 = vector.shape_cast %get3A_270 : vector<1x16xf32> to vector<16xf32>
          %add3A_272 = arith.addf %add3A_200, %get3A_271 : vector<16xf32>
          %mul3A_273 = arith.constant 16 : i32
          %mul3A_274 = arith.muli %add3A_144, %mul3A_273 : i32
          %add3A_275 = arith.constant 2 : i32
          %add3A_276 = arith.addi %mul3A_274, %add3A_275 : i32
          %get3A_277 = arith.index_cast %add3A_276 : i32 to index
          %get3A_278 = arith.constant 16 : index
          %get3A_279 = tpu.vector_load %arg6[%get3A_277, %get3A_278] {strides = array<i32>} : memref<128x128xf32, #tpu.memory_space<vmem>>, vector<1x16xf32>,
          %get3A_280 = vector.shape_cast %get3A_279 : vector<1x16xf32> to vector<16xf32>
          %add3A_281 = arith.addf %add3A_209, %get3A_280 : vector<16xf32>
          %mul3A_282 = arith.constant 16 : i32
          %mul3A_283 = arith.muli %add3A_144, %mul3A_282 : i32
          %add3A_284 = arith.constant 2 : i32
          %add3A_285 = arith.addi %mul3A_283, %add3A_284 : i32
          %get3A_286 = arith.index_cast %add3A_285 : i32 to index
          %get3A_287 = arith.constant 32 : index
          %get3A_288 = tpu.vector_load %arg6[%get3A_286, %get3A_287] {strides = array<i32>} : memref<128x128xf32, #tpu.memory_space<vmem>>, vector<1x16xf32>,
          %get3A_289 = vector.shape_cast %get3A_288 : vector<1x16xf32> to vector<16xf32>
          %add3A_290 = arith.addf %add3A_218, %get3A_289 : vector<16xf32>
          %mul3A_291 = arith.constant 16 : i32
          %mul3A_292 = arith.muli %add3A_144, %mul3A_291 : i32
          %add3A_293 = arith.constant 2 : i32
          %add3A_294 = arith.addi %mul3A_292, %add3A_293 : i32
          %get3A_295 = arith.index_cast %add3A_294 : i32 to index
          %get3A_296 = arith.constant 48 : index
          %get3A_297 = tpu.vector_load %arg6[%get3A_295, %get3A_296] {strides = array<i32>} : memref<128x128xf32, #tpu.memory_space<vmem>>, vector<1x16xf32>,
          %get3A_298 = vector.shape_cast %get3A_297 : vector<1x16xf32> to vector<16xf32>
          %add3A_299 = arith.addf %add3A_227, %get3A_298 : vector<16xf32>
          %mul3A_300 = arith.constant 16 : i32
          %mul3A_301 = arith.muli %add3A_144, %mul3A_300 : i32
          %add3A_302 = arith.constant 2 : i32
          %add3A_303 = arith.addi %mul3A_301, %add3A_302 : i32
          %get3A_304 = arith.index_cast %add3A_303 : i32 to index
          %get3A_305 = arith.constant 64 : index
          %get3A_306 = tpu.vector_load %arg6[%get3A_304, %get3A_305] {strides = array<i32>} : memref<128x128xf32, #tpu.memory_space<vmem>>, vector<1x16xf32>,
          %get3A_307 = vector.shape_cast %get3A_306 : vector<1x16xf32> to vector<16xf32>
          %add3A_308 = arith.addf %add3A_236, %get3A_307 : vector<16xf32>
          %mul3A_309 = arith.constant 16 : i32
          %mul3A_310 = arith.muli %add3A_144, %mul3A_309 : i32
          %add3A_311 = arith.constant 2 : i32
          %add3A_312 = arith.addi %mul3A_310, %add3A_311 : i32
          %get3A_313 = arith.index_cast %add3A_312 : i32 to index
          %get3A_314 = arith.constant 80 : index
          %get3A_315 = tpu.vector_load %arg6[%get3A_313, %get3A_314] {strides = array<i32>} : memref<128x128xf32, #tpu.memory_space<vmem>>, vector<1x16xf32>,
          %get3A_316 = vector.shape_cast %get3A_315 : vector<1x16xf32> to vector<16xf32>
          %add3A_317 = arith.addf %add3A_245, %get3A_316 : vector<16xf32>
          %mul3A_318 = arith.constant 16 : i32
          %mul3A_319 = arith.muli %add3A_144, %mul3A_318 : i32
          %add3A_320 = arith.constant 2 : i32
          %add3A_321 = arith.addi %mul3A_319, %add3A_320 : i32
          %get3A_322 = arith.index_cast %add3A_321 : i32 to index
          %get3A_323 = arith.constant 96 : index
          %get3A_324 = tpu.vector_load %arg6[%get3A_322, %get3A_323] {strides = array<i32>} : memref<128x128xf32, #tpu.memory_space<vmem>>, vector<1x16xf32>,
          %get3A_325 = vector.shape_cast %get3A_324 : vector<1x16xf32> to vector<16xf32>
          %add3A_326 = arith.addf %add3A_254, %get3A_325 : vector<16xf32>
          %mul3A_327 = arith.constant 16 : i32
          %mul3A_328 = arith.muli %add3A_144, %mul3A_327 : i32
          %add3A_329 = arith.constant 2 : i32
          %add3A_330 = arith.addi %mul3A_328, %add3A_329 : i32
          %get3A_331 = arith.index_cast %add3A_330 : i32 to index
          %get3A_332 = arith.constant 112 : index
          %get3A_333 = tpu.vector_load %arg6[%get3A_331, %get3A_332] {strides = array<i32>} : memref<128x128xf32, #tpu.memory_space<vmem>>, vector<1x16xf32>,
          %get3A_334 = vector.shape_cast %get3A_333 : vector<1x16xf32> to vector<16xf32>
          %add3A_335 = arith.addf %add3A_263, %get3A_334 : vector<16xf32>
          %mul3A_336 = arith.constant 16 : i32
          %mul3A_337 = arith.muli %add3A_144, %mul3A_336 : i32
          %add3A_338 = arith.constant 3 : i32
          %add3A_339 = arith.addi %mul3A_337, %add3A_338 : i32
          %get3A_340 = arith.index_cast %add3A_339 : i32 to index
          %get3A_341 = arith.constant 0 : index
          %get3A_342 = tpu.vector_load %arg6[%get3A_340, %get3A_341] {strides = array<i32>} : memref<128x128xf32, #tpu.memory_space<vmem>>, vector<1x16xf32>,
          %get3A_343 = vector.shape_cast %get3A_342 : vector<1x16xf32> to vector<16xf32>
          %add3A_344 = arith.addf %add3A_272, %get3A_343 : vector<16xf32>
          %mul3A_345 = arith.constant 16 : i32
          %mul3A_346 = arith.muli %add3A_144, %mul3A_345 : i32
          %add3A_347 = arith.constant 3 : i32
          %add3A_348 = arith.addi %mul3A_346, %add3A_347 : i32
          %get3A_349 = arith.index_cast %add3A_348 : i32 to index
          %get3A_350 = arith.constant 16 : index
          %get3A_351 = tpu.vector_load %arg6[%get3A_349, %get3A_350] {strides = array<i32>} : memref<128x128xf32, #tpu.memory_space<vmem>>, vector<1x16xf32>,
          %get3A_352 = vector.shape_cast %get3A_351 : vector<1x16xf32> to vector<16xf32>
          %add3A_353 = arith.addf %add3A_281, %get3A_352 : vector<16xf32>
          %mul3A_354 = arith.constant 16 : i32
          %mul3A_355 = arith.muli %add3A_144, %mul3A_354 : i32
          %add3A_356 = arith.constant 3 : i32
          %add3A_357 = arith.addi %mul3A_355, %add3A_356 : i32
          %get3A_358 = arith.index_cast %add3A_357 : i32 to index
          %get3A_359 = arith.constant 32 : index
          %get3A_360 = tpu.vector_load %arg6[%get3A_358, %get3A_359] {strides = array<i32>} : memref<128x128xf32, #tpu.memory_space<vmem>>, vector<1x16xf32>,
          %get3A_361 = vector.shape_cast %get3A_360 : vector<1x16xf32> to vector<16xf32>
          %add3A_362 = arith.addf %add3A_290, %get3A_361 : vector<16xf32>
          %mul3A_363 = arith.constant 16 : i32
          %mul3A_364 = arith.muli %add3A_144, %mul3A_363 : i32
          %add3A_365 = arith.constant 3 : i32
          %add3A_366 = arith.addi %mul3A_364, %add3A_365 : i32
          %get3A_367 = arith.index_cast %add3A_366 : i32 to index
          %get3A_368 = arith.constant 48 : index
          %get3A_369 = tpu.vector_load %arg6[%get3A_367, %get3A_368] {strides = array<i32>} : memref<128x128xf32, #tpu.memory_space<vmem>>, vector<1x16xf32>,
          %get3A_370 = vector.shape_cast %get3A_369 : vector<1x16xf32> to vector<16xf32>
          %add3A_371 = arith.addf %add3A_299, %get3A_370 : vector<16xf32>
          %mul3A_372 = arith.constant 16 : i32
          %mul3A_373 = arith.muli %add3A_144, %mul3A_372 : i32
          %add3A_374 = arith.constant 3 : i32
          %add3A_375 = arith.addi %mul3A_373, %add3A_374 : i32
          %get3A_376 = arith.index_cast %add3A_375 : i32 to index
          %get3A_377 = arith.constant 64 : index
          %get3A_378 = tpu.vector_load %arg6[%get3A_376, %get3A_377] {strides = array<i32>} : memref<128x128xf32, #tpu.memory_space<vmem>>, vector<1x16xf32>,
          %get3A_379 = vector.shape_cast %get3A_378 : vector<1x16xf32> to vector<16xf32>
          %add3A_380 = arith.addf %add3A_308, %get3A_379 : vector<16xf32>
          %mul3A_381 = arith.constant 16 : i32
          %mul3A_382 = arith.muli %add3A_144, %mul3A_381 : i32
          %add3A_383 = arith.constant 3 : i32
          %add3A_384 = arith.addi %mul3A_382, %add3A_383 : i32
          %get3A_385 = arith.index_cast %add3A_384 : i32 to index
          %get3A_386 = arith.constant 80 : index
          %get3A_387 = tpu.vector_load %arg6[%get3A_385, %get3A_386] {strides = array<i32>} : memref<128x128xf32, #tpu.memory_space<vmem>>, vector<1x16xf32>,
          %get3A_388 = vector.shape_cast %get3A_387 : vector<1x16xf32> to vector<16xf32>
          %add3A_389 = arith.addf %add3A_317, %get3A_388 : vector<16xf32>
          %mul3A_390 = arith.constant 16 : i32
          %mul3A_391 = arith.muli %add3A_144, %mul3A_390 : i32
          %add3A_392 = arith.constant 3 : i32
          %add3A_393 = arith.addi %mul3A_391, %add3A_392 : i32
          %get3A_394 = arith.index_cast %add3A_393 : i32 to index
          %get3A_395 = arith.constant 96 : index
          %get3A_396 = tpu.vector_load %arg6[%get3A_394, %get3A_395] {strides = array<i32>} : memref<128x128xf32, #tpu.memory_space<vmem>>, vector<1x16xf32>,
          %get3A_397 = vector.shape_cast %get3A_396 : vector<1x16xf32> to vector<16xf32>
          %add3A_398 = arith.addf %add3A_326, %get3A_397 : vector<16xf32>
          %mul3A_399 = arith.constant 16 : i32
          %mul3A_400 = arith.muli %add3A_144, %mul3A_399 : i32
          %add3A_401 = arith.constant 3 : i32
          %add3A_402 = arith.addi %mul3A_400, %add3A_401 : i32
          %get3A_403 = arith.index_cast %add3A_402 : i32 to index
          %get3A_404 = arith.constant 112 : index
          %get3A_405 = tpu.vector_load %arg6[%get3A_403, %get3A_404] {strides = array<i32>} : memref<128x128xf32, #tpu.memory_space<vmem>>, vector<1x16xf32>,
          %get3A_406 = vector.shape_cast %get3A_405 : vector<1x16xf32> to vector<16xf32>
          %add3A_407 = arith.addf %add3A_335, %get3A_406 : vector<16xf32>
          %mul3A_408 = arith.constant 16 : i32
          %mul3A_409 = arith.muli %add3A_144, %mul3A_408 : i32
          %add3A_410 = arith.constant 4 : i32
          %add3A_411 = arith.addi %mul3A_409, %add3A_410 : i32
          %get3A_412 = arith.index_cast %add3A_411 : i32 to index
          %get3A_413 = arith.constant 0 : index
          %get3A_414 = tpu.vector_load %arg6[%get3A_412, %get3A_413] {strides = array<i32>} : memref<128x128xf32, #tpu.memory_space<vmem>>, vector<1x16xf32>,
          %get3A_415 = vector.shape_cast %get3A_414 : vector<1x16xf32> to vector<16xf32>
          %add3A_416 = arith.addf %add3A_344, %get3A_415 : vector<16xf32>
          %mul3A_417 = arith.constant 16 : i32
          %mul3A_418 = arith.muli %add3A_144, %mul3A_417 : i32
          %add3A_419 = arith.constant 4 : i32
          %add3A_420 = arith.addi %mul3A_418, %add3A_419 : i32
          %get3A_421 = arith.index_cast %add3A_420 : i32 to index
          %get3A_422 = arith.constant 16 : index
          %get3A_423 = tpu.vector_load %arg6[%get3A_421, %get3A_422] {strides = array<i32>} : memref<128x128xf32, #tpu.memory_space<vmem>>, vector<1x16xf32>,
          %get3A_424 = vector.shape_cast %get3A_423 : vector<1x16xf32> to vector<16xf32>
          %add3A_425 = arith.addf %add3A_353, %get3A_424 : vector<16xf32>
          %mul3A_426 = arith.constant 16 : i32
          %mul3A_427 = arith.muli %add3A_144, %mul3A_426 : i32
          %add3A_428 = arith.constant 4 : i32
          %add3A_429 = arith.addi %mul3A_427, %add3A_428 : i32
          %get3A_430 = arith.index_cast %add3A_429 : i32 to index
          %get3A_431 = arith.constant 32 : index
          %get3A_432 = tpu.vector_load %arg6[%get3A_430, %get3A_431] {strides = array<i32>} : memref<128x128xf32, #tpu.memory_space<vmem>>, vector<1x16xf32>,
          %get3A_433 = vector.shape_cast %get3A_432 : vector<1x16xf32> to vector<16xf32>
          %add3A_434 = arith.addf %add3A_362, %get3A_433 : vector<16xf32>
          %mul3A_435 = arith.constant 16 : i32
          %mul3A_436 = arith.muli %add3A_144, %mul3A_435 : i32
          %add3A_437 = arith.constant 4 : i32
          %add3A_438 = arith.addi %mul3A_436, %add3A_437 : i32
          %get3A_439 = arith.index_cast %add3A_438 : i32 to index
          %get3A_440 = arith.constant 48 : index
          %get3A_441 = tpu.vector_load %arg6[%get3A_439, %get3A_440] {strides = array<i32>} : memref<128x128xf32, #tpu.memory_space<vmem>>, vector<1x16xf32>,
          %get3A_442 = vector.shape_cast %get3A_441 : vector<1x16xf32> to vector<16xf32>
          %add3A_443 = arith.addf %add3A_371, %get3A_442 : vector<16xf32>
          %mul3A_444 = arith.constant 16 : i32
          %mul3A_445 = arith.muli %add3A_144, %mul3A_444 : i32
          %add3A_446 = arith.constant 4 : i32
          %add3A_447 = arith.addi %mul3A_445, %add3A_446 : i32
          %get3A_448 = arith.index_cast %add3A_447 : i32 to index
          %get3A_449 = arith.constant 64 : index
          %get3A_450 = tpu.vector_load %arg6[%get3A_448, %get3A_449] {strides = array<i32>} : memref<128x128xf32, #tpu.memory_space<vmem>>, vector<1x16xf32>,
          %get3A_451 = vector.shape_cast %get3A_450 : vector<1x16xf32> to vector<16xf32>
          %add3A_452 = arith.addf %add3A_380, %get3A_451 : vector<16xf32>
          %mul3A_453 = arith.constant 16 : i32
          %mul3A_454 = arith.muli %add3A_144, %mul3A_453 : i32
          %add3A_455 = arith.constant 4 : i32
          %add3A_456 = arith.addi %mul3A_454, %add3A_455 : i32
          %get3A_457 = arith.index_cast %add3A_456 : i32 to index
          %get3A_458 = arith.constant 80 : index
          %get3A_459 = tpu.vector_load %arg6[%get3A_457, %get3A_458] {strides = array<i32>} : memref<128x128xf32, #tpu.memory_space<vmem>>, vector<1x16xf32>,
          %get3A_460 = vector.shape_cast %get3A_459 : vector<1x16xf32> to vector<16xf32>
          %add3A_461 = arith.addf %add3A_389, %get3A_460 : vector<16xf32>
          %mul3A_462 = arith.constant 16 : i32
          %mul3A_463 = arith.muli %add3A_144, %mul3A_462 : i32
          %add3A_464 = arith.constant 4 : i32
          %add3A_465 = arith.addi %mul3A_463, %add3A_464 : i32
          %get3A_466 = arith.index_cast %add3A_465 : i32 to index
          %get3A_467 = arith.constant 96 : index
          %get3A_468 = tpu.vector_load %arg6[%get3A_466, %get3A_467] {strides = array<i32>} : memref<128x128xf32, #tpu.memory_space<vmem>>, vector<1x16xf32>,
          %get3A_469 = vector.shape_cast %get3A_468 : vector<1x16xf32> to vector<16xf32>
          %add3A_470 = arith.addf %add3A_398, %get3A_469 : vector<16xf32>
          %mul3A_471 = arith.constant 16 : i32
          %mul3A_472 = arith.muli %add3A_144, %mul3A_471 : i32
          %add3A_473 = arith.constant 4 : i32
          %add3A_474 = arith.addi %mul3A_472, %add3A_473 : i32
          %get3A_475 = arith.index_cast %add3A_474 : i32 to index
          %get3A_476 = arith.constant 112 : index
          %get3A_477 = tpu.vector_load %arg6[%get3A_475, %get3A_476] {strides = array<i32>} : memref<128x128xf32, #tpu.memory_space<vmem>>, vector<1x16xf32>,
          %get3A_478 = vector.shape_cast %get3A_477 : vector<1x16xf32> to vector<16xf32>
          %add3A_479 = arith.addf %add3A_407, %get3A_478 : vector<16xf32>
          %mul3A_480 = arith.constant 16 : i32
          %mul3A_481 = arith.muli %add3A_144, %mul3A_480 : i32
          %add3A_482 = arith.constant 5 : i32
          %add3A_483 = arith.addi %mul3A_481, %add3A_482 : i32
          %get3A_484 = arith.index_cast %add3A_483 : i32 to index
          %get3A_485 = arith.constant 0 : index
          %get3A_486 = tpu.vector_load %arg6[%get3A_484, %get3A_485] {strides = array<i32>} : memref<128x128xf32, #tpu.memory_space<vmem>>, vector<1x16xf32>,
          %get3A_487 = vector.shape_cast %get3A_486 : vector<1x16xf32> to vector<16xf32>
          %add3A_488 = arith.addf %add3A_416, %get3A_487 : vector<16xf32>
          %mul3A_489 = arith.constant 16 : i32
          %mul3A_490 = arith.muli %add3A_144, %mul3A_489 : i32
          %add3A_491 = arith.constant 5 : i32
          %add3A_492 = arith.addi %mul3A_490, %add3A_491 : i32
          %get3A_493 = arith.index_cast %add3A_492 : i32 to index
          %get3A_494 = arith.constant 16 : index
          %get3A_495 = tpu.vector_load %arg6[%get3A_493, %get3A_494] {strides = array<i32>} : memref<128x128xf32, #tpu.memory_space<vmem>>, vector<1x16xf32>,
          %get3A_496 = vector.shape_cast %get3A_495 : vector<1x16xf32> to vector<16xf32>
          %add3A_497 = arith.addf %add3A_425, %get3A_496 : vector<16xf32>
          %mul3A_498 = arith.constant 16 : i32
          %mul3A_499 = arith.muli %add3A_144, %mul3A_498 : i32
          %add3A_500 = arith.constant 5 : i32
          %add3A_501 = arith.addi %mul3A_499, %add3A_500 : i32
          %get3A_502 = arith.index_cast %add3A_501 : i32 to index
          %get3A_503 = arith.constant 32 : index
          %get3A_504 = tpu.vector_load %arg6[%get3A_502, %get3A_503] {strides = array<i32>} : memref<128x128xf32, #tpu.memory_space<vmem>>, vector<1x16xf32>,
          %get3A_505 = vector.shape_cast %get3A_504 : vector<1x16xf32> to vector<16xf32>
          %add3A_506 = arith.addf %add3A_434, %get3A_505 : vector<16xf32>
          %mul3A_507 = arith.constant 16 : i32
          %mul3A_508 = arith.muli %add3A_144, %mul3A_507 : i32
          %add3A_509 = arith.constant 5 : i32
          %add3A_510 = arith.addi %mul3A_508, %add3A_509 : i32
          %get3A_511 = arith.index_cast %add3A_510 : i32 to index
          %get3A_512 = arith.constant 48 : index
          %get3A_513 = tpu.vector_load %arg6[%get3A_511, %get3A_512] {strides = array<i32>} : memref<128x128xf32, #tpu.memory_space<vmem>>, vector<1x16xf32>,
          %get3A_514 = vector.shape_cast %get3A_513 : vector<1x16xf32> to vector<16xf32>
          %add3A_515 = arith.addf %add3A_443, %get3A_514 : vector<16xf32>
          %mul3A_516 = arith.constant 16 : i32
          %mul3A_517 = arith.muli %add3A_144, %mul3A_516 : i32
          %add3A_518 = arith.constant 5 : i32
          %add3A_519 = arith.addi %mul3A_517, %add3A_518 : i32
          %get3A_520 = arith.index_cast %add3A_519 : i32 to index
          %get3A_521 = arith.constant 64 : index
          %get3A_522 = tpu.vector_load %arg6[%get3A_520, %get3A_521] {strides = array<i32>} : memref<128x128xf32, #tpu.memory_space<vmem>>, vector<1x16xf32>,
          %get3A_523 = vector.shape_cast %get3A_522 : vector<1x16xf32> to vector<16xf32>
          %add3A_524 = arith.addf %add3A_452, %get3A_523 : vector<16xf32>
          %mul3A_525 = arith.constant 16 : i32
          %mul3A_526 = arith.muli %add3A_144, %mul3A_525 : i32
          %add3A_527 = arith.constant 5 : i32
          %add3A_528 = arith.addi %mul3A_526, %add3A_527 : i32
          %get3A_529 = arith.index_cast %add3A_528 : i32 to index
          %get3A_530 = arith.constant 80 : index
          %get3A_531 = tpu.vector_load %arg6[%get3A_529, %get3A_530] {strides = array<i32>} : memref<128x128xf32, #tpu.memory_space<vmem>>, vector<1x16xf32>,
          %get3A_532 = vector.shape_cast %get3A_531 : vector<1x16xf32> to vector<16xf32>
          %add3A_533 = arith.addf %add3A_461, %get3A_532 : vector<16xf32>
          %mul3A_534 = arith.constant 16 : i32
          %mul3A_535 = arith.muli %add3A_144, %mul3A_534 : i32
          %add3A_536 = arith.constant 5 : i32
          %add3A_537 = arith.addi %mul3A_535, %add3A_536 : i32
          %get3A_538 = arith.index_cast %add3A_537 : i32 to index
          %get3A_539 = arith.constant 96 : index
          %get3A_540 = tpu.vector_load %arg6[%get3A_538, %get3A_539] {strides = array<i32>} : memref<128x128xf32, #tpu.memory_space<vmem>>, vector<1x16xf32>,
          %get3A_541 = vector.shape_cast %get3A_540 : vector<1x16xf32> to vector<16xf32>
          %add3A_542 = arith.addf %add3A_470, %get3A_541 : vector<16xf32>
          %mul3A_543 = arith.constant 16 : i32
          %mul3A_544 = arith.muli %add3A_144, %mul3A_543 : i32
          %add3A_545 = arith.constant 5 : i32
          %add3A_546 = arith.addi %mul3A_544, %add3A_545 : i32
          %get3A_547 = arith.index_cast %add3A_546 : i32 to index
          %get3A_548 = arith.constant 112 : index
          %get3A_549 = tpu.vector_load %arg6[%get3A_547, %get3A_548] {strides = array<i32>} : memref<128x128xf32, #tpu.memory_space<vmem>>, vector<1x16xf32>,
          %get3A_550 = vector.shape_cast %get3A_549 : vector<1x16xf32> to vector<16xf32>
          %add3A_551 = arith.addf %add3A_479, %get3A_550 : vector<16xf32>
          %mul3A_552 = arith.constant 16 : i32
          %mul3A_553 = arith.muli %add3A_144, %mul3A_552 : i32
          %add3A_554 = arith.constant 6 : i32
          %add3A_555 = arith.addi %mul3A_553, %add3A_554 : i32
          %get3A_556 = arith.index_cast %add3A_555 : i32 to index
          %get3A_557 = arith.constant 0 : index
          %get3A_558 = tpu.vector_load %arg6[%get3A_556, %get3A_557] {strides = array<i32>} : memref<128x128xf32, #tpu.memory_space<vmem>>, vector<1x16xf32>,
          %get3A_559 = vector.shape_cast %get3A_558 : vector<1x16xf32> to vector<16xf32>
          %add3A_560 = arith.addf %add3A_488, %get3A_559 : vector<16xf32>
          %mul3A_561 = arith.constant 16 : i32
          %mul3A_562 = arith.muli %add3A_144, %mul3A_561 : i32
          %add3A_563 = arith.constant 6 : i32
          %add3A_564 = arith.addi %mul3A_562, %add3A_563 : i32
          %get3A_565 = arith.index_cast %add3A_564 : i32 to index
          %get3A_566 = arith.constant 16 : index
          %get3A_567 = tpu.vector_load %arg6[%get3A_565, %get3A_566] {strides = array<i32>} : memref<128x128xf32, #tpu.memory_space<vmem>>, vector<1x16xf32>,
          %get3A_568 = vector.shape_cast %get3A_567 : vector<1x16xf32> to vector<16xf32>
          %add3A_569 = arith.addf %add3A_497, %get3A_568 : vector<16xf32>
          %mul3A_570 = arith.constant 16 : i32
          %mul3A_571 = arith.muli %add3A_144, %mul3A_570 : i32
          %add3A_572 = arith.constant 6 : i32
          %add3A_573 = arith.addi %mul3A_571, %add3A_572 : i32
          %get3A_574 = arith.index_cast %add3A_573 : i32 to index
          %get3A_575 = arith.constant 32 : index
          %get3A_576 = tpu.vector_load %arg6[%get3A_574, %get3A_575] {strides = array<i32>} : memref<128x128xf32, #tpu.memory_space<vmem>>, vector<1x16xf32>,
          %get3A_577 = vector.shape_cast %get3A_576 : vector<1x16xf32> to vector<16xf32>
          %add3A_578 = arith.addf %add3A_506, %get3A_577 : vector<16xf32>
          %mul3A_579 = arith.constant 16 : i32
          %mul3A_580 = arith.muli %add3A_144, %mul3A_579 : i32
          %add3A_581 = arith.constant 6 : i32
          %add3A_582 = arith.addi %mul3A_580, %add3A_581 : i32
          %get3A_583 = arith.index_cast %add3A_582 : i32 to index
          %get3A_584 = arith.constant 48 : index
          %get3A_585 = tpu.vector_load %arg6[%get3A_583, %get3A_584] {strides = array<i32>} : memref<128x128xf32, #tpu.memory_space<vmem>>, vector<1x16xf32>,
          %get3A_586 = vector.shape_cast %get3A_585 : vector<1x16xf32> to vector<16xf32>
          %add3A_587 = arith.addf %add3A_515, %get3A_586 : vector<16xf32>
          %mul3A_588 = arith.constant 16 : i32
          %mul3A_589 = arith.muli %add3A_144, %mul3A_588 : i32
          %add3A_590 = arith.constant 6 : i32
          %add3A_591 = arith.addi %mul3A_589, %add3A_590 : i32
          %get3A_592 = arith.index_cast %add3A_591 : i32 to index
          %get3A_593 = arith.constant 64 : index
          %get3A_594 = tpu.vector_load %arg6[%get3A_592, %get3A_593] {strides = array<i32>} : memref<128x128xf32, #tpu.memory_space<vmem>>, vector<1x16xf32>,
          %get3A_595 = vector.shape_cast %get3A_594 : vector<1x16xf32> to vector<16xf32>
          %add3A_596 = arith.addf %add3A_524, %get3A_595 : vector<16xf32>
          %mul3A_597 = arith.constant 16 : i32
          %mul3A_598 = arith.muli %add3A_144, %mul3A_597 : i32
          %add3A_599 = arith.constant 6 : i32
          %add3A_600 = arith.addi %mul3A_598, %add3A_599 : i32
          %get3A_601 = arith.index_cast %add3A_600 : i32 to index
          %get3A_602 = arith.constant 80 : index
          %get3A_603 = tpu.vector_load %arg6[%get3A_601, %get3A_602] {strides = array<i32>} : memref<128x128xf32, #tpu.memory_space<vmem>>, vector<1x16xf32>,
          %get3A_604 = vector.shape_cast %get3A_603 : vector<1x16xf32> to vector<16xf32>
          %add3A_605 = arith.addf %add3A_533, %get3A_604 : vector<16xf32>
          %mul3A_606 = arith.constant 16 : i32
          %mul3A_607 = arith.muli %add3A_144, %mul3A_606 : i32
          %add3A_608 = arith.constant 6 : i32
          %add3A_609 = arith.addi %mul3A_607, %add3A_608 : i32
          %get3A_610 = arith.index_cast %add3A_609 : i32 to index
          %get3A_611 = arith.constant 96 : index
          %get3A_612 = tpu.vector_load %arg6[%get3A_610, %get3A_611] {strides = array<i32>} : memref<128x128xf32, #tpu.memory_space<vmem>>, vector<1x16xf32>,
          %get3A_613 = vector.shape_cast %get3A_612 : vector<1x16xf32> to vector<16xf32>
          %add3A_614 = arith.addf %add3A_542, %get3A_613 : vector<16xf32>
          %mul3A_615 = arith.constant 16 : i32
          %mul3A_616 = arith.muli %add3A_144, %mul3A_615 : i32
          %add3A_617 = arith.constant 6 : i32
          %add3A_618 = arith.addi %mul3A_616, %add3A_617 : i32
          %get3A_619 = arith.index_cast %add3A_618 : i32 to index
          %get3A_620 = arith.constant 112 : index
          %get3A_621 = tpu.vector_load %arg6[%get3A_619, %get3A_620] {strides = array<i32>} : memref<128x128xf32, #tpu.memory_space<vmem>>, vector<1x16xf32>,
          %get3A_622 = vector.shape_cast %get3A_621 : vector<1x16xf32> to vector<16xf32>
          %add3A_623 = arith.addf %add3A_551, %get3A_622 : vector<16xf32>
          %mul3A_624 = arith.constant 16 : i32
          %mul3A_625 = arith.muli %add3A_144, %mul3A_624 : i32
          %add3A_626 = arith.constant 7 : i32
          %add3A_627 = arith.addi %mul3A_625, %add3A_626 : i32
          %get3A_628 = arith.index_cast %add3A_627 : i32 to index
          %get3A_629 = arith.constant 0 : index
          %get3A_630 = tpu.vector_load %arg6[%get3A_628, %get3A_629] {strides = array<i32>} : memref<128x128xf32, #tpu.memory_space<vmem>>, vector<1x16xf32>,
          %get3A_631 = vector.shape_cast %get3A_630 : vector<1x16xf32> to vector<16xf32>
          %add3A_632 = arith.addf %add3A_560, %get3A_631 : vector<16xf32>
          %mul3A_633 = arith.constant 16 : i32
          %mul3A_634 = arith.muli %add3A_144, %mul3A_633 : i32
          %add3A_635 = arith.constant 7 : i32
          %add3A_636 = arith.addi %mul3A_634, %add3A_635 : i32
          %get3A_637 = arith.index_cast %add3A_636 : i32 to index
          %get3A_638 = arith.constant 16 : index
          %get3A_639 = tpu.vector_load %arg6[%get3A_637, %get3A_638] {strides = array<i32>} : memref<128x128xf32, #tpu.memory_space<vmem>>, vector<1x16xf32>,
          %get3A_640 = vector.shape_cast %get3A_639 : vector<1x16xf32> to vector<16xf32>
          %add3A_641 = arith.addf %add3A_569, %get3A_640 : vector<16xf32>
          %mul3A_642 = arith.constant 16 : i32
          %mul3A_643 = arith.muli %add3A_144, %mul3A_642 : i32
          %add3A_644 = arith.constant 7 : i32
          %add3A_645 = arith.addi %mul3A_643, %add3A_644 : i32
          %get3A_646 = arith.index_cast %add3A_645 : i32 to index
          %get3A_647 = arith.constant 32 : index
          %get3A_648 = tpu.vector_load %arg6[%get3A_646, %get3A_647] {strides = array<i32>} : memref<128x128xf32, #tpu.memory_space<vmem>>, vector<1x16xf32>,
          %get3A_649 = vector.shape_cast %get3A_648 : vector<1x16xf32> to vector<16xf32>
          %add3A_650 = arith.addf %add3A_578, %get3A_649 : vector<16xf32>
          %mul3A_651 = arith.constant 16 : i32
          %mul3A_652 = arith.muli %add3A_144, %mul3A_651 : i32
          %add3A_653 = arith.constant 7 : i32
          %add3A_654 = arith.addi %mul3A_652, %add3A_653 : i32
          %get3A_655 = arith.index_cast %add3A_654 : i32 to index
          %get3A_656 = arith.constant 48 : index
          %get3A_657 = tpu.vector_load %arg6[%get3A_655, %get3A_656] {strides = array<i32>} : memref<128x128xf32, #tpu.memory_space<vmem>>, vector<1x16xf32>,
          %get3A_658 = vector.shape_cast %get3A_657 : vector<1x16xf32> to vector<16xf32>
          %add3A_659 = arith.addf %add3A_587, %get3A_658 : vector<16xf32>
          %mul3A_660 = arith.constant 16 : i32
          %mul3A_661 = arith.muli %add3A_144, %mul3A_660 : i32
          %add3A_662 = arith.constant 7 : i32
          %add3A_663 = arith.addi %mul3A_661, %add3A_662 : i32
          %get3A_664 = arith.index_cast %add3A_663 : i32 to index
          %get3A_665 = arith.constant 64 : index
          %get3A_666 = tpu.vector_load %arg6[%get3A_664, %get3A_665] {strides = array<i32>} : memref<128x128xf32, #tpu.memory_space<vmem>>, vector<1x16xf32>,
          %get3A_667 = vector.shape_cast %get3A_666 : vector<1x16xf32> to vector<16xf32>
          %add3A_668 = arith.addf %add3A_596, %get3A_667 : vector<16xf32>
          %mul3A_669 = arith.constant 16 : i32
          %mul3A_670 = arith.muli %add3A_144, %mul3A_669 : i32
          %add3A_671 = arith.constant 7 : i32
          %add3A_672 = arith.addi %mul3A_670, %add3A_671 : i32
          %get3A_673 = arith.index_cast %add3A_672 : i32 to index
          %get3A_674 = arith.constant 80 : index
          %get3A_675 = tpu.vector_load %arg6[%get3A_673, %get3A_674] {strides = array<i32>} : memref<128x128xf32, #tpu.memory_space<vmem>>, vector<1x16xf32>,
          %get3A_676 = vector.shape_cast %get3A_675 : vector<1x16xf32> to vector<16xf32>
          %add3A_677 = arith.addf %add3A_605, %get3A_676 : vector<16xf32>
          %mul3A_678 = arith.constant 16 : i32
          %mul3A_679 = arith.muli %add3A_144, %mul3A_678 : i32
          %add3A_680 = arith.constant 7 : i32
          %add3A_681 = arith.addi %mul3A_679, %add3A_680 : i32
          %get3A_682 = arith.index_cast %add3A_681 : i32 to index
          %get3A_683 = arith.constant 96 : index
          %get3A_684 = tpu.vector_load %arg6[%get3A_682, %get3A_683] {strides = array<i32>} : memref<128x128xf32, #tpu.memory_space<vmem>>, vector<1x16xf32>,
          %get3A_685 = vector.shape_cast %get3A_684 : vector<1x16xf32> to vector<16xf32>
          %add3A_686 = arith.addf %add3A_614, %get3A_685 : vector<16xf32>
          %mul3A_687 = arith.constant 16 : i32
          %mul3A_688 = arith.muli %add3A_144, %mul3A_687 : i32
          %add3A_689 = arith.constant 7 : i32
          %add3A_690 = arith.addi %mul3A_688, %add3A_689 : i32
          %get3A_691 = arith.index_cast %add3A_690 : i32 to index
          %get3A_692 = arith.constant 112 : index
          %get3A_693 = tpu.vector_load %arg6[%get3A_691, %get3A_692] {strides = array<i32>} : memref<128x128xf32, #tpu.memory_space<vmem>>, vector<1x16xf32>,
          %get3A_694 = vector.shape_cast %get3A_693 : vector<1x16xf32> to vector<16xf32>
          %add3A_695 = arith.addf %add3A_623, %get3A_694 : vector<16xf32>
          %mul3A_696 = arith.constant 16 : i32
          %mul3A_697 = arith.muli %add3A_144, %mul3A_696 : i32
          %add3A_698 = arith.constant 8 : i32
          %add3A_699 = arith.addi %mul3A_697, %add3A_698 : i32
          %get3A_700 = arith.index_cast %add3A_699 : i32 to index
          %get3A_701 = arith.constant 0 : index
          %get3A_702 = tpu.vector_load %arg6[%get3A_700, %get3A_701] {strides = array<i32>} : memref<128x128xf32, #tpu.memory_space<vmem>>, vector<1x16xf32>,
          %get3A_703 = vector.shape_cast %get3A_702 : vector<1x16xf32> to vector<16xf32>
          %add3A_704 = arith.addf %add3A_632, %get3A_703 : vector<16xf32>
          %mul3A_705 = arith.constant 16 : i32
          %mul3A_706 = arith.muli %add3A_144, %mul3A_705 : i32
          %add3A_707 = arith.constant 8 : i32
          %add3A_708 = arith.addi %mul3A_706, %add3A_707 : i32
          %get3A_709 = arith.index_cast %add3A_708 : i32 to index
          %get3A_710 = arith.constant 16 : index
          %get3A_711 = tpu.vector_load %arg6[%get3A_709, %get3A_710] {strides = array<i32>} : memref<128x128xf32, #tpu.memory_space<vmem>>, vector<1x16xf32>,
          %get3A_712 = vector.shape_cast %get3A_711 : vector<1x16xf32> to vector<16xf32>
          %add3A_713 = arith.addf %add3A_641, %get3A_712 : vector<16xf32>
          %mul3A_714 = arith.constant 16 : i32
          %mul3A_715 = arith.muli %add3A_144, %mul3A_714 : i32
          %add3A_716 = arith.constant 8 : i32
          %add3A_717 = arith.addi %mul3A_715, %add3A_716 : i32
          %get3A_718 = arith.index_cast %add3A_717 : i32 to index
          %get3A_719 = arith.constant 32 : index
          %get3A_720 = tpu.vector_load %arg6[%get3A_718, %get3A_719] {strides = array<i32>} : memref<128x128xf32, #tpu.memory_space<vmem>>, vector<1x16xf32>,
          %get3A_721 = vector.shape_cast %get3A_720 : vector<1x16xf32> to vector<16xf32>
          %add3A_722 = arith.addf %add3A_650, %get3A_721 : vector<16xf32>
          %mul3A_723 = arith.constant 16 : i32
          %mul3A_724 = arith.muli %add3A_144, %mul3A_723 : i32
          %add3A_725 = arith.constant 8 : i32
          %add3A_726 = arith.addi %mul3A_724, %add3A_725 : i32
          %get3A_727 = arith.index_cast %add3A_726 : i32 to index
          %get3A_728 = arith.constant 48 : index
          %get3A_729 = tpu.vector_load %arg6[%get3A_727, %get3A_728] {strides = array<i32>} : memref<128x128xf32, #tpu.memory_space<vmem>>, vector<1x16xf32>,
          %get3A_730 = vector.shape_cast %get3A_729 : vector<1x16xf32> to vector<16xf32>
          %add3A_731 = arith.addf %add3A_659, %get3A_730 : vector<16xf32>
          %mul3A_732 = arith.constant 16 : i32
          %mul3A_733 = arith.muli %add3A_144, %mul3A_732 : i32
          %add3A_734 = arith.constant 8 : i32
          %add3A_735 = arith.addi %mul3A_733, %add3A_734 : i32
          %get3A_736 = arith.index_cast %add3A_735 : i32 to index
          %get3A_737 = arith.constant 64 : index
          %get3A_738 = tpu.vector_load %arg6[%get3A_736, %get3A_737] {strides = array<i32>} : memref<128x128xf32, #tpu.memory_space<vmem>>, vector<1x16xf32>,
          %get3A_739 = vector.shape_cast %get3A_738 : vector<1x16xf32> to vector<16xf32>
          %add3A_740 = arith.addf %add3A_668, %get3A_739 : vector<16xf32>
          %mul3A_741 = arith.constant 16 : i32
          %mul3A_742 = arith.muli %add3A_144, %mul3A_741 : i32
          %add3A_743 = arith.constant 8 : i32
          %add3A_744 = arith.addi %mul3A_742, %add3A_743 : i32
          %get3A_745 = arith.index_cast %add3A_744 : i32 to index
          %get3A_746 = arith.constant 80 : index
          %get3A_747 = tpu.vector_load %arg6[%get3A_745, %get3A_746] {strides = array<i32>} : memref<128x128xf32, #tpu.memory_space<vmem>>, vector<1x16xf32>,
          %get3A_748 = vector.shape_cast %get3A_747 : vector<1x16xf32> to vector<16xf32>
          %add3A_749 = arith.addf %add3A_677, %get3A_748 : vector<16xf32>
          %mul3A_750 = arith.constant 16 : i32
          %mul3A_751 = arith.muli %add3A_144, %mul3A_750 : i32
          %add3A_752 = arith.constant 8 : i32
          %add3A_753 = arith.addi %mul3A_751, %add3A_752 : i32
          %get3A_754 = arith.index_cast %add3A_753 : i32 to index
          %get3A_755 = arith.constant 96 : index
          %get3A_756 = tpu.vector_load %arg6[%get3A_754, %get3A_755] {strides = array<i32>} : memref<128x128xf32, #tpu.memory_space<vmem>>, vector<1x16xf32>,
          %get3A_757 = vector.shape_cast %get3A_756 : vector<1x16xf32> to vector<16xf32>
          %add3A_758 = arith.addf %add3A_686, %get3A_757 : vector<16xf32>
          %mul3A_759 = arith.constant 16 : i32
          %mul3A_760 = arith.muli %add3A_144, %mul3A_759 : i32
          %add3A_761 = arith.constant 8 : i32
          %add3A_762 = arith.addi %mul3A_760, %add3A_761 : i32
          %get3A_763 = arith.index_cast %add3A_762 : i32 to index
          %get3A_764 = arith.constant 112 : index
          %get3A_765 = tpu.vector_load %arg6[%get3A_763, %get3A_764] {strides = array<i32>} : memref<128x128xf32, #tpu.memory_space<vmem>>, vector<1x16xf32>,
          %get3A_766 = vector.shape_cast %get3A_765 : vector<1x16xf32> to vector<16xf32>
          %add3A_767 = arith.addf %add3A_695, %get3A_766 : vector<16xf32>
          %mul3A_768 = arith.constant 16 : i32
          %mul3A_769 = arith.muli %add3A_144, %mul3A_768 : i32
          %add3A_770 = arith.constant 9 : i32
          %add3A_771 = arith.addi %mul3A_769, %add3A_770 : i32
          %get3A_772 = arith.index_cast %add3A_771 : i32 to index
          %get3A_773 = arith.constant 0 : index
          %get3A_774 = tpu.vector_load %arg6[%get3A_772, %get3A_773] {strides = array<i32>} : memref<128x128xf32, #tpu.memory_space<vmem>>, vector<1x16xf32>,
          %get3A_775 = vector.shape_cast %get3A_774 : vector<1x16xf32> to vector<16xf32>
          %add3A_776 = arith.addf %add3A_704, %get3A_775 : vector<16xf32>
          %mul3A_777 = arith.constant 16 : i32
          %mul3A_778 = arith.muli %add3A_144, %mul3A_777 : i32
          %add3A_779 = arith.constant 9 : i32
          %add3A_780 = arith.addi %mul3A_778, %add3A_779 : i32
          %get3A_781 = arith.index_cast %add3A_780 : i32 to index
          %get3A_782 = arith.constant 16 : index
          %get3A_783 = tpu.vector_load %arg6[%get3A_781, %get3A_782] {strides = array<i32>} : memref<128x128xf32, #tpu.memory_space<vmem>>, vector<1x16xf32>,
          %get3A_784 = vector.shape_cast %get3A_783 : vector<1x16xf32> to vector<16xf32>
          %add3A_785 = arith.addf %add3A_713, %get3A_784 : vector<16xf32>
          %mul3A_786 = arith.constant 16 : i32
          %mul3A_787 = arith.muli %add3A_144, %mul3A_786 : i32
          %add3A_788 = arith.constant 9 : i32
          %add3A_789 = arith.addi %mul3A_787, %add3A_788 : i32
          %get3A_790 = arith.index_cast %add3A_789 : i32 to index
          %get3A_791 = arith.constant 32 : index
          %get3A_792 = tpu.vector_load %arg6[%get3A_790, %get3A_791] {strides = array<i32>} : memref<128x128xf32, #tpu.memory_space<vmem>>, vector<1x16xf32>,
          %get3A_793 = vector.shape_cast %get3A_792 : vector<1x16xf32> to vector<16xf32>
          %add3A_794 = arith.addf %add3A_722, %get3A_793 : vector<16xf32>
          %mul3A_795 = arith.constant 16 : i32
          %mul3A_796 = arith.muli %add3A_144, %mul3A_795 : i32
          %add3A_797 = arith.constant 9 : i32
          %add3A_798 = arith.addi %mul3A_796, %add3A_797 : i32
          %get3A_799 = arith.index_cast %add3A_798 : i32 to index
          %get3A_800 = arith.constant 48 : index
          %get3A_801 = tpu.vector_load %arg6[%get3A_799, %get3A_800] {strides = array<i32>} : memref<128x128xf32, #tpu.memory_space<vmem>>, vector<1x16xf32>,
          %get3A_802 = vector.shape_cast %get3A_801 : vector<1x16xf32> to vector<16xf32>
          %add3A_803 = arith.addf %add3A_731, %get3A_802 : vector<16xf32>
          %mul3A_804 = arith.constant 16 : i32
          %mul3A_805 = arith.muli %add3A_144, %mul3A_804 : i32
          %add3A_806 = arith.constant 9 : i32
          %add3A_807 = arith.addi %mul3A_805, %add3A_806 : i32
          %get3A_808 = arith.index_cast %add3A_807 : i32 to index
          %get3A_809 = arith.constant 64 : index
          %get3A_810 = tpu.vector_load %arg6[%get3A_808, %get3A_809] {strides = array<i32>} : memref<128x128xf32, #tpu.memory_space<vmem>>, vector<1x16xf32>,
          %get3A_811 = vector.shape_cast %get3A_810 : vector<1x16xf32> to vector<16xf32>
          %add3A_812 = arith.addf %add3A_740, %get3A_811 : vector<16xf32>
          %mul3A_813 = arith.constant 16 : i32
          %mul3A_814 = arith.muli %add3A_144, %mul3A_813 : i32
          %add3A_815 = arith.constant 9 : i32
          %add3A_816 = arith.addi %mul3A_814, %add3A_815 : i32
          %get3A_817 = arith.index_cast %add3A_816 : i32 to index
          %get3A_818 = arith.constant 80 : index
          %get3A_819 = tpu.vector_load %arg6[%get3A_817, %get3A_818] {strides = array<i32>} : memref<128x128xf32, #tpu.memory_space<vmem>>, vector<1x16xf32>,
          %get3A_820 = vector.shape_cast %get3A_819 : vector<1x16xf32> to vector<16xf32>
          %add3A_821 = arith.addf %add3A_749, %get3A_820 : vector<16xf32>
          %mul3A_822 = arith.constant 16 : i32
          %mul3A_823 = arith.muli %add3A_144, %mul3A_822 : i32
          %add3A_824 = arith.constant 9 : i32
          %add3A_825 = arith.addi %mul3A_823, %add3A_824 : i32
          %get3A_826 = arith.index_cast %add3A_825 : i32 to index
          %get3A_827 = arith.constant 96 : index
          %get3A_828 = tpu.vector_load %arg6[%get3A_826, %get3A_827] {strides = array<i32>} : memref<128x128xf32, #tpu.memory_space<vmem>>, vector<1x16xf32>,
          %get3A_829 = vector.shape_cast %get3A_828 : vector<1x16xf32> to vector<16xf32>
          %add3A_830 = arith.addf %add3A_758, %get3A_829 : vector<16xf32>
          %mul3A_831 = arith.constant 16 : i32
          %mul3A_832 = arith.muli %add3A_144, %mul3A_831 : i32
          %add3A_833 = arith.constant 9 : i32
          %add3A_834 = arith.addi %mul3A_832, %add3A_833 : i32
          %get3A_835 = arith.index_cast %add3A_834 : i32 to index
          %get3A_836 = arith.constant 112 : index
          %get3A_837 = tpu.vector_load %arg6[%get3A_835, %get3A_836] {strides = array<i32>} : memref<128x128xf32, #tpu.memory_space<vmem>>, vector<1x16xf32>,
          %get3A_838 = vector.shape_cast %get3A_837 : vector<1x16xf32> to vector<16xf32>
          %add3A_839 = arith.addf %add3A_767, %get3A_838 : vector<16xf32>
          %mul3A_840 = arith.constant 16 : i32
          %mul3A_841 = arith.muli %add3A_144, %mul3A_840 : i32
          %add3A_842 = arith.constant 10 : i32
          %add3A_843 = arith.addi %mul3A_841, %add3A_842 : i32
          %get3A_844 = arith.index_cast %add3A_843 : i32 to index
          %get3A_845 = arith.constant 0 : index
          %get3A_846 = tpu.vector_load %arg6[%get3A_844, %get3A_845] {strides = array<i32>} : memref<128x128xf32, #tpu.memory_space<vmem>>, vector<1x16xf32>,
          %get3A_847 = vector.shape_cast %get3A_846 : vector<1x16xf32> to vector<16xf32>
          %add3A_848 = arith.addf %add3A_776, %get3A_847 : vector<16xf32>
          %mul3A_849 = arith.constant 16 : i32
          %mul3A_850 = arith.muli %add3A_144, %mul3A_849 : i32
          %add3A_851 = arith.constant 10 : i32
          %add3A_852 = arith.addi %mul3A_850, %add3A_851 : i32
          %get3A_853 = arith.index_cast %add3A_852 : i32 to index
          %get3A_854 = arith.constant 16 : index
          %get3A_855 = tpu.vector_load %arg6[%get3A_853, %get3A_854] {strides = array<i32>} : memref<128x128xf32, #tpu.memory_space<vmem>>, vector<1x16xf32>,
          %get3A_856 = vector.shape_cast %get3A_855 : vector<1x16xf32> to vector<16xf32>
          %add3A_857 = arith.addf %add3A_785, %get3A_856 : vector<16xf32>
          %mul3A_858 = arith.constant 16 : i32
          %mul3A_859 = arith.muli %add3A_144, %mul3A_858 : i32
          %add3A_860 = arith.constant 10 : i32
          %add3A_861 = arith.addi %mul3A_859, %add3A_860 : i32
          %get3A_862 = arith.index_cast %add3A_861 : i32 to index
          %get3A_863 = arith.constant 32 : index
          %get3A_864 = tpu.vector_load %arg6[%get3A_862, %get3A_863] {strides = array<i32>} : memref<128x128xf32, #tpu.memory_space<vmem>>, vector<1x16xf32>,
          %get3A_865 = vector.shape_cast %get3A_864 : vector<1x16xf32> to vector<16xf32>
          %add3A_866 = arith.addf %add3A_794, %get3A_865 : vector<16xf32>
          %mul3A_867 = arith.constant 16 : i32
          %mul3A_868 = arith.muli %add3A_144, %mul3A_867 : i32
          %add3A_869 = arith.constant 10 : i32
          %add3A_870 = arith.addi %mul3A_868, %add3A_869 : i32
          %get3A_871 = arith.index_cast %add3A_870 : i32 to index
          %get3A_872 = arith.constant 48 : index
          %get3A_873 = tpu.vector_load %arg6[%get3A_871, %get3A_872] {strides = array<i32>} : memref<128x128xf32, #tpu.memory_space<vmem>>, vector<1x16xf32>,
          %get3A_874 = vector.shape_cast %get3A_873 : vector<1x16xf32> to vector<16xf32>
          %add3A_875 = arith.addf %add3A_803, %get3A_874 : vector<16xf32>
          %mul3A_876 = arith.constant 16 : i32
          %mul3A_877 = arith.muli %add3A_144, %mul3A_876 : i32
          %add3A_878 = arith.constant 10 : i32
          %add3A_879 = arith.addi %mul3A_877, %add3A_878 : i32
          %get3A_880 = arith.index_cast %add3A_879 : i32 to index
          %get3A_881 = arith.constant 64 : index
          %get3A_882 = tpu.vector_load %arg6[%get3A_880, %get3A_881] {strides = array<i32>} : memref<128x128xf32, #tpu.memory_space<vmem>>, vector<1x16xf32>,
          %get3A_883 = vector.shape_cast %get3A_882 : vector<1x16xf32> to vector<16xf32>
          %add3A_884 = arith.addf %add3A_812, %get3A_883 : vector<16xf32>
          %mul3A_885 = arith.constant 16 : i32
          %mul3A_886 = arith.muli %add3A_144, %mul3A_885 : i32
          %add3A_887 = arith.constant 10 : i32
          %add3A_888 = arith.addi %mul3A_886, %add3A_887 : i32
          %get3A_889 = arith.index_cast %add3A_888 : i32 to index
          %get3A_890 = arith.constant 80 : index
          %get3A_891 = tpu.vector_load %arg6[%get3A_889, %get3A_890] {strides = array<i32>} : memref<128x128xf32, #tpu.memory_space<vmem>>, vector<1x16xf32>,
          %get3A_892 = vector.shape_cast %get3A_891 : vector<1x16xf32> to vector<16xf32>
          %add3A_893 = arith.addf %add3A_821, %get3A_892 : vector<16xf32>
          %mul3A_894 = arith.constant 16 : i32
          %mul3A_895 = arith.muli %add3A_144, %mul3A_894 : i32
          %add3A_896 = arith.constant 10 : i32
          %add3A_897 = arith.addi %mul3A_895, %add3A_896 : i32
          %get3A_898 = arith.index_cast %add3A_897 : i32 to index
          %get3A_899 = arith.constant 96 : index
          %get3A_900 = tpu.vector_load %arg6[%get3A_898, %get3A_899] {strides = array<i32>} : memref<128x128xf32, #tpu.memory_space<vmem>>, vector<1x16xf32>,
          %get3A_901 = vector.shape_cast %get3A_900 : vector<1x16xf32> to vector<16xf32>
          %add3A_902 = arith.addf %add3A_830, %get3A_901 : vector<16xf32>
          %mul3A_903 = arith.constant 16 : i32
          %mul3A_904 = arith.muli %add3A_144, %mul3A_903 : i32
          %add3A_905 = arith.constant 10 : i32
          %add3A_906 = arith.addi %mul3A_904, %add3A_905 : i32
          %get3A_907 = arith.index_cast %add3A_906 : i32 to index
          %get3A_908 = arith.constant 112 : index
          %get3A_909 = tpu.vector_load %arg6[%get3A_907, %get3A_908] {strides = array<i32>} : memref<128x128xf32, #tpu.memory_space<vmem>>, vector<1x16xf32>,
          %get3A_910 = vector.shape_cast %get3A_909 : vector<1x16xf32> to vector<16xf32>
          %add3A_911 = arith.addf %add3A_839, %get3A_910 : vector<16xf32>
          %mul3A_912 = arith.constant 16 : i32
          %mul3A_913 = arith.muli %add3A_144, %mul3A_912 : i32
          %add3A_914 = arith.constant 11 : i32
          %add3A_915 = arith.addi %mul3A_913, %add3A_914 : i32
          %get3A_916 = arith.index_cast %add3A_915 : i32 to index
          %get3A_917 = arith.constant 0 : index
          %get3A_918 = tpu.vector_load %arg6[%get3A_916, %get3A_917] {strides = array<i32>} : memref<128x128xf32, #tpu.memory_space<vmem>>, vector<1x16xf32>,
          %get3A_919 = vector.shape_cast %get3A_918 : vector<1x16xf32> to vector<16xf32>
          %add3A_920 = arith.addf %add3A_848, %get3A_919 : vector<16xf32>
          %mul3A_921 = arith.constant 16 : i32
          %mul3A_922 = arith.muli %add3A_144, %mul3A_921 : i32
          %add3A_923 = arith.constant 11 : i32
          %add3A_924 = arith.addi %mul3A_922, %add3A_923 : i32
          %get3A_925 = arith.index_cast %add3A_924 : i32 to index
          %get3A_926 = arith.constant 16 : index
          %get3A_927 = tpu.vector_load %arg6[%get3A_925, %get3A_926] {strides = array<i32>} : memref<128x128xf32, #tpu.memory_space<vmem>>, vector<1x16xf32>,
          %get3A_928 = vector.shape_cast %get3A_927 : vector<1x16xf32> to vector<16xf32>
          %add3A_929 = arith.addf %add3A_857, %get3A_928 : vector<16xf32>
          %mul3A_930 = arith.constant 16 : i32
          %mul3A_931 = arith.muli %add3A_144, %mul3A_930 : i32
          %add3A_932 = arith.constant 11 : i32
          %add3A_933 = arith.addi %mul3A_931, %add3A_932 : i32
          %get3A_934 = arith.index_cast %add3A_933 : i32 to index
          %get3A_935 = arith.constant 32 : index
          %get3A_936 = tpu.vector_load %arg6[%get3A_934, %get3A_935] {strides = array<i32>} : memref<128x128xf32, #tpu.memory_space<vmem>>, vector<1x16xf32>,
          %get3A_937 = vector.shape_cast %get3A_936 : vector<1x16xf32> to vector<16xf32>
          %add3A_938 = arith.addf %add3A_866, %get3A_937 : vector<16xf32>
          %mul3A_939 = arith.constant 16 : i32
          %mul3A_940 = arith.muli %add3A_144, %mul3A_939 : i32
          %add3A_941 = arith.constant 11 : i32
          %add3A_942 = arith.addi %mul3A_940, %add3A_941 : i32
          %get3A_943 = arith.index_cast %add3A_942 : i32 to index
          %get3A_944 = arith.constant 48 : index
          %get3A_945 = tpu.vector_load %arg6[%get3A_943, %get3A_944] {strides = array<i32>} : memref<128x128xf32, #tpu.memory_space<vmem>>, vector<1x16xf32>,
          %get3A_946 = vector.shape_cast %get3A_945 : vector<1x16xf32> to vector<16xf32>
          %add3A_947 = arith.addf %add3A_875, %get3A_946 : vector<16xf32>
          %mul3A_948 = arith.constant 16 : i32
          %mul3A_949 = arith.muli %add3A_144, %mul3A_948 : i32
          %add3A_950 = arith.constant 11 : i32
          %add3A_951 = arith.addi %mul3A_949, %add3A_950 : i32
          %get3A_952 = arith.index_cast %add3A_951 : i32 to index
          %get3A_953 = arith.constant 64 : index
          %get3A_954 = tpu.vector_load %arg6[%get3A_952, %get3A_953] {strides = array<i32>} : memref<128x128xf32, #tpu.memory_space<vmem>>, vector<1x16xf32>,
          %get3A_955 = vector.shape_cast %get3A_954 : vector<1x16xf32> to vector<16xf32>
          %add3A_956 = arith.addf %add3A_884, %get3A_955 : vector<16xf32>
          %mul3A_957 = arith.constant 16 : i32
          %mul3A_958 = arith.muli %add3A_144, %mul3A_957 : i32
          %add3A_959 = arith.constant 11 : i32
          %add3A_960 = arith.addi %mul3A_958, %add3A_959 : i32
          %get3A_961 = arith.index_cast %add3A_960 : i32 to index
          %get3A_962 = arith.constant 80 : index
          %get3A_963 = tpu.vector_load %arg6[%get3A_961, %get3A_962] {strides = array<i32>} : memref<128x128xf32, #tpu.memory_space<vmem>>, vector<1x16xf32>,
          %get3A_964 = vector.shape_cast %get3A_963 : vector<1x16xf32> to vector<16xf32>
          %add3A_965 = arith.addf %add3A_893, %get3A_964 : vector<16xf32>
          %mul3A_966 = arith.constant 16 : i32
          %mul3A_967 = arith.muli %add3A_144, %mul3A_966 : i32
          %add3A_968 = arith.constant 11 : i32
          %add3A_969 = arith.addi %mul3A_967, %add3A_968 : i32
          %get3A_970 = arith.index_cast %add3A_969 : i32 to index
          %get3A_971 = arith.constant 96 : index
          %get3A_972 = tpu.vector_load %arg6[%get3A_970, %get3A_971] {strides = array<i32>} : memref<128x128xf32, #tpu.memory_space<vmem>>, vector<1x16xf32>,
          %get3A_973 = vector.shape_cast %get3A_972 : vector<1x16xf32> to vector<16xf32>
          %add3A_974 = arith.addf %add3A_902, %get3A_973 : vector<16xf32>
          %mul3A_975 = arith.constant 16 : i32
          %mul3A_976 = arith.muli %add3A_144, %mul3A_975 : i32
          %add3A_977 = arith.constant 11 : i32
          %add3A_978 = arith.addi %mul3A_976, %add3A_977 : i32
          %get3A_979 = arith.index_cast %add3A_978 : i32 to index
          %get3A_980 = arith.constant 112 : index
          %get3A_981 = tpu.vector_load %arg6[%get3A_979, %get3A_980] {strides = array<i32>} : memref<128x128xf32, #tpu.memory_space<vmem>>, vector<1x16xf32>,
          %get3A_982 = vector.shape_cast %get3A_981 : vector<1x16xf32> to vector<16xf32>
          %add3A_983 = arith.addf %add3A_911, %get3A_982 : vector<16xf32>
          %mul3A_984 = arith.constant 16 : i32
          %mul3A_985 = arith.muli %add3A_144, %mul3A_984 : i32
          %add3A_986 = arith.constant 12 : i32
          %add3A_987 = arith.addi %mul3A_985, %add3A_986 : i32
          %get3A_988 = arith.index_cast %add3A_987 : i32 to index
          %get3A_989 = arith.constant 0 : index
          %get3A_990 = tpu.vector_load %arg6[%get3A_988, %get3A_989] {strides = array<i32>} : memref<128x128xf32, #tpu.memory_space<vmem>>, vector<1x16xf32>,
          %get3A_991 = vector.shape_cast %get3A_990 : vector<1x16xf32> to vector<16xf32>
          %add3A_992 = arith.addf %add3A_920, %get3A_991 : vector<16xf32>
          %mul3A_993 = arith.constant 16 : i32
          %mul3A_994 = arith.muli %add3A_144, %mul3A_993 : i32
          %add3A_995 = arith.constant 12 : i32
          %add3A_996 = arith.addi %mul3A_994, %add3A_995 : i32
          %get3A_997 = arith.index_cast %add3A_996 : i32 to index
          %get3A_998 = arith.constant 16 : index
          %get3A_999 = tpu.vector_load %arg6[%get3A_997, %get3A_998] {strides = array<i32>} : memref<128x128xf32, #tpu.memory_space<vmem>>, vector<1x16xf32>,
          %get3A_1000 = vector.shape_cast %get3A_999 : vector<1x16xf32> to vector<16xf32>
          %add3A_1001 = arith.addf %add3A_929, %get3A_1000 : vector<16xf32>
          %mul3A_1002 = arith.constant 16 : i32
          %mul3A_1003 = arith.muli %add3A_144, %mul3A_1002 : i32
          %add3A_1004 = arith.constant 12 : i32
          %add3A_1005 = arith.addi %mul3A_1003, %add3A_1004 : i32
          %get3A_1006 = arith.index_cast %add3A_1005 : i32 to index
          %get3A_1007 = arith.constant 32 : index
          %get3A_1008 = tpu.vector_load %arg6[%get3A_1006, %get3A_1007] {strides = array<i32>} : memref<128x128xf32, #tpu.memory_space<vmem>>, vector<1x16xf32>,
          %get3A_1009 = vector.shape_cast %get3A_1008 : vector<1x16xf32> to vector<16xf32>
          %add3A_1010 = arith.addf %add3A_938, %get3A_1009 : vector<16xf32>
          %mul3A_1011 = arith.constant 16 : i32
          %mul3A_1012 = arith.muli %add3A_144, %mul3A_1011 : i32
          %add3A_1013 = arith.constant 12 : i32
          %add3A_1014 = arith.addi %mul3A_1012, %add3A_1013 : i32
          %get3A_1015 = arith.index_cast %add3A_1014 : i32 to index
          %get3A_1016 = arith.constant 48 : index
          %get3A_1017 = tpu.vector_load %arg6[%get3A_1015, %get3A_1016] {strides = array<i32>} : memref<128x128xf32, #tpu.memory_space<vmem>>, vector<1x16xf32>,
          %get3A_1018 = vector.shape_cast %get3A_1017 : vector<1x16xf32> to vector<16xf32>
          %add3A_1019 = arith.addf %add3A_947, %get3A_1018 : vector<16xf32>
          %mul3A_1020 = arith.constant 16 : i32
          %mul3A_1021 = arith.muli %add3A_144, %mul3A_1020 : i32
          %add3A_1022 = arith.constant 12 : i32
          %add3A_1023 = arith.addi %mul3A_1021, %add3A_1022 : i32
          %get3A_1024 = arith.index_cast %add3A_1023 : i32 to index
          %get3A_1025 = arith.constant 64 : index
          %get3A_1026 = tpu.vector_load %arg6[%get3A_1024, %get3A_1025] {strides = array<i32>} : memref<128x128xf32, #tpu.memory_space<vmem>>, vector<1x16xf32>,
          %get3A_1027 = vector.shape_cast %get3A_1026 : vector<1x16xf32> to vector<16xf32>
          %add3A_1028 = arith.addf %add3A_956, %get3A_1027 : vector<16xf32>
          %mul3A_1029 = arith.constant 16 : i32
          %mul3A_1030 = arith.muli %add3A_144, %mul3A_1029 : i32
          %add3A_1031 = arith.constant 12 : i32
          %add3A_1032 = arith.addi %mul3A_1030, %add3A_1031 : i32
          %get3A_1033 = arith.index_cast %add3A_1032 : i32 to index
          %get3A_1034 = arith.constant 80 : index
          %get3A_1035 = tpu.vector_load %arg6[%get3A_1033, %get3A_1034] {strides = array<i32>} : memref<128x128xf32, #tpu.memory_space<vmem>>, vector<1x16xf32>,
          %get3A_1036 = vector.shape_cast %get3A_1035 : vector<1x16xf32> to vector<16xf32>
          %add3A_1037 = arith.addf %add3A_965, %get3A_1036 : vector<16xf32>
          %mul3A_1038 = arith.constant 16 : i32
          %mul3A_1039 = arith.muli %add3A_144, %mul3A_1038 : i32
          %add3A_1040 = arith.constant 12 : i32
          %add3A_1041 = arith.addi %mul3A_1039, %add3A_1040 : i32
          %get3A_1042 = arith.index_cast %add3A_1041 : i32 to index
          %get3A_1043 = arith.constant 96 : index
          %get3A_1044 = tpu.vector_load %arg6[%get3A_1042, %get3A_1043] {strides = array<i32>} : memref<128x128xf32, #tpu.memory_space<vmem>>, vector<1x16xf32>,
          %get3A_1045 = vector.shape_cast %get3A_1044 : vector<1x16xf32> to vector<16xf32>
          %add3A_1046 = arith.addf %add3A_974, %get3A_1045 : vector<16xf32>
          %mul3A_1047 = arith.constant 16 : i32
          %mul3A_1048 = arith.muli %add3A_144, %mul3A_1047 : i32
          %add3A_1049 = arith.constant 12 : i32
          %add3A_1050 = arith.addi %mul3A_1048, %add3A_1049 : i32
          %get3A_1051 = arith.index_cast %add3A_1050 : i32 to index
          %get3A_1052 = arith.constant 112 : index
          %get3A_1053 = tpu.vector_load %arg6[%get3A_1051, %get3A_1052] {strides = array<i32>} : memref<128x128xf32, #tpu.memory_space<vmem>>, vector<1x16xf32>,
          %get3A_1054 = vector.shape_cast %get3A_1053 : vector<1x16xf32> to vector<16xf32>
          %add3A_1055 = arith.addf %add3A_983, %get3A_1054 : vector<16xf32>
          %mul3A_1056 = arith.constant 16 : i32
          %mul3A_1057 = arith.muli %add3A_144, %mul3A_1056 : i32
          %add3A_1058 = arith.constant 13 : i32
          %add3A_1059 = arith.addi %mul3A_1057, %add3A_1058 : i32
          %get3A_1060 = arith.index_cast %add3A_1059 : i32 to index
          %get3A_1061 = arith.constant 0 : index
          %get3A_1062 = tpu.vector_load %arg6[%get3A_1060, %get3A_1061] {strides = array<i32>} : memref<128x128xf32, #tpu.memory_space<vmem>>, vector<1x16xf32>,
          %get3A_1063 = vector.shape_cast %get3A_1062 : vector<1x16xf32> to vector<16xf32>
          %add3A_1064 = arith.addf %add3A_992, %get3A_1063 : vector<16xf32>
          %mul3A_1065 = arith.constant 16 : i32
          %mul3A_1066 = arith.muli %add3A_144, %mul3A_1065 : i32
          %add3A_1067 = arith.constant 13 : i32
          %add3A_1068 = arith.addi %mul3A_1066, %add3A_1067 : i32
          %get3A_1069 = arith.index_cast %add3A_1068 : i32 to index
          %get3A_1070 = arith.constant 16 : index
          %get3A_1071 = tpu.vector_load %arg6[%get3A_1069, %get3A_1070] {strides = array<i32>} : memref<128x128xf32, #tpu.memory_space<vmem>>, vector<1x16xf32>,
          %get3A_1072 = vector.shape_cast %get3A_1071 : vector<1x16xf32> to vector<16xf32>
          %add3A_1073 = arith.addf %add3A_1001, %get3A_1072 : vector<16xf32>
          %mul3A_1074 = arith.constant 16 : i32
          %mul3A_1075 = arith.muli %add3A_144, %mul3A_1074 : i32
          %add3A_1076 = arith.constant 13 : i32
          %add3A_1077 = arith.addi %mul3A_1075, %add3A_1076 : i32
          %get3A_1078 = arith.index_cast %add3A_1077 : i32 to index
          %get3A_1079 = arith.constant 32 : index
          %get3A_1080 = tpu.vector_load %arg6[%get3A_1078, %get3A_1079] {strides = array<i32>} : memref<128x128xf32, #tpu.memory_space<vmem>>, vector<1x16xf32>,
          %get3A_1081 = vector.shape_cast %get3A_1080 : vector<1x16xf32> to vector<16xf32>
          %add3A_1082 = arith.addf %add3A_1010, %get3A_1081 : vector<16xf32>
          %mul3A_1083 = arith.constant 16 : i32
          %mul3A_1084 = arith.muli %add3A_144, %mul3A_1083 : i32
          %add3A_1085 = arith.constant 13 : i32
          %add3A_1086 = arith.addi %mul3A_1084, %add3A_1085 : i32
          %get3A_1087 = arith.index_cast %add3A_1086 : i32 to index
          %get3A_1088 = arith.constant 48 : index
          %get3A_1089 = tpu.vector_load %arg6[%get3A_1087, %get3A_1088] {strides = array<i32>} : memref<128x128xf32, #tpu.memory_space<vmem>>, vector<1x16xf32>,
          %get3A_1090 = vector.shape_cast %get3A_1089 : vector<1x16xf32> to vector<16xf32>
          %add3A_1091 = arith.addf %add3A_1019, %get3A_1090 : vector<16xf32>
          %mul3A_1092 = arith.constant 16 : i32
          %mul3A_1093 = arith.muli %add3A_144, %mul3A_1092 : i32
          %add3A_1094 = arith.constant 13 : i32
          %add3A_1095 = arith.addi %mul3A_1093, %add3A_1094 : i32
          %get3A_1096 = arith.index_cast %add3A_1095 : i32 to index
          %get3A_1097 = arith.constant 64 : index
          %get3A_1098 = tpu.vector_load %arg6[%get3A_1096, %get3A_1097] {strides = array<i32>} : memref<128x128xf32, #tpu.memory_space<vmem>>, vector<1x16xf32>,
          %get3A_1099 = vector.shape_cast %get3A_1098 : vector<1x16xf32> to vector<16xf32>
          %add3A_1100 = arith.addf %add3A_1028, %get3A_1099 : vector<16xf32>
          %mul3A_1101 = arith.constant 16 : i32
          %mul3A_1102 = arith.muli %add3A_144, %mul3A_1101 : i32
          %add3A_1103 = arith.constant 13 : i32
          %add3A_1104 = arith.addi %mul3A_1102, %add3A_1103 : i32
          %get3A_1105 = arith.index_cast %add3A_1104 : i32 to index
          %get3A_1106 = arith.constant 80 : index
          %get3A_1107 = tpu.vector_load %arg6[%get3A_1105, %get3A_1106] {strides = array<i32>} : memref<128x128xf32, #tpu.memory_space<vmem>>, vector<1x16xf32>,
          %get3A_1108 = vector.shape_cast %get3A_1107 : vector<1x16xf32> to vector<16xf32>
          %add3A_1109 = arith.addf %add3A_1037, %get3A_1108 : vector<16xf32>
          %mul3A_1110 = arith.constant 16 : i32
          %mul3A_1111 = arith.muli %add3A_144, %mul3A_1110 : i32
          %add3A_1112 = arith.constant 13 : i32
          %add3A_1113 = arith.addi %mul3A_1111, %add3A_1112 : i32
          %get3A_1114 = arith.index_cast %add3A_1113 : i32 to index
          %get3A_1115 = arith.constant 96 : index
          %get3A_1116 = tpu.vector_load %arg6[%get3A_1114, %get3A_1115] {strides = array<i32>} : memref<128x128xf32, #tpu.memory_space<vmem>>, vector<1x16xf32>,
          %get3A_1117 = vector.shape_cast %get3A_1116 : vector<1x16xf32> to vector<16xf32>
          %add3A_1118 = arith.addf %add3A_1046, %get3A_1117 : vector<16xf32>
          %mul3A_1119 = arith.constant 16 : i32
          %mul3A_1120 = arith.muli %add3A_144, %mul3A_1119 : i32
          %add3A_1121 = arith.constant 13 : i32
          %add3A_1122 = arith.addi %mul3A_1120, %add3A_1121 : i32
          %get3A_1123 = arith.index_cast %add3A_1122 : i32 to index
          %get3A_1124 = arith.constant 112 : index
          %get3A_1125 = tpu.vector_load %arg6[%get3A_1123, %get3A_1124] {strides = array<i32>} : memref<128x128xf32, #tpu.memory_space<vmem>>, vector<1x16xf32>,
          %get3A_1126 = vector.shape_cast %get3A_1125 : vector<1x16xf32> to vector<16xf32>
          %add3A_1127 = arith.addf %add3A_1055, %get3A_1126 : vector<16xf32>
          %mul3A_1128 = arith.constant 16 : i32
          %mul3A_1129 = arith.muli %add3A_144, %mul3A_1128 : i32
          %add3A_1130 = arith.constant 14 : i32
          %add3A_1131 = arith.addi %mul3A_1129, %add3A_1130 : i32
          %get3A_1132 = arith.index_cast %add3A_1131 : i32 to index
          %get3A_1133 = arith.constant 0 : index
          %get3A_1134 = tpu.vector_load %arg6[%get3A_1132, %get3A_1133] {strides = array<i32>} : memref<128x128xf32, #tpu.memory_space<vmem>>, vector<1x16xf32>,
          %get3A_1135 = vector.shape_cast %get3A_1134 : vector<1x16xf32> to vector<16xf32>
          %add3A_1136 = arith.addf %add3A_1064, %get3A_1135 : vector<16xf32>
          %mul3A_1137 = arith.constant 16 : i32
          %mul3A_1138 = arith.muli %add3A_144, %mul3A_1137 : i32
          %add3A_1139 = arith.constant 14 : i32
          %add3A_1140 = arith.addi %mul3A_1138, %add3A_1139 : i32
          %get3A_1141 = arith.index_cast %add3A_1140 : i32 to index
          %get3A_1142 = arith.constant 16 : index
          %get3A_1143 = tpu.vector_load %arg6[%get3A_1141, %get3A_1142] {strides = array<i32>} : memref<128x128xf32, #tpu.memory_space<vmem>>, vector<1x16xf32>,
          %get3A_1144 = vector.shape_cast %get3A_1143 : vector<1x16xf32> to vector<16xf32>
          %add3A_1145 = arith.addf %add3A_1073, %get3A_1144 : vector<16xf32>
          %mul3A_1146 = arith.constant 16 : i32
          %mul3A_1147 = arith.muli %add3A_144, %mul3A_1146 : i32
          %add3A_1148 = arith.constant 14 : i32
          %add3A_1149 = arith.addi %mul3A_1147, %add3A_1148 : i32
          %get3A_1150 = arith.index_cast %add3A_1149 : i32 to index
          %get3A_1151 = arith.constant 32 : index
          %get3A_1152 = tpu.vector_load %arg6[%get3A_1150, %get3A_1151] {strides = array<i32>} : memref<128x128xf32, #tpu.memory_space<vmem>>, vector<1x16xf32>,
          %get3A_1153 = vector.shape_cast %get3A_1152 : vector<1x16xf32> to vector<16xf32>
          %add3A_1154 = arith.addf %add3A_1082, %get3A_1153 : vector<16xf32>
          %mul3A_1155 = arith.constant 16 : i32
          %mul3A_1156 = arith.muli %add3A_144, %mul3A_1155 : i32
          %add3A_1157 = arith.constant 14 : i32
          %add3A_1158 = arith.addi %mul3A_1156, %add3A_1157 : i32
          %get3A_1159 = arith.index_cast %add3A_1158 : i32 to index
          %get3A_1160 = arith.constant 48 : index
          %get3A_1161 = tpu.vector_load %arg6[%get3A_1159, %get3A_1160] {strides = array<i32>} : memref<128x128xf32, #tpu.memory_space<vmem>>, vector<1x16xf32>,
          %get3A_1162 = vector.shape_cast %get3A_1161 : vector<1x16xf32> to vector<16xf32>
          %add3A_1163 = arith.addf %add3A_1091, %get3A_1162 : vector<16xf32>
          %mul3A_1164 = arith.constant 16 : i32
          %mul3A_1165 = arith.muli %add3A_144, %mul3A_1164 : i32
          %add3A_1166 = arith.constant 14 : i32
          %add3A_1167 = arith.addi %mul3A_1165, %add3A_1166 : i32
          %get3A_1168 = arith.index_cast %add3A_1167 : i32 to index
          %get3A_1169 = arith.constant 64 : index
          %get3A_1170 = tpu.vector_load %arg6[%get3A_1168, %get3A_1169] {strides = array<i32>} : memref<128x128xf32, #tpu.memory_space<vmem>>, vector<1x16xf32>,
          %get3A_1171 = vector.shape_cast %get3A_1170 : vector<1x16xf32> to vector<16xf32>
          %add3A_1172 = arith.addf %add3A_1100, %get3A_1171 : vector<16xf32>
          %mul3A_1173 = arith.constant 16 : i32
          %mul3A_1174 = arith.muli %add3A_144, %mul3A_1173 : i32
          %add3A_1175 = arith.constant 14 : i32
          %add3A_1176 = arith.addi %mul3A_1174, %add3A_1175 : i32
          %get3A_1177 = arith.index_cast %add3A_1176 : i32 to index
          %get3A_1178 = arith.constant 80 : index
          %get3A_1179 = tpu.vector_load %arg6[%get3A_1177, %get3A_1178] {strides = array<i32>} : memref<128x128xf32, #tpu.memory_space<vmem>>, vector<1x16xf32>,
          %get3A_1180 = vector.shape_cast %get3A_1179 : vector<1x16xf32> to vector<16xf32>
          %add3A_1181 = arith.addf %add3A_1109, %get3A_1180 : vector<16xf32>
          %mul3A_1182 = arith.constant 16 : i32
          %mul3A_1183 = arith.muli %add3A_144, %mul3A_1182 : i32
          %add3A_1184 = arith.constant 14 : i32
          %add3A_1185 = arith.addi %mul3A_1183, %add3A_1184 : i32
          %get3A_1186 = arith.index_cast %add3A_1185 : i32 to index
          %get3A_1187 = arith.constant 96 : index
          %get3A_1188 = tpu.vector_load %arg6[%get3A_1186, %get3A_1187] {strides = array<i32>} : memref<128x128xf32, #tpu.memory_space<vmem>>, vector<1x16xf32>,
          %get3A_1189 = vector.shape_cast %get3A_1188 : vector<1x16xf32> to vector<16xf32>
          %add3A_1190 = arith.addf %add3A_1118, %get3A_1189 : vector<16xf32>
          %mul3A_1191 = arith.constant 16 : i32
          %mul3A_1192 = arith.muli %add3A_144, %mul3A_1191 : i32
          %add3A_1193 = arith.constant 14 : i32
          %add3A_1194 = arith.addi %mul3A_1192, %add3A_1193 : i32
          %get3A_1195 = arith.index_cast %add3A_1194 : i32 to index
          %get3A_1196 = arith.constant 112 : index
          %get3A_1197 = tpu.vector_load %arg6[%get3A_1195, %get3A_1196] {strides = array<i32>} : memref<128x128xf32, #tpu.memory_space<vmem>>, vector<1x16xf32>,
          %get3A_1198 = vector.shape_cast %get3A_1197 : vector<1x16xf32> to vector<16xf32>
          %add3A_1199 = arith.addf %add3A_1127, %get3A_1198 : vector<16xf32>
          %mul3A_1200 = arith.constant 16 : i32
          %mul3A_1201 = arith.muli %add3A_144, %mul3A_1200 : i32
          %add3A_1202 = arith.constant 15 : i32
          %add3A_1203 = arith.addi %mul3A_1201, %add3A_1202 : i32
          %get3A_1204 = arith.index_cast %add3A_1203 : i32 to index
          %get3A_1205 = arith.constant 0 : index
          %get3A_1206 = tpu.vector_load %arg6[%get3A_1204, %get3A_1205] {strides = array<i32>} : memref<128x128xf32, #tpu.memory_space<vmem>>, vector<1x16xf32>,
          %get3A_1207 = vector.shape_cast %get3A_1206 : vector<1x16xf32> to vector<16xf32>
          %add3A_1208 = arith.addf %add3A_1136, %get3A_1207 : vector<16xf32>
          %mul3A_1209 = arith.constant 16 : i32
          %mul3A_1210 = arith.muli %add3A_144, %mul3A_1209 : i32
          %add3A_1211 = arith.constant 15 : i32
          %add3A_1212 = arith.addi %mul3A_1210, %add3A_1211 : i32
          %get3A_1213 = arith.index_cast %add3A_1212 : i32 to index
          %get3A_1214 = arith.constant 16 : index
          %get3A_1215 = tpu.vector_load %arg6[%get3A_1213, %get3A_1214] {strides = array<i32>} : memref<128x128xf32, #tpu.memory_space<vmem>>, vector<1x16xf32>,
          %get3A_1216 = vector.shape_cast %get3A_1215 : vector<1x16xf32> to vector<16xf32>
          %add3A_1217 = arith.addf %add3A_1145, %get3A_1216 : vector<16xf32>
          %mul3A_1218 = arith.constant 16 : i32
          %mul3A_1219 = arith.muli %add3A_144, %mul3A_1218 : i32
          %add3A_1220 = arith.constant 15 : i32
          %add3A_1221 = arith.addi %mul3A_1219, %add3A_1220 : i32
          %get3A_1222 = arith.index_cast %add3A_1221 : i32 to index
          %get3A_1223 = arith.constant 32 : index
          %get3A_1224 = tpu.vector_load %arg6[%get3A_1222, %get3A_1223] {strides = array<i32>} : memref<128x128xf32, #tpu.memory_space<vmem>>, vector<1x16xf32>,
          %get3A_1225 = vector.shape_cast %get3A_1224 : vector<1x16xf32> to vector<16xf32>
          %add3A_1226 = arith.addf %add3A_1154, %get3A_1225 : vector<16xf32>
          %mul3A_1227 = arith.constant 16 : i32
          %mul3A_1228 = arith.muli %add3A_144, %mul3A_1227 : i32
          %add3A_1229 = arith.constant 15 : i32
          %add3A_1230 = arith.addi %mul3A_1228, %add3A_1229 : i32
          %get3A_1231 = arith.index_cast %add3A_1230 : i32 to index
          %get3A_1232 = arith.constant 48 : index
          %get3A_1233 = tpu.vector_load %arg6[%get3A_1231, %get3A_1232] {strides = array<i32>} : memref<128x128xf32, #tpu.memory_space<vmem>>, vector<1x16xf32>,
          %get3A_1234 = vector.shape_cast %get3A_1233 : vector<1x16xf32> to vector<16xf32>
          %add3A_1235 = arith.addf %add3A_1163, %get3A_1234 : vector<16xf32>
          %mul3A_1236 = arith.constant 16 : i32
          %mul3A_1237 = arith.muli %add3A_144, %mul3A_1236 : i32
          %add3A_1238 = arith.constant 15 : i32
          %add3A_1239 = arith.addi %mul3A_1237, %add3A_1238 : i32
          %get3A_1240 = arith.index_cast %add3A_1239 : i32 to index
          %get3A_1241 = arith.constant 64 : index
          %get3A_1242 = tpu.vector_load %arg6[%get3A_1240, %get3A_1241] {strides = array<i32>} : memref<128x128xf32, #tpu.memory_space<vmem>>, vector<1x16xf32>,
          %get3A_1243 = vector.shape_cast %get3A_1242 : vector<1x16xf32> to vector<16xf32>
          %add3A_1244 = arith.addf %add3A_1172, %get3A_1243 : vector<16xf32>
          %mul3A_1245 = arith.constant 16 : i32
          %mul3A_1246 = arith.muli %add3A_144, %mul3A_1245 : i32
          %add3A_1247 = arith.constant 15 : i32
          %add3A_1248 = arith.addi %mul3A_1246, %add3A_1247 : i32
          %get3A_1249 = arith.index_cast %add3A_1248 : i32 to index
          %get3A_1250 = arith.constant 80 : index
          %get3A_1251 = tpu.vector_load %arg6[%get3A_1249, %get3A_1250] {strides = array<i32>} : memref<128x128xf32, #tpu.memory_space<vmem>>, vector<1x16xf32>,
          %get3A_1252 = vector.shape_cast %get3A_1251 : vector<1x16xf32> to vector<16xf32>
          %add3A_1253 = arith.addf %add3A_1181, %get3A_1252 : vector<16xf32>
          %mul3A_1254 = arith.constant 16 : i32
          %mul3A_1255 = arith.muli %add3A_144, %mul3A_1254 : i32
          %add3A_1256 = arith.constant 15 : i32
          %add3A_1257 = arith.addi %mul3A_1255, %add3A_1256 : i32
          %get3A_1258 = arith.index_cast %add3A_1257 : i32 to index
          %get3A_1259 = arith.constant 96 : index
          %get3A_1260 = tpu.vector_load %arg6[%get3A_1258, %get3A_1259] {strides = array<i32>} : memref<128x128xf32, #tpu.memory_space<vmem>>, vector<1x16xf32>,
          %get3A_1261 = vector.shape_cast %get3A_1260 : vector<1x16xf32> to vector<16xf32>
          %add3A_1262 = arith.addf %add3A_1190, %get3A_1261 : vector<16xf32>
          %mul3A_1263 = arith.constant 16 : i32
          %mul3A_1264 = arith.muli %add3A_144, %mul3A_1263 : i32
          %add3A_1265 = arith.constant 15 : i32
          %add3A_1266 = arith.addi %mul3A_1264, %add3A_1265 : i32
          %get3A_1267 = arith.index_cast %add3A_1266 : i32 to index
          %get3A_1268 = arith.constant 112 : index
          %get3A_1269 = tpu.vector_load %arg6[%get3A_1267, %get3A_1268] {strides = array<i32>} : memref<128x128xf32, #tpu.memory_space<vmem>>, vector<1x16xf32>,
          %get3A_1270 = vector.shape_cast %get3A_1269 : vector<1x16xf32> to vector<16xf32>
          %add3A_1271 = arith.addf %add3A_1199, %get3A_1270 : vector<16xf32>
          %swap3A = arith.index_cast %add3A_144 : i32 to index
          %swap3A_1272 = arith.constant 0 : index
          %swap3A_1273 = tpu.vector_load %arg10[%swap3A, %swap3A_1272] {strides = array<i32>} : memref<8x128xf32, #tpu.memory_space<vmem>>, vector<1x16xf32>,
          %swap3A_1274 = vector.shape_cast %swap3A_1273 : vector<1x16xf32> to vector<16xf32>
          %swap3A_1275 = vector.shape_cast %add3A_1208 : vector<16xf32> to vector<1x16xf32>
          tpu.vector_store %arg10[%swap3A, %swap3A_1272], %swap3A_1275 {strides = array<i32>} : memref<8x128xf32, #tpu.memory_space<vmem>>, vector<1x16xf32>,
          %swap3A_1276 = arith.index_cast %add3A_144 : i32 to index
          %swap3A_1277 = arith.constant 16 : index
          %swap3A_1278 = tpu.vector_load %arg10[%swap3A_1276, %swap3A_1277] {strides = array<i32>} : memref<8x128xf32, #tpu.memory_space<vmem>>, vector<1x16xf32>,
          %swap3A_1279 = vector.shape_cast %swap3A_1278 : vector<1x16xf32> to vector<16xf32>
          %swap3A_1280 = vector.shape_cast %add3A_1217 : vector<16xf32> to vector<1x16xf32>
          tpu.vector_store %arg10[%swap3A_1276, %swap3A_1277], %swap3A_1280 {strides = array<i32>} : memref<8x128xf32, #tpu.memory_space<vmem>>, vector<1x16xf32>,
          %swap3A_1281 = arith.index_cast %add3A_144 : i32 to index
          %swap3A_1282 = arith.constant 32 : index
          %swap3A_1283 = tpu.vector_load %arg10[%swap3A_1281, %swap3A_1282] {strides = array<i32>} : memref<8x128xf32, #tpu.memory_space<vmem>>, vector<1x16xf32>,
          %swap3A_1284 = vector.shape_cast %swap3A_1283 : vector<1x16xf32> to vector<16xf32>
          %swap3A_1285 = vector.shape_cast %add3A_1226 : vector<16xf32> to vector<1x16xf32>
          tpu.vector_store %arg10[%swap3A_1281, %swap3A_1282], %swap3A_1285 {strides = array<i32>} : memref<8x128xf32, #tpu.memory_space<vmem>>, vector<1x16xf32>,
          %swap3A_1286 = arith.index_cast %add3A_144 : i32 to index
          %swap3A_1287 = arith.constant 48 : index
          %swap3A_1288 = tpu.vector_load %arg10[%swap3A_1286, %swap3A_1287] {strides = array<i32>} : memref<8x128xf32, #tpu.memory_space<vmem>>, vector<1x16xf32>,
          %swap3A_1289 = vector.shape_cast %swap3A_1288 : vector<1x16xf32> to vector<16xf32>
          %swap3A_1290 = vector.shape_cast %add3A_1235 : vector<16xf32> to vector<1x16xf32>
          tpu.vector_store %arg10[%swap3A_1286, %swap3A_1287], %swap3A_1290 {strides = array<i32>} : memref<8x128xf32, #tpu.memory_space<vmem>>, vector<1x16xf32>,
          %swap3A_1291 = arith.index_cast %add3A_144 : i32 to index
          %swap3A_1292 = arith.constant 64 : index
          %swap3A_1293 = tpu.vector_load %arg10[%swap3A_1291, %swap3A_1292] {strides = array<i32>} : memref<8x128xf32, #tpu.memory_space<vmem>>, vector<1x16xf32>,
          %swap3A_1294 = vector.shape_cast %swap3A_1293 : vector<1x16xf32> to vector<16xf32>
          %swap3A_1295 = vector.shape_cast %add3A_1244 : vector<16xf32> to vector<1x16xf32>
          tpu.vector_store %arg10[%swap3A_1291, %swap3A_1292], %swap3A_1295 {strides = array<i32>} : memref<8x128xf32, #tpu.memory_space<vmem>>, vector<1x16xf32>,
          %swap3A_1296 = arith.index_cast %add3A_144 : i32 to index
          %swap3A_1297 = arith.constant 80 : index
          %swap3A_1298 = tpu.vector_load %arg10[%swap3A_1296, %swap3A_1297] {strides = array<i32>} : memref<8x128xf32, #tpu.memory_space<vmem>>, vector<1x16xf32>,
          %swap3A_1299 = vector.shape_cast %swap3A_1298 : vector<1x16xf32> to vector<16xf32>
          %swap3A_1300 = vector.shape_cast %add3A_1253 : vector<16xf32> to vector<1x16xf32>
          tpu.vector_store %arg10[%swap3A_1296, %swap3A_1297], %swap3A_1300 {strides = array<i32>} : memref<8x128xf32, #tpu.memory_space<vmem>>, vector<1x16xf32>,
          %swap3A_1301 = arith.index_cast %add3A_144 : i32 to index
          %swap3A_1302 = arith.constant 96 : index
          %swap3A_1303 = tpu.vector_load %arg10[%swap3A_1301, %swap3A_1302] {strides = array<i32>} : memref<8x128xf32, #tpu.memory_space<vmem>>, vector<1x16xf32>,
          %swap3A_1304 = vector.shape_cast %swap3A_1303 : vector<1x16xf32> to vector<16xf32>
          %swap3A_1305 = vector.shape_cast %add3A_1262 : vector<16xf32> to vector<1x16xf32>
          tpu.vector_store %arg10[%swap3A_1301, %swap3A_1302], %swap3A_1305 {strides = array<i32>} : memref<8x128xf32, #tpu.memory_space<vmem>>, vector<1x16xf32>,
          %swap3A_1306 = arith.index_cast %add3A_144 : i32 to index
          %swap3A_1307 = arith.constant 112 : index
          %swap3A_1308 = tpu.vector_load %arg10[%swap3A_1306, %swap3A_1307] {strides = array<i32>} : memref<8x128xf32, #tpu.memory_space<vmem>>, vector<1x16xf32>,
          %swap3A_1309 = vector.shape_cast %swap3A_1308 : vector<1x16xf32> to vector<16xf32>
          %swap3A_1310 = vector.shape_cast %add3A_1271 : vector<16xf32> to vector<1x16xf32>
          tpu.vector_store %arg10[%swap3A_1306, %swap3A_1307], %swap3A_1310 {strides = array<i32>} : memref<8x128xf32, #tpu.memory_space<vmem>>, vector<1x16xf32>,
        }
        %scan3A_126 = arith.constant 8 : i32
        %add3A_127 = arith.addi %add3A_4, %add3A_84 : i32
        %mul3A_128 = arith.constant 8 : i32
        %mul3A_129 = arith.muli %add3A_127, %mul3A_128 : i32
        %dma_start3A_130 = arith.constant 0 : i32
        %dma_start3A_131 = tpu.memref_slice %arg4[%mul3A_129, %dma_start3A_130] : memref<40000x128xf32, #tpu.memory_space<hbm>> -> memref<8x128xf32, #tpu.memory_space<hbm>>
        %dma_start3A_132 = arith.constant 0 : i32
        %dma_start3A_133 = tpu.memref_slice %arg4[%mul3A_129, %dma_start3A_132] : memref<40000x128xf32, #tpu.memory_space<hbm>> -> memref<8x128xf32, #tpu.memory_space<hbm>>
        tpu.enqueue_dma source(%arg10 : memref<8x128xf32, #tpu.memory_space<vmem>>) target(%dma_start3A_133 : memref<8x128xf32, #tpu.memory_space<hbm>>) target_semaphore(%arg18 : memref<!tpu.dma_semaphore, #tpu.memory_space<semaphore_mem>>)
        %add3A_134 = arith.constant 4 : i32
        %add3A_135 = arith.addi %add3A_84, %add3A_134 : i32
        %lt3A_136 = arith.cmpi slt, %add3A_135, %add3A_8 : i32
        %convert_element_type3A_137 = arith.extui %lt3A_136 : i1 to i32
        %cond3A_138 = arith.constant 0 : i32
        %cond3A_139 = arith.cmpi ne, %convert_element_type3A_137, %cond3A_138 : i32
        scf.if %cond3A_139 {
          %add3A_140 = arith.constant 4 : i32
          %add3A_141 = arith.addi %add3A_84, %add3A_140 : i32
          %mul3A_142 = arith.constant 128 : i32
          %mul3A_143 = arith.muli %add3A_141, %mul3A_142 : i32
          %dma_start3A_144 = tpu.memref_slice %arg5[%mul3A_143] : memref<20096xi32, #tpu.memory_space<vmem>> -> memref<128xi32, #tpu.memory_space<vmem>>
          %dma_start3A_145 = arith.constant 0 : i32
          %dma_start3A_146 = arith.constant 0 : i32
          %dma_start3A_147 = tpu.memref_slice %arg2[%dma_start3A_145, %dma_start3A_146] : memref<40000x128xf32, #tpu.memory_space<hbm>> -> memref<40000x128xf32, #tpu.memory_space<hbm>>
          tpu.enqueue_indirect_dma source(%dma_start3A_147 : memref<40000x128xf32, #tpu.memory_space<hbm>>) target(%arg6 : memref<128x128xf32, #tpu.memory_space<vmem>>) offsets(%dma_start3A_144 : memref<128xi32, #tpu.memory_space<vmem>>) semaphore(%arg14 : memref<!tpu.dma_semaphore, #tpu.memory_space<semaphore_mem>>)
        } else {
        }
      } else {
      }
      %mul3A_89 = arith.constant 4 : i32
      %mul3A_90 = arith.muli %add3A_80, %mul3A_89 : i32
      %add3A_91 = arith.constant 1 : i32
      %add3A_92 = arith.addi %mul3A_90, %add3A_91 : i32
      %lt3A_93 = arith.cmpi slt, %add3A_92, %add3A_8 : i32
      %convert_element_type3A_94 = arith.extui %lt3A_93 : i1 to i32
      %cond3A_95 = arith.constant 0 : i32
      %cond3A_96 = arith.cmpi ne, %convert_element_type3A_94, %cond3A_95 : i32
      scf.if %cond3A_96 {
        %dma_wait3A_113 = arith.constant 0 : i32
        %dma_wait3A_114 = tpu.memref_slice %arg5[%dma_wait3A_113] : memref<20096xi32, #tpu.memory_space<vmem>> -> memref<128xi32, #tpu.memory_space<vmem>>
        %dma_wait3A_115 = arith.constant 0 : i32
        %dma_wait3A_116 = arith.constant 0 : i32
        %dma_wait3A_117 = tpu.memref_slice %arg2[%dma_wait3A_115, %dma_wait3A_116] : memref<40000x128xf32, #tpu.memory_space<hbm>> -> memref<40000x128xf32, #tpu.memory_space<hbm>>
        tpu.wait_indirect_dma semaphore(%arg15 : memref<!tpu.dma_semaphore, #tpu.memory_space<semaphore_mem>>) src(%dma_wait3A_117 : memref<40000x128xf32, #tpu.memory_space<hbm>>) dst(%arg7 : memref<128x128xf32, #tpu.memory_space<vmem>>)
        %ge3A = arith.constant 4 : i32
        %ge3A_118 = arith.cmpi sge, %add3A_92, %ge3A : i32
        %convert_element_type3A_119 = arith.extui %ge3A_118 : i1 to i32
        %cond3A_120 = arith.constant 0 : i32
        %cond3A_121 = arith.cmpi ne, %convert_element_type3A_119, %cond3A_120 : i32
        scf.if %cond3A_121 {
          %dma_wait3A_140 = arith.constant 0 : i32
          %dma_wait3A_141 = arith.constant 0 : i32
          %dma_wait3A_142 = tpu.memref_slice %arg4[%dma_wait3A_140, %dma_wait3A_141] : memref<40000x128xf32, #tpu.memory_space<hbm>> -> memref<8x128xf32, #tpu.memory_space<hbm>>
          %dma_wait3A_143 = arith.constant 0 : i32
          %dma_wait3A_144 = arith.constant 0 : i32
          %dma_wait3A_145 = tpu.memref_slice %arg4[%dma_wait3A_143, %dma_wait3A_144] : memref<40000x128xf32, #tpu.memory_space<hbm>> -> memref<8x128xf32, #tpu.memory_space<hbm>>
          tpu.wait_dma2 semaphore(%arg19 : memref<!tpu.dma_semaphore, #tpu.memory_space<semaphore_mem>>) src(%arg11 : memref<8x128xf32, #tpu.memory_space<vmem>>) dst(%dma_wait3A_145 : memref<8x128xf32, #tpu.memory_space<hbm>>)
        } else {
        }
        %scan3A_122 = arith.constant 0 : i32
        %scan3A_123 = arith.constant 8 : i32
        %scan3A_124 = arith.addi %scan3A_122, %scan3A_123 : i32
        %scan3A_125 = arith.constant 1 : i32
        scf.for %scan3A_140 = %scan3A_122 to %scan3A_124 step %scan3A_125  : i32 {
          %mul3A_141 = arith.constant 1 : i32
          %mul3A_142 = arith.muli %scan3A_140, %mul3A_141 : i32
          %add3A_143 = arith.constant 0 : i32
          %add3A_144 = arith.addi %add3A_143, %mul3A_142 : i32
          %mul3A_145 = arith.constant 16 : i32
          %mul3A_146 = arith.muli %add3A_144, %mul3A_145 : i32
          %get3A = arith.index_cast %mul3A_146 : i32 to index
          %get3A_147 = arith.constant 0 : index
          %get3A_148 = tpu.vector_load %arg7[%get3A, %get3A_147] {strides = array<i32>} : memref<128x128xf32, #tpu.memory_space<vmem>>, vector<1x16xf32>,
          %get3A_149 = vector.shape_cast %get3A_148 : vector<1x16xf32> to vector<16xf32>
          %mul3A_150 = arith.constant 16 : i32
          %mul3A_151 = arith.muli %add3A_144, %mul3A_150 : i32
          %get3A_152 = arith.index_cast %mul3A_151 : i32 to index
          %get3A_153 = arith.constant 16 : index
          %get3A_154 = tpu.vector_load %arg7[%get3A_152, %get3A_153] {strides = array<i32>} : memref<128x128xf32, #tpu.memory_space<vmem>>, vector<1x16xf32>,
          %get3A_155 = vector.shape_cast %get3A_154 : vector<1x16xf32> to vector<16xf32>
          %mul3A_156 = arith.constant 16 : i32
          %mul3A_157 = arith.muli %add3A_144, %mul3A_156 : i32
          %get3A_158 = arith.index_cast %mul3A_157 : i32 to index
          %get3A_159 = arith.constant 32 : index
          %get3A_160 = tpu.vector_load %arg7[%get3A_158, %get3A_159] {strides = array<i32>} : memref<128x128xf32, #tpu.memory_space<vmem>>, vector<1x16xf32>,
          %get3A_161 = vector.shape_cast %get3A_160 : vector<1x16xf32> to vector<16xf32>
          %mul3A_162 = arith.constant 16 : i32
          %mul3A_163 = arith.muli %add3A_144, %mul3A_162 : i32
          %get3A_164 = arith.index_cast %mul3A_163 : i32 to index
          %get3A_165 = arith.constant 48 : index
          %get3A_166 = tpu.vector_load %arg7[%get3A_164, %get3A_165] {strides = array<i32>} : memref<128x128xf32, #tpu.memory_space<vmem>>, vector<1x16xf32>,
          %get3A_167 = vector.shape_cast %get3A_166 : vector<1x16xf32> to vector<16xf32>
          %mul3A_168 = arith.constant 16 : i32
          %mul3A_169 = arith.muli %add3A_144, %mul3A_168 : i32
          %get3A_170 = arith.index_cast %mul3A_169 : i32 to index
          %get3A_171 = arith.constant 64 : index
          %get3A_172 = tpu.vector_load %arg7[%get3A_170, %get3A_171] {strides = array<i32>} : memref<128x128xf32, #tpu.memory_space<vmem>>, vector<1x16xf32>,
          %get3A_173 = vector.shape_cast %get3A_172 : vector<1x16xf32> to vector<16xf32>
          %mul3A_174 = arith.constant 16 : i32
          %mul3A_175 = arith.muli %add3A_144, %mul3A_174 : i32
          %get3A_176 = arith.index_cast %mul3A_175 : i32 to index
          %get3A_177 = arith.constant 80 : index
          %get3A_178 = tpu.vector_load %arg7[%get3A_176, %get3A_177] {strides = array<i32>} : memref<128x128xf32, #tpu.memory_space<vmem>>, vector<1x16xf32>,
          %get3A_179 = vector.shape_cast %get3A_178 : vector<1x16xf32> to vector<16xf32>
          %mul3A_180 = arith.constant 16 : i32
          %mul3A_181 = arith.muli %add3A_144, %mul3A_180 : i32
          %get3A_182 = arith.index_cast %mul3A_181 : i32 to index
          %get3A_183 = arith.constant 96 : index
          %get3A_184 = tpu.vector_load %arg7[%get3A_182, %get3A_183] {strides = array<i32>} : memref<128x128xf32, #tpu.memory_space<vmem>>, vector<1x16xf32>,
          %get3A_185 = vector.shape_cast %get3A_184 : vector<1x16xf32> to vector<16xf32>
          %mul3A_186 = arith.constant 16 : i32
          %mul3A_187 = arith.muli %add3A_144, %mul3A_186 : i32
          %get3A_188 = arith.index_cast %mul3A_187 : i32 to index
          %get3A_189 = arith.constant 112 : index
          %get3A_190 = tpu.vector_load %arg7[%get3A_188, %get3A_189] {strides = array<i32>} : memref<128x128xf32, #tpu.memory_space<vmem>>, vector<1x16xf32>,
          %get3A_191 = vector.shape_cast %get3A_190 : vector<1x16xf32> to vector<16xf32>
          %mul3A_192 = arith.constant 16 : i32
          %mul3A_193 = arith.muli %add3A_144, %mul3A_192 : i32
          %add3A_194 = arith.constant 1 : i32
          %add3A_195 = arith.addi %mul3A_193, %add3A_194 : i32
          %get3A_196 = arith.index_cast %add3A_195 : i32 to index
          %get3A_197 = arith.constant 0 : index
          %get3A_198 = tpu.vector_load %arg7[%get3A_196, %get3A_197] {strides = array<i32>} : memref<128x128xf32, #tpu.memory_space<vmem>>, vector<1x16xf32>,
          %get3A_199 = vector.shape_cast %get3A_198 : vector<1x16xf32> to vector<16xf32>
          %add3A_200 = arith.addf %get3A_149, %get3A_199 : vector<16xf32>
          %mul3A_201 = arith.constant 16 : i32
          %mul3A_202 = arith.muli %add3A_144, %mul3A_201 : i32
          %add3A_203 = arith.constant 1 : i32
          %add3A_204 = arith.addi %mul3A_202, %add3A_203 : i32
          %get3A_205 = arith.index_cast %add3A_204 : i32 to index
          %get3A_206 = arith.constant 16 : index
          %get3A_207 = tpu.vector_load %arg7[%get3A_205, %get3A_206] {strides = array<i32>} : memref<128x128xf32, #tpu.memory_space<vmem>>, vector<1x16xf32>,
          %get3A_208 = vector.shape_cast %get3A_207 : vector<1x16xf32> to vector<16xf32>
          %add3A_209 = arith.addf %get3A_155, %get3A_208 : vector<16xf32>
          %mul3A_210 = arith.constant 16 : i32
          %mul3A_211 = arith.muli %add3A_144, %mul3A_210 : i32
          %add3A_212 = arith.constant 1 : i32
          %add3A_213 = arith.addi %mul3A_211, %add3A_212 : i32
          %get3A_214 = arith.index_cast %add3A_213 : i32 to index
          %get3A_215 = arith.constant 32 : index
          %get3A_216 = tpu.vector_load %arg7[%get3A_214, %get3A_215] {strides = array<i32>} : memref<128x128xf32, #tpu.memory_space<vmem>>, vector<1x16xf32>,
          %get3A_217 = vector.shape_cast %get3A_216 : vector<1x16xf32> to vector<16xf32>
          %add3A_218 = arith.addf %get3A_161, %get3A_217 : vector<16xf32>
          %mul3A_219 = arith.constant 16 : i32
          %mul3A_220 = arith.muli %add3A_144, %mul3A_219 : i32
          %add3A_221 = arith.constant 1 : i32
          %add3A_222 = arith.addi %mul3A_220, %add3A_221 : i32
          %get3A_223 = arith.index_cast %add3A_222 : i32 to index
          %get3A_224 = arith.constant 48 : index
          %get3A_225 = tpu.vector_load %arg7[%get3A_223, %get3A_224] {strides = array<i32>} : memref<128x128xf32, #tpu.memory_space<vmem>>, vector<1x16xf32>,
          %get3A_226 = vector.shape_cast %get3A_225 : vector<1x16xf32> to vector<16xf32>
          %add3A_227 = arith.addf %get3A_167, %get3A_226 : vector<16xf32>
          %mul3A_228 = arith.constant 16 : i32
          %mul3A_229 = arith.muli %add3A_144, %mul3A_228 : i32
          %add3A_230 = arith.constant 1 : i32
          %add3A_231 = arith.addi %mul3A_229, %add3A_230 : i32
          %get3A_232 = arith.index_cast %add3A_231 : i32 to index
          %get3A_233 = arith.constant 64 : index
          %get3A_234 = tpu.vector_load %arg7[%get3A_232, %get3A_233] {strides = array<i32>} : memref<128x128xf32, #tpu.memory_space<vmem>>, vector<1x16xf32>,
          %get3A_235 = vector.shape_cast %get3A_234 : vector<1x16xf32> to vector<16xf32>
          %add3A_236 = arith.addf %get3A_173, %get3A_235 : vector<16xf32>
          %mul3A_237 = arith.constant 16 : i32
          %mul3A_238 = arith.muli %add3A_144, %mul3A_237 : i32
          %add3A_239 = arith.constant 1 : i32
          %add3A_240 = arith.addi %mul3A_238, %add3A_239 : i32
          %get3A_241 = arith.index_cast %add3A_240 : i32 to index
          %get3A_242 = arith.constant 80 : index
          %get3A_243 = tpu.vector_load %arg7[%get3A_241, %get3A_242] {strides = array<i32>} : memref<128x128xf32, #tpu.memory_space<vmem>>, vector<1x16xf32>,
          %get3A_244 = vector.shape_cast %get3A_243 : vector<1x16xf32> to vector<16xf32>
          %add3A_245 = arith.addf %get3A_179, %get3A_244 : vector<16xf32>
          %mul3A_246 = arith.constant 16 : i32
          %mul3A_247 = arith.muli %add3A_144, %mul3A_246 : i32
          %add3A_248 = arith.constant 1 : i32
          %add3A_249 = arith.addi %mul3A_247, %add3A_248 : i32
          %get3A_250 = arith.index_cast %add3A_249 : i32 to index
          %get3A_251 = arith.constant 96 : index
          %get3A_252 = tpu.vector_load %arg7[%get3A_250, %get3A_251] {strides = array<i32>} : memref<128x128xf32, #tpu.memory_space<vmem>>, vector<1x16xf32>,
          %get3A_253 = vector.shape_cast %get3A_252 : vector<1x16xf32> to vector<16xf32>
          %add3A_254 = arith.addf %get3A_185, %get3A_253 : vector<16xf32>
          %mul3A_255 = arith.constant 16 : i32
          %mul3A_256 = arith.muli %add3A_144, %mul3A_255 : i32
          %add3A_257 = arith.constant 1 : i32
          %add3A_258 = arith.addi %mul3A_256, %add3A_257 : i32
          %get3A_259 = arith.index_cast %add3A_258 : i32 to index
          %get3A_260 = arith.constant 112 : index
          %get3A_261 = tpu.vector_load %arg7[%get3A_259, %get3A_260] {strides = array<i32>} : memref<128x128xf32, #tpu.memory_space<vmem>>, vector<1x16xf32>,
          %get3A_262 = vector.shape_cast %get3A_261 : vector<1x16xf32> to vector<16xf32>
          %add3A_263 = arith.addf %get3A_191, %get3A_262 : vector<16xf32>
          %mul3A_264 = arith.constant 16 : i32
          %mul3A_265 = arith.muli %add3A_144, %mul3A_264 : i32
          %add3A_266 = arith.constant 2 : i32
          %add3A_267 = arith.addi %mul3A_265, %add3A_266 : i32
          %get3A_268 = arith.index_cast %add3A_267 : i32 to index
          %get3A_269 = arith.constant 0 : index
          %get3A_270 = tpu.vector_load %arg7[%get3A_268, %get3A_269] {strides = array<i32>} : memref<128x128xf32, #tpu.memory_space<vmem>>, vector<1x16xf32>,
          %get3A_271 = vector.shape_cast %get3A_270 : vector<1x16xf32> to vector<16xf32>
          %add3A_272 = arith.addf %add3A_200, %get3A_271 : vector<16xf32>
          %mul3A_273 = arith.constant 16 : i32
          %mul3A_274 = arith.muli %add3A_144, %mul3A_273 : i32
          %add3A_275 = arith.constant 2 : i32
          %add3A_276 = arith.addi %mul3A_274, %add3A_275 : i32
          %get3A_277 = arith.index_cast %add3A_276 : i32 to index
          %get3A_278 = arith.constant 16 : index
          %get3A_279 = tpu.vector_load %arg7[%get3A_277, %get3A_278] {strides = array<i32>} : memref<128x128xf32, #tpu.memory_space<vmem>>, vector<1x16xf32>,
          %get3A_280 = vector.shape_cast %get3A_279 : vector<1x16xf32> to vector<16xf32>
          %add3A_281 = arith.addf %add3A_209, %get3A_280 : vector<16xf32>
          %mul3A_282 = arith.constant 16 : i32
          %mul3A_283 = arith.muli %add3A_144, %mul3A_282 : i32
          %add3A_284 = arith.constant 2 : i32
          %add3A_285 = arith.addi %mul3A_283, %add3A_284 : i32
          %get3A_286 = arith.index_cast %add3A_285 : i32 to index
          %get3A_287 = arith.constant 32 : index
          %get3A_288 = tpu.vector_load %arg7[%get3A_286, %get3A_287] {strides = array<i32>} : memref<128x128xf32, #tpu.memory_space<vmem>>, vector<1x16xf32>,
          %get3A_289 = vector.shape_cast %get3A_288 : vector<1x16xf32> to vector<16xf32>
          %add3A_290 = arith.addf %add3A_218, %get3A_289 : vector<16xf32>
          %mul3A_291 = arith.constant 16 : i32
          %mul3A_292 = arith.muli %add3A_144, %mul3A_291 : i32
          %add3A_293 = arith.constant 2 : i32
          %add3A_294 = arith.addi %mul3A_292, %add3A_293 : i32
          %get3A_295 = arith.index_cast %add3A_294 : i32 to index
          %get3A_296 = arith.constant 48 : index
          %get3A_297 = tpu.vector_load %arg7[%get3A_295, %get3A_296] {strides = array<i32>} : memref<128x128xf32, #tpu.memory_space<vmem>>, vector<1x16xf32>,
          %get3A_298 = vector.shape_cast %get3A_297 : vector<1x16xf32> to vector<16xf32>
          %add3A_299 = arith.addf %add3A_227, %get3A_298 : vector<16xf32>
          %mul3A_300 = arith.constant 16 : i32
          %mul3A_301 = arith.muli %add3A_144, %mul3A_300 : i32
          %add3A_302 = arith.constant 2 : i32
          %add3A_303 = arith.addi %mul3A_301, %add3A_302 : i32
          %get3A_304 = arith.index_cast %add3A_303 : i32 to index
          %get3A_305 = arith.constant 64 : index
          %get3A_306 = tpu.vector_load %arg7[%get3A_304, %get3A_305] {strides = array<i32>} : memref<128x128xf32, #tpu.memory_space<vmem>>, vector<1x16xf32>,
          %get3A_307 = vector.shape_cast %get3A_306 : vector<1x16xf32> to vector<16xf32>
          %add3A_308 = arith.addf %add3A_236, %get3A_307 : vector<16xf32>
          %mul3A_309 = arith.constant 16 : i32
          %mul3A_310 = arith.muli %add3A_144, %mul3A_309 : i32
          %add3A_311 = arith.constant 2 : i32
          %add3A_312 = arith.addi %mul3A_310, %add3A_311 : i32
          %get3A_313 = arith.index_cast %add3A_312 : i32 to index
          %get3A_314 = arith.constant 80 : index
          %get3A_315 = tpu.vector_load %arg7[%get3A_313, %get3A_314] {strides = array<i32>} : memref<128x128xf32, #tpu.memory_space<vmem>>, vector<1x16xf32>,
          %get3A_316 = vector.shape_cast %get3A_315 : vector<1x16xf32> to vector<16xf32>
          %add3A_317 = arith.addf %add3A_245, %get3A_316 : vector<16xf32>
          %mul3A_318 = arith.constant 16 : i32
          %mul3A_319 = arith.muli %add3A_144, %mul3A_318 : i32
          %add3A_320 = arith.constant 2 : i32
          %add3A_321 = arith.addi %mul3A_319, %add3A_320 : i32
          %get3A_322 = arith.index_cast %add3A_321 : i32 to index
          %get3A_323 = arith.constant 96 : index
          %get3A_324 = tpu.vector_load %arg7[%get3A_322, %get3A_323] {strides = array<i32>} : memref<128x128xf32, #tpu.memory_space<vmem>>, vector<1x16xf32>,
          %get3A_325 = vector.shape_cast %get3A_324 : vector<1x16xf32> to vector<16xf32>
          %add3A_326 = arith.addf %add3A_254, %get3A_325 : vector<16xf32>
          %mul3A_327 = arith.constant 16 : i32
          %mul3A_328 = arith.muli %add3A_144, %mul3A_327 : i32
          %add3A_329 = arith.constant 2 : i32
          %add3A_330 = arith.addi %mul3A_328, %add3A_329 : i32
          %get3A_331 = arith.index_cast %add3A_330 : i32 to index
          %get3A_332 = arith.constant 112 : index
          %get3A_333 = tpu.vector_load %arg7[%get3A_331, %get3A_332] {strides = array<i32>} : memref<128x128xf32, #tpu.memory_space<vmem>>, vector<1x16xf32>,
          %get3A_334 = vector.shape_cast %get3A_333 : vector<1x16xf32> to vector<16xf32>
          %add3A_335 = arith.addf %add3A_263, %get3A_334 : vector<16xf32>
          %mul3A_336 = arith.constant 16 : i32
          %mul3A_337 = arith.muli %add3A_144, %mul3A_336 : i32
          %add3A_338 = arith.constant 3 : i32
          %add3A_339 = arith.addi %mul3A_337, %add3A_338 : i32
          %get3A_340 = arith.index_cast %add3A_339 : i32 to index
          %get3A_341 = arith.constant 0 : index
          %get3A_342 = tpu.vector_load %arg7[%get3A_340, %get3A_341] {strides = array<i32>} : memref<128x128xf32, #tpu.memory_space<vmem>>, vector<1x16xf32>,
          %get3A_343 = vector.shape_cast %get3A_342 : vector<1x16xf32> to vector<16xf32>
          %add3A_344 = arith.addf %add3A_272, %get3A_343 : vector<16xf32>
          %mul3A_345 = arith.constant 16 : i32
          %mul3A_346 = arith.muli %add3A_144, %mul3A_345 : i32
          %add3A_347 = arith.constant 3 : i32
          %add3A_348 = arith.addi %mul3A_346, %add3A_347 : i32
          %get3A_349 = arith.index_cast %add3A_348 : i32 to index
          %get3A_350 = arith.constant 16 : index
          %get3A_351 = tpu.vector_load %arg7[%get3A_349, %get3A_350] {strides = array<i32>} : memref<128x128xf32, #tpu.memory_space<vmem>>, vector<1x16xf32>,
          %get3A_352 = vector.shape_cast %get3A_351 : vector<1x16xf32> to vector<16xf32>
          %add3A_353 = arith.addf %add3A_281, %get3A_352 : vector<16xf32>
          %mul3A_354 = arith.constant 16 : i32
          %mul3A_355 = arith.muli %add3A_144, %mul3A_354 : i32
          %add3A_356 = arith.constant 3 : i32
          %add3A_357 = arith.addi %mul3A_355, %add3A_356 : i32
          %get3A_358 = arith.index_cast %add3A_357 : i32 to index
          %get3A_359 = arith.constant 32 : index
          %get3A_360 = tpu.vector_load %arg7[%get3A_358, %get3A_359] {strides = array<i32>} : memref<128x128xf32, #tpu.memory_space<vmem>>, vector<1x16xf32>,
          %get3A_361 = vector.shape_cast %get3A_360 : vector<1x16xf32> to vector<16xf32>
          %add3A_362 = arith.addf %add3A_290, %get3A_361 : vector<16xf32>
          %mul3A_363 = arith.constant 16 : i32
          %mul3A_364 = arith.muli %add3A_144, %mul3A_363 : i32
          %add3A_365 = arith.constant 3 : i32
          %add3A_366 = arith.addi %mul3A_364, %add3A_365 : i32
          %get3A_367 = arith.index_cast %add3A_366 : i32 to index
          %get3A_368 = arith.constant 48 : index
          %get3A_369 = tpu.vector_load %arg7[%get3A_367, %get3A_368] {strides = array<i32>} : memref<128x128xf32, #tpu.memory_space<vmem>>, vector<1x16xf32>,
          %get3A_370 = vector.shape_cast %get3A_369 : vector<1x16xf32> to vector<16xf32>
          %add3A_371 = arith.addf %add3A_299, %get3A_370 : vector<16xf32>
          %mul3A_372 = arith.constant 16 : i32
          %mul3A_373 = arith.muli %add3A_144, %mul3A_372 : i32
          %add3A_374 = arith.constant 3 : i32
          %add3A_375 = arith.addi %mul3A_373, %add3A_374 : i32
          %get3A_376 = arith.index_cast %add3A_375 : i32 to index
          %get3A_377 = arith.constant 64 : index
          %get3A_378 = tpu.vector_load %arg7[%get3A_376, %get3A_377] {strides = array<i32>} : memref<128x128xf32, #tpu.memory_space<vmem>>, vector<1x16xf32>,
          %get3A_379 = vector.shape_cast %get3A_378 : vector<1x16xf32> to vector<16xf32>
          %add3A_380 = arith.addf %add3A_308, %get3A_379 : vector<16xf32>
          %mul3A_381 = arith.constant 16 : i32
          %mul3A_382 = arith.muli %add3A_144, %mul3A_381 : i32
          %add3A_383 = arith.constant 3 : i32
          %add3A_384 = arith.addi %mul3A_382, %add3A_383 : i32
          %get3A_385 = arith.index_cast %add3A_384 : i32 to index
          %get3A_386 = arith.constant 80 : index
          %get3A_387 = tpu.vector_load %arg7[%get3A_385, %get3A_386] {strides = array<i32>} : memref<128x128xf32, #tpu.memory_space<vmem>>, vector<1x16xf32>,
          %get3A_388 = vector.shape_cast %get3A_387 : vector<1x16xf32> to vector<16xf32>
          %add3A_389 = arith.addf %add3A_317, %get3A_388 : vector<16xf32>
          %mul3A_390 = arith.constant 16 : i32
          %mul3A_391 = arith.muli %add3A_144, %mul3A_390 : i32
          %add3A_392 = arith.constant 3 : i32
          %add3A_393 = arith.addi %mul3A_391, %add3A_392 : i32
          %get3A_394 = arith.index_cast %add3A_393 : i32 to index
          %get3A_395 = arith.constant 96 : index
          %get3A_396 = tpu.vector_load %arg7[%get3A_394, %get3A_395] {strides = array<i32>} : memref<128x128xf32, #tpu.memory_space<vmem>>, vector<1x16xf32>,
          %get3A_397 = vector.shape_cast %get3A_396 : vector<1x16xf32> to vector<16xf32>
          %add3A_398 = arith.addf %add3A_326, %get3A_397 : vector<16xf32>
          %mul3A_399 = arith.constant 16 : i32
          %mul3A_400 = arith.muli %add3A_144, %mul3A_399 : i32
          %add3A_401 = arith.constant 3 : i32
          %add3A_402 = arith.addi %mul3A_400, %add3A_401 : i32
          %get3A_403 = arith.index_cast %add3A_402 : i32 to index
          %get3A_404 = arith.constant 112 : index
          %get3A_405 = tpu.vector_load %arg7[%get3A_403, %get3A_404] {strides = array<i32>} : memref<128x128xf32, #tpu.memory_space<vmem>>, vector<1x16xf32>,
          %get3A_406 = vector.shape_cast %get3A_405 : vector<1x16xf32> to vector<16xf32>
          %add3A_407 = arith.addf %add3A_335, %get3A_406 : vector<16xf32>
          %mul3A_408 = arith.constant 16 : i32
          %mul3A_409 = arith.muli %add3A_144, %mul3A_408 : i32
          %add3A_410 = arith.constant 4 : i32
          %add3A_411 = arith.addi %mul3A_409, %add3A_410 : i32
          %get3A_412 = arith.index_cast %add3A_411 : i32 to index
          %get3A_413 = arith.constant 0 : index
          %get3A_414 = tpu.vector_load %arg7[%get3A_412, %get3A_413] {strides = array<i32>} : memref<128x128xf32, #tpu.memory_space<vmem>>, vector<1x16xf32>,
          %get3A_415 = vector.shape_cast %get3A_414 : vector<1x16xf32> to vector<16xf32>
          %add3A_416 = arith.addf %add3A_344, %get3A_415 : vector<16xf32>
          %mul3A_417 = arith.constant 16 : i32
          %mul3A_418 = arith.muli %add3A_144, %mul3A_417 : i32
          %add3A_419 = arith.constant 4 : i32
          %add3A_420 = arith.addi %mul3A_418, %add3A_419 : i32
          %get3A_421 = arith.index_cast %add3A_420 : i32 to index
          %get3A_422 = arith.constant 16 : index
          %get3A_423 = tpu.vector_load %arg7[%get3A_421, %get3A_422] {strides = array<i32>} : memref<128x128xf32, #tpu.memory_space<vmem>>, vector<1x16xf32>,
          %get3A_424 = vector.shape_cast %get3A_423 : vector<1x16xf32> to vector<16xf32>
          %add3A_425 = arith.addf %add3A_353, %get3A_424 : vector<16xf32>
          %mul3A_426 = arith.constant 16 : i32
          %mul3A_427 = arith.muli %add3A_144, %mul3A_426 : i32
          %add3A_428 = arith.constant 4 : i32
          %add3A_429 = arith.addi %mul3A_427, %add3A_428 : i32
          %get3A_430 = arith.index_cast %add3A_429 : i32 to index
          %get3A_431 = arith.constant 32 : index
          %get3A_432 = tpu.vector_load %arg7[%get3A_430, %get3A_431] {strides = array<i32>} : memref<128x128xf32, #tpu.memory_space<vmem>>, vector<1x16xf32>,
          %get3A_433 = vector.shape_cast %get3A_432 : vector<1x16xf32> to vector<16xf32>
          %add3A_434 = arith.addf %add3A_362, %get3A_433 : vector<16xf32>
          %mul3A_435 = arith.constant 16 : i32
          %mul3A_436 = arith.muli %add3A_144, %mul3A_435 : i32
          %add3A_437 = arith.constant 4 : i32
          %add3A_438 = arith.addi %mul3A_436, %add3A_437 : i32
          %get3A_439 = arith.index_cast %add3A_438 : i32 to index
          %get3A_440 = arith.constant 48 : index
          %get3A_441 = tpu.vector_load %arg7[%get3A_439, %get3A_440] {strides = array<i32>} : memref<128x128xf32, #tpu.memory_space<vmem>>, vector<1x16xf32>,
          %get3A_442 = vector.shape_cast %get3A_441 : vector<1x16xf32> to vector<16xf32>
          %add3A_443 = arith.addf %add3A_371, %get3A_442 : vector<16xf32>
          %mul3A_444 = arith.constant 16 : i32
          %mul3A_445 = arith.muli %add3A_144, %mul3A_444 : i32
          %add3A_446 = arith.constant 4 : i32
          %add3A_447 = arith.addi %mul3A_445, %add3A_446 : i32
          %get3A_448 = arith.index_cast %add3A_447 : i32 to index
          %get3A_449 = arith.constant 64 : index
          %get3A_450 = tpu.vector_load %arg7[%get3A_448, %get3A_449] {strides = array<i32>} : memref<128x128xf32, #tpu.memory_space<vmem>>, vector<1x16xf32>,
          %get3A_451 = vector.shape_cast %get3A_450 : vector<1x16xf32> to vector<16xf32>
          %add3A_452 = arith.addf %add3A_380, %get3A_451 : vector<16xf32>
          %mul3A_453 = arith.constant 16 : i32
          %mul3A_454 = arith.muli %add3A_144, %mul3A_453 : i32
          %add3A_455 = arith.constant 4 : i32
          %add3A_456 = arith.addi %mul3A_454, %add3A_455 : i32
          %get3A_457 = arith.index_cast %add3A_456 : i32 to index
          %get3A_458 = arith.constant 80 : index
          %get3A_459 = tpu.vector_load %arg7[%get3A_457, %get3A_458] {strides = array<i32>} : memref<128x128xf32, #tpu.memory_space<vmem>>, vector<1x16xf32>,
          %get3A_460 = vector.shape_cast %get3A_459 : vector<1x16xf32> to vector<16xf32>
          %add3A_461 = arith.addf %add3A_389, %get3A_460 : vector<16xf32>
          %mul3A_462 = arith.constant 16 : i32
          %mul3A_463 = arith.muli %add3A_144, %mul3A_462 : i32
          %add3A_464 = arith.constant 4 : i32
          %add3A_465 = arith.addi %mul3A_463, %add3A_464 : i32
          %get3A_466 = arith.index_cast %add3A_465 : i32 to index
          %get3A_467 = arith.constant 96 : index
          %get3A_468 = tpu.vector_load %arg7[%get3A_466, %get3A_467] {strides = array<i32>} : memref<128x128xf32, #tpu.memory_space<vmem>>, vector<1x16xf32>,
          %get3A_469 = vector.shape_cast %get3A_468 : vector<1x16xf32> to vector<16xf32>
          %add3A_470 = arith.addf %add3A_398, %get3A_469 : vector<16xf32>
          %mul3A_471 = arith.constant 16 : i32
          %mul3A_472 = arith.muli %add3A_144, %mul3A_471 : i32
          %add3A_473 = arith.constant 4 : i32
          %add3A_474 = arith.addi %mul3A_472, %add3A_473 : i32
          %get3A_475 = arith.index_cast %add3A_474 : i32 to index
          %get3A_476 = arith.constant 112 : index
          %get3A_477 = tpu.vector_load %arg7[%get3A_475, %get3A_476] {strides = array<i32>} : memref<128x128xf32, #tpu.memory_space<vmem>>, vector<1x16xf32>,
          %get3A_478 = vector.shape_cast %get3A_477 : vector<1x16xf32> to vector<16xf32>
          %add3A_479 = arith.addf %add3A_407, %get3A_478 : vector<16xf32>
          %mul3A_480 = arith.constant 16 : i32
          %mul3A_481 = arith.muli %add3A_144, %mul3A_480 : i32
          %add3A_482 = arith.constant 5 : i32
          %add3A_483 = arith.addi %mul3A_481, %add3A_482 : i32
          %get3A_484 = arith.index_cast %add3A_483 : i32 to index
          %get3A_485 = arith.constant 0 : index
          %get3A_486 = tpu.vector_load %arg7[%get3A_484, %get3A_485] {strides = array<i32>} : memref<128x128xf32, #tpu.memory_space<vmem>>, vector<1x16xf32>,
          %get3A_487 = vector.shape_cast %get3A_486 : vector<1x16xf32> to vector<16xf32>
          %add3A_488 = arith.addf %add3A_416, %get3A_487 : vector<16xf32>
          %mul3A_489 = arith.constant 16 : i32
          %mul3A_490 = arith.muli %add3A_144, %mul3A_489 : i32
          %add3A_491 = arith.constant 5 : i32
          %add3A_492 = arith.addi %mul3A_490, %add3A_491 : i32
          %get3A_493 = arith.index_cast %add3A_492 : i32 to index
          %get3A_494 = arith.constant 16 : index
          %get3A_495 = tpu.vector_load %arg7[%get3A_493, %get3A_494] {strides = array<i32>} : memref<128x128xf32, #tpu.memory_space<vmem>>, vector<1x16xf32>,
          %get3A_496 = vector.shape_cast %get3A_495 : vector<1x16xf32> to vector<16xf32>
          %add3A_497 = arith.addf %add3A_425, %get3A_496 : vector<16xf32>
          %mul3A_498 = arith.constant 16 : i32
          %mul3A_499 = arith.muli %add3A_144, %mul3A_498 : i32
          %add3A_500 = arith.constant 5 : i32
          %add3A_501 = arith.addi %mul3A_499, %add3A_500 : i32
          %get3A_502 = arith.index_cast %add3A_501 : i32 to index
          %get3A_503 = arith.constant 32 : index
          %get3A_504 = tpu.vector_load %arg7[%get3A_502, %get3A_503] {strides = array<i32>} : memref<128x128xf32, #tpu.memory_space<vmem>>, vector<1x16xf32>,
          %get3A_505 = vector.shape_cast %get3A_504 : vector<1x16xf32> to vector<16xf32>
          %add3A_506 = arith.addf %add3A_434, %get3A_505 : vector<16xf32>
          %mul3A_507 = arith.constant 16 : i32
          %mul3A_508 = arith.muli %add3A_144, %mul3A_507 : i32
          %add3A_509 = arith.constant 5 : i32
          %add3A_510 = arith.addi %mul3A_508, %add3A_509 : i32
          %get3A_511 = arith.index_cast %add3A_510 : i32 to index
          %get3A_512 = arith.constant 48 : index
          %get3A_513 = tpu.vector_load %arg7[%get3A_511, %get3A_512] {strides = array<i32>} : memref<128x128xf32, #tpu.memory_space<vmem>>, vector<1x16xf32>,
          %get3A_514 = vector.shape_cast %get3A_513 : vector<1x16xf32> to vector<16xf32>
          %add3A_515 = arith.addf %add3A_443, %get3A_514 : vector<16xf32>
          %mul3A_516 = arith.constant 16 : i32
          %mul3A_517 = arith.muli %add3A_144, %mul3A_516 : i32
          %add3A_518 = arith.constant 5 : i32
          %add3A_519 = arith.addi %mul3A_517, %add3A_518 : i32
          %get3A_520 = arith.index_cast %add3A_519 : i32 to index
          %get3A_521 = arith.constant 64 : index
          %get3A_522 = tpu.vector_load %arg7[%get3A_520, %get3A_521] {strides = array<i32>} : memref<128x128xf32, #tpu.memory_space<vmem>>, vector<1x16xf32>,
          %get3A_523 = vector.shape_cast %get3A_522 : vector<1x16xf32> to vector<16xf32>
          %add3A_524 = arith.addf %add3A_452, %get3A_523 : vector<16xf32>
          %mul3A_525 = arith.constant 16 : i32
          %mul3A_526 = arith.muli %add3A_144, %mul3A_525 : i32
          %add3A_527 = arith.constant 5 : i32
          %add3A_528 = arith.addi %mul3A_526, %add3A_527 : i32
          %get3A_529 = arith.index_cast %add3A_528 : i32 to index
          %get3A_530 = arith.constant 80 : index
          %get3A_531 = tpu.vector_load %arg7[%get3A_529, %get3A_530] {strides = array<i32>} : memref<128x128xf32, #tpu.memory_space<vmem>>, vector<1x16xf32>,
          %get3A_532 = vector.shape_cast %get3A_531 : vector<1x16xf32> to vector<16xf32>
          %add3A_533 = arith.addf %add3A_461, %get3A_532 : vector<16xf32>
          %mul3A_534 = arith.constant 16 : i32
          %mul3A_535 = arith.muli %add3A_144, %mul3A_534 : i32
          %add3A_536 = arith.constant 5 : i32
          %add3A_537 = arith.addi %mul3A_535, %add3A_536 : i32
          %get3A_538 = arith.index_cast %add3A_537 : i32 to index
          %get3A_539 = arith.constant 96 : index
          %get3A_540 = tpu.vector_load %arg7[%get3A_538, %get3A_539] {strides = array<i32>} : memref<128x128xf32, #tpu.memory_space<vmem>>, vector<1x16xf32>,
          %get3A_541 = vector.shape_cast %get3A_540 : vector<1x16xf32> to vector<16xf32>
          %add3A_542 = arith.addf %add3A_470, %get3A_541 : vector<16xf32>
          %mul3A_543 = arith.constant 16 : i32
          %mul3A_544 = arith.muli %add3A_144, %mul3A_543 : i32
          %add3A_545 = arith.constant 5 : i32
          %add3A_546 = arith.addi %mul3A_544, %add3A_545 : i32
          %get3A_547 = arith.index_cast %add3A_546 : i32 to index
          %get3A_548 = arith.constant 112 : index
          %get3A_549 = tpu.vector_load %arg7[%get3A_547, %get3A_548] {strides = array<i32>} : memref<128x128xf32, #tpu.memory_space<vmem>>, vector<1x16xf32>,
          %get3A_550 = vector.shape_cast %get3A_549 : vector<1x16xf32> to vector<16xf32>
          %add3A_551 = arith.addf %add3A_479, %get3A_550 : vector<16xf32>
          %mul3A_552 = arith.constant 16 : i32
          %mul3A_553 = arith.muli %add3A_144, %mul3A_552 : i32
          %add3A_554 = arith.constant 6 : i32
          %add3A_555 = arith.addi %mul3A_553, %add3A_554 : i32
          %get3A_556 = arith.index_cast %add3A_555 : i32 to index
          %get3A_557 = arith.constant 0 : index
          %get3A_558 = tpu.vector_load %arg7[%get3A_556, %get3A_557] {strides = array<i32>} : memref<128x128xf32, #tpu.memory_space<vmem>>, vector<1x16xf32>,
          %get3A_559 = vector.shape_cast %get3A_558 : vector<1x16xf32> to vector<16xf32>
          %add3A_560 = arith.addf %add3A_488, %get3A_559 : vector<16xf32>
          %mul3A_561 = arith.constant 16 : i32
          %mul3A_562 = arith.muli %add3A_144, %mul3A_561 : i32
          %add3A_563 = arith.constant 6 : i32
          %add3A_564 = arith.addi %mul3A_562, %add3A_563 : i32
          %get3A_565 = arith.index_cast %add3A_564 : i32 to index
          %get3A_566 = arith.constant 16 : index
          %get3A_567 = tpu.vector_load %arg7[%get3A_565, %get3A_566] {strides = array<i32>} : memref<128x128xf32, #tpu.memory_space<vmem>>, vector<1x16xf32>,
          %get3A_568 = vector.shape_cast %get3A_567 : vector<1x16xf32> to vector<16xf32>
          %add3A_569 = arith.addf %add3A_497, %get3A_568 : vector<16xf32>
          %mul3A_570 = arith.constant 16 : i32
          %mul3A_571 = arith.muli %add3A_144, %mul3A_570 : i32
          %add3A_572 = arith.constant 6 : i32
          %add3A_573 = arith.addi %mul3A_571, %add3A_572 : i32
          %get3A_574 = arith.index_cast %add3A_573 : i32 to index
          %get3A_575 = arith.constant 32 : index
          %get3A_576 = tpu.vector_load %arg7[%get3A_574, %get3A_575] {strides = array<i32>} : memref<128x128xf32, #tpu.memory_space<vmem>>, vector<1x16xf32>,
          %get3A_577 = vector.shape_cast %get3A_576 : vector<1x16xf32> to vector<16xf32>
          %add3A_578 = arith.addf %add3A_506, %get3A_577 : vector<16xf32>
          %mul3A_579 = arith.constant 16 : i32
          %mul3A_580 = arith.muli %add3A_144, %mul3A_579 : i32
          %add3A_581 = arith.constant 6 : i32
          %add3A_582 = arith.addi %mul3A_580, %add3A_581 : i32
          %get3A_583 = arith.index_cast %add3A_582 : i32 to index
          %get3A_584 = arith.constant 48 : index
          %get3A_585 = tpu.vector_load %arg7[%get3A_583, %get3A_584] {strides = array<i32>} : memref<128x128xf32, #tpu.memory_space<vmem>>, vector<1x16xf32>,
          %get3A_586 = vector.shape_cast %get3A_585 : vector<1x16xf32> to vector<16xf32>
          %add3A_587 = arith.addf %add3A_515, %get3A_586 : vector<16xf32>
          %mul3A_588 = arith.constant 16 : i32
          %mul3A_589 = arith.muli %add3A_144, %mul3A_588 : i32
          %add3A_590 = arith.constant 6 : i32
          %add3A_591 = arith.addi %mul3A_589, %add3A_590 : i32
          %get3A_592 = arith.index_cast %add3A_591 : i32 to index
          %get3A_593 = arith.constant 64 : index
          %get3A_594 = tpu.vector_load %arg7[%get3A_592, %get3A_593] {strides = array<i32>} : memref<128x128xf32, #tpu.memory_space<vmem>>, vector<1x16xf32>,
          %get3A_595 = vector.shape_cast %get3A_594 : vector<1x16xf32> to vector<16xf32>
          %add3A_596 = arith.addf %add3A_524, %get3A_595 : vector<16xf32>
          %mul3A_597 = arith.constant 16 : i32
          %mul3A_598 = arith.muli %add3A_144, %mul3A_597 : i32
          %add3A_599 = arith.constant 6 : i32
          %add3A_600 = arith.addi %mul3A_598, %add3A_599 : i32
          %get3A_601 = arith.index_cast %add3A_600 : i32 to index
          %get3A_602 = arith.constant 80 : index
          %get3A_603 = tpu.vector_load %arg7[%get3A_601, %get3A_602] {strides = array<i32>} : memref<128x128xf32, #tpu.memory_space<vmem>>, vector<1x16xf32>,
          %get3A_604 = vector.shape_cast %get3A_603 : vector<1x16xf32> to vector<16xf32>
          %add3A_605 = arith.addf %add3A_533, %get3A_604 : vector<16xf32>
          %mul3A_606 = arith.constant 16 : i32
          %mul3A_607 = arith.muli %add3A_144, %mul3A_606 : i32
          %add3A_608 = arith.constant 6 : i32
          %add3A_609 = arith.addi %mul3A_607, %add3A_608 : i32
          %get3A_610 = arith.index_cast %add3A_609 : i32 to index
          %get3A_611 = arith.constant 96 : index
          %get3A_612 = tpu.vector_load %arg7[%get3A_610, %get3A_611] {strides = array<i32>} : memref<128x128xf32, #tpu.memory_space<vmem>>, vector<1x16xf32>,
          %get3A_613 = vector.shape_cast %get3A_612 : vector<1x16xf32> to vector<16xf32>
          %add3A_614 = arith.addf %add3A_542, %get3A_613 : vector<16xf32>
          %mul3A_615 = arith.constant 16 : i32
          %mul3A_616 = arith.muli %add3A_144, %mul3A_615 : i32
          %add3A_617 = arith.constant 6 : i32
          %add3A_618 = arith.addi %mul3A_616, %add3A_617 : i32
          %get3A_619 = arith.index_cast %add3A_618 : i32 to index
          %get3A_620 = arith.constant 112 : index
          %get3A_621 = tpu.vector_load %arg7[%get3A_619, %get3A_620] {strides = array<i32>} : memref<128x128xf32, #tpu.memory_space<vmem>>, vector<1x16xf32>,
          %get3A_622 = vector.shape_cast %get3A_621 : vector<1x16xf32> to vector<16xf32>
          %add3A_623 = arith.addf %add3A_551, %get3A_622 : vector<16xf32>
          %mul3A_624 = arith.constant 16 : i32
          %mul3A_625 = arith.muli %add3A_144, %mul3A_624 : i32
          %add3A_626 = arith.constant 7 : i32
          %add3A_627 = arith.addi %mul3A_625, %add3A_626 : i32
          %get3A_628 = arith.index_cast %add3A_627 : i32 to index
          %get3A_629 = arith.constant 0 : index
          %get3A_630 = tpu.vector_load %arg7[%get3A_628, %get3A_629] {strides = array<i32>} : memref<128x128xf32, #tpu.memory_space<vmem>>, vector<1x16xf32>,
          %get3A_631 = vector.shape_cast %get3A_630 : vector<1x16xf32> to vector<16xf32>
          %add3A_632 = arith.addf %add3A_560, %get3A_631 : vector<16xf32>
          %mul3A_633 = arith.constant 16 : i32
          %mul3A_634 = arith.muli %add3A_144, %mul3A_633 : i32
          %add3A_635 = arith.constant 7 : i32
          %add3A_636 = arith.addi %mul3A_634, %add3A_635 : i32
          %get3A_637 = arith.index_cast %add3A_636 : i32 to index
          %get3A_638 = arith.constant 16 : index
          %get3A_639 = tpu.vector_load %arg7[%get3A_637, %get3A_638] {strides = array<i32>} : memref<128x128xf32, #tpu.memory_space<vmem>>, vector<1x16xf32>,
          %get3A_640 = vector.shape_cast %get3A_639 : vector<1x16xf32> to vector<16xf32>
          %add3A_641 = arith.addf %add3A_569, %get3A_640 : vector<16xf32>
          %mul3A_642 = arith.constant 16 : i32
          %mul3A_643 = arith.muli %add3A_144, %mul3A_642 : i32
          %add3A_644 = arith.constant 7 : i32
          %add3A_645 = arith.addi %mul3A_643, %add3A_644 : i32
          %get3A_646 = arith.index_cast %add3A_645 : i32 to index
          %get3A_647 = arith.constant 32 : index
          %get3A_648 = tpu.vector_load %arg7[%get3A_646, %get3A_647] {strides = array<i32>} : memref<128x128xf32, #tpu.memory_space<vmem>>, vector<1x16xf32>,
          %get3A_649 = vector.shape_cast %get3A_648 : vector<1x16xf32> to vector<16xf32>
          %add3A_650 = arith.addf %add3A_578, %get3A_649 : vector<16xf32>
          %mul3A_651 = arith.constant 16 : i32
          %mul3A_652 = arith.muli %add3A_144, %mul3A_651 : i32
          %add3A_653 = arith.constant 7 : i32
          %add3A_654 = arith.addi %mul3A_652, %add3A_653 : i32
          %get3A_655 = arith.index_cast %add3A_654 : i32 to index
          %get3A_656 = arith.constant 48 : index
          %get3A_657 = tpu.vector_load %arg7[%get3A_655, %get3A_656] {strides = array<i32>} : memref<128x128xf32, #tpu.memory_space<vmem>>, vector<1x16xf32>,
          %get3A_658 = vector.shape_cast %get3A_657 : vector<1x16xf32> to vector<16xf32>
          %add3A_659 = arith.addf %add3A_587, %get3A_658 : vector<16xf32>
          %mul3A_660 = arith.constant 16 : i32
          %mul3A_661 = arith.muli %add3A_144, %mul3A_660 : i32
          %add3A_662 = arith.constant 7 : i32
          %add3A_663 = arith.addi %mul3A_661, %add3A_662 : i32
          %get3A_664 = arith.index_cast %add3A_663 : i32 to index
          %get3A_665 = arith.constant 64 : index
          %get3A_666 = tpu.vector_load %arg7[%get3A_664, %get3A_665] {strides = array<i32>} : memref<128x128xf32, #tpu.memory_space<vmem>>, vector<1x16xf32>,
          %get3A_667 = vector.shape_cast %get3A_666 : vector<1x16xf32> to vector<16xf32>
          %add3A_668 = arith.addf %add3A_596, %get3A_667 : vector<16xf32>
          %mul3A_669 = arith.constant 16 : i32
          %mul3A_670 = arith.muli %add3A_144, %mul3A_669 : i32
          %add3A_671 = arith.constant 7 : i32
          %add3A_672 = arith.addi %mul3A_670, %add3A_671 : i32
          %get3A_673 = arith.index_cast %add3A_672 : i32 to index
          %get3A_674 = arith.constant 80 : index
          %get3A_675 = tpu.vector_load %arg7[%get3A_673, %get3A_674] {strides = array<i32>} : memref<128x128xf32, #tpu.memory_space<vmem>>, vector<1x16xf32>,
          %get3A_676 = vector.shape_cast %get3A_675 : vector<1x16xf32> to vector<16xf32>
          %add3A_677 = arith.addf %add3A_605, %get3A_676 : vector<16xf32>
          %mul3A_678 = arith.constant 16 : i32
          %mul3A_679 = arith.muli %add3A_144, %mul3A_678 : i32
          %add3A_680 = arith.constant 7 : i32
          %add3A_681 = arith.addi %mul3A_679, %add3A_680 : i32
          %get3A_682 = arith.index_cast %add3A_681 : i32 to index
          %get3A_683 = arith.constant 96 : index
          %get3A_684 = tpu.vector_load %arg7[%get3A_682, %get3A_683] {strides = array<i32>} : memref<128x128xf32, #tpu.memory_space<vmem>>, vector<1x16xf32>,
          %get3A_685 = vector.shape_cast %get3A_684 : vector<1x16xf32> to vector<16xf32>
          %add3A_686 = arith.addf %add3A_614, %get3A_685 : vector<16xf32>
          %mul3A_687 = arith.constant 16 : i32
          %mul3A_688 = arith.muli %add3A_144, %mul3A_687 : i32
          %add3A_689 = arith.constant 7 : i32
          %add3A_690 = arith.addi %mul3A_688, %add3A_689 : i32
          %get3A_691 = arith.index_cast %add3A_690 : i32 to index
          %get3A_692 = arith.constant 112 : index
          %get3A_693 = tpu.vector_load %arg7[%get3A_691, %get3A_692] {strides = array<i32>} : memref<128x128xf32, #tpu.memory_space<vmem>>, vector<1x16xf32>,
          %get3A_694 = vector.shape_cast %get3A_693 : vector<1x16xf32> to vector<16xf32>
          %add3A_695 = arith.addf %add3A_623, %get3A_694 : vector<16xf32>
          %mul3A_696 = arith.constant 16 : i32
          %mul3A_697 = arith.muli %add3A_144, %mul3A_696 : i32
          %add3A_698 = arith.constant 8 : i32
          %add3A_699 = arith.addi %mul3A_697, %add3A_698 : i32
          %get3A_700 = arith.index_cast %add3A_699 : i32 to index
          %get3A_701 = arith.constant 0 : index
          %get3A_702 = tpu.vector_load %arg7[%get3A_700, %get3A_701] {strides = array<i32>} : memref<128x128xf32, #tpu.memory_space<vmem>>, vector<1x16xf32>,
          %get3A_703 = vector.shape_cast %get3A_702 : vector<1x16xf32> to vector<16xf32>
          %add3A_704 = arith.addf %add3A_632, %get3A_703 : vector<16xf32>
          %mul3A_705 = arith.constant 16 : i32
          %mul3A_706 = arith.muli %add3A_144, %mul3A_705 : i32
          %add3A_707 = arith.constant 8 : i32
          %add3A_708 = arith.addi %mul3A_706, %add3A_707 : i32
          %get3A_709 = arith.index_cast %add3A_708 : i32 to index
          %get3A_710 = arith.constant 16 : index
          %get3A_711 = tpu.vector_load %arg7[%get3A_709, %get3A_710] {strides = array<i32>} : memref<128x128xf32, #tpu.memory_space<vmem>>, vector<1x16xf32>,
          %get3A_712 = vector.shape_cast %get3A_711 : vector<1x16xf32> to vector<16xf32>
          %add3A_713 = arith.addf %add3A_641, %get3A_712 : vector<16xf32>
          %mul3A_714 = arith.constant 16 : i32
          %mul3A_715 = arith.muli %add3A_144, %mul3A_714 : i32
          %add3A_716 = arith.constant 8 : i32
          %add3A_717 = arith.addi %mul3A_715, %add3A_716 : i32
          %get3A_718 = arith.index_cast %add3A_717 : i32 to index
          %get3A_719 = arith.constant 32 : index
          %get3A_720 = tpu.vector_load %arg7[%get3A_718, %get3A_719] {strides = array<i32>} : memref<128x128xf32, #tpu.memory_space<vmem>>, vector<1x16xf32>,
          %get3A_721 = vector.shape_cast %get3A_720 : vector<1x16xf32> to vector<16xf32>
          %add3A_722 = arith.addf %add3A_650, %get3A_721 : vector<16xf32>
          %mul3A_723 = arith.constant 16 : i32
          %mul3A_724 = arith.muli %add3A_144, %mul3A_723 : i32
          %add3A_725 = arith.constant 8 : i32
          %add3A_726 = arith.addi %mul3A_724, %add3A_725 : i32
          %get3A_727 = arith.index_cast %add3A_726 : i32 to index
          %get3A_728 = arith.constant 48 : index
          %get3A_729 = tpu.vector_load %arg7[%get3A_727, %get3A_728] {strides = array<i32>} : memref<128x128xf32, #tpu.memory_space<vmem>>, vector<1x16xf32>,
          %get3A_730 = vector.shape_cast %get3A_729 : vector<1x16xf32> to vector<16xf32>
          %add3A_731 = arith.addf %add3A_659, %get3A_730 : vector<16xf32>
          %mul3A_732 = arith.constant 16 : i32
          %mul3A_733 = arith.muli %add3A_144, %mul3A_732 : i32
          %add3A_734 = arith.constant 8 : i32
          %add3A_735 = arith.addi %mul3A_733, %add3A_734 : i32
          %get3A_736 = arith.index_cast %add3A_735 : i32 to index
          %get3A_737 = arith.constant 64 : index
          %get3A_738 = tpu.vector_load %arg7[%get3A_736, %get3A_737] {strides = array<i32>} : memref<128x128xf32, #tpu.memory_space<vmem>>, vector<1x16xf32>,
          %get3A_739 = vector.shape_cast %get3A_738 : vector<1x16xf32> to vector<16xf32>
          %add3A_740 = arith.addf %add3A_668, %get3A_739 : vector<16xf32>
          %mul3A_741 = arith.constant 16 : i32
          %mul3A_742 = arith.muli %add3A_144, %mul3A_741 : i32
          %add3A_743 = arith.constant 8 : i32
          %add3A_744 = arith.addi %mul3A_742, %add3A_743 : i32
          %get3A_745 = arith.index_cast %add3A_744 : i32 to index
          %get3A_746 = arith.constant 80 : index
          %get3A_747 = tpu.vector_load %arg7[%get3A_745, %get3A_746] {strides = array<i32>} : memref<128x128xf32, #tpu.memory_space<vmem>>, vector<1x16xf32>,
          %get3A_748 = vector.shape_cast %get3A_747 : vector<1x16xf32> to vector<16xf32>
          %add3A_749 = arith.addf %add3A_677, %get3A_748 : vector<16xf32>
          %mul3A_750 = arith.constant 16 : i32
          %mul3A_751 = arith.muli %add3A_144, %mul3A_750 : i32
          %add3A_752 = arith.constant 8 : i32
          %add3A_753 = arith.addi %mul3A_751, %add3A_752 : i32
          %get3A_754 = arith.index_cast %add3A_753 : i32 to index
          %get3A_755 = arith.constant 96 : index
          %get3A_756 = tpu.vector_load %arg7[%get3A_754, %get3A_755] {strides = array<i32>} : memref<128x128xf32, #tpu.memory_space<vmem>>, vector<1x16xf32>,
          %get3A_757 = vector.shape_cast %get3A_756 : vector<1x16xf32> to vector<16xf32>
          %add3A_758 = arith.addf %add3A_686, %get3A_757 : vector<16xf32>
          %mul3A_759 = arith.constant 16 : i32
          %mul3A_760 = arith.muli %add3A_144, %mul3A_759 : i32
          %add3A_761 = arith.constant 8 : i32
          %add3A_762 = arith.addi %mul3A_760, %add3A_761 : i32
          %get3A_763 = arith.index_cast %add3A_762 : i32 to index
          %get3A_764 = arith.constant 112 : index
          %get3A_765 = tpu.vector_load %arg7[%get3A_763, %get3A_764] {strides = array<i32>} : memref<128x128xf32, #tpu.memory_space<vmem>>, vector<1x16xf32>,
          %get3A_766 = vector.shape_cast %get3A_765 : vector<1x16xf32> to vector<16xf32>
          %add3A_767 = arith.addf %add3A_695, %get3A_766 : vector<16xf32>
          %mul3A_768 = arith.constant 16 : i32
          %mul3A_769 = arith.muli %add3A_144, %mul3A_768 : i32
          %add3A_770 = arith.constant 9 : i32
          %add3A_771 = arith.addi %mul3A_769, %add3A_770 : i32
          %get3A_772 = arith.index_cast %add3A_771 : i32 to index
          %get3A_773 = arith.constant 0 : index
          %get3A_774 = tpu.vector_load %arg7[%get3A_772, %get3A_773] {strides = array<i32>} : memref<128x128xf32, #tpu.memory_space<vmem>>, vector<1x16xf32>,
          %get3A_775 = vector.shape_cast %get3A_774 : vector<1x16xf32> to vector<16xf32>
          %add3A_776 = arith.addf %add3A_704, %get3A_775 : vector<16xf32>
          %mul3A_777 = arith.constant 16 : i32
          %mul3A_778 = arith.muli %add3A_144, %mul3A_777 : i32
          %add3A_779 = arith.constant 9 : i32
          %add3A_780 = arith.addi %mul3A_778, %add3A_779 : i32
          %get3A_781 = arith.index_cast %add3A_780 : i32 to index
          %get3A_782 = arith.constant 16 : index
          %get3A_783 = tpu.vector_load %arg7[%get3A_781, %get3A_782] {strides = array<i32>} : memref<128x128xf32, #tpu.memory_space<vmem>>, vector<1x16xf32>,
          %get3A_784 = vector.shape_cast %get3A_783 : vector<1x16xf32> to vector<16xf32>
          %add3A_785 = arith.addf %add3A_713, %get3A_784 : vector<16xf32>
          %mul3A_786 = arith.constant 16 : i32
          %mul3A_787 = arith.muli %add3A_144, %mul3A_786 : i32
          %add3A_788 = arith.constant 9 : i32
          %add3A_789 = arith.addi %mul3A_787, %add3A_788 : i32
          %get3A_790 = arith.index_cast %add3A_789 : i32 to index
          %get3A_791 = arith.constant 32 : index
          %get3A_792 = tpu.vector_load %arg7[%get3A_790, %get3A_791] {strides = array<i32>} : memref<128x128xf32, #tpu.memory_space<vmem>>, vector<1x16xf32>,
          %get3A_793 = vector.shape_cast %get3A_792 : vector<1x16xf32> to vector<16xf32>
          %add3A_794 = arith.addf %add3A_722, %get3A_793 : vector<16xf32>
          %mul3A_795 = arith.constant 16 : i32
          %mul3A_796 = arith.muli %add3A_144, %mul3A_795 : i32
          %add3A_797 = arith.constant 9 : i32
          %add3A_798 = arith.addi %mul3A_796, %add3A_797 : i32
          %get3A_799 = arith.index_cast %add3A_798 : i32 to index
          %get3A_800 = arith.constant 48 : index
          %get3A_801 = tpu.vector_load %arg7[%get3A_799, %get3A_800] {strides = array<i32>} : memref<128x128xf32, #tpu.memory_space<vmem>>, vector<1x16xf32>,
          %get3A_802 = vector.shape_cast %get3A_801 : vector<1x16xf32> to vector<16xf32>
          %add3A_803 = arith.addf %add3A_731, %get3A_802 : vector<16xf32>
          %mul3A_804 = arith.constant 16 : i32
          %mul3A_805 = arith.muli %add3A_144, %mul3A_804 : i32
          %add3A_806 = arith.constant 9 : i32
          %add3A_807 = arith.addi %mul3A_805, %add3A_806 : i32
          %get3A_808 = arith.index_cast %add3A_807 : i32 to index
          %get3A_809 = arith.constant 64 : index
          %get3A_810 = tpu.vector_load %arg7[%get3A_808, %get3A_809] {strides = array<i32>} : memref<128x128xf32, #tpu.memory_space<vmem>>, vector<1x16xf32>,
          %get3A_811 = vector.shape_cast %get3A_810 : vector<1x16xf32> to vector<16xf32>
          %add3A_812 = arith.addf %add3A_740, %get3A_811 : vector<16xf32>
          %mul3A_813 = arith.constant 16 : i32
          %mul3A_814 = arith.muli %add3A_144, %mul3A_813 : i32
          %add3A_815 = arith.constant 9 : i32
          %add3A_816 = arith.addi %mul3A_814, %add3A_815 : i32
          %get3A_817 = arith.index_cast %add3A_816 : i32 to index
          %get3A_818 = arith.constant 80 : index
          %get3A_819 = tpu.vector_load %arg7[%get3A_817, %get3A_818] {strides = array<i32>} : memref<128x128xf32, #tpu.memory_space<vmem>>, vector<1x16xf32>,
          %get3A_820 = vector.shape_cast %get3A_819 : vector<1x16xf32> to vector<16xf32>
          %add3A_821 = arith.addf %add3A_749, %get3A_820 : vector<16xf32>
          %mul3A_822 = arith.constant 16 : i32
          %mul3A_823 = arith.muli %add3A_144, %mul3A_822 : i32
          %add3A_824 = arith.constant 9 : i32
          %add3A_825 = arith.addi %mul3A_823, %add3A_824 : i32
          %get3A_826 = arith.index_cast %add3A_825 : i32 to index
          %get3A_827 = arith.constant 96 : index
          %get3A_828 = tpu.vector_load %arg7[%get3A_826, %get3A_827] {strides = array<i32>} : memref<128x128xf32, #tpu.memory_space<vmem>>, vector<1x16xf32>,
          %get3A_829 = vector.shape_cast %get3A_828 : vector<1x16xf32> to vector<16xf32>
          %add3A_830 = arith.addf %add3A_758, %get3A_829 : vector<16xf32>
          %mul3A_831 = arith.constant 16 : i32
          %mul3A_832 = arith.muli %add3A_144, %mul3A_831 : i32
          %add3A_833 = arith.constant 9 : i32
          %add3A_834 = arith.addi %mul3A_832, %add3A_833 : i32
          %get3A_835 = arith.index_cast %add3A_834 : i32 to index
          %get3A_836 = arith.constant 112 : index
          %get3A_837 = tpu.vector_load %arg7[%get3A_835, %get3A_836] {strides = array<i32>} : memref<128x128xf32, #tpu.memory_space<vmem>>, vector<1x16xf32>,
          %get3A_838 = vector.shape_cast %get3A_837 : vector<1x16xf32> to vector<16xf32>
          %add3A_839 = arith.addf %add3A_767, %get3A_838 : vector<16xf32>
          %mul3A_840 = arith.constant 16 : i32
          %mul3A_841 = arith.muli %add3A_144, %mul3A_840 : i32
          %add3A_842 = arith.constant 10 : i32
          %add3A_843 = arith.addi %mul3A_841, %add3A_842 : i32
          %get3A_844 = arith.index_cast %add3A_843 : i32 to index
          %get3A_845 = arith.constant 0 : index
          %get3A_846 = tpu.vector_load %arg7[%get3A_844, %get3A_845] {strides = array<i32>} : memref<128x128xf32, #tpu.memory_space<vmem>>, vector<1x16xf32>,
          %get3A_847 = vector.shape_cast %get3A_846 : vector<1x16xf32> to vector<16xf32>
          %add3A_848 = arith.addf %add3A_776, %get3A_847 : vector<16xf32>
          %mul3A_849 = arith.constant 16 : i32
          %mul3A_850 = arith.muli %add3A_144, %mul3A_849 : i32
          %add3A_851 = arith.constant 10 : i32
          %add3A_852 = arith.addi %mul3A_850, %add3A_851 : i32
          %get3A_853 = arith.index_cast %add3A_852 : i32 to index
          %get3A_854 = arith.constant 16 : index
          %get3A_855 = tpu.vector_load %arg7[%get3A_853, %get3A_854] {strides = array<i32>} : memref<128x128xf32, #tpu.memory_space<vmem>>, vector<1x16xf32>,
          %get3A_856 = vector.shape_cast %get3A_855 : vector<1x16xf32> to vector<16xf32>
          %add3A_857 = arith.addf %add3A_785, %get3A_856 : vector<16xf32>
          %mul3A_858 = arith.constant 16 : i32
          %mul3A_859 = arith.muli %add3A_144, %mul3A_858 : i32
          %add3A_860 = arith.constant 10 : i32
          %add3A_861 = arith.addi %mul3A_859, %add3A_860 : i32
          %get3A_862 = arith.index_cast %add3A_861 : i32 to index
          %get3A_863 = arith.constant 32 : index
          %get3A_864 = tpu.vector_load %arg7[%get3A_862, %get3A_863] {strides = array<i32>} : memref<128x128xf32, #tpu.memory_space<vmem>>, vector<1x16xf32>,
          %get3A_865 = vector.shape_cast %get3A_864 : vector<1x16xf32> to vector<16xf32>
          %add3A_866 = arith.addf %add3A_794, %get3A_865 : vector<16xf32>
          %mul3A_867 = arith.constant 16 : i32
          %mul3A_868 = arith.muli %add3A_144, %mul3A_867 : i32
          %add3A_869 = arith.constant 10 : i32
          %add3A_870 = arith.addi %mul3A_868, %add3A_869 : i32
          %get3A_871 = arith.index_cast %add3A_870 : i32 to index
          %get3A_872 = arith.constant 48 : index
          %get3A_873 = tpu.vector_load %arg7[%get3A_871, %get3A_872] {strides = array<i32>} : memref<128x128xf32, #tpu.memory_space<vmem>>, vector<1x16xf32>,
          %get3A_874 = vector.shape_cast %get3A_873 : vector<1x16xf32> to vector<16xf32>
          %add3A_875 = arith.addf %add3A_803, %get3A_874 : vector<16xf32>
          %mul3A_876 = arith.constant 16 : i32
          %mul3A_877 = arith.muli %add3A_144, %mul3A_876 : i32
          %add3A_878 = arith.constant 10 : i32
          %add3A_879 = arith.addi %mul3A_877, %add3A_878 : i32
          %get3A_880 = arith.index_cast %add3A_879 : i32 to index
          %get3A_881 = arith.constant 64 : index
          %get3A_882 = tpu.vector_load %arg7[%get3A_880, %get3A_881] {strides = array<i32>} : memref<128x128xf32, #tpu.memory_space<vmem>>, vector<1x16xf32>,
          %get3A_883 = vector.shape_cast %get3A_882 : vector<1x16xf32> to vector<16xf32>
          %add3A_884 = arith.addf %add3A_812, %get3A_883 : vector<16xf32>
          %mul3A_885 = arith.constant 16 : i32
          %mul3A_886 = arith.muli %add3A_144, %mul3A_885 : i32
          %add3A_887 = arith.constant 10 : i32
          %add3A_888 = arith.addi %mul3A_886, %add3A_887 : i32
          %get3A_889 = arith.index_cast %add3A_888 : i32 to index
          %get3A_890 = arith.constant 80 : index
          %get3A_891 = tpu.vector_load %arg7[%get3A_889, %get3A_890] {strides = array<i32>} : memref<128x128xf32, #tpu.memory_space<vmem>>, vector<1x16xf32>,
          %get3A_892 = vector.shape_cast %get3A_891 : vector<1x16xf32> to vector<16xf32>
          %add3A_893 = arith.addf %add3A_821, %get3A_892 : vector<16xf32>
          %mul3A_894 = arith.constant 16 : i32
          %mul3A_895 = arith.muli %add3A_144, %mul3A_894 : i32
          %add3A_896 = arith.constant 10 : i32
          %add3A_897 = arith.addi %mul3A_895, %add3A_896 : i32
          %get3A_898 = arith.index_cast %add3A_897 : i32 to index
          %get3A_899 = arith.constant 96 : index
          %get3A_900 = tpu.vector_load %arg7[%get3A_898, %get3A_899] {strides = array<i32>} : memref<128x128xf32, #tpu.memory_space<vmem>>, vector<1x16xf32>,
          %get3A_901 = vector.shape_cast %get3A_900 : vector<1x16xf32> to vector<16xf32>
          %add3A_902 = arith.addf %add3A_830, %get3A_901 : vector<16xf32>
          %mul3A_903 = arith.constant 16 : i32
          %mul3A_904 = arith.muli %add3A_144, %mul3A_903 : i32
          %add3A_905 = arith.constant 10 : i32
          %add3A_906 = arith.addi %mul3A_904, %add3A_905 : i32
          %get3A_907 = arith.index_cast %add3A_906 : i32 to index
          %get3A_908 = arith.constant 112 : index
          %get3A_909 = tpu.vector_load %arg7[%get3A_907, %get3A_908] {strides = array<i32>} : memref<128x128xf32, #tpu.memory_space<vmem>>, vector<1x16xf32>,
          %get3A_910 = vector.shape_cast %get3A_909 : vector<1x16xf32> to vector<16xf32>
          %add3A_911 = arith.addf %add3A_839, %get3A_910 : vector<16xf32>
          %mul3A_912 = arith.constant 16 : i32
          %mul3A_913 = arith.muli %add3A_144, %mul3A_912 : i32
          %add3A_914 = arith.constant 11 : i32
          %add3A_915 = arith.addi %mul3A_913, %add3A_914 : i32
          %get3A_916 = arith.index_cast %add3A_915 : i32 to index
          %get3A_917 = arith.constant 0 : index
          %get3A_918 = tpu.vector_load %arg7[%get3A_916, %get3A_917] {strides = array<i32>} : memref<128x128xf32, #tpu.memory_space<vmem>>, vector<1x16xf32>,
          %get3A_919 = vector.shape_cast %get3A_918 : vector<1x16xf32> to vector<16xf32>
          %add3A_920 = arith.addf %add3A_848, %get3A_919 : vector<16xf32>
          %mul3A_921 = arith.constant 16 : i32
          %mul3A_922 = arith.muli %add3A_144, %mul3A_921 : i32
          %add3A_923 = arith.constant 11 : i32
          %add3A_924 = arith.addi %mul3A_922, %add3A_923 : i32
          %get3A_925 = arith.index_cast %add3A_924 : i32 to index
          %get3A_926 = arith.constant 16 : index
          %get3A_927 = tpu.vector_load %arg7[%get3A_925, %get3A_926] {strides = array<i32>} : memref<128x128xf32, #tpu.memory_space<vmem>>, vector<1x16xf32>,
          %get3A_928 = vector.shape_cast %get3A_927 : vector<1x16xf32> to vector<16xf32>
          %add3A_929 = arith.addf %add3A_857, %get3A_928 : vector<16xf32>
          %mul3A_930 = arith.constant 16 : i32
          %mul3A_931 = arith.muli %add3A_144, %mul3A_930 : i32
          %add3A_932 = arith.constant 11 : i32
          %add3A_933 = arith.addi %mul3A_931, %add3A_932 : i32
          %get3A_934 = arith.index_cast %add3A_933 : i32 to index
          %get3A_935 = arith.constant 32 : index
          %get3A_936 = tpu.vector_load %arg7[%get3A_934, %get3A_935] {strides = array<i32>} : memref<128x128xf32, #tpu.memory_space<vmem>>, vector<1x16xf32>,
          %get3A_937 = vector.shape_cast %get3A_936 : vector<1x16xf32> to vector<16xf32>
          %add3A_938 = arith.addf %add3A_866, %get3A_937 : vector<16xf32>
          %mul3A_939 = arith.constant 16 : i32
          %mul3A_940 = arith.muli %add3A_144, %mul3A_939 : i32
          %add3A_941 = arith.constant 11 : i32
          %add3A_942 = arith.addi %mul3A_940, %add3A_941 : i32
          %get3A_943 = arith.index_cast %add3A_942 : i32 to index
          %get3A_944 = arith.constant 48 : index
          %get3A_945 = tpu.vector_load %arg7[%get3A_943, %get3A_944] {strides = array<i32>} : memref<128x128xf32, #tpu.memory_space<vmem>>, vector<1x16xf32>,
          %get3A_946 = vector.shape_cast %get3A_945 : vector<1x16xf32> to vector<16xf32>
          %add3A_947 = arith.addf %add3A_875, %get3A_946 : vector<16xf32>
          %mul3A_948 = arith.constant 16 : i32
          %mul3A_949 = arith.muli %add3A_144, %mul3A_948 : i32
          %add3A_950 = arith.constant 11 : i32
          %add3A_951 = arith.addi %mul3A_949, %add3A_950 : i32
          %get3A_952 = arith.index_cast %add3A_951 : i32 to index
          %get3A_953 = arith.constant 64 : index
          %get3A_954 = tpu.vector_load %arg7[%get3A_952, %get3A_953] {strides = array<i32>} : memref<128x128xf32, #tpu.memory_space<vmem>>, vector<1x16xf32>,
          %get3A_955 = vector.shape_cast %get3A_954 : vector<1x16xf32> to vector<16xf32>
          %add3A_956 = arith.addf %add3A_884, %get3A_955 : vector<16xf32>
          %mul3A_957 = arith.constant 16 : i32
          %mul3A_958 = arith.muli %add3A_144, %mul3A_957 : i32
          %add3A_959 = arith.constant 11 : i32
          %add3A_960 = arith.addi %mul3A_958, %add3A_959 : i32
          %get3A_961 = arith.index_cast %add3A_960 : i32 to index
          %get3A_962 = arith.constant 80 : index
          %get3A_963 = tpu.vector_load %arg7[%get3A_961, %get3A_962] {strides = array<i32>} : memref<128x128xf32, #tpu.memory_space<vmem>>, vector<1x16xf32>,
          %get3A_964 = vector.shape_cast %get3A_963 : vector<1x16xf32> to vector<16xf32>
          %add3A_965 = arith.addf %add3A_893, %get3A_964 : vector<16xf32>
          %mul3A_966 = arith.constant 16 : i32
          %mul3A_967 = arith.muli %add3A_144, %mul3A_966 : i32
          %add3A_968 = arith.constant 11 : i32
          %add3A_969 = arith.addi %mul3A_967, %add3A_968 : i32
          %get3A_970 = arith.index_cast %add3A_969 : i32 to index
          %get3A_971 = arith.constant 96 : index
          %get3A_972 = tpu.vector_load %arg7[%get3A_970, %get3A_971] {strides = array<i32>} : memref<128x128xf32, #tpu.memory_space<vmem>>, vector<1x16xf32>,
          %get3A_973 = vector.shape_cast %get3A_972 : vector<1x16xf32> to vector<16xf32>
          %add3A_974 = arith.addf %add3A_902, %get3A_973 : vector<16xf32>
          %mul3A_975 = arith.constant 16 : i32
          %mul3A_976 = arith.muli %add3A_144, %mul3A_975 : i32
          %add3A_977 = arith.constant 11 : i32
          %add3A_978 = arith.addi %mul3A_976, %add3A_977 : i32
          %get3A_979 = arith.index_cast %add3A_978 : i32 to index
          %get3A_980 = arith.constant 112 : index
          %get3A_981 = tpu.vector_load %arg7[%get3A_979, %get3A_980] {strides = array<i32>} : memref<128x128xf32, #tpu.memory_space<vmem>>, vector<1x16xf32>,
          %get3A_982 = vector.shape_cast %get3A_981 : vector<1x16xf32> to vector<16xf32>
          %add3A_983 = arith.addf %add3A_911, %get3A_982 : vector<16xf32>
          %mul3A_984 = arith.constant 16 : i32
          %mul3A_985 = arith.muli %add3A_144, %mul3A_984 : i32
          %add3A_986 = arith.constant 12 : i32
          %add3A_987 = arith.addi %mul3A_985, %add3A_986 : i32
          %get3A_988 = arith.index_cast %add3A_987 : i32 to index
          %get3A_989 = arith.constant 0 : index
          %get3A_990 = tpu.vector_load %arg7[%get3A_988, %get3A_989] {strides = array<i32>} : memref<128x128xf32, #tpu.memory_space<vmem>>, vector<1x16xf32>,
          %get3A_991 = vector.shape_cast %get3A_990 : vector<1x16xf32> to vector<16xf32>
          %add3A_992 = arith.addf %add3A_920, %get3A_991 : vector<16xf32>
          %mul3A_993 = arith.constant 16 : i32
          %mul3A_994 = arith.muli %add3A_144, %mul3A_993 : i32
          %add3A_995 = arith.constant 12 : i32
          %add3A_996 = arith.addi %mul3A_994, %add3A_995 : i32
          %get3A_997 = arith.index_cast %add3A_996 : i32 to index
          %get3A_998 = arith.constant 16 : index
          %get3A_999 = tpu.vector_load %arg7[%get3A_997, %get3A_998] {strides = array<i32>} : memref<128x128xf32, #tpu.memory_space<vmem>>, vector<1x16xf32>,
          %get3A_1000 = vector.shape_cast %get3A_999 : vector<1x16xf32> to vector<16xf32>
          %add3A_1001 = arith.addf %add3A_929, %get3A_1000 : vector<16xf32>
          %mul3A_1002 = arith.constant 16 : i32
          %mul3A_1003 = arith.muli %add3A_144, %mul3A_1002 : i32
          %add3A_1004 = arith.constant 12 : i32
          %add3A_1005 = arith.addi %mul3A_1003, %add3A_1004 : i32
          %get3A_1006 = arith.index_cast %add3A_1005 : i32 to index
          %get3A_1007 = arith.constant 32 : index
          %get3A_1008 = tpu.vector_load %arg7[%get3A_1006, %get3A_1007] {strides = array<i32>} : memref<128x128xf32, #tpu.memory_space<vmem>>, vector<1x16xf32>,
          %get3A_1009 = vector.shape_cast %get3A_1008 : vector<1x16xf32> to vector<16xf32>
          %add3A_1010 = arith.addf %add3A_938, %get3A_1009 : vector<16xf32>
          %mul3A_1011 = arith.constant 16 : i32
          %mul3A_1012 = arith.muli %add3A_144, %mul3A_1011 : i32
          %add3A_1013 = arith.constant 12 : i32
          %add3A_1014 = arith.addi %mul3A_1012, %add3A_1013 : i32
          %get3A_1015 = arith.index_cast %add3A_1014 : i32 to index
          %get3A_1016 = arith.constant 48 : index
          %get3A_1017 = tpu.vector_load %arg7[%get3A_1015, %get3A_1016] {strides = array<i32>} : memref<128x128xf32, #tpu.memory_space<vmem>>, vector<1x16xf32>,
          %get3A_1018 = vector.shape_cast %get3A_1017 : vector<1x16xf32> to vector<16xf32>
          %add3A_1019 = arith.addf %add3A_947, %get3A_1018 : vector<16xf32>
          %mul3A_1020 = arith.constant 16 : i32
          %mul3A_1021 = arith.muli %add3A_144, %mul3A_1020 : i32
          %add3A_1022 = arith.constant 12 : i32
          %add3A_1023 = arith.addi %mul3A_1021, %add3A_1022 : i32
          %get3A_1024 = arith.index_cast %add3A_1023 : i32 to index
          %get3A_1025 = arith.constant 64 : index
          %get3A_1026 = tpu.vector_load %arg7[%get3A_1024, %get3A_1025] {strides = array<i32>} : memref<128x128xf32, #tpu.memory_space<vmem>>, vector<1x16xf32>,
          %get3A_1027 = vector.shape_cast %get3A_1026 : vector<1x16xf32> to vector<16xf32>
          %add3A_1028 = arith.addf %add3A_956, %get3A_1027 : vector<16xf32>
          %mul3A_1029 = arith.constant 16 : i32
          %mul3A_1030 = arith.muli %add3A_144, %mul3A_1029 : i32
          %add3A_1031 = arith.constant 12 : i32
          %add3A_1032 = arith.addi %mul3A_1030, %add3A_1031 : i32
          %get3A_1033 = arith.index_cast %add3A_1032 : i32 to index
          %get3A_1034 = arith.constant 80 : index
          %get3A_1035 = tpu.vector_load %arg7[%get3A_1033, %get3A_1034] {strides = array<i32>} : memref<128x128xf32, #tpu.memory_space<vmem>>, vector<1x16xf32>,
          %get3A_1036 = vector.shape_cast %get3A_1035 : vector<1x16xf32> to vector<16xf32>
          %add3A_1037 = arith.addf %add3A_965, %get3A_1036 : vector<16xf32>
          %mul3A_1038 = arith.constant 16 : i32
          %mul3A_1039 = arith.muli %add3A_144, %mul3A_1038 : i32
          %add3A_1040 = arith.constant 12 : i32
          %add3A_1041 = arith.addi %mul3A_1039, %add3A_1040 : i32
          %get3A_1042 = arith.index_cast %add3A_1041 : i32 to index
          %get3A_1043 = arith.constant 96 : index
          %get3A_1044 = tpu.vector_load %arg7[%get3A_1042, %get3A_1043] {strides = array<i32>} : memref<128x128xf32, #tpu.memory_space<vmem>>, vector<1x16xf32>,
          %get3A_1045 = vector.shape_cast %get3A_1044 : vector<1x16xf32> to vector<16xf32>
          %add3A_1046 = arith.addf %add3A_974, %get3A_1045 : vector<16xf32>
          %mul3A_1047 = arith.constant 16 : i32
          %mul3A_1048 = arith.muli %add3A_144, %mul3A_1047 : i32
          %add3A_1049 = arith.constant 12 : i32
          %add3A_1050 = arith.addi %mul3A_1048, %add3A_1049 : i32
          %get3A_1051 = arith.index_cast %add3A_1050 : i32 to index
          %get3A_1052 = arith.constant 112 : index
          %get3A_1053 = tpu.vector_load %arg7[%get3A_1051, %get3A_1052] {strides = array<i32>} : memref<128x128xf32, #tpu.memory_space<vmem>>, vector<1x16xf32>,
          %get3A_1054 = vector.shape_cast %get3A_1053 : vector<1x16xf32> to vector<16xf32>
          %add3A_1055 = arith.addf %add3A_983, %get3A_1054 : vector<16xf32>
          %mul3A_1056 = arith.constant 16 : i32
          %mul3A_1057 = arith.muli %add3A_144, %mul3A_1056 : i32
          %add3A_1058 = arith.constant 13 : i32
          %add3A_1059 = arith.addi %mul3A_1057, %add3A_1058 : i32
          %get3A_1060 = arith.index_cast %add3A_1059 : i32 to index
          %get3A_1061 = arith.constant 0 : index
          %get3A_1062 = tpu.vector_load %arg7[%get3A_1060, %get3A_1061] {strides = array<i32>} : memref<128x128xf32, #tpu.memory_space<vmem>>, vector<1x16xf32>,
          %get3A_1063 = vector.shape_cast %get3A_1062 : vector<1x16xf32> to vector<16xf32>
          %add3A_1064 = arith.addf %add3A_992, %get3A_1063 : vector<16xf32>
          %mul3A_1065 = arith.constant 16 : i32
          %mul3A_1066 = arith.muli %add3A_144, %mul3A_1065 : i32
          %add3A_1067 = arith.constant 13 : i32
          %add3A_1068 = arith.addi %mul3A_1066, %add3A_1067 : i32
          %get3A_1069 = arith.index_cast %add3A_1068 : i32 to index
          %get3A_1070 = arith.constant 16 : index
          %get3A_1071 = tpu.vector_load %arg7[%get3A_1069, %get3A_1070] {strides = array<i32>} : memref<128x128xf32, #tpu.memory_space<vmem>>, vector<1x16xf32>,
          %get3A_1072 = vector.shape_cast %get3A_1071 : vector<1x16xf32> to vector<16xf32>
          %add3A_1073 = arith.addf %add3A_1001, %get3A_1072 : vector<16xf32>
          %mul3A_1074 = arith.constant 16 : i32
          %mul3A_1075 = arith.muli %add3A_144, %mul3A_1074 : i32
          %add3A_1076 = arith.constant 13 : i32
          %add3A_1077 = arith.addi %mul3A_1075, %add3A_1076 : i32
          %get3A_1078 = arith.index_cast %add3A_1077 : i32 to index
          %get3A_1079 = arith.constant 32 : index
          %get3A_1080 = tpu.vector_load %arg7[%get3A_1078, %get3A_1079] {strides = array<i32>} : memref<128x128xf32, #tpu.memory_space<vmem>>, vector<1x16xf32>,
          %get3A_1081 = vector.shape_cast %get3A_1080 : vector<1x16xf32> to vector<16xf32>
          %add3A_1082 = arith.addf %add3A_1010, %get3A_1081 : vector<16xf32>
          %mul3A_1083 = arith.constant 16 : i32
          %mul3A_1084 = arith.muli %add3A_144, %mul3A_1083 : i32
          %add3A_1085 = arith.constant 13 : i32
          %add3A_1086 = arith.addi %mul3A_1084, %add3A_1085 : i32
          %get3A_1087 = arith.index_cast %add3A_1086 : i32 to index
          %get3A_1088 = arith.constant 48 : index
          %get3A_1089 = tpu.vector_load %arg7[%get3A_1087, %get3A_1088] {strides = array<i32>} : memref<128x128xf32, #tpu.memory_space<vmem>>, vector<1x16xf32>,
          %get3A_1090 = vector.shape_cast %get3A_1089 : vector<1x16xf32> to vector<16xf32>
          %add3A_1091 = arith.addf %add3A_1019, %get3A_1090 : vector<16xf32>
          %mul3A_1092 = arith.constant 16 : i32
          %mul3A_1093 = arith.muli %add3A_144, %mul3A_1092 : i32
          %add3A_1094 = arith.constant 13 : i32
          %add3A_1095 = arith.addi %mul3A_1093, %add3A_1094 : i32
          %get3A_1096 = arith.index_cast %add3A_1095 : i32 to index
          %get3A_1097 = arith.constant 64 : index
          %get3A_1098 = tpu.vector_load %arg7[%get3A_1096, %get3A_1097] {strides = array<i32>} : memref<128x128xf32, #tpu.memory_space<vmem>>, vector<1x16xf32>,
          %get3A_1099 = vector.shape_cast %get3A_1098 : vector<1x16xf32> to vector<16xf32>
          %add3A_1100 = arith.addf %add3A_1028, %get3A_1099 : vector<16xf32>
          %mul3A_1101 = arith.constant 16 : i32
          %mul3A_1102 = arith.muli %add3A_144, %mul3A_1101 : i32
          %add3A_1103 = arith.constant 13 : i32
          %add3A_1104 = arith.addi %mul3A_1102, %add3A_1103 : i32
          %get3A_1105 = arith.index_cast %add3A_1104 : i32 to index
          %get3A_1106 = arith.constant 80 : index
          %get3A_1107 = tpu.vector_load %arg7[%get3A_1105, %get3A_1106] {strides = array<i32>} : memref<128x128xf32, #tpu.memory_space<vmem>>, vector<1x16xf32>,
          %get3A_1108 = vector.shape_cast %get3A_1107 : vector<1x16xf32> to vector<16xf32>
          %add3A_1109 = arith.addf %add3A_1037, %get3A_1108 : vector<16xf32>
          %mul3A_1110 = arith.constant 16 : i32
          %mul3A_1111 = arith.muli %add3A_144, %mul3A_1110 : i32
          %add3A_1112 = arith.constant 13 : i32
          %add3A_1113 = arith.addi %mul3A_1111, %add3A_1112 : i32
          %get3A_1114 = arith.index_cast %add3A_1113 : i32 to index
          %get3A_1115 = arith.constant 96 : index
          %get3A_1116 = tpu.vector_load %arg7[%get3A_1114, %get3A_1115] {strides = array<i32>} : memref<128x128xf32, #tpu.memory_space<vmem>>, vector<1x16xf32>,
          %get3A_1117 = vector.shape_cast %get3A_1116 : vector<1x16xf32> to vector<16xf32>
          %add3A_1118 = arith.addf %add3A_1046, %get3A_1117 : vector<16xf32>
          %mul3A_1119 = arith.constant 16 : i32
          %mul3A_1120 = arith.muli %add3A_144, %mul3A_1119 : i32
          %add3A_1121 = arith.constant 13 : i32
          %add3A_1122 = arith.addi %mul3A_1120, %add3A_1121 : i32
          %get3A_1123 = arith.index_cast %add3A_1122 : i32 to index
          %get3A_1124 = arith.constant 112 : index
          %get3A_1125 = tpu.vector_load %arg7[%get3A_1123, %get3A_1124] {strides = array<i32>} : memref<128x128xf32, #tpu.memory_space<vmem>>, vector<1x16xf32>,
          %get3A_1126 = vector.shape_cast %get3A_1125 : vector<1x16xf32> to vector<16xf32>
          %add3A_1127 = arith.addf %add3A_1055, %get3A_1126 : vector<16xf32>
          %mul3A_1128 = arith.constant 16 : i32
          %mul3A_1129 = arith.muli %add3A_144, %mul3A_1128 : i32
          %add3A_1130 = arith.constant 14 : i32
          %add3A_1131 = arith.addi %mul3A_1129, %add3A_1130 : i32
          %get3A_1132 = arith.index_cast %add3A_1131 : i32 to index
          %get3A_1133 = arith.constant 0 : index
          %get3A_1134 = tpu.vector_load %arg7[%get3A_1132, %get3A_1133] {strides = array<i32>} : memref<128x128xf32, #tpu.memory_space<vmem>>, vector<1x16xf32>,
          %get3A_1135 = vector.shape_cast %get3A_1134 : vector<1x16xf32> to vector<16xf32>
          %add3A_1136 = arith.addf %add3A_1064, %get3A_1135 : vector<16xf32>
          %mul3A_1137 = arith.constant 16 : i32
          %mul3A_1138 = arith.muli %add3A_144, %mul3A_1137 : i32
          %add3A_1139 = arith.constant 14 : i32
          %add3A_1140 = arith.addi %mul3A_1138, %add3A_1139 : i32
          %get3A_1141 = arith.index_cast %add3A_1140 : i32 to index
          %get3A_1142 = arith.constant 16 : index
          %get3A_1143 = tpu.vector_load %arg7[%get3A_1141, %get3A_1142] {strides = array<i32>} : memref<128x128xf32, #tpu.memory_space<vmem>>, vector<1x16xf32>,
          %get3A_1144 = vector.shape_cast %get3A_1143 : vector<1x16xf32> to vector<16xf32>
          %add3A_1145 = arith.addf %add3A_1073, %get3A_1144 : vector<16xf32>
          %mul3A_1146 = arith.constant 16 : i32
          %mul3A_1147 = arith.muli %add3A_144, %mul3A_1146 : i32
          %add3A_1148 = arith.constant 14 : i32
          %add3A_1149 = arith.addi %mul3A_1147, %add3A_1148 : i32
          %get3A_1150 = arith.index_cast %add3A_1149 : i32 to index
          %get3A_1151 = arith.constant 32 : index
          %get3A_1152 = tpu.vector_load %arg7[%get3A_1150, %get3A_1151] {strides = array<i32>} : memref<128x128xf32, #tpu.memory_space<vmem>>, vector<1x16xf32>,
          %get3A_1153 = vector.shape_cast %get3A_1152 : vector<1x16xf32> to vector<16xf32>
          %add3A_1154 = arith.addf %add3A_1082, %get3A_1153 : vector<16xf32>
          %mul3A_1155 = arith.constant 16 : i32
          %mul3A_1156 = arith.muli %add3A_144, %mul3A_1155 : i32
          %add3A_1157 = arith.constant 14 : i32
          %add3A_1158 = arith.addi %mul3A_1156, %add3A_1157 : i32
          %get3A_1159 = arith.index_cast %add3A_1158 : i32 to index
          %get3A_1160 = arith.constant 48 : index
          %get3A_1161 = tpu.vector_load %arg7[%get3A_1159, %get3A_1160] {strides = array<i32>} : memref<128x128xf32, #tpu.memory_space<vmem>>, vector<1x16xf32>,
          %get3A_1162 = vector.shape_cast %get3A_1161 : vector<1x16xf32> to vector<16xf32>
          %add3A_1163 = arith.addf %add3A_1091, %get3A_1162 : vector<16xf32>
          %mul3A_1164 = arith.constant 16 : i32
          %mul3A_1165 = arith.muli %add3A_144, %mul3A_1164 : i32
          %add3A_1166 = arith.constant 14 : i32
          %add3A_1167 = arith.addi %mul3A_1165, %add3A_1166 : i32
          %get3A_1168 = arith.index_cast %add3A_1167 : i32 to index
          %get3A_1169 = arith.constant 64 : index
          %get3A_1170 = tpu.vector_load %arg7[%get3A_1168, %get3A_1169] {strides = array<i32>} : memref<128x128xf32, #tpu.memory_space<vmem>>, vector<1x16xf32>,
          %get3A_1171 = vector.shape_cast %get3A_1170 : vector<1x16xf32> to vector<16xf32>
          %add3A_1172 = arith.addf %add3A_1100, %get3A_1171 : vector<16xf32>
          %mul3A_1173 = arith.constant 16 : i32
          %mul3A_1174 = arith.muli %add3A_144, %mul3A_1173 : i32
          %add3A_1175 = arith.constant 14 : i32
          %add3A_1176 = arith.addi %mul3A_1174, %add3A_1175 : i32
          %get3A_1177 = arith.index_cast %add3A_1176 : i32 to index
          %get3A_1178 = arith.constant 80 : index
          %get3A_1179 = tpu.vector_load %arg7[%get3A_1177, %get3A_1178] {strides = array<i32>} : memref<128x128xf32, #tpu.memory_space<vmem>>, vector<1x16xf32>,
          %get3A_1180 = vector.shape_cast %get3A_1179 : vector<1x16xf32> to vector<16xf32>
          %add3A_1181 = arith.addf %add3A_1109, %get3A_1180 : vector<16xf32>
          %mul3A_1182 = arith.constant 16 : i32
          %mul3A_1183 = arith.muli %add3A_144, %mul3A_1182 : i32
          %add3A_1184 = arith.constant 14 : i32
          %add3A_1185 = arith.addi %mul3A_1183, %add3A_1184 : i32
          %get3A_1186 = arith.index_cast %add3A_1185 : i32 to index
          %get3A_1187 = arith.constant 96 : index
          %get3A_1188 = tpu.vector_load %arg7[%get3A_1186, %get3A_1187] {strides = array<i32>} : memref<128x128xf32, #tpu.memory_space<vmem>>, vector<1x16xf32>,
          %get3A_1189 = vector.shape_cast %get3A_1188 : vector<1x16xf32> to vector<16xf32>
          %add3A_1190 = arith.addf %add3A_1118, %get3A_1189 : vector<16xf32>
          %mul3A_1191 = arith.constant 16 : i32
          %mul3A_1192 = arith.muli %add3A_144, %mul3A_1191 : i32
          %add3A_1193 = arith.constant 14 : i32
          %add3A_1194 = arith.addi %mul3A_1192, %add3A_1193 : i32
          %get3A_1195 = arith.index_cast %add3A_1194 : i32 to index
          %get3A_1196 = arith.constant 112 : index
          %get3A_1197 = tpu.vector_load %arg7[%get3A_1195, %get3A_1196] {strides = array<i32>} : memref<128x128xf32, #tpu.memory_space<vmem>>, vector<1x16xf32>,
          %get3A_1198 = vector.shape_cast %get3A_1197 : vector<1x16xf32> to vector<16xf32>
          %add3A_1199 = arith.addf %add3A_1127, %get3A_1198 : vector<16xf32>
          %mul3A_1200 = arith.constant 16 : i32
          %mul3A_1201 = arith.muli %add3A_144, %mul3A_1200 : i32
          %add3A_1202 = arith.constant 15 : i32
          %add3A_1203 = arith.addi %mul3A_1201, %add3A_1202 : i32
          %get3A_1204 = arith.index_cast %add3A_1203 : i32 to index
          %get3A_1205 = arith.constant 0 : index
          %get3A_1206 = tpu.vector_load %arg7[%get3A_1204, %get3A_1205] {strides = array<i32>} : memref<128x128xf32, #tpu.memory_space<vmem>>, vector<1x16xf32>,
          %get3A_1207 = vector.shape_cast %get3A_1206 : vector<1x16xf32> to vector<16xf32>
          %add3A_1208 = arith.addf %add3A_1136, %get3A_1207 : vector<16xf32>
          %mul3A_1209 = arith.constant 16 : i32
          %mul3A_1210 = arith.muli %add3A_144, %mul3A_1209 : i32
          %add3A_1211 = arith.constant 15 : i32
          %add3A_1212 = arith.addi %mul3A_1210, %add3A_1211 : i32
          %get3A_1213 = arith.index_cast %add3A_1212 : i32 to index
          %get3A_1214 = arith.constant 16 : index
          %get3A_1215 = tpu.vector_load %arg7[%get3A_1213, %get3A_1214] {strides = array<i32>} : memref<128x128xf32, #tpu.memory_space<vmem>>, vector<1x16xf32>,
          %get3A_1216 = vector.shape_cast %get3A_1215 : vector<1x16xf32> to vector<16xf32>
          %add3A_1217 = arith.addf %add3A_1145, %get3A_1216 : vector<16xf32>
          %mul3A_1218 = arith.constant 16 : i32
          %mul3A_1219 = arith.muli %add3A_144, %mul3A_1218 : i32
          %add3A_1220 = arith.constant 15 : i32
          %add3A_1221 = arith.addi %mul3A_1219, %add3A_1220 : i32
          %get3A_1222 = arith.index_cast %add3A_1221 : i32 to index
          %get3A_1223 = arith.constant 32 : index
          %get3A_1224 = tpu.vector_load %arg7[%get3A_1222, %get3A_1223] {strides = array<i32>} : memref<128x128xf32, #tpu.memory_space<vmem>>, vector<1x16xf32>,
          %get3A_1225 = vector.shape_cast %get3A_1224 : vector<1x16xf32> to vector<16xf32>
          %add3A_1226 = arith.addf %add3A_1154, %get3A_1225 : vector<16xf32>
          %mul3A_1227 = arith.constant 16 : i32
          %mul3A_1228 = arith.muli %add3A_144, %mul3A_1227 : i32
          %add3A_1229 = arith.constant 15 : i32
          %add3A_1230 = arith.addi %mul3A_1228, %add3A_1229 : i32
          %get3A_1231 = arith.index_cast %add3A_1230 : i32 to index
          %get3A_1232 = arith.constant 48 : index
          %get3A_1233 = tpu.vector_load %arg7[%get3A_1231, %get3A_1232] {strides = array<i32>} : memref<128x128xf32, #tpu.memory_space<vmem>>, vector<1x16xf32>,
          %get3A_1234 = vector.shape_cast %get3A_1233 : vector<1x16xf32> to vector<16xf32>
          %add3A_1235 = arith.addf %add3A_1163, %get3A_1234 : vector<16xf32>
          %mul3A_1236 = arith.constant 16 : i32
          %mul3A_1237 = arith.muli %add3A_144, %mul3A_1236 : i32
          %add3A_1238 = arith.constant 15 : i32
          %add3A_1239 = arith.addi %mul3A_1237, %add3A_1238 : i32
          %get3A_1240 = arith.index_cast %add3A_1239 : i32 to index
          %get3A_1241 = arith.constant 64 : index
          %get3A_1242 = tpu.vector_load %arg7[%get3A_1240, %get3A_1241] {strides = array<i32>} : memref<128x128xf32, #tpu.memory_space<vmem>>, vector<1x16xf32>,
          %get3A_1243 = vector.shape_cast %get3A_1242 : vector<1x16xf32> to vector<16xf32>
          %add3A_1244 = arith.addf %add3A_1172, %get3A_1243 : vector<16xf32>
          %mul3A_1245 = arith.constant 16 : i32
          %mul3A_1246 = arith.muli %add3A_144, %mul3A_1245 : i32
          %add3A_1247 = arith.constant 15 : i32
          %add3A_1248 = arith.addi %mul3A_1246, %add3A_1247 : i32
          %get3A_1249 = arith.index_cast %add3A_1248 : i32 to index
          %get3A_1250 = arith.constant 80 : index
          %get3A_1251 = tpu.vector_load %arg7[%get3A_1249, %get3A_1250] {strides = array<i32>} : memref<128x128xf32, #tpu.memory_space<vmem>>, vector<1x16xf32>,
          %get3A_1252 = vector.shape_cast %get3A_1251 : vector<1x16xf32> to vector<16xf32>
          %add3A_1253 = arith.addf %add3A_1181, %get3A_1252 : vector<16xf32>
          %mul3A_1254 = arith.constant 16 : i32
          %mul3A_1255 = arith.muli %add3A_144, %mul3A_1254 : i32
          %add3A_1256 = arith.constant 15 : i32
          %add3A_1257 = arith.addi %mul3A_1255, %add3A_1256 : i32
          %get3A_1258 = arith.index_cast %add3A_1257 : i32 to index
          %get3A_1259 = arith.constant 96 : index
          %get3A_1260 = tpu.vector_load %arg7[%get3A_1258, %get3A_1259] {strides = array<i32>} : memref<128x128xf32, #tpu.memory_space<vmem>>, vector<1x16xf32>,
          %get3A_1261 = vector.shape_cast %get3A_1260 : vector<1x16xf32> to vector<16xf32>
          %add3A_1262 = arith.addf %add3A_1190, %get3A_1261 : vector<16xf32>
          %mul3A_1263 = arith.constant 16 : i32
          %mul3A_1264 = arith.muli %add3A_144, %mul3A_1263 : i32
          %add3A_1265 = arith.constant 15 : i32
          %add3A_1266 = arith.addi %mul3A_1264, %add3A_1265 : i32
          %get3A_1267 = arith.index_cast %add3A_1266 : i32 to index
          %get3A_1268 = arith.constant 112 : index
          %get3A_1269 = tpu.vector_load %arg7[%get3A_1267, %get3A_1268] {strides = array<i32>} : memref<128x128xf32, #tpu.memory_space<vmem>>, vector<1x16xf32>,
          %get3A_1270 = vector.shape_cast %get3A_1269 : vector<1x16xf32> to vector<16xf32>
          %add3A_1271 = arith.addf %add3A_1199, %get3A_1270 : vector<16xf32>
          %swap3A = arith.index_cast %add3A_144 : i32 to index
          %swap3A_1272 = arith.constant 0 : index
          %swap3A_1273 = tpu.vector_load %arg11[%swap3A, %swap3A_1272] {strides = array<i32>} : memref<8x128xf32, #tpu.memory_space<vmem>>, vector<1x16xf32>,
          %swap3A_1274 = vector.shape_cast %swap3A_1273 : vector<1x16xf32> to vector<16xf32>
          %swap3A_1275 = vector.shape_cast %add3A_1208 : vector<16xf32> to vector<1x16xf32>
          tpu.vector_store %arg11[%swap3A, %swap3A_1272], %swap3A_1275 {strides = array<i32>} : memref<8x128xf32, #tpu.memory_space<vmem>>, vector<1x16xf32>,
          %swap3A_1276 = arith.index_cast %add3A_144 : i32 to index
          %swap3A_1277 = arith.constant 16 : index
          %swap3A_1278 = tpu.vector_load %arg11[%swap3A_1276, %swap3A_1277] {strides = array<i32>} : memref<8x128xf32, #tpu.memory_space<vmem>>, vector<1x16xf32>,
          %swap3A_1279 = vector.shape_cast %swap3A_1278 : vector<1x16xf32> to vector<16xf32>
          %swap3A_1280 = vector.shape_cast %add3A_1217 : vector<16xf32> to vector<1x16xf32>
          tpu.vector_store %arg11[%swap3A_1276, %swap3A_1277], %swap3A_1280 {strides = array<i32>} : memref<8x128xf32, #tpu.memory_space<vmem>>, vector<1x16xf32>,
          %swap3A_1281 = arith.index_cast %add3A_144 : i32 to index
          %swap3A_1282 = arith.constant 32 : index
          %swap3A_1283 = tpu.vector_load %arg11[%swap3A_1281, %swap3A_1282] {strides = array<i32>} : memref<8x128xf32, #tpu.memory_space<vmem>>, vector<1x16xf32>,
          %swap3A_1284 = vector.shape_cast %swap3A_1283 : vector<1x16xf32> to vector<16xf32>
          %swap3A_1285 = vector.shape_cast %add3A_1226 : vector<16xf32> to vector<1x16xf32>
          tpu.vector_store %arg11[%swap3A_1281, %swap3A_1282], %swap3A_1285 {strides = array<i32>} : memref<8x128xf32, #tpu.memory_space<vmem>>, vector<1x16xf32>,
          %swap3A_1286 = arith.index_cast %add3A_144 : i32 to index
          %swap3A_1287 = arith.constant 48 : index
          %swap3A_1288 = tpu.vector_load %arg11[%swap3A_1286, %swap3A_1287] {strides = array<i32>} : memref<8x128xf32, #tpu.memory_space<vmem>>, vector<1x16xf32>,
          %swap3A_1289 = vector.shape_cast %swap3A_1288 : vector<1x16xf32> to vector<16xf32>
          %swap3A_1290 = vector.shape_cast %add3A_1235 : vector<16xf32> to vector<1x16xf32>
          tpu.vector_store %arg11[%swap3A_1286, %swap3A_1287], %swap3A_1290 {strides = array<i32>} : memref<8x128xf32, #tpu.memory_space<vmem>>, vector<1x16xf32>,
          %swap3A_1291 = arith.index_cast %add3A_144 : i32 to index
          %swap3A_1292 = arith.constant 64 : index
          %swap3A_1293 = tpu.vector_load %arg11[%swap3A_1291, %swap3A_1292] {strides = array<i32>} : memref<8x128xf32, #tpu.memory_space<vmem>>, vector<1x16xf32>,
          %swap3A_1294 = vector.shape_cast %swap3A_1293 : vector<1x16xf32> to vector<16xf32>
          %swap3A_1295 = vector.shape_cast %add3A_1244 : vector<16xf32> to vector<1x16xf32>
          tpu.vector_store %arg11[%swap3A_1291, %swap3A_1292], %swap3A_1295 {strides = array<i32>} : memref<8x128xf32, #tpu.memory_space<vmem>>, vector<1x16xf32>,
          %swap3A_1296 = arith.index_cast %add3A_144 : i32 to index
          %swap3A_1297 = arith.constant 80 : index
          %swap3A_1298 = tpu.vector_load %arg11[%swap3A_1296, %swap3A_1297] {strides = array<i32>} : memref<8x128xf32, #tpu.memory_space<vmem>>, vector<1x16xf32>,
          %swap3A_1299 = vector.shape_cast %swap3A_1298 : vector<1x16xf32> to vector<16xf32>
          %swap3A_1300 = vector.shape_cast %add3A_1253 : vector<16xf32> to vector<1x16xf32>
          tpu.vector_store %arg11[%swap3A_1296, %swap3A_1297], %swap3A_1300 {strides = array<i32>} : memref<8x128xf32, #tpu.memory_space<vmem>>, vector<1x16xf32>,
          %swap3A_1301 = arith.index_cast %add3A_144 : i32 to index
          %swap3A_1302 = arith.constant 96 : index
          %swap3A_1303 = tpu.vector_load %arg11[%swap3A_1301, %swap3A_1302] {strides = array<i32>} : memref<8x128xf32, #tpu.memory_space<vmem>>, vector<1x16xf32>,
          %swap3A_1304 = vector.shape_cast %swap3A_1303 : vector<1x16xf32> to vector<16xf32>
          %swap3A_1305 = vector.shape_cast %add3A_1262 : vector<16xf32> to vector<1x16xf32>
          tpu.vector_store %arg11[%swap3A_1301, %swap3A_1302], %swap3A_1305 {strides = array<i32>} : memref<8x128xf32, #tpu.memory_space<vmem>>, vector<1x16xf32>,
          %swap3A_1306 = arith.index_cast %add3A_144 : i32 to index
          %swap3A_1307 = arith.constant 112 : index
          %swap3A_1308 = tpu.vector_load %arg11[%swap3A_1306, %swap3A_1307] {strides = array<i32>} : memref<8x128xf32, #tpu.memory_space<vmem>>, vector<1x16xf32>,
          %swap3A_1309 = vector.shape_cast %swap3A_1308 : vector<1x16xf32> to vector<16xf32>
          %swap3A_1310 = vector.shape_cast %add3A_1271 : vector<16xf32> to vector<1x16xf32>
          tpu.vector_store %arg11[%swap3A_1306, %swap3A_1307], %swap3A_1310 {strides = array<i32>} : memref<8x128xf32, #tpu.memory_space<vmem>>, vector<1x16xf32>,
        }
        %scan3A_126 = arith.constant 8 : i32
        %add3A_127 = arith.addi %add3A_4, %add3A_92 : i32
        %mul3A_128 = arith.constant 8 : i32
        %mul3A_129 = arith.muli %add3A_127, %mul3A_128 : i32
        %dma_start3A_130 = arith.constant 0 : i32
        %dma_start3A_131 = tpu.memref_slice %arg4[%mul3A_129, %dma_start3A_130] : memref<40000x128xf32, #tpu.memory_space<hbm>> -> memref<8x128xf32, #tpu.memory_space<hbm>>
        %dma_start3A_132 = arith.constant 0 : i32
        %dma_start3A_133 = tpu.memref_slice %arg4[%mul3A_129, %dma_start3A_132] : memref<40000x128xf32, #tpu.memory_space<hbm>> -> memref<8x128xf32, #tpu.memory_space<hbm>>
        tpu.enqueue_dma source(%arg11 : memref<8x128xf32, #tpu.memory_space<vmem>>) target(%dma_start3A_133 : memref<8x128xf32, #tpu.memory_space<hbm>>) target_semaphore(%arg19 : memref<!tpu.dma_semaphore, #tpu.memory_space<semaphore_mem>>)
        %add3A_134 = arith.constant 4 : i32
        %add3A_135 = arith.addi %add3A_92, %add3A_134 : i32
        %lt3A_136 = arith.cmpi slt, %add3A_135, %add3A_8 : i32
        %convert_element_type3A_137 = arith.extui %lt3A_136 : i1 to i32
        %cond3A_138 = arith.constant 0 : i32
        %cond3A_139 = arith.cmpi ne, %convert_element_type3A_137, %cond3A_138 : i32
        scf.if %cond3A_139 {
          %add3A_140 = arith.constant 4 : i32
          %add3A_141 = arith.addi %add3A_92, %add3A_140 : i32
          %mul3A_142 = arith.constant 128 : i32
          %mul3A_143 = arith.muli %add3A_141, %mul3A_142 : i32
          %dma_start3A_144 = tpu.memref_slice %arg5[%mul3A_143] : memref<20096xi32, #tpu.memory_space<vmem>> -> memref<128xi32, #tpu.memory_space<vmem>>
          %dma_start3A_145 = arith.constant 0 : i32
          %dma_start3A_146 = arith.constant 0 : i32
          %dma_start3A_147 = tpu.memref_slice %arg2[%dma_start3A_145, %dma_start3A_146] : memref<40000x128xf32, #tpu.memory_space<hbm>> -> memref<40000x128xf32, #tpu.memory_space<hbm>>
          tpu.enqueue_indirect_dma source(%dma_start3A_147 : memref<40000x128xf32, #tpu.memory_space<hbm>>) target(%arg7 : memref<128x128xf32, #tpu.memory_space<vmem>>) offsets(%dma_start3A_144 : memref<128xi32, #tpu.memory_space<vmem>>) semaphore(%arg15 : memref<!tpu.dma_semaphore, #tpu.memory_space<semaphore_mem>>)
        } else {
        }
      } else {
      }
      %mul3A_97 = arith.constant 4 : i32
      %mul3A_98 = arith.muli %add3A_80, %mul3A_97 : i32
      %add3A_99 = arith.constant 2 : i32
      %add3A_100 = arith.addi %mul3A_98, %add3A_99 : i32
      %lt3A_101 = arith.cmpi slt, %add3A_100, %add3A_8 : i32
      %convert_element_type3A_102 = arith.extui %lt3A_101 : i1 to i32
      %cond3A_103 = arith.constant 0 : i32
      %cond3A_104 = arith.cmpi ne, %convert_element_type3A_102, %cond3A_103 : i32
      scf.if %cond3A_104 {
        %dma_wait3A_113 = arith.constant 0 : i32
        %dma_wait3A_114 = tpu.memref_slice %arg5[%dma_wait3A_113] : memref<20096xi32, #tpu.memory_space<vmem>> -> memref<128xi32, #tpu.memory_space<vmem>>
        %dma_wait3A_115 = arith.constant 0 : i32
        %dma_wait3A_116 = arith.constant 0 : i32
        %dma_wait3A_117 = tpu.memref_slice %arg2[%dma_wait3A_115, %dma_wait3A_116] : memref<40000x128xf32, #tpu.memory_space<hbm>> -> memref<40000x128xf32, #tpu.memory_space<hbm>>
        tpu.wait_indirect_dma semaphore(%arg16 : memref<!tpu.dma_semaphore, #tpu.memory_space<semaphore_mem>>) src(%dma_wait3A_117 : memref<40000x128xf32, #tpu.memory_space<hbm>>) dst(%arg8 : memref<128x128xf32, #tpu.memory_space<vmem>>)
        %ge3A = arith.constant 4 : i32
        %ge3A_118 = arith.cmpi sge, %add3A_100, %ge3A : i32
        %convert_element_type3A_119 = arith.extui %ge3A_118 : i1 to i32
        %cond3A_120 = arith.constant 0 : i32
        %cond3A_121 = arith.cmpi ne, %convert_element_type3A_119, %cond3A_120 : i32
        scf.if %cond3A_121 {
          %dma_wait3A_140 = arith.constant 0 : i32
          %dma_wait3A_141 = arith.constant 0 : i32
          %dma_wait3A_142 = tpu.memref_slice %arg4[%dma_wait3A_140, %dma_wait3A_141] : memref<40000x128xf32, #tpu.memory_space<hbm>> -> memref<8x128xf32, #tpu.memory_space<hbm>>
          %dma_wait3A_143 = arith.constant 0 : i32
          %dma_wait3A_144 = arith.constant 0 : i32
          %dma_wait3A_145 = tpu.memref_slice %arg4[%dma_wait3A_143, %dma_wait3A_144] : memref<40000x128xf32, #tpu.memory_space<hbm>> -> memref<8x128xf32, #tpu.memory_space<hbm>>
          tpu.wait_dma2 semaphore(%arg20 : memref<!tpu.dma_semaphore, #tpu.memory_space<semaphore_mem>>) src(%arg12 : memref<8x128xf32, #tpu.memory_space<vmem>>) dst(%dma_wait3A_145 : memref<8x128xf32, #tpu.memory_space<hbm>>)
        } else {
        }
        %scan3A_122 = arith.constant 0 : i32
        %scan3A_123 = arith.constant 8 : i32
        %scan3A_124 = arith.addi %scan3A_122, %scan3A_123 : i32
        %scan3A_125 = arith.constant 1 : i32
        scf.for %scan3A_140 = %scan3A_122 to %scan3A_124 step %scan3A_125  : i32 {
          %mul3A_141 = arith.constant 1 : i32
          %mul3A_142 = arith.muli %scan3A_140, %mul3A_141 : i32
          %add3A_143 = arith.constant 0 : i32
          %add3A_144 = arith.addi %add3A_143, %mul3A_142 : i32
          %mul3A_145 = arith.constant 16 : i32
          %mul3A_146 = arith.muli %add3A_144, %mul3A_145 : i32
          %get3A = arith.index_cast %mul3A_146 : i32 to index
          %get3A_147 = arith.constant 0 : index
          %get3A_148 = tpu.vector_load %arg8[%get3A, %get3A_147] {strides = array<i32>} : memref<128x128xf32, #tpu.memory_space<vmem>>, vector<1x16xf32>,
          %get3A_149 = vector.shape_cast %get3A_148 : vector<1x16xf32> to vector<16xf32>
          %mul3A_150 = arith.constant 16 : i32
          %mul3A_151 = arith.muli %add3A_144, %mul3A_150 : i32
          %get3A_152 = arith.index_cast %mul3A_151 : i32 to index
          %get3A_153 = arith.constant 16 : index
          %get3A_154 = tpu.vector_load %arg8[%get3A_152, %get3A_153] {strides = array<i32>} : memref<128x128xf32, #tpu.memory_space<vmem>>, vector<1x16xf32>,
          %get3A_155 = vector.shape_cast %get3A_154 : vector<1x16xf32> to vector<16xf32>
          %mul3A_156 = arith.constant 16 : i32
          %mul3A_157 = arith.muli %add3A_144, %mul3A_156 : i32
          %get3A_158 = arith.index_cast %mul3A_157 : i32 to index
          %get3A_159 = arith.constant 32 : index
          %get3A_160 = tpu.vector_load %arg8[%get3A_158, %get3A_159] {strides = array<i32>} : memref<128x128xf32, #tpu.memory_space<vmem>>, vector<1x16xf32>,
          %get3A_161 = vector.shape_cast %get3A_160 : vector<1x16xf32> to vector<16xf32>
          %mul3A_162 = arith.constant 16 : i32
          %mul3A_163 = arith.muli %add3A_144, %mul3A_162 : i32
          %get3A_164 = arith.index_cast %mul3A_163 : i32 to index
          %get3A_165 = arith.constant 48 : index
          %get3A_166 = tpu.vector_load %arg8[%get3A_164, %get3A_165] {strides = array<i32>} : memref<128x128xf32, #tpu.memory_space<vmem>>, vector<1x16xf32>,
          %get3A_167 = vector.shape_cast %get3A_166 : vector<1x16xf32> to vector<16xf32>
          %mul3A_168 = arith.constant 16 : i32
          %mul3A_169 = arith.muli %add3A_144, %mul3A_168 : i32
          %get3A_170 = arith.index_cast %mul3A_169 : i32 to index
          %get3A_171 = arith.constant 64 : index
          %get3A_172 = tpu.vector_load %arg8[%get3A_170, %get3A_171] {strides = array<i32>} : memref<128x128xf32, #tpu.memory_space<vmem>>, vector<1x16xf32>,
          %get3A_173 = vector.shape_cast %get3A_172 : vector<1x16xf32> to vector<16xf32>
          %mul3A_174 = arith.constant 16 : i32
          %mul3A_175 = arith.muli %add3A_144, %mul3A_174 : i32
          %get3A_176 = arith.index_cast %mul3A_175 : i32 to index
          %get3A_177 = arith.constant 80 : index
          %get3A_178 = tpu.vector_load %arg8[%get3A_176, %get3A_177] {strides = array<i32>} : memref<128x128xf32, #tpu.memory_space<vmem>>, vector<1x16xf32>,
          %get3A_179 = vector.shape_cast %get3A_178 : vector<1x16xf32> to vector<16xf32>
          %mul3A_180 = arith.constant 16 : i32
          %mul3A_181 = arith.muli %add3A_144, %mul3A_180 : i32
          %get3A_182 = arith.index_cast %mul3A_181 : i32 to index
          %get3A_183 = arith.constant 96 : index
          %get3A_184 = tpu.vector_load %arg8[%get3A_182, %get3A_183] {strides = array<i32>} : memref<128x128xf32, #tpu.memory_space<vmem>>, vector<1x16xf32>,
          %get3A_185 = vector.shape_cast %get3A_184 : vector<1x16xf32> to vector<16xf32>
          %mul3A_186 = arith.constant 16 : i32
          %mul3A_187 = arith.muli %add3A_144, %mul3A_186 : i32
          %get3A_188 = arith.index_cast %mul3A_187 : i32 to index
          %get3A_189 = arith.constant 112 : index
          %get3A_190 = tpu.vector_load %arg8[%get3A_188, %get3A_189] {strides = array<i32>} : memref<128x128xf32, #tpu.memory_space<vmem>>, vector<1x16xf32>,
          %get3A_191 = vector.shape_cast %get3A_190 : vector<1x16xf32> to vector<16xf32>
          %mul3A_192 = arith.constant 16 : i32
          %mul3A_193 = arith.muli %add3A_144, %mul3A_192 : i32
          %add3A_194 = arith.constant 1 : i32
          %add3A_195 = arith.addi %mul3A_193, %add3A_194 : i32
          %get3A_196 = arith.index_cast %add3A_195 : i32 to index
          %get3A_197 = arith.constant 0 : index
          %get3A_198 = tpu.vector_load %arg8[%get3A_196, %get3A_197] {strides = array<i32>} : memref<128x128xf32, #tpu.memory_space<vmem>>, vector<1x16xf32>,
          %get3A_199 = vector.shape_cast %get3A_198 : vector<1x16xf32> to vector<16xf32>
          %add3A_200 = arith.addf %get3A_149, %get3A_199 : vector<16xf32>
          %mul3A_201 = arith.constant 16 : i32
          %mul3A_202 = arith.muli %add3A_144, %mul3A_201 : i32
          %add3A_203 = arith.constant 1 : i32
          %add3A_204 = arith.addi %mul3A_202, %add3A_203 : i32
          %get3A_205 = arith.index_cast %add3A_204 : i32 to index
          %get3A_206 = arith.constant 16 : index
          %get3A_207 = tpu.vector_load %arg8[%get3A_205, %get3A_206] {strides = array<i32>} : memref<128x128xf32, #tpu.memory_space<vmem>>, vector<1x16xf32>,
          %get3A_208 = vector.shape_cast %get3A_207 : vector<1x16xf32> to vector<16xf32>
          %add3A_209 = arith.addf %get3A_155, %get3A_208 : vector<16xf32>
          %mul3A_210 = arith.constant 16 : i32
          %mul3A_211 = arith.muli %add3A_144, %mul3A_210 : i32
          %add3A_212 = arith.constant 1 : i32
          %add3A_213 = arith.addi %mul3A_211, %add3A_212 : i32
          %get3A_214 = arith.index_cast %add3A_213 : i32 to index
          %get3A_215 = arith.constant 32 : index
          %get3A_216 = tpu.vector_load %arg8[%get3A_214, %get3A_215] {strides = array<i32>} : memref<128x128xf32, #tpu.memory_space<vmem>>, vector<1x16xf32>,
          %get3A_217 = vector.shape_cast %get3A_216 : vector<1x16xf32> to vector<16xf32>
          %add3A_218 = arith.addf %get3A_161, %get3A_217 : vector<16xf32>
          %mul3A_219 = arith.constant 16 : i32
          %mul3A_220 = arith.muli %add3A_144, %mul3A_219 : i32
          %add3A_221 = arith.constant 1 : i32
          %add3A_222 = arith.addi %mul3A_220, %add3A_221 : i32
          %get3A_223 = arith.index_cast %add3A_222 : i32 to index
          %get3A_224 = arith.constant 48 : index
          %get3A_225 = tpu.vector_load %arg8[%get3A_223, %get3A_224] {strides = array<i32>} : memref<128x128xf32, #tpu.memory_space<vmem>>, vector<1x16xf32>,
          %get3A_226 = vector.shape_cast %get3A_225 : vector<1x16xf32> to vector<16xf32>
          %add3A_227 = arith.addf %get3A_167, %get3A_226 : vector<16xf32>
          %mul3A_228 = arith.constant 16 : i32
          %mul3A_229 = arith.muli %add3A_144, %mul3A_228 : i32
          %add3A_230 = arith.constant 1 : i32
          %add3A_231 = arith.addi %mul3A_229, %add3A_230 : i32
          %get3A_232 = arith.index_cast %add3A_231 : i32 to index
          %get3A_233 = arith.constant 64 : index
          %get3A_234 = tpu.vector_load %arg8[%get3A_232, %get3A_233] {strides = array<i32>} : memref<128x128xf32, #tpu.memory_space<vmem>>, vector<1x16xf32>,
          %get3A_235 = vector.shape_cast %get3A_234 : vector<1x16xf32> to vector<16xf32>
          %add3A_236 = arith.addf %get3A_173, %get3A_235 : vector<16xf32>
          %mul3A_237 = arith.constant 16 : i32
          %mul3A_238 = arith.muli %add3A_144, %mul3A_237 : i32
          %add3A_239 = arith.constant 1 : i32
          %add3A_240 = arith.addi %mul3A_238, %add3A_239 : i32
          %get3A_241 = arith.index_cast %add3A_240 : i32 to index
          %get3A_242 = arith.constant 80 : index
          %get3A_243 = tpu.vector_load %arg8[%get3A_241, %get3A_242] {strides = array<i32>} : memref<128x128xf32, #tpu.memory_space<vmem>>, vector<1x16xf32>,
          %get3A_244 = vector.shape_cast %get3A_243 : vector<1x16xf32> to vector<16xf32>
          %add3A_245 = arith.addf %get3A_179, %get3A_244 : vector<16xf32>
          %mul3A_246 = arith.constant 16 : i32
          %mul3A_247 = arith.muli %add3A_144, %mul3A_246 : i32
          %add3A_248 = arith.constant 1 : i32
          %add3A_249 = arith.addi %mul3A_247, %add3A_248 : i32
          %get3A_250 = arith.index_cast %add3A_249 : i32 to index
          %get3A_251 = arith.constant 96 : index
          %get3A_252 = tpu.vector_load %arg8[%get3A_250, %get3A_251] {strides = array<i32>} : memref<128x128xf32, #tpu.memory_space<vmem>>, vector<1x16xf32>,
          %get3A_253 = vector.shape_cast %get3A_252 : vector<1x16xf32> to vector<16xf32>
          %add3A_254 = arith.addf %get3A_185, %get3A_253 : vector<16xf32>
          %mul3A_255 = arith.constant 16 : i32
          %mul3A_256 = arith.muli %add3A_144, %mul3A_255 : i32
          %add3A_257 = arith.constant 1 : i32
          %add3A_258 = arith.addi %mul3A_256, %add3A_257 : i32
          %get3A_259 = arith.index_cast %add3A_258 : i32 to index
          %get3A_260 = arith.constant 112 : index
          %get3A_261 = tpu.vector_load %arg8[%get3A_259, %get3A_260] {strides = array<i32>} : memref<128x128xf32, #tpu.memory_space<vmem>>, vector<1x16xf32>,
          %get3A_262 = vector.shape_cast %get3A_261 : vector<1x16xf32> to vector<16xf32>
          %add3A_263 = arith.addf %get3A_191, %get3A_262 : vector<16xf32>
          %mul3A_264 = arith.constant 16 : i32
          %mul3A_265 = arith.muli %add3A_144, %mul3A_264 : i32
          %add3A_266 = arith.constant 2 : i32
          %add3A_267 = arith.addi %mul3A_265, %add3A_266 : i32
          %get3A_268 = arith.index_cast %add3A_267 : i32 to index
          %get3A_269 = arith.constant 0 : index
          %get3A_270 = tpu.vector_load %arg8[%get3A_268, %get3A_269] {strides = array<i32>} : memref<128x128xf32, #tpu.memory_space<vmem>>, vector<1x16xf32>,
          %get3A_271 = vector.shape_cast %get3A_270 : vector<1x16xf32> to vector<16xf32>
          %add3A_272 = arith.addf %add3A_200, %get3A_271 : vector<16xf32>
          %mul3A_273 = arith.constant 16 : i32
          %mul3A_274 = arith.muli %add3A_144, %mul3A_273 : i32
          %add3A_275 = arith.constant 2 : i32
          %add3A_276 = arith.addi %mul3A_274, %add3A_275 : i32
          %get3A_277 = arith.index_cast %add3A_276 : i32 to index
          %get3A_278 = arith.constant 16 : index
          %get3A_279 = tpu.vector_load %arg8[%get3A_277, %get3A_278] {strides = array<i32>} : memref<128x128xf32, #tpu.memory_space<vmem>>, vector<1x16xf32>,
          %get3A_280 = vector.shape_cast %get3A_279 : vector<1x16xf32> to vector<16xf32>
          %add3A_281 = arith.addf %add3A_209, %get3A_280 : vector<16xf32>
          %mul3A_282 = arith.constant 16 : i32
          %mul3A_283 = arith.muli %add3A_144, %mul3A_282 : i32
          %add3A_284 = arith.constant 2 : i32
          %add3A_285 = arith.addi %mul3A_283, %add3A_284 : i32
          %get3A_286 = arith.index_cast %add3A_285 : i32 to index
          %get3A_287 = arith.constant 32 : index
          %get3A_288 = tpu.vector_load %arg8[%get3A_286, %get3A_287] {strides = array<i32>} : memref<128x128xf32, #tpu.memory_space<vmem>>, vector<1x16xf32>,
          %get3A_289 = vector.shape_cast %get3A_288 : vector<1x16xf32> to vector<16xf32>
          %add3A_290 = arith.addf %add3A_218, %get3A_289 : vector<16xf32>
          %mul3A_291 = arith.constant 16 : i32
          %mul3A_292 = arith.muli %add3A_144, %mul3A_291 : i32
          %add3A_293 = arith.constant 2 : i32
          %add3A_294 = arith.addi %mul3A_292, %add3A_293 : i32
          %get3A_295 = arith.index_cast %add3A_294 : i32 to index
          %get3A_296 = arith.constant 48 : index
          %get3A_297 = tpu.vector_load %arg8[%get3A_295, %get3A_296] {strides = array<i32>} : memref<128x128xf32, #tpu.memory_space<vmem>>, vector<1x16xf32>,
          %get3A_298 = vector.shape_cast %get3A_297 : vector<1x16xf32> to vector<16xf32>
          %add3A_299 = arith.addf %add3A_227, %get3A_298 : vector<16xf32>
          %mul3A_300 = arith.constant 16 : i32
          %mul3A_301 = arith.muli %add3A_144, %mul3A_300 : i32
          %add3A_302 = arith.constant 2 : i32
          %add3A_303 = arith.addi %mul3A_301, %add3A_302 : i32
          %get3A_304 = arith.index_cast %add3A_303 : i32 to index
          %get3A_305 = arith.constant 64 : index
          %get3A_306 = tpu.vector_load %arg8[%get3A_304, %get3A_305] {strides = array<i32>} : memref<128x128xf32, #tpu.memory_space<vmem>>, vector<1x16xf32>,
          %get3A_307 = vector.shape_cast %get3A_306 : vector<1x16xf32> to vector<16xf32>
          %add3A_308 = arith.addf %add3A_236, %get3A_307 : vector<16xf32>
          %mul3A_309 = arith.constant 16 : i32
          %mul3A_310 = arith.muli %add3A_144, %mul3A_309 : i32
          %add3A_311 = arith.constant 2 : i32
          %add3A_312 = arith.addi %mul3A_310, %add3A_311 : i32
          %get3A_313 = arith.index_cast %add3A_312 : i32 to index
          %get3A_314 = arith.constant 80 : index
          %get3A_315 = tpu.vector_load %arg8[%get3A_313, %get3A_314] {strides = array<i32>} : memref<128x128xf32, #tpu.memory_space<vmem>>, vector<1x16xf32>,
          %get3A_316 = vector.shape_cast %get3A_315 : vector<1x16xf32> to vector<16xf32>
          %add3A_317 = arith.addf %add3A_245, %get3A_316 : vector<16xf32>
          %mul3A_318 = arith.constant 16 : i32
          %mul3A_319 = arith.muli %add3A_144, %mul3A_318 : i32
          %add3A_320 = arith.constant 2 : i32
          %add3A_321 = arith.addi %mul3A_319, %add3A_320 : i32
          %get3A_322 = arith.index_cast %add3A_321 : i32 to index
          %get3A_323 = arith.constant 96 : index
          %get3A_324 = tpu.vector_load %arg8[%get3A_322, %get3A_323] {strides = array<i32>} : memref<128x128xf32, #tpu.memory_space<vmem>>, vector<1x16xf32>,
          %get3A_325 = vector.shape_cast %get3A_324 : vector<1x16xf32> to vector<16xf32>
          %add3A_326 = arith.addf %add3A_254, %get3A_325 : vector<16xf32>
          %mul3A_327 = arith.constant 16 : i32
          %mul3A_328 = arith.muli %add3A_144, %mul3A_327 : i32
          %add3A_329 = arith.constant 2 : i32
          %add3A_330 = arith.addi %mul3A_328, %add3A_329 : i32
          %get3A_331 = arith.index_cast %add3A_330 : i32 to index
          %get3A_332 = arith.constant 112 : index
          %get3A_333 = tpu.vector_load %arg8[%get3A_331, %get3A_332] {strides = array<i32>} : memref<128x128xf32, #tpu.memory_space<vmem>>, vector<1x16xf32>,
          %get3A_334 = vector.shape_cast %get3A_333 : vector<1x16xf32> to vector<16xf32>
          %add3A_335 = arith.addf %add3A_263, %get3A_334 : vector<16xf32>
          %mul3A_336 = arith.constant 16 : i32
          %mul3A_337 = arith.muli %add3A_144, %mul3A_336 : i32
          %add3A_338 = arith.constant 3 : i32
          %add3A_339 = arith.addi %mul3A_337, %add3A_338 : i32
          %get3A_340 = arith.index_cast %add3A_339 : i32 to index
          %get3A_341 = arith.constant 0 : index
          %get3A_342 = tpu.vector_load %arg8[%get3A_340, %get3A_341] {strides = array<i32>} : memref<128x128xf32, #tpu.memory_space<vmem>>, vector<1x16xf32>,
          %get3A_343 = vector.shape_cast %get3A_342 : vector<1x16xf32> to vector<16xf32>
          %add3A_344 = arith.addf %add3A_272, %get3A_343 : vector<16xf32>
          %mul3A_345 = arith.constant 16 : i32
          %mul3A_346 = arith.muli %add3A_144, %mul3A_345 : i32
          %add3A_347 = arith.constant 3 : i32
          %add3A_348 = arith.addi %mul3A_346, %add3A_347 : i32
          %get3A_349 = arith.index_cast %add3A_348 : i32 to index
          %get3A_350 = arith.constant 16 : index
          %get3A_351 = tpu.vector_load %arg8[%get3A_349, %get3A_350] {strides = array<i32>} : memref<128x128xf32, #tpu.memory_space<vmem>>, vector<1x16xf32>,
          %get3A_352 = vector.shape_cast %get3A_351 : vector<1x16xf32> to vector<16xf32>
          %add3A_353 = arith.addf %add3A_281, %get3A_352 : vector<16xf32>
          %mul3A_354 = arith.constant 16 : i32
          %mul3A_355 = arith.muli %add3A_144, %mul3A_354 : i32
          %add3A_356 = arith.constant 3 : i32
          %add3A_357 = arith.addi %mul3A_355, %add3A_356 : i32
          %get3A_358 = arith.index_cast %add3A_357 : i32 to index
          %get3A_359 = arith.constant 32 : index
          %get3A_360 = tpu.vector_load %arg8[%get3A_358, %get3A_359] {strides = array<i32>} : memref<128x128xf32, #tpu.memory_space<vmem>>, vector<1x16xf32>,
          %get3A_361 = vector.shape_cast %get3A_360 : vector<1x16xf32> to vector<16xf32>
          %add3A_362 = arith.addf %add3A_290, %get3A_361 : vector<16xf32>
          %mul3A_363 = arith.constant 16 : i32
          %mul3A_364 = arith.muli %add3A_144, %mul3A_363 : i32
          %add3A_365 = arith.constant 3 : i32
          %add3A_366 = arith.addi %mul3A_364, %add3A_365 : i32
          %get3A_367 = arith.index_cast %add3A_366 : i32 to index
          %get3A_368 = arith.constant 48 : index
          %get3A_369 = tpu.vector_load %arg8[%get3A_367, %get3A_368] {strides = array<i32>} : memref<128x128xf32, #tpu.memory_space<vmem>>, vector<1x16xf32>,
          %get3A_370 = vector.shape_cast %get3A_369 : vector<1x16xf32> to vector<16xf32>
          %add3A_371 = arith.addf %add3A_299, %get3A_370 : vector<16xf32>
          %mul3A_372 = arith.constant 16 : i32
          %mul3A_373 = arith.muli %add3A_144, %mul3A_372 : i32
          %add3A_374 = arith.constant 3 : i32
          %add3A_375 = arith.addi %mul3A_373, %add3A_374 : i32
          %get3A_376 = arith.index_cast %add3A_375 : i32 to index
          %get3A_377 = arith.constant 64 : index
          %get3A_378 = tpu.vector_load %arg8[%get3A_376, %get3A_377] {strides = array<i32>} : memref<128x128xf32, #tpu.memory_space<vmem>>, vector<1x16xf32>,
          %get3A_379 = vector.shape_cast %get3A_378 : vector<1x16xf32> to vector<16xf32>
          %add3A_380 = arith.addf %add3A_308, %get3A_379 : vector<16xf32>
          %mul3A_381 = arith.constant 16 : i32
          %mul3A_382 = arith.muli %add3A_144, %mul3A_381 : i32
          %add3A_383 = arith.constant 3 : i32
          %add3A_384 = arith.addi %mul3A_382, %add3A_383 : i32
          %get3A_385 = arith.index_cast %add3A_384 : i32 to index
          %get3A_386 = arith.constant 80 : index
          %get3A_387 = tpu.vector_load %arg8[%get3A_385, %get3A_386] {strides = array<i32>} : memref<128x128xf32, #tpu.memory_space<vmem>>, vector<1x16xf32>,
          %get3A_388 = vector.shape_cast %get3A_387 : vector<1x16xf32> to vector<16xf32>
          %add3A_389 = arith.addf %add3A_317, %get3A_388 : vector<16xf32>
          %mul3A_390 = arith.constant 16 : i32
          %mul3A_391 = arith.muli %add3A_144, %mul3A_390 : i32
          %add3A_392 = arith.constant 3 : i32
          %add3A_393 = arith.addi %mul3A_391, %add3A_392 : i32
          %get3A_394 = arith.index_cast %add3A_393 : i32 to index
          %get3A_395 = arith.constant 96 : index
          %get3A_396 = tpu.vector_load %arg8[%get3A_394, %get3A_395] {strides = array<i32>} : memref<128x128xf32, #tpu.memory_space<vmem>>, vector<1x16xf32>,
          %get3A_397 = vector.shape_cast %get3A_396 : vector<1x16xf32> to vector<16xf32>
          %add3A_398 = arith.addf %add3A_326, %get3A_397 : vector<16xf32>
          %mul3A_399 = arith.constant 16 : i32
          %mul3A_400 = arith.muli %add3A_144, %mul3A_399 : i32
          %add3A_401 = arith.constant 3 : i32
          %add3A_402 = arith.addi %mul3A_400, %add3A_401 : i32
          %get3A_403 = arith.index_cast %add3A_402 : i32 to index
          %get3A_404 = arith.constant 112 : index
          %get3A_405 = tpu.vector_load %arg8[%get3A_403, %get3A_404] {strides = array<i32>} : memref<128x128xf32, #tpu.memory_space<vmem>>, vector<1x16xf32>,
          %get3A_406 = vector.shape_cast %get3A_405 : vector<1x16xf32> to vector<16xf32>
          %add3A_407 = arith.addf %add3A_335, %get3A_406 : vector<16xf32>
          %mul3A_408 = arith.constant 16 : i32
          %mul3A_409 = arith.muli %add3A_144, %mul3A_408 : i32
          %add3A_410 = arith.constant 4 : i32
          %add3A_411 = arith.addi %mul3A_409, %add3A_410 : i32
          %get3A_412 = arith.index_cast %add3A_411 : i32 to index
          %get3A_413 = arith.constant 0 : index
          %get3A_414 = tpu.vector_load %arg8[%get3A_412, %get3A_413] {strides = array<i32>} : memref<128x128xf32, #tpu.memory_space<vmem>>, vector<1x16xf32>,
          %get3A_415 = vector.shape_cast %get3A_414 : vector<1x16xf32> to vector<16xf32>
          %add3A_416 = arith.addf %add3A_344, %get3A_415 : vector<16xf32>
          %mul3A_417 = arith.constant 16 : i32
          %mul3A_418 = arith.muli %add3A_144, %mul3A_417 : i32
          %add3A_419 = arith.constant 4 : i32
          %add3A_420 = arith.addi %mul3A_418, %add3A_419 : i32
          %get3A_421 = arith.index_cast %add3A_420 : i32 to index
          %get3A_422 = arith.constant 16 : index
          %get3A_423 = tpu.vector_load %arg8[%get3A_421, %get3A_422] {strides = array<i32>} : memref<128x128xf32, #tpu.memory_space<vmem>>, vector<1x16xf32>,
          %get3A_424 = vector.shape_cast %get3A_423 : vector<1x16xf32> to vector<16xf32>
          %add3A_425 = arith.addf %add3A_353, %get3A_424 : vector<16xf32>
          %mul3A_426 = arith.constant 16 : i32
          %mul3A_427 = arith.muli %add3A_144, %mul3A_426 : i32
          %add3A_428 = arith.constant 4 : i32
          %add3A_429 = arith.addi %mul3A_427, %add3A_428 : i32
          %get3A_430 = arith.index_cast %add3A_429 : i32 to index
          %get3A_431 = arith.constant 32 : index
          %get3A_432 = tpu.vector_load %arg8[%get3A_430, %get3A_431] {strides = array<i32>} : memref<128x128xf32, #tpu.memory_space<vmem>>, vector<1x16xf32>,
          %get3A_433 = vector.shape_cast %get3A_432 : vector<1x16xf32> to vector<16xf32>
          %add3A_434 = arith.addf %add3A_362, %get3A_433 : vector<16xf32>
          %mul3A_435 = arith.constant 16 : i32
          %mul3A_436 = arith.muli %add3A_144, %mul3A_435 : i32
          %add3A_437 = arith.constant 4 : i32
          %add3A_438 = arith.addi %mul3A_436, %add3A_437 : i32
          %get3A_439 = arith.index_cast %add3A_438 : i32 to index
          %get3A_440 = arith.constant 48 : index
          %get3A_441 = tpu.vector_load %arg8[%get3A_439, %get3A_440] {strides = array<i32>} : memref<128x128xf32, #tpu.memory_space<vmem>>, vector<1x16xf32>,
          %get3A_442 = vector.shape_cast %get3A_441 : vector<1x16xf32> to vector<16xf32>
          %add3A_443 = arith.addf %add3A_371, %get3A_442 : vector<16xf32>
          %mul3A_444 = arith.constant 16 : i32
          %mul3A_445 = arith.muli %add3A_144, %mul3A_444 : i32
          %add3A_446 = arith.constant 4 : i32
          %add3A_447 = arith.addi %mul3A_445, %add3A_446 : i32
          %get3A_448 = arith.index_cast %add3A_447 : i32 to index
          %get3A_449 = arith.constant 64 : index
          %get3A_450 = tpu.vector_load %arg8[%get3A_448, %get3A_449] {strides = array<i32>} : memref<128x128xf32, #tpu.memory_space<vmem>>, vector<1x16xf32>,
          %get3A_451 = vector.shape_cast %get3A_450 : vector<1x16xf32> to vector<16xf32>
          %add3A_452 = arith.addf %add3A_380, %get3A_451 : vector<16xf32>
          %mul3A_453 = arith.constant 16 : i32
          %mul3A_454 = arith.muli %add3A_144, %mul3A_453 : i32
          %add3A_455 = arith.constant 4 : i32
          %add3A_456 = arith.addi %mul3A_454, %add3A_455 : i32
          %get3A_457 = arith.index_cast %add3A_456 : i32 to index
          %get3A_458 = arith.constant 80 : index
          %get3A_459 = tpu.vector_load %arg8[%get3A_457, %get3A_458] {strides = array<i32>} : memref<128x128xf32, #tpu.memory_space<vmem>>, vector<1x16xf32>,
          %get3A_460 = vector.shape_cast %get3A_459 : vector<1x16xf32> to vector<16xf32>
          %add3A_461 = arith.addf %add3A_389, %get3A_460 : vector<16xf32>
          %mul3A_462 = arith.constant 16 : i32
          %mul3A_463 = arith.muli %add3A_144, %mul3A_462 : i32
          %add3A_464 = arith.constant 4 : i32
          %add3A_465 = arith.addi %mul3A_463, %add3A_464 : i32
          %get3A_466 = arith.index_cast %add3A_465 : i32 to index
          %get3A_467 = arith.constant 96 : index
          %get3A_468 = tpu.vector_load %arg8[%get3A_466, %get3A_467] {strides = array<i32>} : memref<128x128xf32, #tpu.memory_space<vmem>>, vector<1x16xf32>,
          %get3A_469 = vector.shape_cast %get3A_468 : vector<1x16xf32> to vector<16xf32>
          %add3A_470 = arith.addf %add3A_398, %get3A_469 : vector<16xf32>
          %mul3A_471 = arith.constant 16 : i32
          %mul3A_472 = arith.muli %add3A_144, %mul3A_471 : i32
          %add3A_473 = arith.constant 4 : i32
          %add3A_474 = arith.addi %mul3A_472, %add3A_473 : i32
          %get3A_475 = arith.index_cast %add3A_474 : i32 to index
          %get3A_476 = arith.constant 112 : index
          %get3A_477 = tpu.vector_load %arg8[%get3A_475, %get3A_476] {strides = array<i32>} : memref<128x128xf32, #tpu.memory_space<vmem>>, vector<1x16xf32>,
          %get3A_478 = vector.shape_cast %get3A_477 : vector<1x16xf32> to vector<16xf32>
          %add3A_479 = arith.addf %add3A_407, %get3A_478 : vector<16xf32>
          %mul3A_480 = arith.constant 16 : i32
          %mul3A_481 = arith.muli %add3A_144, %mul3A_480 : i32
          %add3A_482 = arith.constant 5 : i32
          %add3A_483 = arith.addi %mul3A_481, %add3A_482 : i32
          %get3A_484 = arith.index_cast %add3A_483 : i32 to index
          %get3A_485 = arith.constant 0 : index
          %get3A_486 = tpu.vector_load %arg8[%get3A_484, %get3A_485] {strides = array<i32>} : memref<128x128xf32, #tpu.memory_space<vmem>>, vector<1x16xf32>,
          %get3A_487 = vector.shape_cast %get3A_486 : vector<1x16xf32> to vector<16xf32>
          %add3A_488 = arith.addf %add3A_416, %get3A_487 : vector<16xf32>
          %mul3A_489 = arith.constant 16 : i32
          %mul3A_490 = arith.muli %add3A_144, %mul3A_489 : i32
          %add3A_491 = arith.constant 5 : i32
          %add3A_492 = arith.addi %mul3A_490, %add3A_491 : i32
          %get3A_493 = arith.index_cast %add3A_492 : i32 to index
          %get3A_494 = arith.constant 16 : index
          %get3A_495 = tpu.vector_load %arg8[%get3A_493, %get3A_494] {strides = array<i32>} : memref<128x128xf32, #tpu.memory_space<vmem>>, vector<1x16xf32>,
          %get3A_496 = vector.shape_cast %get3A_495 : vector<1x16xf32> to vector<16xf32>
          %add3A_497 = arith.addf %add3A_425, %get3A_496 : vector<16xf32>
          %mul3A_498 = arith.constant 16 : i32
          %mul3A_499 = arith.muli %add3A_144, %mul3A_498 : i32
          %add3A_500 = arith.constant 5 : i32
          %add3A_501 = arith.addi %mul3A_499, %add3A_500 : i32
          %get3A_502 = arith.index_cast %add3A_501 : i32 to index
          %get3A_503 = arith.constant 32 : index
          %get3A_504 = tpu.vector_load %arg8[%get3A_502, %get3A_503] {strides = array<i32>} : memref<128x128xf32, #tpu.memory_space<vmem>>, vector<1x16xf32>,
          %get3A_505 = vector.shape_cast %get3A_504 : vector<1x16xf32> to vector<16xf32>
          %add3A_506 = arith.addf %add3A_434, %get3A_505 : vector<16xf32>
          %mul3A_507 = arith.constant 16 : i32
          %mul3A_508 = arith.muli %add3A_144, %mul3A_507 : i32
          %add3A_509 = arith.constant 5 : i32
          %add3A_510 = arith.addi %mul3A_508, %add3A_509 : i32
          %get3A_511 = arith.index_cast %add3A_510 : i32 to index
          %get3A_512 = arith.constant 48 : index
          %get3A_513 = tpu.vector_load %arg8[%get3A_511, %get3A_512] {strides = array<i32>} : memref<128x128xf32, #tpu.memory_space<vmem>>, vector<1x16xf32>,
          %get3A_514 = vector.shape_cast %get3A_513 : vector<1x16xf32> to vector<16xf32>
          %add3A_515 = arith.addf %add3A_443, %get3A_514 : vector<16xf32>
          %mul3A_516 = arith.constant 16 : i32
          %mul3A_517 = arith.muli %add3A_144, %mul3A_516 : i32
          %add3A_518 = arith.constant 5 : i32
          %add3A_519 = arith.addi %mul3A_517, %add3A_518 : i32
          %get3A_520 = arith.index_cast %add3A_519 : i32 to index
          %get3A_521 = arith.constant 64 : index
          %get3A_522 = tpu.vector_load %arg8[%get3A_520, %get3A_521] {strides = array<i32>} : memref<128x128xf32, #tpu.memory_space<vmem>>, vector<1x16xf32>,
          %get3A_523 = vector.shape_cast %get3A_522 : vector<1x16xf32> to vector<16xf32>
          %add3A_524 = arith.addf %add3A_452, %get3A_523 : vector<16xf32>
          %mul3A_525 = arith.constant 16 : i32
          %mul3A_526 = arith.muli %add3A_144, %mul3A_525 : i32
          %add3A_527 = arith.constant 5 : i32
          %add3A_528 = arith.addi %mul3A_526, %add3A_527 : i32
          %get3A_529 = arith.index_cast %add3A_528 : i32 to index
          %get3A_530 = arith.constant 80 : index
          %get3A_531 = tpu.vector_load %arg8[%get3A_529, %get3A_530] {strides = array<i32>} : memref<128x128xf32, #tpu.memory_space<vmem>>, vector<1x16xf32>,
          %get3A_532 = vector.shape_cast %get3A_531 : vector<1x16xf32> to vector<16xf32>
          %add3A_533 = arith.addf %add3A_461, %get3A_532 : vector<16xf32>
          %mul3A_534 = arith.constant 16 : i32
          %mul3A_535 = arith.muli %add3A_144, %mul3A_534 : i32
          %add3A_536 = arith.constant 5 : i32
          %add3A_537 = arith.addi %mul3A_535, %add3A_536 : i32
          %get3A_538 = arith.index_cast %add3A_537 : i32 to index
          %get3A_539 = arith.constant 96 : index
          %get3A_540 = tpu.vector_load %arg8[%get3A_538, %get3A_539] {strides = array<i32>} : memref<128x128xf32, #tpu.memory_space<vmem>>, vector<1x16xf32>,
          %get3A_541 = vector.shape_cast %get3A_540 : vector<1x16xf32> to vector<16xf32>
          %add3A_542 = arith.addf %add3A_470, %get3A_541 : vector<16xf32>
          %mul3A_543 = arith.constant 16 : i32
          %mul3A_544 = arith.muli %add3A_144, %mul3A_543 : i32
          %add3A_545 = arith.constant 5 : i32
          %add3A_546 = arith.addi %mul3A_544, %add3A_545 : i32
          %get3A_547 = arith.index_cast %add3A_546 : i32 to index
          %get3A_548 = arith.constant 112 : index
          %get3A_549 = tpu.vector_load %arg8[%get3A_547, %get3A_548] {strides = array<i32>} : memref<128x128xf32, #tpu.memory_space<vmem>>, vector<1x16xf32>,
          %get3A_550 = vector.shape_cast %get3A_549 : vector<1x16xf32> to vector<16xf32>
          %add3A_551 = arith.addf %add3A_479, %get3A_550 : vector<16xf32>
          %mul3A_552 = arith.constant 16 : i32
          %mul3A_553 = arith.muli %add3A_144, %mul3A_552 : i32
          %add3A_554 = arith.constant 6 : i32
          %add3A_555 = arith.addi %mul3A_553, %add3A_554 : i32
          %get3A_556 = arith.index_cast %add3A_555 : i32 to index
          %get3A_557 = arith.constant 0 : index
          %get3A_558 = tpu.vector_load %arg8[%get3A_556, %get3A_557] {strides = array<i32>} : memref<128x128xf32, #tpu.memory_space<vmem>>, vector<1x16xf32>,
          %get3A_559 = vector.shape_cast %get3A_558 : vector<1x16xf32> to vector<16xf32>
          %add3A_560 = arith.addf %add3A_488, %get3A_559 : vector<16xf32>
          %mul3A_561 = arith.constant 16 : i32
          %mul3A_562 = arith.muli %add3A_144, %mul3A_561 : i32
          %add3A_563 = arith.constant 6 : i32
          %add3A_564 = arith.addi %mul3A_562, %add3A_563 : i32
          %get3A_565 = arith.index_cast %add3A_564 : i32 to index
          %get3A_566 = arith.constant 16 : index
          %get3A_567 = tpu.vector_load %arg8[%get3A_565, %get3A_566] {strides = array<i32>} : memref<128x128xf32, #tpu.memory_space<vmem>>, vector<1x16xf32>,
          %get3A_568 = vector.shape_cast %get3A_567 : vector<1x16xf32> to vector<16xf32>
          %add3A_569 = arith.addf %add3A_497, %get3A_568 : vector<16xf32>
          %mul3A_570 = arith.constant 16 : i32
          %mul3A_571 = arith.muli %add3A_144, %mul3A_570 : i32
          %add3A_572 = arith.constant 6 : i32
          %add3A_573 = arith.addi %mul3A_571, %add3A_572 : i32
          %get3A_574 = arith.index_cast %add3A_573 : i32 to index
          %get3A_575 = arith.constant 32 : index
          %get3A_576 = tpu.vector_load %arg8[%get3A_574, %get3A_575] {strides = array<i32>} : memref<128x128xf32, #tpu.memory_space<vmem>>, vector<1x16xf32>,
          %get3A_577 = vector.shape_cast %get3A_576 : vector<1x16xf32> to vector<16xf32>
          %add3A_578 = arith.addf %add3A_506, %get3A_577 : vector<16xf32>
          %mul3A_579 = arith.constant 16 : i32
          %mul3A_580 = arith.muli %add3A_144, %mul3A_579 : i32
          %add3A_581 = arith.constant 6 : i32
          %add3A_582 = arith.addi %mul3A_580, %add3A_581 : i32
          %get3A_583 = arith.index_cast %add3A_582 : i32 to index
          %get3A_584 = arith.constant 48 : index
          %get3A_585 = tpu.vector_load %arg8[%get3A_583, %get3A_584] {strides = array<i32>} : memref<128x128xf32, #tpu.memory_space<vmem>>, vector<1x16xf32>,
          %get3A_586 = vector.shape_cast %get3A_585 : vector<1x16xf32> to vector<16xf32>
          %add3A_587 = arith.addf %add3A_515, %get3A_586 : vector<16xf32>
          %mul3A_588 = arith.constant 16 : i32
          %mul3A_589 = arith.muli %add3A_144, %mul3A_588 : i32
          %add3A_590 = arith.constant 6 : i32
          %add3A_591 = arith.addi %mul3A_589, %add3A_590 : i32
          %get3A_592 = arith.index_cast %add3A_591 : i32 to index
          %get3A_593 = arith.constant 64 : index
          %get3A_594 = tpu.vector_load %arg8[%get3A_592, %get3A_593] {strides = array<i32>} : memref<128x128xf32, #tpu.memory_space<vmem>>, vector<1x16xf32>,
          %get3A_595 = vector.shape_cast %get3A_594 : vector<1x16xf32> to vector<16xf32>
          %add3A_596 = arith.addf %add3A_524, %get3A_595 : vector<16xf32>
          %mul3A_597 = arith.constant 16 : i32
          %mul3A_598 = arith.muli %add3A_144, %mul3A_597 : i32
          %add3A_599 = arith.constant 6 : i32
          %add3A_600 = arith.addi %mul3A_598, %add3A_599 : i32
          %get3A_601 = arith.index_cast %add3A_600 : i32 to index
          %get3A_602 = arith.constant 80 : index
          %get3A_603 = tpu.vector_load %arg8[%get3A_601, %get3A_602] {strides = array<i32>} : memref<128x128xf32, #tpu.memory_space<vmem>>, vector<1x16xf32>,
          %get3A_604 = vector.shape_cast %get3A_603 : vector<1x16xf32> to vector<16xf32>
          %add3A_605 = arith.addf %add3A_533, %get3A_604 : vector<16xf32>
          %mul3A_606 = arith.constant 16 : i32
          %mul3A_607 = arith.muli %add3A_144, %mul3A_606 : i32
          %add3A_608 = arith.constant 6 : i32
          %add3A_609 = arith.addi %mul3A_607, %add3A_608 : i32
          %get3A_610 = arith.index_cast %add3A_609 : i32 to index
          %get3A_611 = arith.constant 96 : index
          %get3A_612 = tpu.vector_load %arg8[%get3A_610, %get3A_611] {strides = array<i32>} : memref<128x128xf32, #tpu.memory_space<vmem>>, vector<1x16xf32>,
          %get3A_613 = vector.shape_cast %get3A_612 : vector<1x16xf32> to vector<16xf32>
          %add3A_614 = arith.addf %add3A_542, %get3A_613 : vector<16xf32>
          %mul3A_615 = arith.constant 16 : i32
          %mul3A_616 = arith.muli %add3A_144, %mul3A_615 : i32
          %add3A_617 = arith.constant 6 : i32
          %add3A_618 = arith.addi %mul3A_616, %add3A_617 : i32
          %get3A_619 = arith.index_cast %add3A_618 : i32 to index
          %get3A_620 = arith.constant 112 : index
          %get3A_621 = tpu.vector_load %arg8[%get3A_619, %get3A_620] {strides = array<i32>} : memref<128x128xf32, #tpu.memory_space<vmem>>, vector<1x16xf32>,
          %get3A_622 = vector.shape_cast %get3A_621 : vector<1x16xf32> to vector<16xf32>
          %add3A_623 = arith.addf %add3A_551, %get3A_622 : vector<16xf32>
          %mul3A_624 = arith.constant 16 : i32
          %mul3A_625 = arith.muli %add3A_144, %mul3A_624 : i32
          %add3A_626 = arith.constant 7 : i32
          %add3A_627 = arith.addi %mul3A_625, %add3A_626 : i32
          %get3A_628 = arith.index_cast %add3A_627 : i32 to index
          %get3A_629 = arith.constant 0 : index
          %get3A_630 = tpu.vector_load %arg8[%get3A_628, %get3A_629] {strides = array<i32>} : memref<128x128xf32, #tpu.memory_space<vmem>>, vector<1x16xf32>,
          %get3A_631 = vector.shape_cast %get3A_630 : vector<1x16xf32> to vector<16xf32>
          %add3A_632 = arith.addf %add3A_560, %get3A_631 : vector<16xf32>
          %mul3A_633 = arith.constant 16 : i32
          %mul3A_634 = arith.muli %add3A_144, %mul3A_633 : i32
          %add3A_635 = arith.constant 7 : i32
          %add3A_636 = arith.addi %mul3A_634, %add3A_635 : i32
          %get3A_637 = arith.index_cast %add3A_636 : i32 to index
          %get3A_638 = arith.constant 16 : index
          %get3A_639 = tpu.vector_load %arg8[%get3A_637, %get3A_638] {strides = array<i32>} : memref<128x128xf32, #tpu.memory_space<vmem>>, vector<1x16xf32>,
          %get3A_640 = vector.shape_cast %get3A_639 : vector<1x16xf32> to vector<16xf32>
          %add3A_641 = arith.addf %add3A_569, %get3A_640 : vector<16xf32>
          %mul3A_642 = arith.constant 16 : i32
          %mul3A_643 = arith.muli %add3A_144, %mul3A_642 : i32
          %add3A_644 = arith.constant 7 : i32
          %add3A_645 = arith.addi %mul3A_643, %add3A_644 : i32
          %get3A_646 = arith.index_cast %add3A_645 : i32 to index
          %get3A_647 = arith.constant 32 : index
          %get3A_648 = tpu.vector_load %arg8[%get3A_646, %get3A_647] {strides = array<i32>} : memref<128x128xf32, #tpu.memory_space<vmem>>, vector<1x16xf32>,
          %get3A_649 = vector.shape_cast %get3A_648 : vector<1x16xf32> to vector<16xf32>
          %add3A_650 = arith.addf %add3A_578, %get3A_649 : vector<16xf32>
          %mul3A_651 = arith.constant 16 : i32
          %mul3A_652 = arith.muli %add3A_144, %mul3A_651 : i32
          %add3A_653 = arith.constant 7 : i32
          %add3A_654 = arith.addi %mul3A_652, %add3A_653 : i32
          %get3A_655 = arith.index_cast %add3A_654 : i32 to index
          %get3A_656 = arith.constant 48 : index
          %get3A_657 = tpu.vector_load %arg8[%get3A_655, %get3A_656] {strides = array<i32>} : memref<128x128xf32, #tpu.memory_space<vmem>>, vector<1x16xf32>,
          %get3A_658 = vector.shape_cast %get3A_657 : vector<1x16xf32> to vector<16xf32>
          %add3A_659 = arith.addf %add3A_587, %get3A_658 : vector<16xf32>
          %mul3A_660 = arith.constant 16 : i32
          %mul3A_661 = arith.muli %add3A_144, %mul3A_660 : i32
          %add3A_662 = arith.constant 7 : i32
          %add3A_663 = arith.addi %mul3A_661, %add3A_662 : i32
          %get3A_664 = arith.index_cast %add3A_663 : i32 to index
          %get3A_665 = arith.constant 64 : index
          %get3A_666 = tpu.vector_load %arg8[%get3A_664, %get3A_665] {strides = array<i32>} : memref<128x128xf32, #tpu.memory_space<vmem>>, vector<1x16xf32>,
          %get3A_667 = vector.shape_cast %get3A_666 : vector<1x16xf32> to vector<16xf32>
          %add3A_668 = arith.addf %add3A_596, %get3A_667 : vector<16xf32>
          %mul3A_669 = arith.constant 16 : i32
          %mul3A_670 = arith.muli %add3A_144, %mul3A_669 : i32
          %add3A_671 = arith.constant 7 : i32
          %add3A_672 = arith.addi %mul3A_670, %add3A_671 : i32
          %get3A_673 = arith.index_cast %add3A_672 : i32 to index
          %get3A_674 = arith.constant 80 : index
          %get3A_675 = tpu.vector_load %arg8[%get3A_673, %get3A_674] {strides = array<i32>} : memref<128x128xf32, #tpu.memory_space<vmem>>, vector<1x16xf32>,
          %get3A_676 = vector.shape_cast %get3A_675 : vector<1x16xf32> to vector<16xf32>
          %add3A_677 = arith.addf %add3A_605, %get3A_676 : vector<16xf32>
          %mul3A_678 = arith.constant 16 : i32
          %mul3A_679 = arith.muli %add3A_144, %mul3A_678 : i32
          %add3A_680 = arith.constant 7 : i32
          %add3A_681 = arith.addi %mul3A_679, %add3A_680 : i32
          %get3A_682 = arith.index_cast %add3A_681 : i32 to index
          %get3A_683 = arith.constant 96 : index
          %get3A_684 = tpu.vector_load %arg8[%get3A_682, %get3A_683] {strides = array<i32>} : memref<128x128xf32, #tpu.memory_space<vmem>>, vector<1x16xf32>,
          %get3A_685 = vector.shape_cast %get3A_684 : vector<1x16xf32> to vector<16xf32>
          %add3A_686 = arith.addf %add3A_614, %get3A_685 : vector<16xf32>
          %mul3A_687 = arith.constant 16 : i32
          %mul3A_688 = arith.muli %add3A_144, %mul3A_687 : i32
          %add3A_689 = arith.constant 7 : i32
          %add3A_690 = arith.addi %mul3A_688, %add3A_689 : i32
          %get3A_691 = arith.index_cast %add3A_690 : i32 to index
          %get3A_692 = arith.constant 112 : index
          %get3A_693 = tpu.vector_load %arg8[%get3A_691, %get3A_692] {strides = array<i32>} : memref<128x128xf32, #tpu.memory_space<vmem>>, vector<1x16xf32>,
          %get3A_694 = vector.shape_cast %get3A_693 : vector<1x16xf32> to vector<16xf32>
          %add3A_695 = arith.addf %add3A_623, %get3A_694 : vector<16xf32>
          %mul3A_696 = arith.constant 16 : i32
          %mul3A_697 = arith.muli %add3A_144, %mul3A_696 : i32
          %add3A_698 = arith.constant 8 : i32
          %add3A_699 = arith.addi %mul3A_697, %add3A_698 : i32
          %get3A_700 = arith.index_cast %add3A_699 : i32 to index
          %get3A_701 = arith.constant 0 : index
          %get3A_702 = tpu.vector_load %arg8[%get3A_700, %get3A_701] {strides = array<i32>} : memref<128x128xf32, #tpu.memory_space<vmem>>, vector<1x16xf32>,
          %get3A_703 = vector.shape_cast %get3A_702 : vector<1x16xf32> to vector<16xf32>
          %add3A_704 = arith.addf %add3A_632, %get3A_703 : vector<16xf32>
          %mul3A_705 = arith.constant 16 : i32
          %mul3A_706 = arith.muli %add3A_144, %mul3A_705 : i32
          %add3A_707 = arith.constant 8 : i32
          %add3A_708 = arith.addi %mul3A_706, %add3A_707 : i32
          %get3A_709 = arith.index_cast %add3A_708 : i32 to index
          %get3A_710 = arith.constant 16 : index
          %get3A_711 = tpu.vector_load %arg8[%get3A_709, %get3A_710] {strides = array<i32>} : memref<128x128xf32, #tpu.memory_space<vmem>>, vector<1x16xf32>,
          %get3A_712 = vector.shape_cast %get3A_711 : vector<1x16xf32> to vector<16xf32>
          %add3A_713 = arith.addf %add3A_641, %get3A_712 : vector<16xf32>
          %mul3A_714 = arith.constant 16 : i32
          %mul3A_715 = arith.muli %add3A_144, %mul3A_714 : i32
          %add3A_716 = arith.constant 8 : i32
          %add3A_717 = arith.addi %mul3A_715, %add3A_716 : i32
          %get3A_718 = arith.index_cast %add3A_717 : i32 to index
          %get3A_719 = arith.constant 32 : index
          %get3A_720 = tpu.vector_load %arg8[%get3A_718, %get3A_719] {strides = array<i32>} : memref<128x128xf32, #tpu.memory_space<vmem>>, vector<1x16xf32>,
          %get3A_721 = vector.shape_cast %get3A_720 : vector<1x16xf32> to vector<16xf32>
          %add3A_722 = arith.addf %add3A_650, %get3A_721 : vector<16xf32>
          %mul3A_723 = arith.constant 16 : i32
          %mul3A_724 = arith.muli %add3A_144, %mul3A_723 : i32
          %add3A_725 = arith.constant 8 : i32
          %add3A_726 = arith.addi %mul3A_724, %add3A_725 : i32
          %get3A_727 = arith.index_cast %add3A_726 : i32 to index
          %get3A_728 = arith.constant 48 : index
          %get3A_729 = tpu.vector_load %arg8[%get3A_727, %get3A_728] {strides = array<i32>} : memref<128x128xf32, #tpu.memory_space<vmem>>, vector<1x16xf32>,
          %get3A_730 = vector.shape_cast %get3A_729 : vector<1x16xf32> to vector<16xf32>
          %add3A_731 = arith.addf %add3A_659, %get3A_730 : vector<16xf32>
          %mul3A_732 = arith.constant 16 : i32
          %mul3A_733 = arith.muli %add3A_144, %mul3A_732 : i32
          %add3A_734 = arith.constant 8 : i32
          %add3A_735 = arith.addi %mul3A_733, %add3A_734 : i32
          %get3A_736 = arith.index_cast %add3A_735 : i32 to index
          %get3A_737 = arith.constant 64 : index
          %get3A_738 = tpu.vector_load %arg8[%get3A_736, %get3A_737] {strides = array<i32>} : memref<128x128xf32, #tpu.memory_space<vmem>>, vector<1x16xf32>,
          %get3A_739 = vector.shape_cast %get3A_738 : vector<1x16xf32> to vector<16xf32>
          %add3A_740 = arith.addf %add3A_668, %get3A_739 : vector<16xf32>
          %mul3A_741 = arith.constant 16 : i32
          %mul3A_742 = arith.muli %add3A_144, %mul3A_741 : i32
          %add3A_743 = arith.constant 8 : i32
          %add3A_744 = arith.addi %mul3A_742, %add3A_743 : i32
          %get3A_745 = arith.index_cast %add3A_744 : i32 to index
          %get3A_746 = arith.constant 80 : index
          %get3A_747 = tpu.vector_load %arg8[%get3A_745, %get3A_746] {strides = array<i32>} : memref<128x128xf32, #tpu.memory_space<vmem>>, vector<1x16xf32>,
          %get3A_748 = vector.shape_cast %get3A_747 : vector<1x16xf32> to vector<16xf32>
          %add3A_749 = arith.addf %add3A_677, %get3A_748 : vector<16xf32>
          %mul3A_750 = arith.constant 16 : i32
          %mul3A_751 = arith.muli %add3A_144, %mul3A_750 : i32
          %add3A_752 = arith.constant 8 : i32
          %add3A_753 = arith.addi %mul3A_751, %add3A_752 : i32
          %get3A_754 = arith.index_cast %add3A_753 : i32 to index
          %get3A_755 = arith.constant 96 : index
          %get3A_756 = tpu.vector_load %arg8[%get3A_754, %get3A_755] {strides = array<i32>} : memref<128x128xf32, #tpu.memory_space<vmem>>, vector<1x16xf32>,
          %get3A_757 = vector.shape_cast %get3A_756 : vector<1x16xf32> to vector<16xf32>
          %add3A_758 = arith.addf %add3A_686, %get3A_757 : vector<16xf32>
          %mul3A_759 = arith.constant 16 : i32
          %mul3A_760 = arith.muli %add3A_144, %mul3A_759 : i32
          %add3A_761 = arith.constant 8 : i32
          %add3A_762 = arith.addi %mul3A_760, %add3A_761 : i32
          %get3A_763 = arith.index_cast %add3A_762 : i32 to index
          %get3A_764 = arith.constant 112 : index
          %get3A_765 = tpu.vector_load %arg8[%get3A_763, %get3A_764] {strides = array<i32>} : memref<128x128xf32, #tpu.memory_space<vmem>>, vector<1x16xf32>,
          %get3A_766 = vector.shape_cast %get3A_765 : vector<1x16xf32> to vector<16xf32>
          %add3A_767 = arith.addf %add3A_695, %get3A_766 : vector<16xf32>
          %mul3A_768 = arith.constant 16 : i32
          %mul3A_769 = arith.muli %add3A_144, %mul3A_768 : i32
          %add3A_770 = arith.constant 9 : i32
          %add3A_771 = arith.addi %mul3A_769, %add3A_770 : i32
          %get3A_772 = arith.index_cast %add3A_771 : i32 to index
          %get3A_773 = arith.constant 0 : index
          %get3A_774 = tpu.vector_load %arg8[%get3A_772, %get3A_773] {strides = array<i32>} : memref<128x128xf32, #tpu.memory_space<vmem>>, vector<1x16xf32>,
          %get3A_775 = vector.shape_cast %get3A_774 : vector<1x16xf32> to vector<16xf32>
          %add3A_776 = arith.addf %add3A_704, %get3A_775 : vector<16xf32>
          %mul3A_777 = arith.constant 16 : i32
          %mul3A_778 = arith.muli %add3A_144, %mul3A_777 : i32
          %add3A_779 = arith.constant 9 : i32
          %add3A_780 = arith.addi %mul3A_778, %add3A_779 : i32
          %get3A_781 = arith.index_cast %add3A_780 : i32 to index
          %get3A_782 = arith.constant 16 : index
          %get3A_783 = tpu.vector_load %arg8[%get3A_781, %get3A_782] {strides = array<i32>} : memref<128x128xf32, #tpu.memory_space<vmem>>, vector<1x16xf32>,
          %get3A_784 = vector.shape_cast %get3A_783 : vector<1x16xf32> to vector<16xf32>
          %add3A_785 = arith.addf %add3A_713, %get3A_784 : vector<16xf32>
          %mul3A_786 = arith.constant 16 : i32
          %mul3A_787 = arith.muli %add3A_144, %mul3A_786 : i32
          %add3A_788 = arith.constant 9 : i32
          %add3A_789 = arith.addi %mul3A_787, %add3A_788 : i32
          %get3A_790 = arith.index_cast %add3A_789 : i32 to index
          %get3A_791 = arith.constant 32 : index
          %get3A_792 = tpu.vector_load %arg8[%get3A_790, %get3A_791] {strides = array<i32>} : memref<128x128xf32, #tpu.memory_space<vmem>>, vector<1x16xf32>,
          %get3A_793 = vector.shape_cast %get3A_792 : vector<1x16xf32> to vector<16xf32>
          %add3A_794 = arith.addf %add3A_722, %get3A_793 : vector<16xf32>
          %mul3A_795 = arith.constant 16 : i32
          %mul3A_796 = arith.muli %add3A_144, %mul3A_795 : i32
          %add3A_797 = arith.constant 9 : i32
          %add3A_798 = arith.addi %mul3A_796, %add3A_797 : i32
          %get3A_799 = arith.index_cast %add3A_798 : i32 to index
          %get3A_800 = arith.constant 48 : index
          %get3A_801 = tpu.vector_load %arg8[%get3A_799, %get3A_800] {strides = array<i32>} : memref<128x128xf32, #tpu.memory_space<vmem>>, vector<1x16xf32>,
          %get3A_802 = vector.shape_cast %get3A_801 : vector<1x16xf32> to vector<16xf32>
          %add3A_803 = arith.addf %add3A_731, %get3A_802 : vector<16xf32>
          %mul3A_804 = arith.constant 16 : i32
          %mul3A_805 = arith.muli %add3A_144, %mul3A_804 : i32
          %add3A_806 = arith.constant 9 : i32
          %add3A_807 = arith.addi %mul3A_805, %add3A_806 : i32
          %get3A_808 = arith.index_cast %add3A_807 : i32 to index
          %get3A_809 = arith.constant 64 : index
          %get3A_810 = tpu.vector_load %arg8[%get3A_808, %get3A_809] {strides = array<i32>} : memref<128x128xf32, #tpu.memory_space<vmem>>, vector<1x16xf32>,
          %get3A_811 = vector.shape_cast %get3A_810 : vector<1x16xf32> to vector<16xf32>
          %add3A_812 = arith.addf %add3A_740, %get3A_811 : vector<16xf32>
          %mul3A_813 = arith.constant 16 : i32
          %mul3A_814 = arith.muli %add3A_144, %mul3A_813 : i32
          %add3A_815 = arith.constant 9 : i32
          %add3A_816 = arith.addi %mul3A_814, %add3A_815 : i32
          %get3A_817 = arith.index_cast %add3A_816 : i32 to index
          %get3A_818 = arith.constant 80 : index
          %get3A_819 = tpu.vector_load %arg8[%get3A_817, %get3A_818] {strides = array<i32>} : memref<128x128xf32, #tpu.memory_space<vmem>>, vector<1x16xf32>,
          %get3A_820 = vector.shape_cast %get3A_819 : vector<1x16xf32> to vector<16xf32>
          %add3A_821 = arith.addf %add3A_749, %get3A_820 : vector<16xf32>
          %mul3A_822 = arith.constant 16 : i32
          %mul3A_823 = arith.muli %add3A_144, %mul3A_822 : i32
          %add3A_824 = arith.constant 9 : i32
          %add3A_825 = arith.addi %mul3A_823, %add3A_824 : i32
          %get3A_826 = arith.index_cast %add3A_825 : i32 to index
          %get3A_827 = arith.constant 96 : index
          %get3A_828 = tpu.vector_load %arg8[%get3A_826, %get3A_827] {strides = array<i32>} : memref<128x128xf32, #tpu.memory_space<vmem>>, vector<1x16xf32>,
          %get3A_829 = vector.shape_cast %get3A_828 : vector<1x16xf32> to vector<16xf32>
          %add3A_830 = arith.addf %add3A_758, %get3A_829 : vector<16xf32>
          %mul3A_831 = arith.constant 16 : i32
          %mul3A_832 = arith.muli %add3A_144, %mul3A_831 : i32
          %add3A_833 = arith.constant 9 : i32
          %add3A_834 = arith.addi %mul3A_832, %add3A_833 : i32
          %get3A_835 = arith.index_cast %add3A_834 : i32 to index
          %get3A_836 = arith.constant 112 : index
          %get3A_837 = tpu.vector_load %arg8[%get3A_835, %get3A_836] {strides = array<i32>} : memref<128x128xf32, #tpu.memory_space<vmem>>, vector<1x16xf32>,
          %get3A_838 = vector.shape_cast %get3A_837 : vector<1x16xf32> to vector<16xf32>
          %add3A_839 = arith.addf %add3A_767, %get3A_838 : vector<16xf32>
          %mul3A_840 = arith.constant 16 : i32
          %mul3A_841 = arith.muli %add3A_144, %mul3A_840 : i32
          %add3A_842 = arith.constant 10 : i32
          %add3A_843 = arith.addi %mul3A_841, %add3A_842 : i32
          %get3A_844 = arith.index_cast %add3A_843 : i32 to index
          %get3A_845 = arith.constant 0 : index
          %get3A_846 = tpu.vector_load %arg8[%get3A_844, %get3A_845] {strides = array<i32>} : memref<128x128xf32, #tpu.memory_space<vmem>>, vector<1x16xf32>,
          %get3A_847 = vector.shape_cast %get3A_846 : vector<1x16xf32> to vector<16xf32>
          %add3A_848 = arith.addf %add3A_776, %get3A_847 : vector<16xf32>
          %mul3A_849 = arith.constant 16 : i32
          %mul3A_850 = arith.muli %add3A_144, %mul3A_849 : i32
          %add3A_851 = arith.constant 10 : i32
          %add3A_852 = arith.addi %mul3A_850, %add3A_851 : i32
          %get3A_853 = arith.index_cast %add3A_852 : i32 to index
          %get3A_854 = arith.constant 16 : index
          %get3A_855 = tpu.vector_load %arg8[%get3A_853, %get3A_854] {strides = array<i32>} : memref<128x128xf32, #tpu.memory_space<vmem>>, vector<1x16xf32>,
          %get3A_856 = vector.shape_cast %get3A_855 : vector<1x16xf32> to vector<16xf32>
          %add3A_857 = arith.addf %add3A_785, %get3A_856 : vector<16xf32>
          %mul3A_858 = arith.constant 16 : i32
          %mul3A_859 = arith.muli %add3A_144, %mul3A_858 : i32
          %add3A_860 = arith.constant 10 : i32
          %add3A_861 = arith.addi %mul3A_859, %add3A_860 : i32
          %get3A_862 = arith.index_cast %add3A_861 : i32 to index
          %get3A_863 = arith.constant 32 : index
          %get3A_864 = tpu.vector_load %arg8[%get3A_862, %get3A_863] {strides = array<i32>} : memref<128x128xf32, #tpu.memory_space<vmem>>, vector<1x16xf32>,
          %get3A_865 = vector.shape_cast %get3A_864 : vector<1x16xf32> to vector<16xf32>
          %add3A_866 = arith.addf %add3A_794, %get3A_865 : vector<16xf32>
          %mul3A_867 = arith.constant 16 : i32
          %mul3A_868 = arith.muli %add3A_144, %mul3A_867 : i32
          %add3A_869 = arith.constant 10 : i32
          %add3A_870 = arith.addi %mul3A_868, %add3A_869 : i32
          %get3A_871 = arith.index_cast %add3A_870 : i32 to index
          %get3A_872 = arith.constant 48 : index
          %get3A_873 = tpu.vector_load %arg8[%get3A_871, %get3A_872] {strides = array<i32>} : memref<128x128xf32, #tpu.memory_space<vmem>>, vector<1x16xf32>,
          %get3A_874 = vector.shape_cast %get3A_873 : vector<1x16xf32> to vector<16xf32>
          %add3A_875 = arith.addf %add3A_803, %get3A_874 : vector<16xf32>
          %mul3A_876 = arith.constant 16 : i32
          %mul3A_877 = arith.muli %add3A_144, %mul3A_876 : i32
          %add3A_878 = arith.constant 10 : i32
          %add3A_879 = arith.addi %mul3A_877, %add3A_878 : i32
          %get3A_880 = arith.index_cast %add3A_879 : i32 to index
          %get3A_881 = arith.constant 64 : index
          %get3A_882 = tpu.vector_load %arg8[%get3A_880, %get3A_881] {strides = array<i32>} : memref<128x128xf32, #tpu.memory_space<vmem>>, vector<1x16xf32>,
          %get3A_883 = vector.shape_cast %get3A_882 : vector<1x16xf32> to vector<16xf32>
          %add3A_884 = arith.addf %add3A_812, %get3A_883 : vector<16xf32>
          %mul3A_885 = arith.constant 16 : i32
          %mul3A_886 = arith.muli %add3A_144, %mul3A_885 : i32
          %add3A_887 = arith.constant 10 : i32
          %add3A_888 = arith.addi %mul3A_886, %add3A_887 : i32
          %get3A_889 = arith.index_cast %add3A_888 : i32 to index
          %get3A_890 = arith.constant 80 : index
          %get3A_891 = tpu.vector_load %arg8[%get3A_889, %get3A_890] {strides = array<i32>} : memref<128x128xf32, #tpu.memory_space<vmem>>, vector<1x16xf32>,
          %get3A_892 = vector.shape_cast %get3A_891 : vector<1x16xf32> to vector<16xf32>
          %add3A_893 = arith.addf %add3A_821, %get3A_892 : vector<16xf32>
          %mul3A_894 = arith.constant 16 : i32
          %mul3A_895 = arith.muli %add3A_144, %mul3A_894 : i32
          %add3A_896 = arith.constant 10 : i32
          %add3A_897 = arith.addi %mul3A_895, %add3A_896 : i32
          %get3A_898 = arith.index_cast %add3A_897 : i32 to index
          %get3A_899 = arith.constant 96 : index
          %get3A_900 = tpu.vector_load %arg8[%get3A_898, %get3A_899] {strides = array<i32>} : memref<128x128xf32, #tpu.memory_space<vmem>>, vector<1x16xf32>,
          %get3A_901 = vector.shape_cast %get3A_900 : vector<1x16xf32> to vector<16xf32>
          %add3A_902 = arith.addf %add3A_830, %get3A_901 : vector<16xf32>
          %mul3A_903 = arith.constant 16 : i32
          %mul3A_904 = arith.muli %add3A_144, %mul3A_903 : i32
          %add3A_905 = arith.constant 10 : i32
          %add3A_906 = arith.addi %mul3A_904, %add3A_905 : i32
          %get3A_907 = arith.index_cast %add3A_906 : i32 to index
          %get3A_908 = arith.constant 112 : index
          %get3A_909 = tpu.vector_load %arg8[%get3A_907, %get3A_908] {strides = array<i32>} : memref<128x128xf32, #tpu.memory_space<vmem>>, vector<1x16xf32>,
          %get3A_910 = vector.shape_cast %get3A_909 : vector<1x16xf32> to vector<16xf32>
          %add3A_911 = arith.addf %add3A_839, %get3A_910 : vector<16xf32>
          %mul3A_912 = arith.constant 16 : i32
          %mul3A_913 = arith.muli %add3A_144, %mul3A_912 : i32
          %add3A_914 = arith.constant 11 : i32
          %add3A_915 = arith.addi %mul3A_913, %add3A_914 : i32
          %get3A_916 = arith.index_cast %add3A_915 : i32 to index
          %get3A_917 = arith.constant 0 : index
          %get3A_918 = tpu.vector_load %arg8[%get3A_916, %get3A_917] {strides = array<i32>} : memref<128x128xf32, #tpu.memory_space<vmem>>, vector<1x16xf32>,
          %get3A_919 = vector.shape_cast %get3A_918 : vector<1x16xf32> to vector<16xf32>
          %add3A_920 = arith.addf %add3A_848, %get3A_919 : vector<16xf32>
          %mul3A_921 = arith.constant 16 : i32
          %mul3A_922 = arith.muli %add3A_144, %mul3A_921 : i32
          %add3A_923 = arith.constant 11 : i32
          %add3A_924 = arith.addi %mul3A_922, %add3A_923 : i32
          %get3A_925 = arith.index_cast %add3A_924 : i32 to index
          %get3A_926 = arith.constant 16 : index
          %get3A_927 = tpu.vector_load %arg8[%get3A_925, %get3A_926] {strides = array<i32>} : memref<128x128xf32, #tpu.memory_space<vmem>>, vector<1x16xf32>,
          %get3A_928 = vector.shape_cast %get3A_927 : vector<1x16xf32> to vector<16xf32>
          %add3A_929 = arith.addf %add3A_857, %get3A_928 : vector<16xf32>
          %mul3A_930 = arith.constant 16 : i32
          %mul3A_931 = arith.muli %add3A_144, %mul3A_930 : i32
          %add3A_932 = arith.constant 11 : i32
          %add3A_933 = arith.addi %mul3A_931, %add3A_932 : i32
          %get3A_934 = arith.index_cast %add3A_933 : i32 to index
          %get3A_935 = arith.constant 32 : index
          %get3A_936 = tpu.vector_load %arg8[%get3A_934, %get3A_935] {strides = array<i32>} : memref<128x128xf32, #tpu.memory_space<vmem>>, vector<1x16xf32>,
          %get3A_937 = vector.shape_cast %get3A_936 : vector<1x16xf32> to vector<16xf32>
          %add3A_938 = arith.addf %add3A_866, %get3A_937 : vector<16xf32>
          %mul3A_939 = arith.constant 16 : i32
          %mul3A_940 = arith.muli %add3A_144, %mul3A_939 : i32
          %add3A_941 = arith.constant 11 : i32
          %add3A_942 = arith.addi %mul3A_940, %add3A_941 : i32
          %get3A_943 = arith.index_cast %add3A_942 : i32 to index
          %get3A_944 = arith.constant 48 : index
          %get3A_945 = tpu.vector_load %arg8[%get3A_943, %get3A_944] {strides = array<i32>} : memref<128x128xf32, #tpu.memory_space<vmem>>, vector<1x16xf32>,
          %get3A_946 = vector.shape_cast %get3A_945 : vector<1x16xf32> to vector<16xf32>
          %add3A_947 = arith.addf %add3A_875, %get3A_946 : vector<16xf32>
          %mul3A_948 = arith.constant 16 : i32
          %mul3A_949 = arith.muli %add3A_144, %mul3A_948 : i32
          %add3A_950 = arith.constant 11 : i32
          %add3A_951 = arith.addi %mul3A_949, %add3A_950 : i32
          %get3A_952 = arith.index_cast %add3A_951 : i32 to index
          %get3A_953 = arith.constant 64 : index
          %get3A_954 = tpu.vector_load %arg8[%get3A_952, %get3A_953] {strides = array<i32>} : memref<128x128xf32, #tpu.memory_space<vmem>>, vector<1x16xf32>,
          %get3A_955 = vector.shape_cast %get3A_954 : vector<1x16xf32> to vector<16xf32>
          %add3A_956 = arith.addf %add3A_884, %get3A_955 : vector<16xf32>
          %mul3A_957 = arith.constant 16 : i32
          %mul3A_958 = arith.muli %add3A_144, %mul3A_957 : i32
          %add3A_959 = arith.constant 11 : i32
          %add3A_960 = arith.addi %mul3A_958, %add3A_959 : i32
          %get3A_961 = arith.index_cast %add3A_960 : i32 to index
          %get3A_962 = arith.constant 80 : index
          %get3A_963 = tpu.vector_load %arg8[%get3A_961, %get3A_962] {strides = array<i32>} : memref<128x128xf32, #tpu.memory_space<vmem>>, vector<1x16xf32>,
          %get3A_964 = vector.shape_cast %get3A_963 : vector<1x16xf32> to vector<16xf32>
          %add3A_965 = arith.addf %add3A_893, %get3A_964 : vector<16xf32>
          %mul3A_966 = arith.constant 16 : i32
          %mul3A_967 = arith.muli %add3A_144, %mul3A_966 : i32
          %add3A_968 = arith.constant 11 : i32
          %add3A_969 = arith.addi %mul3A_967, %add3A_968 : i32
          %get3A_970 = arith.index_cast %add3A_969 : i32 to index
          %get3A_971 = arith.constant 96 : index
          %get3A_972 = tpu.vector_load %arg8[%get3A_970, %get3A_971] {strides = array<i32>} : memref<128x128xf32, #tpu.memory_space<vmem>>, vector<1x16xf32>,
          %get3A_973 = vector.shape_cast %get3A_972 : vector<1x16xf32> to vector<16xf32>
          %add3A_974 = arith.addf %add3A_902, %get3A_973 : vector<16xf32>
          %mul3A_975 = arith.constant 16 : i32
          %mul3A_976 = arith.muli %add3A_144, %mul3A_975 : i32
          %add3A_977 = arith.constant 11 : i32
          %add3A_978 = arith.addi %mul3A_976, %add3A_977 : i32
          %get3A_979 = arith.index_cast %add3A_978 : i32 to index
          %get3A_980 = arith.constant 112 : index
          %get3A_981 = tpu.vector_load %arg8[%get3A_979, %get3A_980] {strides = array<i32>} : memref<128x128xf32, #tpu.memory_space<vmem>>, vector<1x16xf32>,
          %get3A_982 = vector.shape_cast %get3A_981 : vector<1x16xf32> to vector<16xf32>
          %add3A_983 = arith.addf %add3A_911, %get3A_982 : vector<16xf32>
          %mul3A_984 = arith.constant 16 : i32
          %mul3A_985 = arith.muli %add3A_144, %mul3A_984 : i32
          %add3A_986 = arith.constant 12 : i32
          %add3A_987 = arith.addi %mul3A_985, %add3A_986 : i32
          %get3A_988 = arith.index_cast %add3A_987 : i32 to index
          %get3A_989 = arith.constant 0 : index
          %get3A_990 = tpu.vector_load %arg8[%get3A_988, %get3A_989] {strides = array<i32>} : memref<128x128xf32, #tpu.memory_space<vmem>>, vector<1x16xf32>,
          %get3A_991 = vector.shape_cast %get3A_990 : vector<1x16xf32> to vector<16xf32>
          %add3A_992 = arith.addf %add3A_920, %get3A_991 : vector<16xf32>
          %mul3A_993 = arith.constant 16 : i32
          %mul3A_994 = arith.muli %add3A_144, %mul3A_993 : i32
          %add3A_995 = arith.constant 12 : i32
          %add3A_996 = arith.addi %mul3A_994, %add3A_995 : i32
          %get3A_997 = arith.index_cast %add3A_996 : i32 to index
          %get3A_998 = arith.constant 16 : index
          %get3A_999 = tpu.vector_load %arg8[%get3A_997, %get3A_998] {strides = array<i32>} : memref<128x128xf32, #tpu.memory_space<vmem>>, vector<1x16xf32>,
          %get3A_1000 = vector.shape_cast %get3A_999 : vector<1x16xf32> to vector<16xf32>
          %add3A_1001 = arith.addf %add3A_929, %get3A_1000 : vector<16xf32>
          %mul3A_1002 = arith.constant 16 : i32
          %mul3A_1003 = arith.muli %add3A_144, %mul3A_1002 : i32
          %add3A_1004 = arith.constant 12 : i32
          %add3A_1005 = arith.addi %mul3A_1003, %add3A_1004 : i32
          %get3A_1006 = arith.index_cast %add3A_1005 : i32 to index
          %get3A_1007 = arith.constant 32 : index
          %get3A_1008 = tpu.vector_load %arg8[%get3A_1006, %get3A_1007] {strides = array<i32>} : memref<128x128xf32, #tpu.memory_space<vmem>>, vector<1x16xf32>,
          %get3A_1009 = vector.shape_cast %get3A_1008 : vector<1x16xf32> to vector<16xf32>
          %add3A_1010 = arith.addf %add3A_938, %get3A_1009 : vector<16xf32>
          %mul3A_1011 = arith.constant 16 : i32
          %mul3A_1012 = arith.muli %add3A_144, %mul3A_1011 : i32
          %add3A_1013 = arith.constant 12 : i32
          %add3A_1014 = arith.addi %mul3A_1012, %add3A_1013 : i32
          %get3A_1015 = arith.index_cast %add3A_1014 : i32 to index
          %get3A_1016 = arith.constant 48 : index
          %get3A_1017 = tpu.vector_load %arg8[%get3A_1015, %get3A_1016] {strides = array<i32>} : memref<128x128xf32, #tpu.memory_space<vmem>>, vector<1x16xf32>,
          %get3A_1018 = vector.shape_cast %get3A_1017 : vector<1x16xf32> to vector<16xf32>
          %add3A_1019 = arith.addf %add3A_947, %get3A_1018 : vector<16xf32>
          %mul3A_1020 = arith.constant 16 : i32
          %mul3A_1021 = arith.muli %add3A_144, %mul3A_1020 : i32
          %add3A_1022 = arith.constant 12 : i32
          %add3A_1023 = arith.addi %mul3A_1021, %add3A_1022 : i32
          %get3A_1024 = arith.index_cast %add3A_1023 : i32 to index
          %get3A_1025 = arith.constant 64 : index
          %get3A_1026 = tpu.vector_load %arg8[%get3A_1024, %get3A_1025] {strides = array<i32>} : memref<128x128xf32, #tpu.memory_space<vmem>>, vector<1x16xf32>,
          %get3A_1027 = vector.shape_cast %get3A_1026 : vector<1x16xf32> to vector<16xf32>
          %add3A_1028 = arith.addf %add3A_956, %get3A_1027 : vector<16xf32>
          %mul3A_1029 = arith.constant 16 : i32
          %mul3A_1030 = arith.muli %add3A_144, %mul3A_1029 : i32
          %add3A_1031 = arith.constant 12 : i32
          %add3A_1032 = arith.addi %mul3A_1030, %add3A_1031 : i32
          %get3A_1033 = arith.index_cast %add3A_1032 : i32 to index
          %get3A_1034 = arith.constant 80 : index
          %get3A_1035 = tpu.vector_load %arg8[%get3A_1033, %get3A_1034] {strides = array<i32>} : memref<128x128xf32, #tpu.memory_space<vmem>>, vector<1x16xf32>,
          %get3A_1036 = vector.shape_cast %get3A_1035 : vector<1x16xf32> to vector<16xf32>
          %add3A_1037 = arith.addf %add3A_965, %get3A_1036 : vector<16xf32>
          %mul3A_1038 = arith.constant 16 : i32
          %mul3A_1039 = arith.muli %add3A_144, %mul3A_1038 : i32
          %add3A_1040 = arith.constant 12 : i32
          %add3A_1041 = arith.addi %mul3A_1039, %add3A_1040 : i32
          %get3A_1042 = arith.index_cast %add3A_1041 : i32 to index
          %get3A_1043 = arith.constant 96 : index
          %get3A_1044 = tpu.vector_load %arg8[%get3A_1042, %get3A_1043] {strides = array<i32>} : memref<128x128xf32, #tpu.memory_space<vmem>>, vector<1x16xf32>,
          %get3A_1045 = vector.shape_cast %get3A_1044 : vector<1x16xf32> to vector<16xf32>
          %add3A_1046 = arith.addf %add3A_974, %get3A_1045 : vector<16xf32>
          %mul3A_1047 = arith.constant 16 : i32
          %mul3A_1048 = arith.muli %add3A_144, %mul3A_1047 : i32
          %add3A_1049 = arith.constant 12 : i32
          %add3A_1050 = arith.addi %mul3A_1048, %add3A_1049 : i32
          %get3A_1051 = arith.index_cast %add3A_1050 : i32 to index
          %get3A_1052 = arith.constant 112 : index
          %get3A_1053 = tpu.vector_load %arg8[%get3A_1051, %get3A_1052] {strides = array<i32>} : memref<128x128xf32, #tpu.memory_space<vmem>>, vector<1x16xf32>,
          %get3A_1054 = vector.shape_cast %get3A_1053 : vector<1x16xf32> to vector<16xf32>
          %add3A_1055 = arith.addf %add3A_983, %get3A_1054 : vector<16xf32>
          %mul3A_1056 = arith.constant 16 : i32
          %mul3A_1057 = arith.muli %add3A_144, %mul3A_1056 : i32
          %add3A_1058 = arith.constant 13 : i32
          %add3A_1059 = arith.addi %mul3A_1057, %add3A_1058 : i32
          %get3A_1060 = arith.index_cast %add3A_1059 : i32 to index
          %get3A_1061 = arith.constant 0 : index
          %get3A_1062 = tpu.vector_load %arg8[%get3A_1060, %get3A_1061] {strides = array<i32>} : memref<128x128xf32, #tpu.memory_space<vmem>>, vector<1x16xf32>,
          %get3A_1063 = vector.shape_cast %get3A_1062 : vector<1x16xf32> to vector<16xf32>
          %add3A_1064 = arith.addf %add3A_992, %get3A_1063 : vector<16xf32>
          %mul3A_1065 = arith.constant 16 : i32
          %mul3A_1066 = arith.muli %add3A_144, %mul3A_1065 : i32
          %add3A_1067 = arith.constant 13 : i32
          %add3A_1068 = arith.addi %mul3A_1066, %add3A_1067 : i32
          %get3A_1069 = arith.index_cast %add3A_1068 : i32 to index
          %get3A_1070 = arith.constant 16 : index
          %get3A_1071 = tpu.vector_load %arg8[%get3A_1069, %get3A_1070] {strides = array<i32>} : memref<128x128xf32, #tpu.memory_space<vmem>>, vector<1x16xf32>,
          %get3A_1072 = vector.shape_cast %get3A_1071 : vector<1x16xf32> to vector<16xf32>
          %add3A_1073 = arith.addf %add3A_1001, %get3A_1072 : vector<16xf32>
          %mul3A_1074 = arith.constant 16 : i32
          %mul3A_1075 = arith.muli %add3A_144, %mul3A_1074 : i32
          %add3A_1076 = arith.constant 13 : i32
          %add3A_1077 = arith.addi %mul3A_1075, %add3A_1076 : i32
          %get3A_1078 = arith.index_cast %add3A_1077 : i32 to index
          %get3A_1079 = arith.constant 32 : index
          %get3A_1080 = tpu.vector_load %arg8[%get3A_1078, %get3A_1079] {strides = array<i32>} : memref<128x128xf32, #tpu.memory_space<vmem>>, vector<1x16xf32>,
          %get3A_1081 = vector.shape_cast %get3A_1080 : vector<1x16xf32> to vector<16xf32>
          %add3A_1082 = arith.addf %add3A_1010, %get3A_1081 : vector<16xf32>
          %mul3A_1083 = arith.constant 16 : i32
          %mul3A_1084 = arith.muli %add3A_144, %mul3A_1083 : i32
          %add3A_1085 = arith.constant 13 : i32
          %add3A_1086 = arith.addi %mul3A_1084, %add3A_1085 : i32
          %get3A_1087 = arith.index_cast %add3A_1086 : i32 to index
          %get3A_1088 = arith.constant 48 : index
          %get3A_1089 = tpu.vector_load %arg8[%get3A_1087, %get3A_1088] {strides = array<i32>} : memref<128x128xf32, #tpu.memory_space<vmem>>, vector<1x16xf32>,
          %get3A_1090 = vector.shape_cast %get3A_1089 : vector<1x16xf32> to vector<16xf32>
          %add3A_1091 = arith.addf %add3A_1019, %get3A_1090 : vector<16xf32>
          %mul3A_1092 = arith.constant 16 : i32
          %mul3A_1093 = arith.muli %add3A_144, %mul3A_1092 : i32
          %add3A_1094 = arith.constant 13 : i32
          %add3A_1095 = arith.addi %mul3A_1093, %add3A_1094 : i32
          %get3A_1096 = arith.index_cast %add3A_1095 : i32 to index
          %get3A_1097 = arith.constant 64 : index
          %get3A_1098 = tpu.vector_load %arg8[%get3A_1096, %get3A_1097] {strides = array<i32>} : memref<128x128xf32, #tpu.memory_space<vmem>>, vector<1x16xf32>,
          %get3A_1099 = vector.shape_cast %get3A_1098 : vector<1x16xf32> to vector<16xf32>
          %add3A_1100 = arith.addf %add3A_1028, %get3A_1099 : vector<16xf32>
          %mul3A_1101 = arith.constant 16 : i32
          %mul3A_1102 = arith.muli %add3A_144, %mul3A_1101 : i32
          %add3A_1103 = arith.constant 13 : i32
          %add3A_1104 = arith.addi %mul3A_1102, %add3A_1103 : i32
          %get3A_1105 = arith.index_cast %add3A_1104 : i32 to index
          %get3A_1106 = arith.constant 80 : index
          %get3A_1107 = tpu.vector_load %arg8[%get3A_1105, %get3A_1106] {strides = array<i32>} : memref<128x128xf32, #tpu.memory_space<vmem>>, vector<1x16xf32>,
          %get3A_1108 = vector.shape_cast %get3A_1107 : vector<1x16xf32> to vector<16xf32>
          %add3A_1109 = arith.addf %add3A_1037, %get3A_1108 : vector<16xf32>
          %mul3A_1110 = arith.constant 16 : i32
          %mul3A_1111 = arith.muli %add3A_144, %mul3A_1110 : i32
          %add3A_1112 = arith.constant 13 : i32
          %add3A_1113 = arith.addi %mul3A_1111, %add3A_1112 : i32
          %get3A_1114 = arith.index_cast %add3A_1113 : i32 to index
          %get3A_1115 = arith.constant 96 : index
          %get3A_1116 = tpu.vector_load %arg8[%get3A_1114, %get3A_1115] {strides = array<i32>} : memref<128x128xf32, #tpu.memory_space<vmem>>, vector<1x16xf32>,
          %get3A_1117 = vector.shape_cast %get3A_1116 : vector<1x16xf32> to vector<16xf32>
          %add3A_1118 = arith.addf %add3A_1046, %get3A_1117 : vector<16xf32>
          %mul3A_1119 = arith.constant 16 : i32
          %mul3A_1120 = arith.muli %add3A_144, %mul3A_1119 : i32
          %add3A_1121 = arith.constant 13 : i32
          %add3A_1122 = arith.addi %mul3A_1120, %add3A_1121 : i32
          %get3A_1123 = arith.index_cast %add3A_1122 : i32 to index
          %get3A_1124 = arith.constant 112 : index
          %get3A_1125 = tpu.vector_load %arg8[%get3A_1123, %get3A_1124] {strides = array<i32>} : memref<128x128xf32, #tpu.memory_space<vmem>>, vector<1x16xf32>,
          %get3A_1126 = vector.shape_cast %get3A_1125 : vector<1x16xf32> to vector<16xf32>
          %add3A_1127 = arith.addf %add3A_1055, %get3A_1126 : vector<16xf32>
          %mul3A_1128 = arith.constant 16 : i32
          %mul3A_1129 = arith.muli %add3A_144, %mul3A_1128 : i32
          %add3A_1130 = arith.constant 14 : i32
          %add3A_1131 = arith.addi %mul3A_1129, %add3A_1130 : i32
          %get3A_1132 = arith.index_cast %add3A_1131 : i32 to index
          %get3A_1133 = arith.constant 0 : index
          %get3A_1134 = tpu.vector_load %arg8[%get3A_1132, %get3A_1133] {strides = array<i32>} : memref<128x128xf32, #tpu.memory_space<vmem>>, vector<1x16xf32>,
          %get3A_1135 = vector.shape_cast %get3A_1134 : vector<1x16xf32> to vector<16xf32>
          %add3A_1136 = arith.addf %add3A_1064, %get3A_1135 : vector<16xf32>
          %mul3A_1137 = arith.constant 16 : i32
          %mul3A_1138 = arith.muli %add3A_144, %mul3A_1137 : i32
          %add3A_1139 = arith.constant 14 : i32
          %add3A_1140 = arith.addi %mul3A_1138, %add3A_1139 : i32
          %get3A_1141 = arith.index_cast %add3A_1140 : i32 to index
          %get3A_1142 = arith.constant 16 : index
          %get3A_1143 = tpu.vector_load %arg8[%get3A_1141, %get3A_1142] {strides = array<i32>} : memref<128x128xf32, #tpu.memory_space<vmem>>, vector<1x16xf32>,
          %get3A_1144 = vector.shape_cast %get3A_1143 : vector<1x16xf32> to vector<16xf32>
          %add3A_1145 = arith.addf %add3A_1073, %get3A_1144 : vector<16xf32>
          %mul3A_1146 = arith.constant 16 : i32
          %mul3A_1147 = arith.muli %add3A_144, %mul3A_1146 : i32
          %add3A_1148 = arith.constant 14 : i32
          %add3A_1149 = arith.addi %mul3A_1147, %add3A_1148 : i32
          %get3A_1150 = arith.index_cast %add3A_1149 : i32 to index
          %get3A_1151 = arith.constant 32 : index
          %get3A_1152 = tpu.vector_load %arg8[%get3A_1150, %get3A_1151] {strides = array<i32>} : memref<128x128xf32, #tpu.memory_space<vmem>>, vector<1x16xf32>,
          %get3A_1153 = vector.shape_cast %get3A_1152 : vector<1x16xf32> to vector<16xf32>
          %add3A_1154 = arith.addf %add3A_1082, %get3A_1153 : vector<16xf32>
          %mul3A_1155 = arith.constant 16 : i32
          %mul3A_1156 = arith.muli %add3A_144, %mul3A_1155 : i32
          %add3A_1157 = arith.constant 14 : i32
          %add3A_1158 = arith.addi %mul3A_1156, %add3A_1157 : i32
          %get3A_1159 = arith.index_cast %add3A_1158 : i32 to index
          %get3A_1160 = arith.constant 48 : index
          %get3A_1161 = tpu.vector_load %arg8[%get3A_1159, %get3A_1160] {strides = array<i32>} : memref<128x128xf32, #tpu.memory_space<vmem>>, vector<1x16xf32>,
          %get3A_1162 = vector.shape_cast %get3A_1161 : vector<1x16xf32> to vector<16xf32>
          %add3A_1163 = arith.addf %add3A_1091, %get3A_1162 : vector<16xf32>
          %mul3A_1164 = arith.constant 16 : i32
          %mul3A_1165 = arith.muli %add3A_144, %mul3A_1164 : i32
          %add3A_1166 = arith.constant 14 : i32
          %add3A_1167 = arith.addi %mul3A_1165, %add3A_1166 : i32
          %get3A_1168 = arith.index_cast %add3A_1167 : i32 to index
          %get3A_1169 = arith.constant 64 : index
          %get3A_1170 = tpu.vector_load %arg8[%get3A_1168, %get3A_1169] {strides = array<i32>} : memref<128x128xf32, #tpu.memory_space<vmem>>, vector<1x16xf32>,
          %get3A_1171 = vector.shape_cast %get3A_1170 : vector<1x16xf32> to vector<16xf32>
          %add3A_1172 = arith.addf %add3A_1100, %get3A_1171 : vector<16xf32>
          %mul3A_1173 = arith.constant 16 : i32
          %mul3A_1174 = arith.muli %add3A_144, %mul3A_1173 : i32
          %add3A_1175 = arith.constant 14 : i32
          %add3A_1176 = arith.addi %mul3A_1174, %add3A_1175 : i32
          %get3A_1177 = arith.index_cast %add3A_1176 : i32 to index
          %get3A_1178 = arith.constant 80 : index
          %get3A_1179 = tpu.vector_load %arg8[%get3A_1177, %get3A_1178] {strides = array<i32>} : memref<128x128xf32, #tpu.memory_space<vmem>>, vector<1x16xf32>,
          %get3A_1180 = vector.shape_cast %get3A_1179 : vector<1x16xf32> to vector<16xf32>
          %add3A_1181 = arith.addf %add3A_1109, %get3A_1180 : vector<16xf32>
          %mul3A_1182 = arith.constant 16 : i32
          %mul3A_1183 = arith.muli %add3A_144, %mul3A_1182 : i32
          %add3A_1184 = arith.constant 14 : i32
          %add3A_1185 = arith.addi %mul3A_1183, %add3A_1184 : i32
          %get3A_1186 = arith.index_cast %add3A_1185 : i32 to index
          %get3A_1187 = arith.constant 96 : index
          %get3A_1188 = tpu.vector_load %arg8[%get3A_1186, %get3A_1187] {strides = array<i32>} : memref<128x128xf32, #tpu.memory_space<vmem>>, vector<1x16xf32>,
          %get3A_1189 = vector.shape_cast %get3A_1188 : vector<1x16xf32> to vector<16xf32>
          %add3A_1190 = arith.addf %add3A_1118, %get3A_1189 : vector<16xf32>
          %mul3A_1191 = arith.constant 16 : i32
          %mul3A_1192 = arith.muli %add3A_144, %mul3A_1191 : i32
          %add3A_1193 = arith.constant 14 : i32
          %add3A_1194 = arith.addi %mul3A_1192, %add3A_1193 : i32
          %get3A_1195 = arith.index_cast %add3A_1194 : i32 to index
          %get3A_1196 = arith.constant 112 : index
          %get3A_1197 = tpu.vector_load %arg8[%get3A_1195, %get3A_1196] {strides = array<i32>} : memref<128x128xf32, #tpu.memory_space<vmem>>, vector<1x16xf32>,
          %get3A_1198 = vector.shape_cast %get3A_1197 : vector<1x16xf32> to vector<16xf32>
          %add3A_1199 = arith.addf %add3A_1127, %get3A_1198 : vector<16xf32>
          %mul3A_1200 = arith.constant 16 : i32
          %mul3A_1201 = arith.muli %add3A_144, %mul3A_1200 : i32
          %add3A_1202 = arith.constant 15 : i32
          %add3A_1203 = arith.addi %mul3A_1201, %add3A_1202 : i32
          %get3A_1204 = arith.index_cast %add3A_1203 : i32 to index
          %get3A_1205 = arith.constant 0 : index
          %get3A_1206 = tpu.vector_load %arg8[%get3A_1204, %get3A_1205] {strides = array<i32>} : memref<128x128xf32, #tpu.memory_space<vmem>>, vector<1x16xf32>,
          %get3A_1207 = vector.shape_cast %get3A_1206 : vector<1x16xf32> to vector<16xf32>
          %add3A_1208 = arith.addf %add3A_1136, %get3A_1207 : vector<16xf32>
          %mul3A_1209 = arith.constant 16 : i32
          %mul3A_1210 = arith.muli %add3A_144, %mul3A_1209 : i32
          %add3A_1211 = arith.constant 15 : i32
          %add3A_1212 = arith.addi %mul3A_1210, %add3A_1211 : i32
          %get3A_1213 = arith.index_cast %add3A_1212 : i32 to index
          %get3A_1214 = arith.constant 16 : index
          %get3A_1215 = tpu.vector_load %arg8[%get3A_1213, %get3A_1214] {strides = array<i32>} : memref<128x128xf32, #tpu.memory_space<vmem>>, vector<1x16xf32>,
          %get3A_1216 = vector.shape_cast %get3A_1215 : vector<1x16xf32> to vector<16xf32>
          %add3A_1217 = arith.addf %add3A_1145, %get3A_1216 : vector<16xf32>
          %mul3A_1218 = arith.constant 16 : i32
          %mul3A_1219 = arith.muli %add3A_144, %mul3A_1218 : i32
          %add3A_1220 = arith.constant 15 : i32
          %add3A_1221 = arith.addi %mul3A_1219, %add3A_1220 : i32
          %get3A_1222 = arith.index_cast %add3A_1221 : i32 to index
          %get3A_1223 = arith.constant 32 : index
          %get3A_1224 = tpu.vector_load %arg8[%get3A_1222, %get3A_1223] {strides = array<i32>} : memref<128x128xf32, #tpu.memory_space<vmem>>, vector<1x16xf32>,
          %get3A_1225 = vector.shape_cast %get3A_1224 : vector<1x16xf32> to vector<16xf32>
          %add3A_1226 = arith.addf %add3A_1154, %get3A_1225 : vector<16xf32>
          %mul3A_1227 = arith.constant 16 : i32
          %mul3A_1228 = arith.muli %add3A_144, %mul3A_1227 : i32
          %add3A_1229 = arith.constant 15 : i32
          %add3A_1230 = arith.addi %mul3A_1228, %add3A_1229 : i32
          %get3A_1231 = arith.index_cast %add3A_1230 : i32 to index
          %get3A_1232 = arith.constant 48 : index
          %get3A_1233 = tpu.vector_load %arg8[%get3A_1231, %get3A_1232] {strides = array<i32>} : memref<128x128xf32, #tpu.memory_space<vmem>>, vector<1x16xf32>,
          %get3A_1234 = vector.shape_cast %get3A_1233 : vector<1x16xf32> to vector<16xf32>
          %add3A_1235 = arith.addf %add3A_1163, %get3A_1234 : vector<16xf32>
          %mul3A_1236 = arith.constant 16 : i32
          %mul3A_1237 = arith.muli %add3A_144, %mul3A_1236 : i32
          %add3A_1238 = arith.constant 15 : i32
          %add3A_1239 = arith.addi %mul3A_1237, %add3A_1238 : i32
          %get3A_1240 = arith.index_cast %add3A_1239 : i32 to index
          %get3A_1241 = arith.constant 64 : index
          %get3A_1242 = tpu.vector_load %arg8[%get3A_1240, %get3A_1241] {strides = array<i32>} : memref<128x128xf32, #tpu.memory_space<vmem>>, vector<1x16xf32>,
          %get3A_1243 = vector.shape_cast %get3A_1242 : vector<1x16xf32> to vector<16xf32>
          %add3A_1244 = arith.addf %add3A_1172, %get3A_1243 : vector<16xf32>
          %mul3A_1245 = arith.constant 16 : i32
          %mul3A_1246 = arith.muli %add3A_144, %mul3A_1245 : i32
          %add3A_1247 = arith.constant 15 : i32
          %add3A_1248 = arith.addi %mul3A_1246, %add3A_1247 : i32
          %get3A_1249 = arith.index_cast %add3A_1248 : i32 to index
          %get3A_1250 = arith.constant 80 : index
          %get3A_1251 = tpu.vector_load %arg8[%get3A_1249, %get3A_1250] {strides = array<i32>} : memref<128x128xf32, #tpu.memory_space<vmem>>, vector<1x16xf32>,
          %get3A_1252 = vector.shape_cast %get3A_1251 : vector<1x16xf32> to vector<16xf32>
          %add3A_1253 = arith.addf %add3A_1181, %get3A_1252 : vector<16xf32>
          %mul3A_1254 = arith.constant 16 : i32
          %mul3A_1255 = arith.muli %add3A_144, %mul3A_1254 : i32
          %add3A_1256 = arith.constant 15 : i32
          %add3A_1257 = arith.addi %mul3A_1255, %add3A_1256 : i32
          %get3A_1258 = arith.index_cast %add3A_1257 : i32 to index
          %get3A_1259 = arith.constant 96 : index
          %get3A_1260 = tpu.vector_load %arg8[%get3A_1258, %get3A_1259] {strides = array<i32>} : memref<128x128xf32, #tpu.memory_space<vmem>>, vector<1x16xf32>,
          %get3A_1261 = vector.shape_cast %get3A_1260 : vector<1x16xf32> to vector<16xf32>
          %add3A_1262 = arith.addf %add3A_1190, %get3A_1261 : vector<16xf32>
          %mul3A_1263 = arith.constant 16 : i32
          %mul3A_1264 = arith.muli %add3A_144, %mul3A_1263 : i32
          %add3A_1265 = arith.constant 15 : i32
          %add3A_1266 = arith.addi %mul3A_1264, %add3A_1265 : i32
          %get3A_1267 = arith.index_cast %add3A_1266 : i32 to index
          %get3A_1268 = arith.constant 112 : index
          %get3A_1269 = tpu.vector_load %arg8[%get3A_1267, %get3A_1268] {strides = array<i32>} : memref<128x128xf32, #tpu.memory_space<vmem>>, vector<1x16xf32>,
          %get3A_1270 = vector.shape_cast %get3A_1269 : vector<1x16xf32> to vector<16xf32>
          %add3A_1271 = arith.addf %add3A_1199, %get3A_1270 : vector<16xf32>
          %swap3A = arith.index_cast %add3A_144 : i32 to index
          %swap3A_1272 = arith.constant 0 : index
          %swap3A_1273 = tpu.vector_load %arg12[%swap3A, %swap3A_1272] {strides = array<i32>} : memref<8x128xf32, #tpu.memory_space<vmem>>, vector<1x16xf32>,
          %swap3A_1274 = vector.shape_cast %swap3A_1273 : vector<1x16xf32> to vector<16xf32>
          %swap3A_1275 = vector.shape_cast %add3A_1208 : vector<16xf32> to vector<1x16xf32>
          tpu.vector_store %arg12[%swap3A, %swap3A_1272], %swap3A_1275 {strides = array<i32>} : memref<8x128xf32, #tpu.memory_space<vmem>>, vector<1x16xf32>,
          %swap3A_1276 = arith.index_cast %add3A_144 : i32 to index
          %swap3A_1277 = arith.constant 16 : index
          %swap3A_1278 = tpu.vector_load %arg12[%swap3A_1276, %swap3A_1277] {strides = array<i32>} : memref<8x128xf32, #tpu.memory_space<vmem>>, vector<1x16xf32>,
          %swap3A_1279 = vector.shape_cast %swap3A_1278 : vector<1x16xf32> to vector<16xf32>
          %swap3A_1280 = vector.shape_cast %add3A_1217 : vector<16xf32> to vector<1x16xf32>
          tpu.vector_store %arg12[%swap3A_1276, %swap3A_1277], %swap3A_1280 {strides = array<i32>} : memref<8x128xf32, #tpu.memory_space<vmem>>, vector<1x16xf32>,
          %swap3A_1281 = arith.index_cast %add3A_144 : i32 to index
          %swap3A_1282 = arith.constant 32 : index
          %swap3A_1283 = tpu.vector_load %arg12[%swap3A_1281, %swap3A_1282] {strides = array<i32>} : memref<8x128xf32, #tpu.memory_space<vmem>>, vector<1x16xf32>,
          %swap3A_1284 = vector.shape_cast %swap3A_1283 : vector<1x16xf32> to vector<16xf32>
          %swap3A_1285 = vector.shape_cast %add3A_1226 : vector<16xf32> to vector<1x16xf32>
          tpu.vector_store %arg12[%swap3A_1281, %swap3A_1282], %swap3A_1285 {strides = array<i32>} : memref<8x128xf32, #tpu.memory_space<vmem>>, vector<1x16xf32>,
          %swap3A_1286 = arith.index_cast %add3A_144 : i32 to index
          %swap3A_1287 = arith.constant 48 : index
          %swap3A_1288 = tpu.vector_load %arg12[%swap3A_1286, %swap3A_1287] {strides = array<i32>} : memref<8x128xf32, #tpu.memory_space<vmem>>, vector<1x16xf32>,
          %swap3A_1289 = vector.shape_cast %swap3A_1288 : vector<1x16xf32> to vector<16xf32>
          %swap3A_1290 = vector.shape_cast %add3A_1235 : vector<16xf32> to vector<1x16xf32>
          tpu.vector_store %arg12[%swap3A_1286, %swap3A_1287], %swap3A_1290 {strides = array<i32>} : memref<8x128xf32, #tpu.memory_space<vmem>>, vector<1x16xf32>,
          %swap3A_1291 = arith.index_cast %add3A_144 : i32 to index
          %swap3A_1292 = arith.constant 64 : index
          %swap3A_1293 = tpu.vector_load %arg12[%swap3A_1291, %swap3A_1292] {strides = array<i32>} : memref<8x128xf32, #tpu.memory_space<vmem>>, vector<1x16xf32>,
          %swap3A_1294 = vector.shape_cast %swap3A_1293 : vector<1x16xf32> to vector<16xf32>
          %swap3A_1295 = vector.shape_cast %add3A_1244 : vector<16xf32> to vector<1x16xf32>
          tpu.vector_store %arg12[%swap3A_1291, %swap3A_1292], %swap3A_1295 {strides = array<i32>} : memref<8x128xf32, #tpu.memory_space<vmem>>, vector<1x16xf32>,
          %swap3A_1296 = arith.index_cast %add3A_144 : i32 to index
          %swap3A_1297 = arith.constant 80 : index
          %swap3A_1298 = tpu.vector_load %arg12[%swap3A_1296, %swap3A_1297] {strides = array<i32>} : memref<8x128xf32, #tpu.memory_space<vmem>>, vector<1x16xf32>,
          %swap3A_1299 = vector.shape_cast %swap3A_1298 : vector<1x16xf32> to vector<16xf32>
          %swap3A_1300 = vector.shape_cast %add3A_1253 : vector<16xf32> to vector<1x16xf32>
          tpu.vector_store %arg12[%swap3A_1296, %swap3A_1297], %swap3A_1300 {strides = array<i32>} : memref<8x128xf32, #tpu.memory_space<vmem>>, vector<1x16xf32>,
          %swap3A_1301 = arith.index_cast %add3A_144 : i32 to index
          %swap3A_1302 = arith.constant 96 : index
          %swap3A_1303 = tpu.vector_load %arg12[%swap3A_1301, %swap3A_1302] {strides = array<i32>} : memref<8x128xf32, #tpu.memory_space<vmem>>, vector<1x16xf32>,
          %swap3A_1304 = vector.shape_cast %swap3A_1303 : vector<1x16xf32> to vector<16xf32>
          %swap3A_1305 = vector.shape_cast %add3A_1262 : vector<16xf32> to vector<1x16xf32>
          tpu.vector_store %arg12[%swap3A_1301, %swap3A_1302], %swap3A_1305 {strides = array<i32>} : memref<8x128xf32, #tpu.memory_space<vmem>>, vector<1x16xf32>,
          %swap3A_1306 = arith.index_cast %add3A_144 : i32 to index
          %swap3A_1307 = arith.constant 112 : index
          %swap3A_1308 = tpu.vector_load %arg12[%swap3A_1306, %swap3A_1307] {strides = array<i32>} : memref<8x128xf32, #tpu.memory_space<vmem>>, vector<1x16xf32>,
          %swap3A_1309 = vector.shape_cast %swap3A_1308 : vector<1x16xf32> to vector<16xf32>
          %swap3A_1310 = vector.shape_cast %add3A_1271 : vector<16xf32> to vector<1x16xf32>
          tpu.vector_store %arg12[%swap3A_1306, %swap3A_1307], %swap3A_1310 {strides = array<i32>} : memref<8x128xf32, #tpu.memory_space<vmem>>, vector<1x16xf32>,
        }
        %scan3A_126 = arith.constant 8 : i32
        %add3A_127 = arith.addi %add3A_4, %add3A_100 : i32
        %mul3A_128 = arith.constant 8 : i32
        %mul3A_129 = arith.muli %add3A_127, %mul3A_128 : i32
        %dma_start3A_130 = arith.constant 0 : i32
        %dma_start3A_131 = tpu.memref_slice %arg4[%mul3A_129, %dma_start3A_130] : memref<40000x128xf32, #tpu.memory_space<hbm>> -> memref<8x128xf32, #tpu.memory_space<hbm>>
        %dma_start3A_132 = arith.constant 0 : i32
        %dma_start3A_133 = tpu.memref_slice %arg4[%mul3A_129, %dma_start3A_132] : memref<40000x128xf32, #tpu.memory_space<hbm>> -> memref<8x128xf32, #tpu.memory_space<hbm>>
        tpu.enqueue_dma source(%arg12 : memref<8x128xf32, #tpu.memory_space<vmem>>) target(%dma_start3A_133 : memref<8x128xf32, #tpu.memory_space<hbm>>) target_semaphore(%arg20 : memref<!tpu.dma_semaphore, #tpu.memory_space<semaphore_mem>>)
        %add3A_134 = arith.constant 4 : i32
        %add3A_135 = arith.addi %add3A_100, %add3A_134 : i32
        %lt3A_136 = arith.cmpi slt, %add3A_135, %add3A_8 : i32
        %convert_element_type3A_137 = arith.extui %lt3A_136 : i1 to i32
        %cond3A_138 = arith.constant 0 : i32
        %cond3A_139 = arith.cmpi ne, %convert_element_type3A_137, %cond3A_138 : i32
        scf.if %cond3A_139 {
          %add3A_140 = arith.constant 4 : i32
          %add3A_141 = arith.addi %add3A_100, %add3A_140 : i32
          %mul3A_142 = arith.constant 128 : i32
          %mul3A_143 = arith.muli %add3A_141, %mul3A_142 : i32
          %dma_start3A_144 = tpu.memref_slice %arg5[%mul3A_143] : memref<20096xi32, #tpu.memory_space<vmem>> -> memref<128xi32, #tpu.memory_space<vmem>>
          %dma_start3A_145 = arith.constant 0 : i32
          %dma_start3A_146 = arith.constant 0 : i32
          %dma_start3A_147 = tpu.memref_slice %arg2[%dma_start3A_145, %dma_start3A_146] : memref<40000x128xf32, #tpu.memory_space<hbm>> -> memref<40000x128xf32, #tpu.memory_space<hbm>>
          tpu.enqueue_indirect_dma source(%dma_start3A_147 : memref<40000x128xf32, #tpu.memory_space<hbm>>) target(%arg8 : memref<128x128xf32, #tpu.memory_space<vmem>>) offsets(%dma_start3A_144 : memref<128xi32, #tpu.memory_space<vmem>>) semaphore(%arg16 : memref<!tpu.dma_semaphore, #tpu.memory_space<semaphore_mem>>)
        } else {
        }
      } else {
      }
      %mul3A_105 = arith.constant 4 : i32
      %mul3A_106 = arith.muli %add3A_80, %mul3A_105 : i32
      %add3A_107 = arith.constant 3 : i32
      %add3A_108 = arith.addi %mul3A_106, %add3A_107 : i32
      %lt3A_109 = arith.cmpi slt, %add3A_108, %add3A_8 : i32
      %convert_element_type3A_110 = arith.extui %lt3A_109 : i1 to i32
      %cond3A_111 = arith.constant 0 : i32
      %cond3A_112 = arith.cmpi ne, %convert_element_type3A_110, %cond3A_111 : i32
      scf.if %cond3A_112 {
        %dma_wait3A_113 = arith.constant 0 : i32
        %dma_wait3A_114 = tpu.memref_slice %arg5[%dma_wait3A_113] : memref<20096xi32, #tpu.memory_space<vmem>> -> memref<128xi32, #tpu.memory_space<vmem>>
        %dma_wait3A_115 = arith.constant 0 : i32
        %dma_wait3A_116 = arith.constant 0 : i32
        %dma_wait3A_117 = tpu.memref_slice %arg2[%dma_wait3A_115, %dma_wait3A_116] : memref<40000x128xf32, #tpu.memory_space<hbm>> -> memref<40000x128xf32, #tpu.memory_space<hbm>>
        tpu.wait_indirect_dma semaphore(%arg17 : memref<!tpu.dma_semaphore, #tpu.memory_space<semaphore_mem>>) src(%dma_wait3A_117 : memref<40000x128xf32, #tpu.memory_space<hbm>>) dst(%arg9 : memref<128x128xf32, #tpu.memory_space<vmem>>)
        %ge3A = arith.constant 4 : i32
        %ge3A_118 = arith.cmpi sge, %add3A_108, %ge3A : i32
        %convert_element_type3A_119 = arith.extui %ge3A_118 : i1 to i32
        %cond3A_120 = arith.constant 0 : i32
        %cond3A_121 = arith.cmpi ne, %convert_element_type3A_119, %cond3A_120 : i32
        scf.if %cond3A_121 {
          %dma_wait3A_140 = arith.constant 0 : i32
          %dma_wait3A_141 = arith.constant 0 : i32
          %dma_wait3A_142 = tpu.memref_slice %arg4[%dma_wait3A_140, %dma_wait3A_141] : memref<40000x128xf32, #tpu.memory_space<hbm>> -> memref<8x128xf32, #tpu.memory_space<hbm>>
          %dma_wait3A_143 = arith.constant 0 : i32
          %dma_wait3A_144 = arith.constant 0 : i32
          %dma_wait3A_145 = tpu.memref_slice %arg4[%dma_wait3A_143, %dma_wait3A_144] : memref<40000x128xf32, #tpu.memory_space<hbm>> -> memref<8x128xf32, #tpu.memory_space<hbm>>
          tpu.wait_dma2 semaphore(%arg21 : memref<!tpu.dma_semaphore, #tpu.memory_space<semaphore_mem>>) src(%arg13 : memref<8x128xf32, #tpu.memory_space<vmem>>) dst(%dma_wait3A_145 : memref<8x128xf32, #tpu.memory_space<hbm>>)
        } else {
        }
        %scan3A_122 = arith.constant 0 : i32
        %scan3A_123 = arith.constant 8 : i32
        %scan3A_124 = arith.addi %scan3A_122, %scan3A_123 : i32
        %scan3A_125 = arith.constant 1 : i32
        scf.for %scan3A_140 = %scan3A_122 to %scan3A_124 step %scan3A_125  : i32 {
          %mul3A_141 = arith.constant 1 : i32
          %mul3A_142 = arith.muli %scan3A_140, %mul3A_141 : i32
          %add3A_143 = arith.constant 0 : i32
          %add3A_144 = arith.addi %add3A_143, %mul3A_142 : i32
          %mul3A_145 = arith.constant 16 : i32
          %mul3A_146 = arith.muli %add3A_144, %mul3A_145 : i32
          %get3A = arith.index_cast %mul3A_146 : i32 to index
          %get3A_147 = arith.constant 0 : index
          %get3A_148 = tpu.vector_load %arg9[%get3A, %get3A_147] {strides = array<i32>} : memref<128x128xf32, #tpu.memory_space<vmem>>, vector<1x16xf32>,
          %get3A_149 = vector.shape_cast %get3A_148 : vector<1x16xf32> to vector<16xf32>
          %mul3A_150 = arith.constant 16 : i32
          %mul3A_151 = arith.muli %add3A_144, %mul3A_150 : i32
          %get3A_152 = arith.index_cast %mul3A_151 : i32 to index
          %get3A_153 = arith.constant 16 : index
          %get3A_154 = tpu.vector_load %arg9[%get3A_152, %get3A_153] {strides = array<i32>} : memref<128x128xf32, #tpu.memory_space<vmem>>, vector<1x16xf32>,
          %get3A_155 = vector.shape_cast %get3A_154 : vector<1x16xf32> to vector<16xf32>
          %mul3A_156 = arith.constant 16 : i32
          %mul3A_157 = arith.muli %add3A_144, %mul3A_156 : i32
          %get3A_158 = arith.index_cast %mul3A_157 : i32 to index
          %get3A_159 = arith.constant 32 : index
          %get3A_160 = tpu.vector_load %arg9[%get3A_158, %get3A_159] {strides = array<i32>} : memref<128x128xf32, #tpu.memory_space<vmem>>, vector<1x16xf32>,
          %get3A_161 = vector.shape_cast %get3A_160 : vector<1x16xf32> to vector<16xf32>
          %mul3A_162 = arith.constant 16 : i32
          %mul3A_163 = arith.muli %add3A_144, %mul3A_162 : i32
          %get3A_164 = arith.index_cast %mul3A_163 : i32 to index
          %get3A_165 = arith.constant 48 : index
          %get3A_166 = tpu.vector_load %arg9[%get3A_164, %get3A_165] {strides = array<i32>} : memref<128x128xf32, #tpu.memory_space<vmem>>, vector<1x16xf32>,
          %get3A_167 = vector.shape_cast %get3A_166 : vector<1x16xf32> to vector<16xf32>
          %mul3A_168 = arith.constant 16 : i32
          %mul3A_169 = arith.muli %add3A_144, %mul3A_168 : i32
          %get3A_170 = arith.index_cast %mul3A_169 : i32 to index
          %get3A_171 = arith.constant 64 : index
          %get3A_172 = tpu.vector_load %arg9[%get3A_170, %get3A_171] {strides = array<i32>} : memref<128x128xf32, #tpu.memory_space<vmem>>, vector<1x16xf32>,
          %get3A_173 = vector.shape_cast %get3A_172 : vector<1x16xf32> to vector<16xf32>
          %mul3A_174 = arith.constant 16 : i32
          %mul3A_175 = arith.muli %add3A_144, %mul3A_174 : i32
          %get3A_176 = arith.index_cast %mul3A_175 : i32 to index
          %get3A_177 = arith.constant 80 : index
          %get3A_178 = tpu.vector_load %arg9[%get3A_176, %get3A_177] {strides = array<i32>} : memref<128x128xf32, #tpu.memory_space<vmem>>, vector<1x16xf32>,
          %get3A_179 = vector.shape_cast %get3A_178 : vector<1x16xf32> to vector<16xf32>
          %mul3A_180 = arith.constant 16 : i32
          %mul3A_181 = arith.muli %add3A_144, %mul3A_180 : i32
          %get3A_182 = arith.index_cast %mul3A_181 : i32 to index
          %get3A_183 = arith.constant 96 : index
          %get3A_184 = tpu.vector_load %arg9[%get3A_182, %get3A_183] {strides = array<i32>} : memref<128x128xf32, #tpu.memory_space<vmem>>, vector<1x16xf32>,
          %get3A_185 = vector.shape_cast %get3A_184 : vector<1x16xf32> to vector<16xf32>
          %mul3A_186 = arith.constant 16 : i32
          %mul3A_187 = arith.muli %add3A_144, %mul3A_186 : i32
          %get3A_188 = arith.index_cast %mul3A_187 : i32 to index
          %get3A_189 = arith.constant 112 : index
          %get3A_190 = tpu.vector_load %arg9[%get3A_188, %get3A_189] {strides = array<i32>} : memref<128x128xf32, #tpu.memory_space<vmem>>, vector<1x16xf32>,
          %get3A_191 = vector.shape_cast %get3A_190 : vector<1x16xf32> to vector<16xf32>
          %mul3A_192 = arith.constant 16 : i32
          %mul3A_193 = arith.muli %add3A_144, %mul3A_192 : i32
          %add3A_194 = arith.constant 1 : i32
          %add3A_195 = arith.addi %mul3A_193, %add3A_194 : i32
          %get3A_196 = arith.index_cast %add3A_195 : i32 to index
          %get3A_197 = arith.constant 0 : index
          %get3A_198 = tpu.vector_load %arg9[%get3A_196, %get3A_197] {strides = array<i32>} : memref<128x128xf32, #tpu.memory_space<vmem>>, vector<1x16xf32>,
          %get3A_199 = vector.shape_cast %get3A_198 : vector<1x16xf32> to vector<16xf32>
          %add3A_200 = arith.addf %get3A_149, %get3A_199 : vector<16xf32>
          %mul3A_201 = arith.constant 16 : i32
          %mul3A_202 = arith.muli %add3A_144, %mul3A_201 : i32
          %add3A_203 = arith.constant 1 : i32
          %add3A_204 = arith.addi %mul3A_202, %add3A_203 : i32
          %get3A_205 = arith.index_cast %add3A_204 : i32 to index
          %get3A_206 = arith.constant 16 : index
          %get3A_207 = tpu.vector_load %arg9[%get3A_205, %get3A_206] {strides = array<i32>} : memref<128x128xf32, #tpu.memory_space<vmem>>, vector<1x16xf32>,
          %get3A_208 = vector.shape_cast %get3A_207 : vector<1x16xf32> to vector<16xf32>
          %add3A_209 = arith.addf %get3A_155, %get3A_208 : vector<16xf32>
          %mul3A_210 = arith.constant 16 : i32
          %mul3A_211 = arith.muli %add3A_144, %mul3A_210 : i32
          %add3A_212 = arith.constant 1 : i32
          %add3A_213 = arith.addi %mul3A_211, %add3A_212 : i32
          %get3A_214 = arith.index_cast %add3A_213 : i32 to index
          %get3A_215 = arith.constant 32 : index
          %get3A_216 = tpu.vector_load %arg9[%get3A_214, %get3A_215] {strides = array<i32>} : memref<128x128xf32, #tpu.memory_space<vmem>>, vector<1x16xf32>,
          %get3A_217 = vector.shape_cast %get3A_216 : vector<1x16xf32> to vector<16xf32>
          %add3A_218 = arith.addf %get3A_161, %get3A_217 : vector<16xf32>
          %mul3A_219 = arith.constant 16 : i32
          %mul3A_220 = arith.muli %add3A_144, %mul3A_219 : i32
          %add3A_221 = arith.constant 1 : i32
          %add3A_222 = arith.addi %mul3A_220, %add3A_221 : i32
          %get3A_223 = arith.index_cast %add3A_222 : i32 to index
          %get3A_224 = arith.constant 48 : index
          %get3A_225 = tpu.vector_load %arg9[%get3A_223, %get3A_224] {strides = array<i32>} : memref<128x128xf32, #tpu.memory_space<vmem>>, vector<1x16xf32>,
          %get3A_226 = vector.shape_cast %get3A_225 : vector<1x16xf32> to vector<16xf32>
          %add3A_227 = arith.addf %get3A_167, %get3A_226 : vector<16xf32>
          %mul3A_228 = arith.constant 16 : i32
          %mul3A_229 = arith.muli %add3A_144, %mul3A_228 : i32
          %add3A_230 = arith.constant 1 : i32
          %add3A_231 = arith.addi %mul3A_229, %add3A_230 : i32
          %get3A_232 = arith.index_cast %add3A_231 : i32 to index
          %get3A_233 = arith.constant 64 : index
          %get3A_234 = tpu.vector_load %arg9[%get3A_232, %get3A_233] {strides = array<i32>} : memref<128x128xf32, #tpu.memory_space<vmem>>, vector<1x16xf32>,
          %get3A_235 = vector.shape_cast %get3A_234 : vector<1x16xf32> to vector<16xf32>
          %add3A_236 = arith.addf %get3A_173, %get3A_235 : vector<16xf32>
          %mul3A_237 = arith.constant 16 : i32
          %mul3A_238 = arith.muli %add3A_144, %mul3A_237 : i32
          %add3A_239 = arith.constant 1 : i32
          %add3A_240 = arith.addi %mul3A_238, %add3A_239 : i32
          %get3A_241 = arith.index_cast %add3A_240 : i32 to index
          %get3A_242 = arith.constant 80 : index
          %get3A_243 = tpu.vector_load %arg9[%get3A_241, %get3A_242] {strides = array<i32>} : memref<128x128xf32, #tpu.memory_space<vmem>>, vector<1x16xf32>,
          %get3A_244 = vector.shape_cast %get3A_243 : vector<1x16xf32> to vector<16xf32>
          %add3A_245 = arith.addf %get3A_179, %get3A_244 : vector<16xf32>
          %mul3A_246 = arith.constant 16 : i32
          %mul3A_247 = arith.muli %add3A_144, %mul3A_246 : i32
          %add3A_248 = arith.constant 1 : i32
          %add3A_249 = arith.addi %mul3A_247, %add3A_248 : i32
          %get3A_250 = arith.index_cast %add3A_249 : i32 to index
          %get3A_251 = arith.constant 96 : index
          %get3A_252 = tpu.vector_load %arg9[%get3A_250, %get3A_251] {strides = array<i32>} : memref<128x128xf32, #tpu.memory_space<vmem>>, vector<1x16xf32>,
          %get3A_253 = vector.shape_cast %get3A_252 : vector<1x16xf32> to vector<16xf32>
          %add3A_254 = arith.addf %get3A_185, %get3A_253 : vector<16xf32>
          %mul3A_255 = arith.constant 16 : i32
          %mul3A_256 = arith.muli %add3A_144, %mul3A_255 : i32
          %add3A_257 = arith.constant 1 : i32
          %add3A_258 = arith.addi %mul3A_256, %add3A_257 : i32
          %get3A_259 = arith.index_cast %add3A_258 : i32 to index
          %get3A_260 = arith.constant 112 : index
          %get3A_261 = tpu.vector_load %arg9[%get3A_259, %get3A_260] {strides = array<i32>} : memref<128x128xf32, #tpu.memory_space<vmem>>, vector<1x16xf32>,
          %get3A_262 = vector.shape_cast %get3A_261 : vector<1x16xf32> to vector<16xf32>
          %add3A_263 = arith.addf %get3A_191, %get3A_262 : vector<16xf32>
          %mul3A_264 = arith.constant 16 : i32
          %mul3A_265 = arith.muli %add3A_144, %mul3A_264 : i32
          %add3A_266 = arith.constant 2 : i32
          %add3A_267 = arith.addi %mul3A_265, %add3A_266 : i32
          %get3A_268 = arith.index_cast %add3A_267 : i32 to index
          %get3A_269 = arith.constant 0 : index
          %get3A_270 = tpu.vector_load %arg9[%get3A_268, %get3A_269] {strides = array<i32>} : memref<128x128xf32, #tpu.memory_space<vmem>>, vector<1x16xf32>,
          %get3A_271 = vector.shape_cast %get3A_270 : vector<1x16xf32> to vector<16xf32>
          %add3A_272 = arith.addf %add3A_200, %get3A_271 : vector<16xf32>
          %mul3A_273 = arith.constant 16 : i32
          %mul3A_274 = arith.muli %add3A_144, %mul3A_273 : i32
          %add3A_275 = arith.constant 2 : i32
          %add3A_276 = arith.addi %mul3A_274, %add3A_275 : i32
          %get3A_277 = arith.index_cast %add3A_276 : i32 to index
          %get3A_278 = arith.constant 16 : index
          %get3A_279 = tpu.vector_load %arg9[%get3A_277, %get3A_278] {strides = array<i32>} : memref<128x128xf32, #tpu.memory_space<vmem>>, vector<1x16xf32>,
          %get3A_280 = vector.shape_cast %get3A_279 : vector<1x16xf32> to vector<16xf32>
          %add3A_281 = arith.addf %add3A_209, %get3A_280 : vector<16xf32>
          %mul3A_282 = arith.constant 16 : i32
          %mul3A_283 = arith.muli %add3A_144, %mul3A_282 : i32
          %add3A_284 = arith.constant 2 : i32
          %add3A_285 = arith.addi %mul3A_283, %add3A_284 : i32
          %get3A_286 = arith.index_cast %add3A_285 : i32 to index
          %get3A_287 = arith.constant 32 : index
          %get3A_288 = tpu.vector_load %arg9[%get3A_286, %get3A_287] {strides = array<i32>} : memref<128x128xf32, #tpu.memory_space<vmem>>, vector<1x16xf32>,
          %get3A_289 = vector.shape_cast %get3A_288 : vector<1x16xf32> to vector<16xf32>
          %add3A_290 = arith.addf %add3A_218, %get3A_289 : vector<16xf32>
          %mul3A_291 = arith.constant 16 : i32
          %mul3A_292 = arith.muli %add3A_144, %mul3A_291 : i32
          %add3A_293 = arith.constant 2 : i32
          %add3A_294 = arith.addi %mul3A_292, %add3A_293 : i32
          %get3A_295 = arith.index_cast %add3A_294 : i32 to index
          %get3A_296 = arith.constant 48 : index
          %get3A_297 = tpu.vector_load %arg9[%get3A_295, %get3A_296] {strides = array<i32>} : memref<128x128xf32, #tpu.memory_space<vmem>>, vector<1x16xf32>,
          %get3A_298 = vector.shape_cast %get3A_297 : vector<1x16xf32> to vector<16xf32>
          %add3A_299 = arith.addf %add3A_227, %get3A_298 : vector<16xf32>
          %mul3A_300 = arith.constant 16 : i32
          %mul3A_301 = arith.muli %add3A_144, %mul3A_300 : i32
          %add3A_302 = arith.constant 2 : i32
          %add3A_303 = arith.addi %mul3A_301, %add3A_302 : i32
          %get3A_304 = arith.index_cast %add3A_303 : i32 to index
          %get3A_305 = arith.constant 64 : index
          %get3A_306 = tpu.vector_load %arg9[%get3A_304, %get3A_305] {strides = array<i32>} : memref<128x128xf32, #tpu.memory_space<vmem>>, vector<1x16xf32>,
          %get3A_307 = vector.shape_cast %get3A_306 : vector<1x16xf32> to vector<16xf32>
          %add3A_308 = arith.addf %add3A_236, %get3A_307 : vector<16xf32>
          %mul3A_309 = arith.constant 16 : i32
          %mul3A_310 = arith.muli %add3A_144, %mul3A_309 : i32
          %add3A_311 = arith.constant 2 : i32
          %add3A_312 = arith.addi %mul3A_310, %add3A_311 : i32
          %get3A_313 = arith.index_cast %add3A_312 : i32 to index
          %get3A_314 = arith.constant 80 : index
          %get3A_315 = tpu.vector_load %arg9[%get3A_313, %get3A_314] {strides = array<i32>} : memref<128x128xf32, #tpu.memory_space<vmem>>, vector<1x16xf32>,
          %get3A_316 = vector.shape_cast %get3A_315 : vector<1x16xf32> to vector<16xf32>
          %add3A_317 = arith.addf %add3A_245, %get3A_316 : vector<16xf32>
          %mul3A_318 = arith.constant 16 : i32
          %mul3A_319 = arith.muli %add3A_144, %mul3A_318 : i32
          %add3A_320 = arith.constant 2 : i32
          %add3A_321 = arith.addi %mul3A_319, %add3A_320 : i32
          %get3A_322 = arith.index_cast %add3A_321 : i32 to index
          %get3A_323 = arith.constant 96 : index
          %get3A_324 = tpu.vector_load %arg9[%get3A_322, %get3A_323] {strides = array<i32>} : memref<128x128xf32, #tpu.memory_space<vmem>>, vector<1x16xf32>,
          %get3A_325 = vector.shape_cast %get3A_324 : vector<1x16xf32> to vector<16xf32>
          %add3A_326 = arith.addf %add3A_254, %get3A_325 : vector<16xf32>
          %mul3A_327 = arith.constant 16 : i32
          %mul3A_328 = arith.muli %add3A_144, %mul3A_327 : i32
          %add3A_329 = arith.constant 2 : i32
          %add3A_330 = arith.addi %mul3A_328, %add3A_329 : i32
          %get3A_331 = arith.index_cast %add3A_330 : i32 to index
          %get3A_332 = arith.constant 112 : index
          %get3A_333 = tpu.vector_load %arg9[%get3A_331, %get3A_332] {strides = array<i32>} : memref<128x128xf32, #tpu.memory_space<vmem>>, vector<1x16xf32>,
          %get3A_334 = vector.shape_cast %get3A_333 : vector<1x16xf32> to vector<16xf32>
          %add3A_335 = arith.addf %add3A_263, %get3A_334 : vector<16xf32>
          %mul3A_336 = arith.constant 16 : i32
          %mul3A_337 = arith.muli %add3A_144, %mul3A_336 : i32
          %add3A_338 = arith.constant 3 : i32
          %add3A_339 = arith.addi %mul3A_337, %add3A_338 : i32
          %get3A_340 = arith.index_cast %add3A_339 : i32 to index
          %get3A_341 = arith.constant 0 : index
          %get3A_342 = tpu.vector_load %arg9[%get3A_340, %get3A_341] {strides = array<i32>} : memref<128x128xf32, #tpu.memory_space<vmem>>, vector<1x16xf32>,
          %get3A_343 = vector.shape_cast %get3A_342 : vector<1x16xf32> to vector<16xf32>
          %add3A_344 = arith.addf %add3A_272, %get3A_343 : vector<16xf32>
          %mul3A_345 = arith.constant 16 : i32
          %mul3A_346 = arith.muli %add3A_144, %mul3A_345 : i32
          %add3A_347 = arith.constant 3 : i32
          %add3A_348 = arith.addi %mul3A_346, %add3A_347 : i32
          %get3A_349 = arith.index_cast %add3A_348 : i32 to index
          %get3A_350 = arith.constant 16 : index
          %get3A_351 = tpu.vector_load %arg9[%get3A_349, %get3A_350] {strides = array<i32>} : memref<128x128xf32, #tpu.memory_space<vmem>>, vector<1x16xf32>,
          %get3A_352 = vector.shape_cast %get3A_351 : vector<1x16xf32> to vector<16xf32>
          %add3A_353 = arith.addf %add3A_281, %get3A_352 : vector<16xf32>
          %mul3A_354 = arith.constant 16 : i32
          %mul3A_355 = arith.muli %add3A_144, %mul3A_354 : i32
          %add3A_356 = arith.constant 3 : i32
          %add3A_357 = arith.addi %mul3A_355, %add3A_356 : i32
          %get3A_358 = arith.index_cast %add3A_357 : i32 to index
          %get3A_359 = arith.constant 32 : index
          %get3A_360 = tpu.vector_load %arg9[%get3A_358, %get3A_359] {strides = array<i32>} : memref<128x128xf32, #tpu.memory_space<vmem>>, vector<1x16xf32>,
          %get3A_361 = vector.shape_cast %get3A_360 : vector<1x16xf32> to vector<16xf32>
          %add3A_362 = arith.addf %add3A_290, %get3A_361 : vector<16xf32>
          %mul3A_363 = arith.constant 16 : i32
          %mul3A_364 = arith.muli %add3A_144, %mul3A_363 : i32
          %add3A_365 = arith.constant 3 : i32
          %add3A_366 = arith.addi %mul3A_364, %add3A_365 : i32
          %get3A_367 = arith.index_cast %add3A_366 : i32 to index
          %get3A_368 = arith.constant 48 : index
          %get3A_369 = tpu.vector_load %arg9[%get3A_367, %get3A_368] {strides = array<i32>} : memref<128x128xf32, #tpu.memory_space<vmem>>, vector<1x16xf32>,
          %get3A_370 = vector.shape_cast %get3A_369 : vector<1x16xf32> to vector<16xf32>
          %add3A_371 = arith.addf %add3A_299, %get3A_370 : vector<16xf32>
          %mul3A_372 = arith.constant 16 : i32
          %mul3A_373 = arith.muli %add3A_144, %mul3A_372 : i32
          %add3A_374 = arith.constant 3 : i32
          %add3A_375 = arith.addi %mul3A_373, %add3A_374 : i32
          %get3A_376 = arith.index_cast %add3A_375 : i32 to index
          %get3A_377 = arith.constant 64 : index
          %get3A_378 = tpu.vector_load %arg9[%get3A_376, %get3A_377] {strides = array<i32>} : memref<128x128xf32, #tpu.memory_space<vmem>>, vector<1x16xf32>,
          %get3A_379 = vector.shape_cast %get3A_378 : vector<1x16xf32> to vector<16xf32>
          %add3A_380 = arith.addf %add3A_308, %get3A_379 : vector<16xf32>
          %mul3A_381 = arith.constant 16 : i32
          %mul3A_382 = arith.muli %add3A_144, %mul3A_381 : i32
          %add3A_383 = arith.constant 3 : i32
          %add3A_384 = arith.addi %mul3A_382, %add3A_383 : i32
          %get3A_385 = arith.index_cast %add3A_384 : i32 to index
          %get3A_386 = arith.constant 80 : index
          %get3A_387 = tpu.vector_load %arg9[%get3A_385, %get3A_386] {strides = array<i32>} : memref<128x128xf32, #tpu.memory_space<vmem>>, vector<1x16xf32>,
          %get3A_388 = vector.shape_cast %get3A_387 : vector<1x16xf32> to vector<16xf32>
          %add3A_389 = arith.addf %add3A_317, %get3A_388 : vector<16xf32>
          %mul3A_390 = arith.constant 16 : i32
          %mul3A_391 = arith.muli %add3A_144, %mul3A_390 : i32
          %add3A_392 = arith.constant 3 : i32
          %add3A_393 = arith.addi %mul3A_391, %add3A_392 : i32
          %get3A_394 = arith.index_cast %add3A_393 : i32 to index
          %get3A_395 = arith.constant 96 : index
          %get3A_396 = tpu.vector_load %arg9[%get3A_394, %get3A_395] {strides = array<i32>} : memref<128x128xf32, #tpu.memory_space<vmem>>, vector<1x16xf32>,
          %get3A_397 = vector.shape_cast %get3A_396 : vector<1x16xf32> to vector<16xf32>
          %add3A_398 = arith.addf %add3A_326, %get3A_397 : vector<16xf32>
          %mul3A_399 = arith.constant 16 : i32
          %mul3A_400 = arith.muli %add3A_144, %mul3A_399 : i32
          %add3A_401 = arith.constant 3 : i32
          %add3A_402 = arith.addi %mul3A_400, %add3A_401 : i32
          %get3A_403 = arith.index_cast %add3A_402 : i32 to index
          %get3A_404 = arith.constant 112 : index
          %get3A_405 = tpu.vector_load %arg9[%get3A_403, %get3A_404] {strides = array<i32>} : memref<128x128xf32, #tpu.memory_space<vmem>>, vector<1x16xf32>,
          %get3A_406 = vector.shape_cast %get3A_405 : vector<1x16xf32> to vector<16xf32>
          %add3A_407 = arith.addf %add3A_335, %get3A_406 : vector<16xf32>
          %mul3A_408 = arith.constant 16 : i32
          %mul3A_409 = arith.muli %add3A_144, %mul3A_408 : i32
          %add3A_410 = arith.constant 4 : i32
          %add3A_411 = arith.addi %mul3A_409, %add3A_410 : i32
          %get3A_412 = arith.index_cast %add3A_411 : i32 to index
          %get3A_413 = arith.constant 0 : index
          %get3A_414 = tpu.vector_load %arg9[%get3A_412, %get3A_413] {strides = array<i32>} : memref<128x128xf32, #tpu.memory_space<vmem>>, vector<1x16xf32>,
          %get3A_415 = vector.shape_cast %get3A_414 : vector<1x16xf32> to vector<16xf32>
          %add3A_416 = arith.addf %add3A_344, %get3A_415 : vector<16xf32>
          %mul3A_417 = arith.constant 16 : i32
          %mul3A_418 = arith.muli %add3A_144, %mul3A_417 : i32
          %add3A_419 = arith.constant 4 : i32
          %add3A_420 = arith.addi %mul3A_418, %add3A_419 : i32
          %get3A_421 = arith.index_cast %add3A_420 : i32 to index
          %get3A_422 = arith.constant 16 : index
          %get3A_423 = tpu.vector_load %arg9[%get3A_421, %get3A_422] {strides = array<i32>} : memref<128x128xf32, #tpu.memory_space<vmem>>, vector<1x16xf32>,
          %get3A_424 = vector.shape_cast %get3A_423 : vector<1x16xf32> to vector<16xf32>
          %add3A_425 = arith.addf %add3A_353, %get3A_424 : vector<16xf32>
          %mul3A_426 = arith.constant 16 : i32
          %mul3A_427 = arith.muli %add3A_144, %mul3A_426 : i32
          %add3A_428 = arith.constant 4 : i32
          %add3A_429 = arith.addi %mul3A_427, %add3A_428 : i32
          %get3A_430 = arith.index_cast %add3A_429 : i32 to index
          %get3A_431 = arith.constant 32 : index
          %get3A_432 = tpu.vector_load %arg9[%get3A_430, %get3A_431] {strides = array<i32>} : memref<128x128xf32, #tpu.memory_space<vmem>>, vector<1x16xf32>,
          %get3A_433 = vector.shape_cast %get3A_432 : vector<1x16xf32> to vector<16xf32>
          %add3A_434 = arith.addf %add3A_362, %get3A_433 : vector<16xf32>
          %mul3A_435 = arith.constant 16 : i32
          %mul3A_436 = arith.muli %add3A_144, %mul3A_435 : i32
          %add3A_437 = arith.constant 4 : i32
          %add3A_438 = arith.addi %mul3A_436, %add3A_437 : i32
          %get3A_439 = arith.index_cast %add3A_438 : i32 to index
          %get3A_440 = arith.constant 48 : index
          %get3A_441 = tpu.vector_load %arg9[%get3A_439, %get3A_440] {strides = array<i32>} : memref<128x128xf32, #tpu.memory_space<vmem>>, vector<1x16xf32>,
          %get3A_442 = vector.shape_cast %get3A_441 : vector<1x16xf32> to vector<16xf32>
          %add3A_443 = arith.addf %add3A_371, %get3A_442 : vector<16xf32>
          %mul3A_444 = arith.constant 16 : i32
          %mul3A_445 = arith.muli %add3A_144, %mul3A_444 : i32
          %add3A_446 = arith.constant 4 : i32
          %add3A_447 = arith.addi %mul3A_445, %add3A_446 : i32
          %get3A_448 = arith.index_cast %add3A_447 : i32 to index
          %get3A_449 = arith.constant 64 : index
          %get3A_450 = tpu.vector_load %arg9[%get3A_448, %get3A_449] {strides = array<i32>} : memref<128x128xf32, #tpu.memory_space<vmem>>, vector<1x16xf32>,
          %get3A_451 = vector.shape_cast %get3A_450 : vector<1x16xf32> to vector<16xf32>
          %add3A_452 = arith.addf %add3A_380, %get3A_451 : vector<16xf32>
          %mul3A_453 = arith.constant 16 : i32
          %mul3A_454 = arith.muli %add3A_144, %mul3A_453 : i32
          %add3A_455 = arith.constant 4 : i32
          %add3A_456 = arith.addi %mul3A_454, %add3A_455 : i32
          %get3A_457 = arith.index_cast %add3A_456 : i32 to index
          %get3A_458 = arith.constant 80 : index
          %get3A_459 = tpu.vector_load %arg9[%get3A_457, %get3A_458] {strides = array<i32>} : memref<128x128xf32, #tpu.memory_space<vmem>>, vector<1x16xf32>,
          %get3A_460 = vector.shape_cast %get3A_459 : vector<1x16xf32> to vector<16xf32>
          %add3A_461 = arith.addf %add3A_389, %get3A_460 : vector<16xf32>
          %mul3A_462 = arith.constant 16 : i32
          %mul3A_463 = arith.muli %add3A_144, %mul3A_462 : i32
          %add3A_464 = arith.constant 4 : i32
          %add3A_465 = arith.addi %mul3A_463, %add3A_464 : i32
          %get3A_466 = arith.index_cast %add3A_465 : i32 to index
          %get3A_467 = arith.constant 96 : index
          %get3A_468 = tpu.vector_load %arg9[%get3A_466, %get3A_467] {strides = array<i32>} : memref<128x128xf32, #tpu.memory_space<vmem>>, vector<1x16xf32>,
          %get3A_469 = vector.shape_cast %get3A_468 : vector<1x16xf32> to vector<16xf32>
          %add3A_470 = arith.addf %add3A_398, %get3A_469 : vector<16xf32>
          %mul3A_471 = arith.constant 16 : i32
          %mul3A_472 = arith.muli %add3A_144, %mul3A_471 : i32
          %add3A_473 = arith.constant 4 : i32
          %add3A_474 = arith.addi %mul3A_472, %add3A_473 : i32
          %get3A_475 = arith.index_cast %add3A_474 : i32 to index
          %get3A_476 = arith.constant 112 : index
          %get3A_477 = tpu.vector_load %arg9[%get3A_475, %get3A_476] {strides = array<i32>} : memref<128x128xf32, #tpu.memory_space<vmem>>, vector<1x16xf32>,
          %get3A_478 = vector.shape_cast %get3A_477 : vector<1x16xf32> to vector<16xf32>
          %add3A_479 = arith.addf %add3A_407, %get3A_478 : vector<16xf32>
          %mul3A_480 = arith.constant 16 : i32
          %mul3A_481 = arith.muli %add3A_144, %mul3A_480 : i32
          %add3A_482 = arith.constant 5 : i32
          %add3A_483 = arith.addi %mul3A_481, %add3A_482 : i32
          %get3A_484 = arith.index_cast %add3A_483 : i32 to index
          %get3A_485 = arith.constant 0 : index
          %get3A_486 = tpu.vector_load %arg9[%get3A_484, %get3A_485] {strides = array<i32>} : memref<128x128xf32, #tpu.memory_space<vmem>>, vector<1x16xf32>,
          %get3A_487 = vector.shape_cast %get3A_486 : vector<1x16xf32> to vector<16xf32>
          %add3A_488 = arith.addf %add3A_416, %get3A_487 : vector<16xf32>
          %mul3A_489 = arith.constant 16 : i32
          %mul3A_490 = arith.muli %add3A_144, %mul3A_489 : i32
          %add3A_491 = arith.constant 5 : i32
          %add3A_492 = arith.addi %mul3A_490, %add3A_491 : i32
          %get3A_493 = arith.index_cast %add3A_492 : i32 to index
          %get3A_494 = arith.constant 16 : index
          %get3A_495 = tpu.vector_load %arg9[%get3A_493, %get3A_494] {strides = array<i32>} : memref<128x128xf32, #tpu.memory_space<vmem>>, vector<1x16xf32>,
          %get3A_496 = vector.shape_cast %get3A_495 : vector<1x16xf32> to vector<16xf32>
          %add3A_497 = arith.addf %add3A_425, %get3A_496 : vector<16xf32>
          %mul3A_498 = arith.constant 16 : i32
          %mul3A_499 = arith.muli %add3A_144, %mul3A_498 : i32
          %add3A_500 = arith.constant 5 : i32
          %add3A_501 = arith.addi %mul3A_499, %add3A_500 : i32
          %get3A_502 = arith.index_cast %add3A_501 : i32 to index
          %get3A_503 = arith.constant 32 : index
          %get3A_504 = tpu.vector_load %arg9[%get3A_502, %get3A_503] {strides = array<i32>} : memref<128x128xf32, #tpu.memory_space<vmem>>, vector<1x16xf32>,
          %get3A_505 = vector.shape_cast %get3A_504 : vector<1x16xf32> to vector<16xf32>
          %add3A_506 = arith.addf %add3A_434, %get3A_505 : vector<16xf32>
          %mul3A_507 = arith.constant 16 : i32
          %mul3A_508 = arith.muli %add3A_144, %mul3A_507 : i32
          %add3A_509 = arith.constant 5 : i32
          %add3A_510 = arith.addi %mul3A_508, %add3A_509 : i32
          %get3A_511 = arith.index_cast %add3A_510 : i32 to index
          %get3A_512 = arith.constant 48 : index
          %get3A_513 = tpu.vector_load %arg9[%get3A_511, %get3A_512] {strides = array<i32>} : memref<128x128xf32, #tpu.memory_space<vmem>>, vector<1x16xf32>,
          %get3A_514 = vector.shape_cast %get3A_513 : vector<1x16xf32> to vector<16xf32>
          %add3A_515 = arith.addf %add3A_443, %get3A_514 : vector<16xf32>
          %mul3A_516 = arith.constant 16 : i32
          %mul3A_517 = arith.muli %add3A_144, %mul3A_516 : i32
          %add3A_518 = arith.constant 5 : i32
          %add3A_519 = arith.addi %mul3A_517, %add3A_518 : i32
          %get3A_520 = arith.index_cast %add3A_519 : i32 to index
          %get3A_521 = arith.constant 64 : index
          %get3A_522 = tpu.vector_load %arg9[%get3A_520, %get3A_521] {strides = array<i32>} : memref<128x128xf32, #tpu.memory_space<vmem>>, vector<1x16xf32>,
          %get3A_523 = vector.shape_cast %get3A_522 : vector<1x16xf32> to vector<16xf32>
          %add3A_524 = arith.addf %add3A_452, %get3A_523 : vector<16xf32>
          %mul3A_525 = arith.constant 16 : i32
          %mul3A_526 = arith.muli %add3A_144, %mul3A_525 : i32
          %add3A_527 = arith.constant 5 : i32
          %add3A_528 = arith.addi %mul3A_526, %add3A_527 : i32
          %get3A_529 = arith.index_cast %add3A_528 : i32 to index
          %get3A_530 = arith.constant 80 : index
          %get3A_531 = tpu.vector_load %arg9[%get3A_529, %get3A_530] {strides = array<i32>} : memref<128x128xf32, #tpu.memory_space<vmem>>, vector<1x16xf32>,
          %get3A_532 = vector.shape_cast %get3A_531 : vector<1x16xf32> to vector<16xf32>
          %add3A_533 = arith.addf %add3A_461, %get3A_532 : vector<16xf32>
          %mul3A_534 = arith.constant 16 : i32
          %mul3A_535 = arith.muli %add3A_144, %mul3A_534 : i32
          %add3A_536 = arith.constant 5 : i32
          %add3A_537 = arith.addi %mul3A_535, %add3A_536 : i32
          %get3A_538 = arith.index_cast %add3A_537 : i32 to index
          %get3A_539 = arith.constant 96 : index
          %get3A_540 = tpu.vector_load %arg9[%get3A_538, %get3A_539] {strides = array<i32>} : memref<128x128xf32, #tpu.memory_space<vmem>>, vector<1x16xf32>,
          %get3A_541 = vector.shape_cast %get3A_540 : vector<1x16xf32> to vector<16xf32>
          %add3A_542 = arith.addf %add3A_470, %get3A_541 : vector<16xf32>
          %mul3A_543 = arith.constant 16 : i32
          %mul3A_544 = arith.muli %add3A_144, %mul3A_543 : i32
          %add3A_545 = arith.constant 5 : i32
          %add3A_546 = arith.addi %mul3A_544, %add3A_545 : i32
          %get3A_547 = arith.index_cast %add3A_546 : i32 to index
          %get3A_548 = arith.constant 112 : index
          %get3A_549 = tpu.vector_load %arg9[%get3A_547, %get3A_548] {strides = array<i32>} : memref<128x128xf32, #tpu.memory_space<vmem>>, vector<1x16xf32>,
          %get3A_550 = vector.shape_cast %get3A_549 : vector<1x16xf32> to vector<16xf32>
          %add3A_551 = arith.addf %add3A_479, %get3A_550 : vector<16xf32>
          %mul3A_552 = arith.constant 16 : i32
          %mul3A_553 = arith.muli %add3A_144, %mul3A_552 : i32
          %add3A_554 = arith.constant 6 : i32
          %add3A_555 = arith.addi %mul3A_553, %add3A_554 : i32
          %get3A_556 = arith.index_cast %add3A_555 : i32 to index
          %get3A_557 = arith.constant 0 : index
          %get3A_558 = tpu.vector_load %arg9[%get3A_556, %get3A_557] {strides = array<i32>} : memref<128x128xf32, #tpu.memory_space<vmem>>, vector<1x16xf32>,
          %get3A_559 = vector.shape_cast %get3A_558 : vector<1x16xf32> to vector<16xf32>
          %add3A_560 = arith.addf %add3A_488, %get3A_559 : vector<16xf32>
          %mul3A_561 = arith.constant 16 : i32
          %mul3A_562 = arith.muli %add3A_144, %mul3A_561 : i32
          %add3A_563 = arith.constant 6 : i32
          %add3A_564 = arith.addi %mul3A_562, %add3A_563 : i32
          %get3A_565 = arith.index_cast %add3A_564 : i32 to index
          %get3A_566 = arith.constant 16 : index
          %get3A_567 = tpu.vector_load %arg9[%get3A_565, %get3A_566] {strides = array<i32>} : memref<128x128xf32, #tpu.memory_space<vmem>>, vector<1x16xf32>,
          %get3A_568 = vector.shape_cast %get3A_567 : vector<1x16xf32> to vector<16xf32>
          %add3A_569 = arith.addf %add3A_497, %get3A_568 : vector<16xf32>
          %mul3A_570 = arith.constant 16 : i32
          %mul3A_571 = arith.muli %add3A_144, %mul3A_570 : i32
          %add3A_572 = arith.constant 6 : i32
          %add3A_573 = arith.addi %mul3A_571, %add3A_572 : i32
          %get3A_574 = arith.index_cast %add3A_573 : i32 to index
          %get3A_575 = arith.constant 32 : index
          %get3A_576 = tpu.vector_load %arg9[%get3A_574, %get3A_575] {strides = array<i32>} : memref<128x128xf32, #tpu.memory_space<vmem>>, vector<1x16xf32>,
          %get3A_577 = vector.shape_cast %get3A_576 : vector<1x16xf32> to vector<16xf32>
          %add3A_578 = arith.addf %add3A_506, %get3A_577 : vector<16xf32>
          %mul3A_579 = arith.constant 16 : i32
          %mul3A_580 = arith.muli %add3A_144, %mul3A_579 : i32
          %add3A_581 = arith.constant 6 : i32
          %add3A_582 = arith.addi %mul3A_580, %add3A_581 : i32
          %get3A_583 = arith.index_cast %add3A_582 : i32 to index
          %get3A_584 = arith.constant 48 : index
          %get3A_585 = tpu.vector_load %arg9[%get3A_583, %get3A_584] {strides = array<i32>} : memref<128x128xf32, #tpu.memory_space<vmem>>, vector<1x16xf32>,
          %get3A_586 = vector.shape_cast %get3A_585 : vector<1x16xf32> to vector<16xf32>
          %add3A_587 = arith.addf %add3A_515, %get3A_586 : vector<16xf32>
          %mul3A_588 = arith.constant 16 : i32
          %mul3A_589 = arith.muli %add3A_144, %mul3A_588 : i32
          %add3A_590 = arith.constant 6 : i32
          %add3A_591 = arith.addi %mul3A_589, %add3A_590 : i32
          %get3A_592 = arith.index_cast %add3A_591 : i32 to index
          %get3A_593 = arith.constant 64 : index
          %get3A_594 = tpu.vector_load %arg9[%get3A_592, %get3A_593] {strides = array<i32>} : memref<128x128xf32, #tpu.memory_space<vmem>>, vector<1x16xf32>,
          %get3A_595 = vector.shape_cast %get3A_594 : vector<1x16xf32> to vector<16xf32>
          %add3A_596 = arith.addf %add3A_524, %get3A_595 : vector<16xf32>
          %mul3A_597 = arith.constant 16 : i32
          %mul3A_598 = arith.muli %add3A_144, %mul3A_597 : i32
          %add3A_599 = arith.constant 6 : i32
          %add3A_600 = arith.addi %mul3A_598, %add3A_599 : i32
          %get3A_601 = arith.index_cast %add3A_600 : i32 to index
          %get3A_602 = arith.constant 80 : index
          %get3A_603 = tpu.vector_load %arg9[%get3A_601, %get3A_602] {strides = array<i32>} : memref<128x128xf32, #tpu.memory_space<vmem>>, vector<1x16xf32>,
          %get3A_604 = vector.shape_cast %get3A_603 : vector<1x16xf32> to vector<16xf32>
          %add3A_605 = arith.addf %add3A_533, %get3A_604 : vector<16xf32>
          %mul3A_606 = arith.constant 16 : i32
          %mul3A_607 = arith.muli %add3A_144, %mul3A_606 : i32
          %add3A_608 = arith.constant 6 : i32
          %add3A_609 = arith.addi %mul3A_607, %add3A_608 : i32
          %get3A_610 = arith.index_cast %add3A_609 : i32 to index
          %get3A_611 = arith.constant 96 : index
          %get3A_612 = tpu.vector_load %arg9[%get3A_610, %get3A_611] {strides = array<i32>} : memref<128x128xf32, #tpu.memory_space<vmem>>, vector<1x16xf32>,
          %get3A_613 = vector.shape_cast %get3A_612 : vector<1x16xf32> to vector<16xf32>
          %add3A_614 = arith.addf %add3A_542, %get3A_613 : vector<16xf32>
          %mul3A_615 = arith.constant 16 : i32
          %mul3A_616 = arith.muli %add3A_144, %mul3A_615 : i32
          %add3A_617 = arith.constant 6 : i32
          %add3A_618 = arith.addi %mul3A_616, %add3A_617 : i32
          %get3A_619 = arith.index_cast %add3A_618 : i32 to index
          %get3A_620 = arith.constant 112 : index
          %get3A_621 = tpu.vector_load %arg9[%get3A_619, %get3A_620] {strides = array<i32>} : memref<128x128xf32, #tpu.memory_space<vmem>>, vector<1x16xf32>,
          %get3A_622 = vector.shape_cast %get3A_621 : vector<1x16xf32> to vector<16xf32>
          %add3A_623 = arith.addf %add3A_551, %get3A_622 : vector<16xf32>
          %mul3A_624 = arith.constant 16 : i32
          %mul3A_625 = arith.muli %add3A_144, %mul3A_624 : i32
          %add3A_626 = arith.constant 7 : i32
          %add3A_627 = arith.addi %mul3A_625, %add3A_626 : i32
          %get3A_628 = arith.index_cast %add3A_627 : i32 to index
          %get3A_629 = arith.constant 0 : index
          %get3A_630 = tpu.vector_load %arg9[%get3A_628, %get3A_629] {strides = array<i32>} : memref<128x128xf32, #tpu.memory_space<vmem>>, vector<1x16xf32>,
          %get3A_631 = vector.shape_cast %get3A_630 : vector<1x16xf32> to vector<16xf32>
          %add3A_632 = arith.addf %add3A_560, %get3A_631 : vector<16xf32>
          %mul3A_633 = arith.constant 16 : i32
          %mul3A_634 = arith.muli %add3A_144, %mul3A_633 : i32
          %add3A_635 = arith.constant 7 : i32
          %add3A_636 = arith.addi %mul3A_634, %add3A_635 : i32
          %get3A_637 = arith.index_cast %add3A_636 : i32 to index
          %get3A_638 = arith.constant 16 : index
          %get3A_639 = tpu.vector_load %arg9[%get3A_637, %get3A_638] {strides = array<i32>} : memref<128x128xf32, #tpu.memory_space<vmem>>, vector<1x16xf32>,
          %get3A_640 = vector.shape_cast %get3A_639 : vector<1x16xf32> to vector<16xf32>
          %add3A_641 = arith.addf %add3A_569, %get3A_640 : vector<16xf32>
          %mul3A_642 = arith.constant 16 : i32
          %mul3A_643 = arith.muli %add3A_144, %mul3A_642 : i32
          %add3A_644 = arith.constant 7 : i32
          %add3A_645 = arith.addi %mul3A_643, %add3A_644 : i32
          %get3A_646 = arith.index_cast %add3A_645 : i32 to index
          %get3A_647 = arith.constant 32 : index
          %get3A_648 = tpu.vector_load %arg9[%get3A_646, %get3A_647] {strides = array<i32>} : memref<128x128xf32, #tpu.memory_space<vmem>>, vector<1x16xf32>,
          %get3A_649 = vector.shape_cast %get3A_648 : vector<1x16xf32> to vector<16xf32>
          %add3A_650 = arith.addf %add3A_578, %get3A_649 : vector<16xf32>
          %mul3A_651 = arith.constant 16 : i32
          %mul3A_652 = arith.muli %add3A_144, %mul3A_651 : i32
          %add3A_653 = arith.constant 7 : i32
          %add3A_654 = arith.addi %mul3A_652, %add3A_653 : i32
          %get3A_655 = arith.index_cast %add3A_654 : i32 to index
          %get3A_656 = arith.constant 48 : index
          %get3A_657 = tpu.vector_load %arg9[%get3A_655, %get3A_656] {strides = array<i32>} : memref<128x128xf32, #tpu.memory_space<vmem>>, vector<1x16xf32>,
          %get3A_658 = vector.shape_cast %get3A_657 : vector<1x16xf32> to vector<16xf32>
          %add3A_659 = arith.addf %add3A_587, %get3A_658 : vector<16xf32>
          %mul3A_660 = arith.constant 16 : i32
          %mul3A_661 = arith.muli %add3A_144, %mul3A_660 : i32
          %add3A_662 = arith.constant 7 : i32
          %add3A_663 = arith.addi %mul3A_661, %add3A_662 : i32
          %get3A_664 = arith.index_cast %add3A_663 : i32 to index
          %get3A_665 = arith.constant 64 : index
          %get3A_666 = tpu.vector_load %arg9[%get3A_664, %get3A_665] {strides = array<i32>} : memref<128x128xf32, #tpu.memory_space<vmem>>, vector<1x16xf32>,
          %get3A_667 = vector.shape_cast %get3A_666 : vector<1x16xf32> to vector<16xf32>
          %add3A_668 = arith.addf %add3A_596, %get3A_667 : vector<16xf32>
          %mul3A_669 = arith.constant 16 : i32
          %mul3A_670 = arith.muli %add3A_144, %mul3A_669 : i32
          %add3A_671 = arith.constant 7 : i32
          %add3A_672 = arith.addi %mul3A_670, %add3A_671 : i32
          %get3A_673 = arith.index_cast %add3A_672 : i32 to index
          %get3A_674 = arith.constant 80 : index
          %get3A_675 = tpu.vector_load %arg9[%get3A_673, %get3A_674] {strides = array<i32>} : memref<128x128xf32, #tpu.memory_space<vmem>>, vector<1x16xf32>,
          %get3A_676 = vector.shape_cast %get3A_675 : vector<1x16xf32> to vector<16xf32>
          %add3A_677 = arith.addf %add3A_605, %get3A_676 : vector<16xf32>
          %mul3A_678 = arith.constant 16 : i32
          %mul3A_679 = arith.muli %add3A_144, %mul3A_678 : i32
          %add3A_680 = arith.constant 7 : i32
          %add3A_681 = arith.addi %mul3A_679, %add3A_680 : i32
          %get3A_682 = arith.index_cast %add3A_681 : i32 to index
          %get3A_683 = arith.constant 96 : index
          %get3A_684 = tpu.vector_load %arg9[%get3A_682, %get3A_683] {strides = array<i32>} : memref<128x128xf32, #tpu.memory_space<vmem>>, vector<1x16xf32>,
          %get3A_685 = vector.shape_cast %get3A_684 : vector<1x16xf32> to vector<16xf32>
          %add3A_686 = arith.addf %add3A_614, %get3A_685 : vector<16xf32>
          %mul3A_687 = arith.constant 16 : i32
          %mul3A_688 = arith.muli %add3A_144, %mul3A_687 : i32
          %add3A_689 = arith.constant 7 : i32
          %add3A_690 = arith.addi %mul3A_688, %add3A_689 : i32
          %get3A_691 = arith.index_cast %add3A_690 : i32 to index
          %get3A_692 = arith.constant 112 : index
          %get3A_693 = tpu.vector_load %arg9[%get3A_691, %get3A_692] {strides = array<i32>} : memref<128x128xf32, #tpu.memory_space<vmem>>, vector<1x16xf32>,
          %get3A_694 = vector.shape_cast %get3A_693 : vector<1x16xf32> to vector<16xf32>
          %add3A_695 = arith.addf %add3A_623, %get3A_694 : vector<16xf32>
          %mul3A_696 = arith.constant 16 : i32
          %mul3A_697 = arith.muli %add3A_144, %mul3A_696 : i32
          %add3A_698 = arith.constant 8 : i32
          %add3A_699 = arith.addi %mul3A_697, %add3A_698 : i32
          %get3A_700 = arith.index_cast %add3A_699 : i32 to index
          %get3A_701 = arith.constant 0 : index
          %get3A_702 = tpu.vector_load %arg9[%get3A_700, %get3A_701] {strides = array<i32>} : memref<128x128xf32, #tpu.memory_space<vmem>>, vector<1x16xf32>,
          %get3A_703 = vector.shape_cast %get3A_702 : vector<1x16xf32> to vector<16xf32>
          %add3A_704 = arith.addf %add3A_632, %get3A_703 : vector<16xf32>
          %mul3A_705 = arith.constant 16 : i32
          %mul3A_706 = arith.muli %add3A_144, %mul3A_705 : i32
          %add3A_707 = arith.constant 8 : i32
          %add3A_708 = arith.addi %mul3A_706, %add3A_707 : i32
          %get3A_709 = arith.index_cast %add3A_708 : i32 to index
          %get3A_710 = arith.constant 16 : index
          %get3A_711 = tpu.vector_load %arg9[%get3A_709, %get3A_710] {strides = array<i32>} : memref<128x128xf32, #tpu.memory_space<vmem>>, vector<1x16xf32>,
          %get3A_712 = vector.shape_cast %get3A_711 : vector<1x16xf32> to vector<16xf32>
          %add3A_713 = arith.addf %add3A_641, %get3A_712 : vector<16xf32>
          %mul3A_714 = arith.constant 16 : i32
          %mul3A_715 = arith.muli %add3A_144, %mul3A_714 : i32
          %add3A_716 = arith.constant 8 : i32
          %add3A_717 = arith.addi %mul3A_715, %add3A_716 : i32
          %get3A_718 = arith.index_cast %add3A_717 : i32 to index
          %get3A_719 = arith.constant 32 : index
          %get3A_720 = tpu.vector_load %arg9[%get3A_718, %get3A_719] {strides = array<i32>} : memref<128x128xf32, #tpu.memory_space<vmem>>, vector<1x16xf32>,
          %get3A_721 = vector.shape_cast %get3A_720 : vector<1x16xf32> to vector<16xf32>
          %add3A_722 = arith.addf %add3A_650, %get3A_721 : vector<16xf32>
          %mul3A_723 = arith.constant 16 : i32
          %mul3A_724 = arith.muli %add3A_144, %mul3A_723 : i32
          %add3A_725 = arith.constant 8 : i32
          %add3A_726 = arith.addi %mul3A_724, %add3A_725 : i32
          %get3A_727 = arith.index_cast %add3A_726 : i32 to index
          %get3A_728 = arith.constant 48 : index
          %get3A_729 = tpu.vector_load %arg9[%get3A_727, %get3A_728] {strides = array<i32>} : memref<128x128xf32, #tpu.memory_space<vmem>>, vector<1x16xf32>,
          %get3A_730 = vector.shape_cast %get3A_729 : vector<1x16xf32> to vector<16xf32>
          %add3A_731 = arith.addf %add3A_659, %get3A_730 : vector<16xf32>
          %mul3A_732 = arith.constant 16 : i32
          %mul3A_733 = arith.muli %add3A_144, %mul3A_732 : i32
          %add3A_734 = arith.constant 8 : i32
          %add3A_735 = arith.addi %mul3A_733, %add3A_734 : i32
          %get3A_736 = arith.index_cast %add3A_735 : i32 to index
          %get3A_737 = arith.constant 64 : index
          %get3A_738 = tpu.vector_load %arg9[%get3A_736, %get3A_737] {strides = array<i32>} : memref<128x128xf32, #tpu.memory_space<vmem>>, vector<1x16xf32>,
          %get3A_739 = vector.shape_cast %get3A_738 : vector<1x16xf32> to vector<16xf32>
          %add3A_740 = arith.addf %add3A_668, %get3A_739 : vector<16xf32>
          %mul3A_741 = arith.constant 16 : i32
          %mul3A_742 = arith.muli %add3A_144, %mul3A_741 : i32
          %add3A_743 = arith.constant 8 : i32
          %add3A_744 = arith.addi %mul3A_742, %add3A_743 : i32
          %get3A_745 = arith.index_cast %add3A_744 : i32 to index
          %get3A_746 = arith.constant 80 : index
          %get3A_747 = tpu.vector_load %arg9[%get3A_745, %get3A_746] {strides = array<i32>} : memref<128x128xf32, #tpu.memory_space<vmem>>, vector<1x16xf32>,
          %get3A_748 = vector.shape_cast %get3A_747 : vector<1x16xf32> to vector<16xf32>
          %add3A_749 = arith.addf %add3A_677, %get3A_748 : vector<16xf32>
          %mul3A_750 = arith.constant 16 : i32
          %mul3A_751 = arith.muli %add3A_144, %mul3A_750 : i32
          %add3A_752 = arith.constant 8 : i32
          %add3A_753 = arith.addi %mul3A_751, %add3A_752 : i32
          %get3A_754 = arith.index_cast %add3A_753 : i32 to index
          %get3A_755 = arith.constant 96 : index
          %get3A_756 = tpu.vector_load %arg9[%get3A_754, %get3A_755] {strides = array<i32>} : memref<128x128xf32, #tpu.memory_space<vmem>>, vector<1x16xf32>,
          %get3A_757 = vector.shape_cast %get3A_756 : vector<1x16xf32> to vector<16xf32>
          %add3A_758 = arith.addf %add3A_686, %get3A_757 : vector<16xf32>
          %mul3A_759 = arith.constant 16 : i32
          %mul3A_760 = arith.muli %add3A_144, %mul3A_759 : i32
          %add3A_761 = arith.constant 8 : i32
          %add3A_762 = arith.addi %mul3A_760, %add3A_761 : i32
          %get3A_763 = arith.index_cast %add3A_762 : i32 to index
          %get3A_764 = arith.constant 112 : index
          %get3A_765 = tpu.vector_load %arg9[%get3A_763, %get3A_764] {strides = array<i32>} : memref<128x128xf32, #tpu.memory_space<vmem>>, vector<1x16xf32>,
          %get3A_766 = vector.shape_cast %get3A_765 : vector<1x16xf32> to vector<16xf32>
          %add3A_767 = arith.addf %add3A_695, %get3A_766 : vector<16xf32>
          %mul3A_768 = arith.constant 16 : i32
          %mul3A_769 = arith.muli %add3A_144, %mul3A_768 : i32
          %add3A_770 = arith.constant 9 : i32
          %add3A_771 = arith.addi %mul3A_769, %add3A_770 : i32
          %get3A_772 = arith.index_cast %add3A_771 : i32 to index
          %get3A_773 = arith.constant 0 : index
          %get3A_774 = tpu.vector_load %arg9[%get3A_772, %get3A_773] {strides = array<i32>} : memref<128x128xf32, #tpu.memory_space<vmem>>, vector<1x16xf32>,
          %get3A_775 = vector.shape_cast %get3A_774 : vector<1x16xf32> to vector<16xf32>
          %add3A_776 = arith.addf %add3A_704, %get3A_775 : vector<16xf32>
          %mul3A_777 = arith.constant 16 : i32
          %mul3A_778 = arith.muli %add3A_144, %mul3A_777 : i32
          %add3A_779 = arith.constant 9 : i32
          %add3A_780 = arith.addi %mul3A_778, %add3A_779 : i32
          %get3A_781 = arith.index_cast %add3A_780 : i32 to index
          %get3A_782 = arith.constant 16 : index
          %get3A_783 = tpu.vector_load %arg9[%get3A_781, %get3A_782] {strides = array<i32>} : memref<128x128xf32, #tpu.memory_space<vmem>>, vector<1x16xf32>,
          %get3A_784 = vector.shape_cast %get3A_783 : vector<1x16xf32> to vector<16xf32>
          %add3A_785 = arith.addf %add3A_713, %get3A_784 : vector<16xf32>
          %mul3A_786 = arith.constant 16 : i32
          %mul3A_787 = arith.muli %add3A_144, %mul3A_786 : i32
          %add3A_788 = arith.constant 9 : i32
          %add3A_789 = arith.addi %mul3A_787, %add3A_788 : i32
          %get3A_790 = arith.index_cast %add3A_789 : i32 to index
          %get3A_791 = arith.constant 32 : index
          %get3A_792 = tpu.vector_load %arg9[%get3A_790, %get3A_791] {strides = array<i32>} : memref<128x128xf32, #tpu.memory_space<vmem>>, vector<1x16xf32>,
          %get3A_793 = vector.shape_cast %get3A_792 : vector<1x16xf32> to vector<16xf32>
          %add3A_794 = arith.addf %add3A_722, %get3A_793 : vector<16xf32>
          %mul3A_795 = arith.constant 16 : i32
          %mul3A_796 = arith.muli %add3A_144, %mul3A_795 : i32
          %add3A_797 = arith.constant 9 : i32
          %add3A_798 = arith.addi %mul3A_796, %add3A_797 : i32
          %get3A_799 = arith.index_cast %add3A_798 : i32 to index
          %get3A_800 = arith.constant 48 : index
          %get3A_801 = tpu.vector_load %arg9[%get3A_799, %get3A_800] {strides = array<i32>} : memref<128x128xf32, #tpu.memory_space<vmem>>, vector<1x16xf32>,
          %get3A_802 = vector.shape_cast %get3A_801 : vector<1x16xf32> to vector<16xf32>
          %add3A_803 = arith.addf %add3A_731, %get3A_802 : vector<16xf32>
          %mul3A_804 = arith.constant 16 : i32
          %mul3A_805 = arith.muli %add3A_144, %mul3A_804 : i32
          %add3A_806 = arith.constant 9 : i32
          %add3A_807 = arith.addi %mul3A_805, %add3A_806 : i32
          %get3A_808 = arith.index_cast %add3A_807 : i32 to index
          %get3A_809 = arith.constant 64 : index
          %get3A_810 = tpu.vector_load %arg9[%get3A_808, %get3A_809] {strides = array<i32>} : memref<128x128xf32, #tpu.memory_space<vmem>>, vector<1x16xf32>,
          %get3A_811 = vector.shape_cast %get3A_810 : vector<1x16xf32> to vector<16xf32>
          %add3A_812 = arith.addf %add3A_740, %get3A_811 : vector<16xf32>
          %mul3A_813 = arith.constant 16 : i32
          %mul3A_814 = arith.muli %add3A_144, %mul3A_813 : i32
          %add3A_815 = arith.constant 9 : i32
          %add3A_816 = arith.addi %mul3A_814, %add3A_815 : i32
          %get3A_817 = arith.index_cast %add3A_816 : i32 to index
          %get3A_818 = arith.constant 80 : index
          %get3A_819 = tpu.vector_load %arg9[%get3A_817, %get3A_818] {strides = array<i32>} : memref<128x128xf32, #tpu.memory_space<vmem>>, vector<1x16xf32>,
          %get3A_820 = vector.shape_cast %get3A_819 : vector<1x16xf32> to vector<16xf32>
          %add3A_821 = arith.addf %add3A_749, %get3A_820 : vector<16xf32>
          %mul3A_822 = arith.constant 16 : i32
          %mul3A_823 = arith.muli %add3A_144, %mul3A_822 : i32
          %add3A_824 = arith.constant 9 : i32
          %add3A_825 = arith.addi %mul3A_823, %add3A_824 : i32
          %get3A_826 = arith.index_cast %add3A_825 : i32 to index
          %get3A_827 = arith.constant 96 : index
          %get3A_828 = tpu.vector_load %arg9[%get3A_826, %get3A_827] {strides = array<i32>} : memref<128x128xf32, #tpu.memory_space<vmem>>, vector<1x16xf32>,
          %get3A_829 = vector.shape_cast %get3A_828 : vector<1x16xf32> to vector<16xf32>
          %add3A_830 = arith.addf %add3A_758, %get3A_829 : vector<16xf32>
          %mul3A_831 = arith.constant 16 : i32
          %mul3A_832 = arith.muli %add3A_144, %mul3A_831 : i32
          %add3A_833 = arith.constant 9 : i32
          %add3A_834 = arith.addi %mul3A_832, %add3A_833 : i32
          %get3A_835 = arith.index_cast %add3A_834 : i32 to index
          %get3A_836 = arith.constant 112 : index
          %get3A_837 = tpu.vector_load %arg9[%get3A_835, %get3A_836] {strides = array<i32>} : memref<128x128xf32, #tpu.memory_space<vmem>>, vector<1x16xf32>,
          %get3A_838 = vector.shape_cast %get3A_837 : vector<1x16xf32> to vector<16xf32>
          %add3A_839 = arith.addf %add3A_767, %get3A_838 : vector<16xf32>
          %mul3A_840 = arith.constant 16 : i32
          %mul3A_841 = arith.muli %add3A_144, %mul3A_840 : i32
          %add3A_842 = arith.constant 10 : i32
          %add3A_843 = arith.addi %mul3A_841, %add3A_842 : i32
          %get3A_844 = arith.index_cast %add3A_843 : i32 to index
          %get3A_845 = arith.constant 0 : index
          %get3A_846 = tpu.vector_load %arg9[%get3A_844, %get3A_845] {strides = array<i32>} : memref<128x128xf32, #tpu.memory_space<vmem>>, vector<1x16xf32>,
          %get3A_847 = vector.shape_cast %get3A_846 : vector<1x16xf32> to vector<16xf32>
          %add3A_848 = arith.addf %add3A_776, %get3A_847 : vector<16xf32>
          %mul3A_849 = arith.constant 16 : i32
          %mul3A_850 = arith.muli %add3A_144, %mul3A_849 : i32
          %add3A_851 = arith.constant 10 : i32
          %add3A_852 = arith.addi %mul3A_850, %add3A_851 : i32
          %get3A_853 = arith.index_cast %add3A_852 : i32 to index
          %get3A_854 = arith.constant 16 : index
          %get3A_855 = tpu.vector_load %arg9[%get3A_853, %get3A_854] {strides = array<i32>} : memref<128x128xf32, #tpu.memory_space<vmem>>, vector<1x16xf32>,
          %get3A_856 = vector.shape_cast %get3A_855 : vector<1x16xf32> to vector<16xf32>
          %add3A_857 = arith.addf %add3A_785, %get3A_856 : vector<16xf32>
          %mul3A_858 = arith.constant 16 : i32
          %mul3A_859 = arith.muli %add3A_144, %mul3A_858 : i32
          %add3A_860 = arith.constant 10 : i32
          %add3A_861 = arith.addi %mul3A_859, %add3A_860 : i32
          %get3A_862 = arith.index_cast %add3A_861 : i32 to index
          %get3A_863 = arith.constant 32 : index
          %get3A_864 = tpu.vector_load %arg9[%get3A_862, %get3A_863] {strides = array<i32>} : memref<128x128xf32, #tpu.memory_space<vmem>>, vector<1x16xf32>,
          %get3A_865 = vector.shape_cast %get3A_864 : vector<1x16xf32> to vector<16xf32>
          %add3A_866 = arith.addf %add3A_794, %get3A_865 : vector<16xf32>
          %mul3A_867 = arith.constant 16 : i32
          %mul3A_868 = arith.muli %add3A_144, %mul3A_867 : i32
          %add3A_869 = arith.constant 10 : i32
          %add3A_870 = arith.addi %mul3A_868, %add3A_869 : i32
          %get3A_871 = arith.index_cast %add3A_870 : i32 to index
          %get3A_872 = arith.constant 48 : index
          %get3A_873 = tpu.vector_load %arg9[%get3A_871, %get3A_872] {strides = array<i32>} : memref<128x128xf32, #tpu.memory_space<vmem>>, vector<1x16xf32>,
          %get3A_874 = vector.shape_cast %get3A_873 : vector<1x16xf32> to vector<16xf32>
          %add3A_875 = arith.addf %add3A_803, %get3A_874 : vector<16xf32>
          %mul3A_876 = arith.constant 16 : i32
          %mul3A_877 = arith.muli %add3A_144, %mul3A_876 : i32
          %add3A_878 = arith.constant 10 : i32
          %add3A_879 = arith.addi %mul3A_877, %add3A_878 : i32
          %get3A_880 = arith.index_cast %add3A_879 : i32 to index
          %get3A_881 = arith.constant 64 : index
          %get3A_882 = tpu.vector_load %arg9[%get3A_880, %get3A_881] {strides = array<i32>} : memref<128x128xf32, #tpu.memory_space<vmem>>, vector<1x16xf32>,
          %get3A_883 = vector.shape_cast %get3A_882 : vector<1x16xf32> to vector<16xf32>
          %add3A_884 = arith.addf %add3A_812, %get3A_883 : vector<16xf32>
          %mul3A_885 = arith.constant 16 : i32
          %mul3A_886 = arith.muli %add3A_144, %mul3A_885 : i32
          %add3A_887 = arith.constant 10 : i32
          %add3A_888 = arith.addi %mul3A_886, %add3A_887 : i32
          %get3A_889 = arith.index_cast %add3A_888 : i32 to index
          %get3A_890 = arith.constant 80 : index
          %get3A_891 = tpu.vector_load %arg9[%get3A_889, %get3A_890] {strides = array<i32>} : memref<128x128xf32, #tpu.memory_space<vmem>>, vector<1x16xf32>,
          %get3A_892 = vector.shape_cast %get3A_891 : vector<1x16xf32> to vector<16xf32>
          %add3A_893 = arith.addf %add3A_821, %get3A_892 : vector<16xf32>
          %mul3A_894 = arith.constant 16 : i32
          %mul3A_895 = arith.muli %add3A_144, %mul3A_894 : i32
          %add3A_896 = arith.constant 10 : i32
          %add3A_897 = arith.addi %mul3A_895, %add3A_896 : i32
          %get3A_898 = arith.index_cast %add3A_897 : i32 to index
          %get3A_899 = arith.constant 96 : index
          %get3A_900 = tpu.vector_load %arg9[%get3A_898, %get3A_899] {strides = array<i32>} : memref<128x128xf32, #tpu.memory_space<vmem>>, vector<1x16xf32>,
          %get3A_901 = vector.shape_cast %get3A_900 : vector<1x16xf32> to vector<16xf32>
          %add3A_902 = arith.addf %add3A_830, %get3A_901 : vector<16xf32>
          %mul3A_903 = arith.constant 16 : i32
          %mul3A_904 = arith.muli %add3A_144, %mul3A_903 : i32
          %add3A_905 = arith.constant 10 : i32
          %add3A_906 = arith.addi %mul3A_904, %add3A_905 : i32
          %get3A_907 = arith.index_cast %add3A_906 : i32 to index
          %get3A_908 = arith.constant 112 : index
          %get3A_909 = tpu.vector_load %arg9[%get3A_907, %get3A_908] {strides = array<i32>} : memref<128x128xf32, #tpu.memory_space<vmem>>, vector<1x16xf32>,
          %get3A_910 = vector.shape_cast %get3A_909 : vector<1x16xf32> to vector<16xf32>
          %add3A_911 = arith.addf %add3A_839, %get3A_910 : vector<16xf32>
          %mul3A_912 = arith.constant 16 : i32
          %mul3A_913 = arith.muli %add3A_144, %mul3A_912 : i32
          %add3A_914 = arith.constant 11 : i32
          %add3A_915 = arith.addi %mul3A_913, %add3A_914 : i32
          %get3A_916 = arith.index_cast %add3A_915 : i32 to index
          %get3A_917 = arith.constant 0 : index
          %get3A_918 = tpu.vector_load %arg9[%get3A_916, %get3A_917] {strides = array<i32>} : memref<128x128xf32, #tpu.memory_space<vmem>>, vector<1x16xf32>,
          %get3A_919 = vector.shape_cast %get3A_918 : vector<1x16xf32> to vector<16xf32>
          %add3A_920 = arith.addf %add3A_848, %get3A_919 : vector<16xf32>
          %mul3A_921 = arith.constant 16 : i32
          %mul3A_922 = arith.muli %add3A_144, %mul3A_921 : i32
          %add3A_923 = arith.constant 11 : i32
          %add3A_924 = arith.addi %mul3A_922, %add3A_923 : i32
          %get3A_925 = arith.index_cast %add3A_924 : i32 to index
          %get3A_926 = arith.constant 16 : index
          %get3A_927 = tpu.vector_load %arg9[%get3A_925, %get3A_926] {strides = array<i32>} : memref<128x128xf32, #tpu.memory_space<vmem>>, vector<1x16xf32>,
          %get3A_928 = vector.shape_cast %get3A_927 : vector<1x16xf32> to vector<16xf32>
          %add3A_929 = arith.addf %add3A_857, %get3A_928 : vector<16xf32>
          %mul3A_930 = arith.constant 16 : i32
          %mul3A_931 = arith.muli %add3A_144, %mul3A_930 : i32
          %add3A_932 = arith.constant 11 : i32
          %add3A_933 = arith.addi %mul3A_931, %add3A_932 : i32
          %get3A_934 = arith.index_cast %add3A_933 : i32 to index
          %get3A_935 = arith.constant 32 : index
          %get3A_936 = tpu.vector_load %arg9[%get3A_934, %get3A_935] {strides = array<i32>} : memref<128x128xf32, #tpu.memory_space<vmem>>, vector<1x16xf32>,
          %get3A_937 = vector.shape_cast %get3A_936 : vector<1x16xf32> to vector<16xf32>
          %add3A_938 = arith.addf %add3A_866, %get3A_937 : vector<16xf32>
          %mul3A_939 = arith.constant 16 : i32
          %mul3A_940 = arith.muli %add3A_144, %mul3A_939 : i32
          %add3A_941 = arith.constant 11 : i32
          %add3A_942 = arith.addi %mul3A_940, %add3A_941 : i32
          %get3A_943 = arith.index_cast %add3A_942 : i32 to index
          %get3A_944 = arith.constant 48 : index
          %get3A_945 = tpu.vector_load %arg9[%get3A_943, %get3A_944] {strides = array<i32>} : memref<128x128xf32, #tpu.memory_space<vmem>>, vector<1x16xf32>,
          %get3A_946 = vector.shape_cast %get3A_945 : vector<1x16xf32> to vector<16xf32>
          %add3A_947 = arith.addf %add3A_875, %get3A_946 : vector<16xf32>
          %mul3A_948 = arith.constant 16 : i32
          %mul3A_949 = arith.muli %add3A_144, %mul3A_948 : i32
          %add3A_950 = arith.constant 11 : i32
          %add3A_951 = arith.addi %mul3A_949, %add3A_950 : i32
          %get3A_952 = arith.index_cast %add3A_951 : i32 to index
          %get3A_953 = arith.constant 64 : index
          %get3A_954 = tpu.vector_load %arg9[%get3A_952, %get3A_953] {strides = array<i32>} : memref<128x128xf32, #tpu.memory_space<vmem>>, vector<1x16xf32>,
          %get3A_955 = vector.shape_cast %get3A_954 : vector<1x16xf32> to vector<16xf32>
          %add3A_956 = arith.addf %add3A_884, %get3A_955 : vector<16xf32>
          %mul3A_957 = arith.constant 16 : i32
          %mul3A_958 = arith.muli %add3A_144, %mul3A_957 : i32
          %add3A_959 = arith.constant 11 : i32
          %add3A_960 = arith.addi %mul3A_958, %add3A_959 : i32
          %get3A_961 = arith.index_cast %add3A_960 : i32 to index
          %get3A_962 = arith.constant 80 : index
          %get3A_963 = tpu.vector_load %arg9[%get3A_961, %get3A_962] {strides = array<i32>} : memref<128x128xf32, #tpu.memory_space<vmem>>, vector<1x16xf32>,
          %get3A_964 = vector.shape_cast %get3A_963 : vector<1x16xf32> to vector<16xf32>
          %add3A_965 = arith.addf %add3A_893, %get3A_964 : vector<16xf32>
          %mul3A_966 = arith.constant 16 : i32
          %mul3A_967 = arith.muli %add3A_144, %mul3A_966 : i32
          %add3A_968 = arith.constant 11 : i32
          %add3A_969 = arith.addi %mul3A_967, %add3A_968 : i32
          %get3A_970 = arith.index_cast %add3A_969 : i32 to index
          %get3A_971 = arith.constant 96 : index
          %get3A_972 = tpu.vector_load %arg9[%get3A_970, %get3A_971] {strides = array<i32>} : memref<128x128xf32, #tpu.memory_space<vmem>>, vector<1x16xf32>,
          %get3A_973 = vector.shape_cast %get3A_972 : vector<1x16xf32> to vector<16xf32>
          %add3A_974 = arith.addf %add3A_902, %get3A_973 : vector<16xf32>
          %mul3A_975 = arith.constant 16 : i32
          %mul3A_976 = arith.muli %add3A_144, %mul3A_975 : i32
          %add3A_977 = arith.constant 11 : i32
          %add3A_978 = arith.addi %mul3A_976, %add3A_977 : i32
          %get3A_979 = arith.index_cast %add3A_978 : i32 to index
          %get3A_980 = arith.constant 112 : index
          %get3A_981 = tpu.vector_load %arg9[%get3A_979, %get3A_980] {strides = array<i32>} : memref<128x128xf32, #tpu.memory_space<vmem>>, vector<1x16xf32>,
          %get3A_982 = vector.shape_cast %get3A_981 : vector<1x16xf32> to vector<16xf32>
          %add3A_983 = arith.addf %add3A_911, %get3A_982 : vector<16xf32>
          %mul3A_984 = arith.constant 16 : i32
          %mul3A_985 = arith.muli %add3A_144, %mul3A_984 : i32
          %add3A_986 = arith.constant 12 : i32
          %add3A_987 = arith.addi %mul3A_985, %add3A_986 : i32
          %get3A_988 = arith.index_cast %add3A_987 : i32 to index
          %get3A_989 = arith.constant 0 : index
          %get3A_990 = tpu.vector_load %arg9[%get3A_988, %get3A_989] {strides = array<i32>} : memref<128x128xf32, #tpu.memory_space<vmem>>, vector<1x16xf32>,
          %get3A_991 = vector.shape_cast %get3A_990 : vector<1x16xf32> to vector<16xf32>
          %add3A_992 = arith.addf %add3A_920, %get3A_991 : vector<16xf32>
          %mul3A_993 = arith.constant 16 : i32
          %mul3A_994 = arith.muli %add3A_144, %mul3A_993 : i32
          %add3A_995 = arith.constant 12 : i32
          %add3A_996 = arith.addi %mul3A_994, %add3A_995 : i32
          %get3A_997 = arith.index_cast %add3A_996 : i32 to index
          %get3A_998 = arith.constant 16 : index
          %get3A_999 = tpu.vector_load %arg9[%get3A_997, %get3A_998] {strides = array<i32>} : memref<128x128xf32, #tpu.memory_space<vmem>>, vector<1x16xf32>,
          %get3A_1000 = vector.shape_cast %get3A_999 : vector<1x16xf32> to vector<16xf32>
          %add3A_1001 = arith.addf %add3A_929, %get3A_1000 : vector<16xf32>
          %mul3A_1002 = arith.constant 16 : i32
          %mul3A_1003 = arith.muli %add3A_144, %mul3A_1002 : i32
          %add3A_1004 = arith.constant 12 : i32
          %add3A_1005 = arith.addi %mul3A_1003, %add3A_1004 : i32
          %get3A_1006 = arith.index_cast %add3A_1005 : i32 to index
          %get3A_1007 = arith.constant 32 : index
          %get3A_1008 = tpu.vector_load %arg9[%get3A_1006, %get3A_1007] {strides = array<i32>} : memref<128x128xf32, #tpu.memory_space<vmem>>, vector<1x16xf32>,
          %get3A_1009 = vector.shape_cast %get3A_1008 : vector<1x16xf32> to vector<16xf32>
          %add3A_1010 = arith.addf %add3A_938, %get3A_1009 : vector<16xf32>
          %mul3A_1011 = arith.constant 16 : i32
          %mul3A_1012 = arith.muli %add3A_144, %mul3A_1011 : i32
          %add3A_1013 = arith.constant 12 : i32
          %add3A_1014 = arith.addi %mul3A_1012, %add3A_1013 : i32
          %get3A_1015 = arith.index_cast %add3A_1014 : i32 to index
          %get3A_1016 = arith.constant 48 : index
          %get3A_1017 = tpu.vector_load %arg9[%get3A_1015, %get3A_1016] {strides = array<i32>} : memref<128x128xf32, #tpu.memory_space<vmem>>, vector<1x16xf32>,
          %get3A_1018 = vector.shape_cast %get3A_1017 : vector<1x16xf32> to vector<16xf32>
          %add3A_1019 = arith.addf %add3A_947, %get3A_1018 : vector<16xf32>
          %mul3A_1020 = arith.constant 16 : i32
          %mul3A_1021 = arith.muli %add3A_144, %mul3A_1020 : i32
          %add3A_1022 = arith.constant 12 : i32
          %add3A_1023 = arith.addi %mul3A_1021, %add3A_1022 : i32
          %get3A_1024 = arith.index_cast %add3A_1023 : i32 to index
          %get3A_1025 = arith.constant 64 : index
          %get3A_1026 = tpu.vector_load %arg9[%get3A_1024, %get3A_1025] {strides = array<i32>} : memref<128x128xf32, #tpu.memory_space<vmem>>, vector<1x16xf32>,
          %get3A_1027 = vector.shape_cast %get3A_1026 : vector<1x16xf32> to vector<16xf32>
          %add3A_1028 = arith.addf %add3A_956, %get3A_1027 : vector<16xf32>
          %mul3A_1029 = arith.constant 16 : i32
          %mul3A_1030 = arith.muli %add3A_144, %mul3A_1029 : i32
          %add3A_1031 = arith.constant 12 : i32
          %add3A_1032 = arith.addi %mul3A_1030, %add3A_1031 : i32
          %get3A_1033 = arith.index_cast %add3A_1032 : i32 to index
          %get3A_1034 = arith.constant 80 : index
          %get3A_1035 = tpu.vector_load %arg9[%get3A_1033, %get3A_1034] {strides = array<i32>} : memref<128x128xf32, #tpu.memory_space<vmem>>, vector<1x16xf32>,
          %get3A_1036 = vector.shape_cast %get3A_1035 : vector<1x16xf32> to vector<16xf32>
          %add3A_1037 = arith.addf %add3A_965, %get3A_1036 : vector<16xf32>
          %mul3A_1038 = arith.constant 16 : i32
          %mul3A_1039 = arith.muli %add3A_144, %mul3A_1038 : i32
          %add3A_1040 = arith.constant 12 : i32
          %add3A_1041 = arith.addi %mul3A_1039, %add3A_1040 : i32
          %get3A_1042 = arith.index_cast %add3A_1041 : i32 to index
          %get3A_1043 = arith.constant 96 : index
          %get3A_1044 = tpu.vector_load %arg9[%get3A_1042, %get3A_1043] {strides = array<i32>} : memref<128x128xf32, #tpu.memory_space<vmem>>, vector<1x16xf32>,
          %get3A_1045 = vector.shape_cast %get3A_1044 : vector<1x16xf32> to vector<16xf32>
          %add3A_1046 = arith.addf %add3A_974, %get3A_1045 : vector<16xf32>
          %mul3A_1047 = arith.constant 16 : i32
          %mul3A_1048 = arith.muli %add3A_144, %mul3A_1047 : i32
          %add3A_1049 = arith.constant 12 : i32
          %add3A_1050 = arith.addi %mul3A_1048, %add3A_1049 : i32
          %get3A_1051 = arith.index_cast %add3A_1050 : i32 to index
          %get3A_1052 = arith.constant 112 : index
          %get3A_1053 = tpu.vector_load %arg9[%get3A_1051, %get3A_1052] {strides = array<i32>} : memref<128x128xf32, #tpu.memory_space<vmem>>, vector<1x16xf32>,
          %get3A_1054 = vector.shape_cast %get3A_1053 : vector<1x16xf32> to vector<16xf32>
          %add3A_1055 = arith.addf %add3A_983, %get3A_1054 : vector<16xf32>
          %mul3A_1056 = arith.constant 16 : i32
          %mul3A_1057 = arith.muli %add3A_144, %mul3A_1056 : i32
          %add3A_1058 = arith.constant 13 : i32
          %add3A_1059 = arith.addi %mul3A_1057, %add3A_1058 : i32
          %get3A_1060 = arith.index_cast %add3A_1059 : i32 to index
          %get3A_1061 = arith.constant 0 : index
          %get3A_1062 = tpu.vector_load %arg9[%get3A_1060, %get3A_1061] {strides = array<i32>} : memref<128x128xf32, #tpu.memory_space<vmem>>, vector<1x16xf32>,
          %get3A_1063 = vector.shape_cast %get3A_1062 : vector<1x16xf32> to vector<16xf32>
          %add3A_1064 = arith.addf %add3A_992, %get3A_1063 : vector<16xf32>
          %mul3A_1065 = arith.constant 16 : i32
          %mul3A_1066 = arith.muli %add3A_144, %mul3A_1065 : i32
          %add3A_1067 = arith.constant 13 : i32
          %add3A_1068 = arith.addi %mul3A_1066, %add3A_1067 : i32
          %get3A_1069 = arith.index_cast %add3A_1068 : i32 to index
          %get3A_1070 = arith.constant 16 : index
          %get3A_1071 = tpu.vector_load %arg9[%get3A_1069, %get3A_1070] {strides = array<i32>} : memref<128x128xf32, #tpu.memory_space<vmem>>, vector<1x16xf32>,
          %get3A_1072 = vector.shape_cast %get3A_1071 : vector<1x16xf32> to vector<16xf32>
          %add3A_1073 = arith.addf %add3A_1001, %get3A_1072 : vector<16xf32>
          %mul3A_1074 = arith.constant 16 : i32
          %mul3A_1075 = arith.muli %add3A_144, %mul3A_1074 : i32
          %add3A_1076 = arith.constant 13 : i32
          %add3A_1077 = arith.addi %mul3A_1075, %add3A_1076 : i32
          %get3A_1078 = arith.index_cast %add3A_1077 : i32 to index
          %get3A_1079 = arith.constant 32 : index
          %get3A_1080 = tpu.vector_load %arg9[%get3A_1078, %get3A_1079] {strides = array<i32>} : memref<128x128xf32, #tpu.memory_space<vmem>>, vector<1x16xf32>,
          %get3A_1081 = vector.shape_cast %get3A_1080 : vector<1x16xf32> to vector<16xf32>
          %add3A_1082 = arith.addf %add3A_1010, %get3A_1081 : vector<16xf32>
          %mul3A_1083 = arith.constant 16 : i32
          %mul3A_1084 = arith.muli %add3A_144, %mul3A_1083 : i32
          %add3A_1085 = arith.constant 13 : i32
          %add3A_1086 = arith.addi %mul3A_1084, %add3A_1085 : i32
          %get3A_1087 = arith.index_cast %add3A_1086 : i32 to index
          %get3A_1088 = arith.constant 48 : index
          %get3A_1089 = tpu.vector_load %arg9[%get3A_1087, %get3A_1088] {strides = array<i32>} : memref<128x128xf32, #tpu.memory_space<vmem>>, vector<1x16xf32>,
          %get3A_1090 = vector.shape_cast %get3A_1089 : vector<1x16xf32> to vector<16xf32>
          %add3A_1091 = arith.addf %add3A_1019, %get3A_1090 : vector<16xf32>
          %mul3A_1092 = arith.constant 16 : i32
          %mul3A_1093 = arith.muli %add3A_144, %mul3A_1092 : i32
          %add3A_1094 = arith.constant 13 : i32
          %add3A_1095 = arith.addi %mul3A_1093, %add3A_1094 : i32
          %get3A_1096 = arith.index_cast %add3A_1095 : i32 to index
          %get3A_1097 = arith.constant 64 : index
          %get3A_1098 = tpu.vector_load %arg9[%get3A_1096, %get3A_1097] {strides = array<i32>} : memref<128x128xf32, #tpu.memory_space<vmem>>, vector<1x16xf32>,
          %get3A_1099 = vector.shape_cast %get3A_1098 : vector<1x16xf32> to vector<16xf32>
          %add3A_1100 = arith.addf %add3A_1028, %get3A_1099 : vector<16xf32>
          %mul3A_1101 = arith.constant 16 : i32
          %mul3A_1102 = arith.muli %add3A_144, %mul3A_1101 : i32
          %add3A_1103 = arith.constant 13 : i32
          %add3A_1104 = arith.addi %mul3A_1102, %add3A_1103 : i32
          %get3A_1105 = arith.index_cast %add3A_1104 : i32 to index
          %get3A_1106 = arith.constant 80 : index
          %get3A_1107 = tpu.vector_load %arg9[%get3A_1105, %get3A_1106] {strides = array<i32>} : memref<128x128xf32, #tpu.memory_space<vmem>>, vector<1x16xf32>,
          %get3A_1108 = vector.shape_cast %get3A_1107 : vector<1x16xf32> to vector<16xf32>
          %add3A_1109 = arith.addf %add3A_1037, %get3A_1108 : vector<16xf32>
          %mul3A_1110 = arith.constant 16 : i32
          %mul3A_1111 = arith.muli %add3A_144, %mul3A_1110 : i32
          %add3A_1112 = arith.constant 13 : i32
          %add3A_1113 = arith.addi %mul3A_1111, %add3A_1112 : i32
          %get3A_1114 = arith.index_cast %add3A_1113 : i32 to index
          %get3A_1115 = arith.constant 96 : index
          %get3A_1116 = tpu.vector_load %arg9[%get3A_1114, %get3A_1115] {strides = array<i32>} : memref<128x128xf32, #tpu.memory_space<vmem>>, vector<1x16xf32>,
          %get3A_1117 = vector.shape_cast %get3A_1116 : vector<1x16xf32> to vector<16xf32>
          %add3A_1118 = arith.addf %add3A_1046, %get3A_1117 : vector<16xf32>
          %mul3A_1119 = arith.constant 16 : i32
          %mul3A_1120 = arith.muli %add3A_144, %mul3A_1119 : i32
          %add3A_1121 = arith.constant 13 : i32
          %add3A_1122 = arith.addi %mul3A_1120, %add3A_1121 : i32
          %get3A_1123 = arith.index_cast %add3A_1122 : i32 to index
          %get3A_1124 = arith.constant 112 : index
          %get3A_1125 = tpu.vector_load %arg9[%get3A_1123, %get3A_1124] {strides = array<i32>} : memref<128x128xf32, #tpu.memory_space<vmem>>, vector<1x16xf32>,
          %get3A_1126 = vector.shape_cast %get3A_1125 : vector<1x16xf32> to vector<16xf32>
          %add3A_1127 = arith.addf %add3A_1055, %get3A_1126 : vector<16xf32>
          %mul3A_1128 = arith.constant 16 : i32
          %mul3A_1129 = arith.muli %add3A_144, %mul3A_1128 : i32
          %add3A_1130 = arith.constant 14 : i32
          %add3A_1131 = arith.addi %mul3A_1129, %add3A_1130 : i32
          %get3A_1132 = arith.index_cast %add3A_1131 : i32 to index
          %get3A_1133 = arith.constant 0 : index
          %get3A_1134 = tpu.vector_load %arg9[%get3A_1132, %get3A_1133] {strides = array<i32>} : memref<128x128xf32, #tpu.memory_space<vmem>>, vector<1x16xf32>,
          %get3A_1135 = vector.shape_cast %get3A_1134 : vector<1x16xf32> to vector<16xf32>
          %add3A_1136 = arith.addf %add3A_1064, %get3A_1135 : vector<16xf32>
          %mul3A_1137 = arith.constant 16 : i32
          %mul3A_1138 = arith.muli %add3A_144, %mul3A_1137 : i32
          %add3A_1139 = arith.constant 14 : i32
          %add3A_1140 = arith.addi %mul3A_1138, %add3A_1139 : i32
          %get3A_1141 = arith.index_cast %add3A_1140 : i32 to index
          %get3A_1142 = arith.constant 16 : index
          %get3A_1143 = tpu.vector_load %arg9[%get3A_1141, %get3A_1142] {strides = array<i32>} : memref<128x128xf32, #tpu.memory_space<vmem>>, vector<1x16xf32>,
          %get3A_1144 = vector.shape_cast %get3A_1143 : vector<1x16xf32> to vector<16xf32>
          %add3A_1145 = arith.addf %add3A_1073, %get3A_1144 : vector<16xf32>
          %mul3A_1146 = arith.constant 16 : i32
          %mul3A_1147 = arith.muli %add3A_144, %mul3A_1146 : i32
          %add3A_1148 = arith.constant 14 : i32
          %add3A_1149 = arith.addi %mul3A_1147, %add3A_1148 : i32
          %get3A_1150 = arith.index_cast %add3A_1149 : i32 to index
          %get3A_1151 = arith.constant 32 : index
          %get3A_1152 = tpu.vector_load %arg9[%get3A_1150, %get3A_1151] {strides = array<i32>} : memref<128x128xf32, #tpu.memory_space<vmem>>, vector<1x16xf32>,
          %get3A_1153 = vector.shape_cast %get3A_1152 : vector<1x16xf32> to vector<16xf32>
          %add3A_1154 = arith.addf %add3A_1082, %get3A_1153 : vector<16xf32>
          %mul3A_1155 = arith.constant 16 : i32
          %mul3A_1156 = arith.muli %add3A_144, %mul3A_1155 : i32
          %add3A_1157 = arith.constant 14 : i32
          %add3A_1158 = arith.addi %mul3A_1156, %add3A_1157 : i32
          %get3A_1159 = arith.index_cast %add3A_1158 : i32 to index
          %get3A_1160 = arith.constant 48 : index
          %get3A_1161 = tpu.vector_load %arg9[%get3A_1159, %get3A_1160] {strides = array<i32>} : memref<128x128xf32, #tpu.memory_space<vmem>>, vector<1x16xf32>,
          %get3A_1162 = vector.shape_cast %get3A_1161 : vector<1x16xf32> to vector<16xf32>
          %add3A_1163 = arith.addf %add3A_1091, %get3A_1162 : vector<16xf32>
          %mul3A_1164 = arith.constant 16 : i32
          %mul3A_1165 = arith.muli %add3A_144, %mul3A_1164 : i32
          %add3A_1166 = arith.constant 14 : i32
          %add3A_1167 = arith.addi %mul3A_1165, %add3A_1166 : i32
          %get3A_1168 = arith.index_cast %add3A_1167 : i32 to index
          %get3A_1169 = arith.constant 64 : index
          %get3A_1170 = tpu.vector_load %arg9[%get3A_1168, %get3A_1169] {strides = array<i32>} : memref<128x128xf32, #tpu.memory_space<vmem>>, vector<1x16xf32>,
          %get3A_1171 = vector.shape_cast %get3A_1170 : vector<1x16xf32> to vector<16xf32>
          %add3A_1172 = arith.addf %add3A_1100, %get3A_1171 : vector<16xf32>
          %mul3A_1173 = arith.constant 16 : i32
          %mul3A_1174 = arith.muli %add3A_144, %mul3A_1173 : i32
          %add3A_1175 = arith.constant 14 : i32
          %add3A_1176 = arith.addi %mul3A_1174, %add3A_1175 : i32
          %get3A_1177 = arith.index_cast %add3A_1176 : i32 to index
          %get3A_1178 = arith.constant 80 : index
          %get3A_1179 = tpu.vector_load %arg9[%get3A_1177, %get3A_1178] {strides = array<i32>} : memref<128x128xf32, #tpu.memory_space<vmem>>, vector<1x16xf32>,
          %get3A_1180 = vector.shape_cast %get3A_1179 : vector<1x16xf32> to vector<16xf32>
          %add3A_1181 = arith.addf %add3A_1109, %get3A_1180 : vector<16xf32>
          %mul3A_1182 = arith.constant 16 : i32
          %mul3A_1183 = arith.muli %add3A_144, %mul3A_1182 : i32
          %add3A_1184 = arith.constant 14 : i32
          %add3A_1185 = arith.addi %mul3A_1183, %add3A_1184 : i32
          %get3A_1186 = arith.index_cast %add3A_1185 : i32 to index
          %get3A_1187 = arith.constant 96 : index
          %get3A_1188 = tpu.vector_load %arg9[%get3A_1186, %get3A_1187] {strides = array<i32>} : memref<128x128xf32, #tpu.memory_space<vmem>>, vector<1x16xf32>,
          %get3A_1189 = vector.shape_cast %get3A_1188 : vector<1x16xf32> to vector<16xf32>
          %add3A_1190 = arith.addf %add3A_1118, %get3A_1189 : vector<16xf32>
          %mul3A_1191 = arith.constant 16 : i32
          %mul3A_1192 = arith.muli %add3A_144, %mul3A_1191 : i32
          %add3A_1193 = arith.constant 14 : i32
          %add3A_1194 = arith.addi %mul3A_1192, %add3A_1193 : i32
          %get3A_1195 = arith.index_cast %add3A_1194 : i32 to index
          %get3A_1196 = arith.constant 112 : index
          %get3A_1197 = tpu.vector_load %arg9[%get3A_1195, %get3A_1196] {strides = array<i32>} : memref<128x128xf32, #tpu.memory_space<vmem>>, vector<1x16xf32>,
          %get3A_1198 = vector.shape_cast %get3A_1197 : vector<1x16xf32> to vector<16xf32>
          %add3A_1199 = arith.addf %add3A_1127, %get3A_1198 : vector<16xf32>
          %mul3A_1200 = arith.constant 16 : i32
          %mul3A_1201 = arith.muli %add3A_144, %mul3A_1200 : i32
          %add3A_1202 = arith.constant 15 : i32
          %add3A_1203 = arith.addi %mul3A_1201, %add3A_1202 : i32
          %get3A_1204 = arith.index_cast %add3A_1203 : i32 to index
          %get3A_1205 = arith.constant 0 : index
          %get3A_1206 = tpu.vector_load %arg9[%get3A_1204, %get3A_1205] {strides = array<i32>} : memref<128x128xf32, #tpu.memory_space<vmem>>, vector<1x16xf32>,
          %get3A_1207 = vector.shape_cast %get3A_1206 : vector<1x16xf32> to vector<16xf32>
          %add3A_1208 = arith.addf %add3A_1136, %get3A_1207 : vector<16xf32>
          %mul3A_1209 = arith.constant 16 : i32
          %mul3A_1210 = arith.muli %add3A_144, %mul3A_1209 : i32
          %add3A_1211 = arith.constant 15 : i32
          %add3A_1212 = arith.addi %mul3A_1210, %add3A_1211 : i32
          %get3A_1213 = arith.index_cast %add3A_1212 : i32 to index
          %get3A_1214 = arith.constant 16 : index
          %get3A_1215 = tpu.vector_load %arg9[%get3A_1213, %get3A_1214] {strides = array<i32>} : memref<128x128xf32, #tpu.memory_space<vmem>>, vector<1x16xf32>,
          %get3A_1216 = vector.shape_cast %get3A_1215 : vector<1x16xf32> to vector<16xf32>
          %add3A_1217 = arith.addf %add3A_1145, %get3A_1216 : vector<16xf32>
          %mul3A_1218 = arith.constant 16 : i32
          %mul3A_1219 = arith.muli %add3A_144, %mul3A_1218 : i32
          %add3A_1220 = arith.constant 15 : i32
          %add3A_1221 = arith.addi %mul3A_1219, %add3A_1220 : i32
          %get3A_1222 = arith.index_cast %add3A_1221 : i32 to index
          %get3A_1223 = arith.constant 32 : index
          %get3A_1224 = tpu.vector_load %arg9[%get3A_1222, %get3A_1223] {strides = array<i32>} : memref<128x128xf32, #tpu.memory_space<vmem>>, vector<1x16xf32>,
          %get3A_1225 = vector.shape_cast %get3A_1224 : vector<1x16xf32> to vector<16xf32>
          %add3A_1226 = arith.addf %add3A_1154, %get3A_1225 : vector<16xf32>
          %mul3A_1227 = arith.constant 16 : i32
          %mul3A_1228 = arith.muli %add3A_144, %mul3A_1227 : i32
          %add3A_1229 = arith.constant 15 : i32
          %add3A_1230 = arith.addi %mul3A_1228, %add3A_1229 : i32
          %get3A_1231 = arith.index_cast %add3A_1230 : i32 to index
          %get3A_1232 = arith.constant 48 : index
          %get3A_1233 = tpu.vector_load %arg9[%get3A_1231, %get3A_1232] {strides = array<i32>} : memref<128x128xf32, #tpu.memory_space<vmem>>, vector<1x16xf32>,
          %get3A_1234 = vector.shape_cast %get3A_1233 : vector<1x16xf32> to vector<16xf32>
          %add3A_1235 = arith.addf %add3A_1163, %get3A_1234 : vector<16xf32>
          %mul3A_1236 = arith.constant 16 : i32
          %mul3A_1237 = arith.muli %add3A_144, %mul3A_1236 : i32
          %add3A_1238 = arith.constant 15 : i32
          %add3A_1239 = arith.addi %mul3A_1237, %add3A_1238 : i32
          %get3A_1240 = arith.index_cast %add3A_1239 : i32 to index
          %get3A_1241 = arith.constant 64 : index
          %get3A_1242 = tpu.vector_load %arg9[%get3A_1240, %get3A_1241] {strides = array<i32>} : memref<128x128xf32, #tpu.memory_space<vmem>>, vector<1x16xf32>,
          %get3A_1243 = vector.shape_cast %get3A_1242 : vector<1x16xf32> to vector<16xf32>
          %add3A_1244 = arith.addf %add3A_1172, %get3A_1243 : vector<16xf32>
          %mul3A_1245 = arith.constant 16 : i32
          %mul3A_1246 = arith.muli %add3A_144, %mul3A_1245 : i32
          %add3A_1247 = arith.constant 15 : i32
          %add3A_1248 = arith.addi %mul3A_1246, %add3A_1247 : i32
          %get3A_1249 = arith.index_cast %add3A_1248 : i32 to index
          %get3A_1250 = arith.constant 80 : index
          %get3A_1251 = tpu.vector_load %arg9[%get3A_1249, %get3A_1250] {strides = array<i32>} : memref<128x128xf32, #tpu.memory_space<vmem>>, vector<1x16xf32>,
          %get3A_1252 = vector.shape_cast %get3A_1251 : vector<1x16xf32> to vector<16xf32>
          %add3A_1253 = arith.addf %add3A_1181, %get3A_1252 : vector<16xf32>
          %mul3A_1254 = arith.constant 16 : i32
          %mul3A_1255 = arith.muli %add3A_144, %mul3A_1254 : i32
          %add3A_1256 = arith.constant 15 : i32
          %add3A_1257 = arith.addi %mul3A_1255, %add3A_1256 : i32
          %get3A_1258 = arith.index_cast %add3A_1257 : i32 to index
          %get3A_1259 = arith.constant 96 : index
          %get3A_1260 = tpu.vector_load %arg9[%get3A_1258, %get3A_1259] {strides = array<i32>} : memref<128x128xf32, #tpu.memory_space<vmem>>, vector<1x16xf32>,
          %get3A_1261 = vector.shape_cast %get3A_1260 : vector<1x16xf32> to vector<16xf32>
          %add3A_1262 = arith.addf %add3A_1190, %get3A_1261 : vector<16xf32>
          %mul3A_1263 = arith.constant 16 : i32
          %mul3A_1264 = arith.muli %add3A_144, %mul3A_1263 : i32
          %add3A_1265 = arith.constant 15 : i32
          %add3A_1266 = arith.addi %mul3A_1264, %add3A_1265 : i32
          %get3A_1267 = arith.index_cast %add3A_1266 : i32 to index
          %get3A_1268 = arith.constant 112 : index
          %get3A_1269 = tpu.vector_load %arg9[%get3A_1267, %get3A_1268] {strides = array<i32>} : memref<128x128xf32, #tpu.memory_space<vmem>>, vector<1x16xf32>,
          %get3A_1270 = vector.shape_cast %get3A_1269 : vector<1x16xf32> to vector<16xf32>
          %add3A_1271 = arith.addf %add3A_1199, %get3A_1270 : vector<16xf32>
          %swap3A = arith.index_cast %add3A_144 : i32 to index
          %swap3A_1272 = arith.constant 0 : index
          %swap3A_1273 = tpu.vector_load %arg13[%swap3A, %swap3A_1272] {strides = array<i32>} : memref<8x128xf32, #tpu.memory_space<vmem>>, vector<1x16xf32>,
          %swap3A_1274 = vector.shape_cast %swap3A_1273 : vector<1x16xf32> to vector<16xf32>
          %swap3A_1275 = vector.shape_cast %add3A_1208 : vector<16xf32> to vector<1x16xf32>
          tpu.vector_store %arg13[%swap3A, %swap3A_1272], %swap3A_1275 {strides = array<i32>} : memref<8x128xf32, #tpu.memory_space<vmem>>, vector<1x16xf32>,
          %swap3A_1276 = arith.index_cast %add3A_144 : i32 to index
          %swap3A_1277 = arith.constant 16 : index
          %swap3A_1278 = tpu.vector_load %arg13[%swap3A_1276, %swap3A_1277] {strides = array<i32>} : memref<8x128xf32, #tpu.memory_space<vmem>>, vector<1x16xf32>,
          %swap3A_1279 = vector.shape_cast %swap3A_1278 : vector<1x16xf32> to vector<16xf32>
          %swap3A_1280 = vector.shape_cast %add3A_1217 : vector<16xf32> to vector<1x16xf32>
          tpu.vector_store %arg13[%swap3A_1276, %swap3A_1277], %swap3A_1280 {strides = array<i32>} : memref<8x128xf32, #tpu.memory_space<vmem>>, vector<1x16xf32>,
          %swap3A_1281 = arith.index_cast %add3A_144 : i32 to index
          %swap3A_1282 = arith.constant 32 : index
          %swap3A_1283 = tpu.vector_load %arg13[%swap3A_1281, %swap3A_1282] {strides = array<i32>} : memref<8x128xf32, #tpu.memory_space<vmem>>, vector<1x16xf32>,
          %swap3A_1284 = vector.shape_cast %swap3A_1283 : vector<1x16xf32> to vector<16xf32>
          %swap3A_1285 = vector.shape_cast %add3A_1226 : vector<16xf32> to vector<1x16xf32>
          tpu.vector_store %arg13[%swap3A_1281, %swap3A_1282], %swap3A_1285 {strides = array<i32>} : memref<8x128xf32, #tpu.memory_space<vmem>>, vector<1x16xf32>,
          %swap3A_1286 = arith.index_cast %add3A_144 : i32 to index
          %swap3A_1287 = arith.constant 48 : index
          %swap3A_1288 = tpu.vector_load %arg13[%swap3A_1286, %swap3A_1287] {strides = array<i32>} : memref<8x128xf32, #tpu.memory_space<vmem>>, vector<1x16xf32>,
          %swap3A_1289 = vector.shape_cast %swap3A_1288 : vector<1x16xf32> to vector<16xf32>
          %swap3A_1290 = vector.shape_cast %add3A_1235 : vector<16xf32> to vector<1x16xf32>
          tpu.vector_store %arg13[%swap3A_1286, %swap3A_1287], %swap3A_1290 {strides = array<i32>} : memref<8x128xf32, #tpu.memory_space<vmem>>, vector<1x16xf32>,
          %swap3A_1291 = arith.index_cast %add3A_144 : i32 to index
          %swap3A_1292 = arith.constant 64 : index
          %swap3A_1293 = tpu.vector_load %arg13[%swap3A_1291, %swap3A_1292] {strides = array<i32>} : memref<8x128xf32, #tpu.memory_space<vmem>>, vector<1x16xf32>,
          %swap3A_1294 = vector.shape_cast %swap3A_1293 : vector<1x16xf32> to vector<16xf32>
          %swap3A_1295 = vector.shape_cast %add3A_1244 : vector<16xf32> to vector<1x16xf32>
          tpu.vector_store %arg13[%swap3A_1291, %swap3A_1292], %swap3A_1295 {strides = array<i32>} : memref<8x128xf32, #tpu.memory_space<vmem>>, vector<1x16xf32>,
          %swap3A_1296 = arith.index_cast %add3A_144 : i32 to index
          %swap3A_1297 = arith.constant 80 : index
          %swap3A_1298 = tpu.vector_load %arg13[%swap3A_1296, %swap3A_1297] {strides = array<i32>} : memref<8x128xf32, #tpu.memory_space<vmem>>, vector<1x16xf32>,
          %swap3A_1299 = vector.shape_cast %swap3A_1298 : vector<1x16xf32> to vector<16xf32>
          %swap3A_1300 = vector.shape_cast %add3A_1253 : vector<16xf32> to vector<1x16xf32>
          tpu.vector_store %arg13[%swap3A_1296, %swap3A_1297], %swap3A_1300 {strides = array<i32>} : memref<8x128xf32, #tpu.memory_space<vmem>>, vector<1x16xf32>,
          %swap3A_1301 = arith.index_cast %add3A_144 : i32 to index
          %swap3A_1302 = arith.constant 96 : index
          %swap3A_1303 = tpu.vector_load %arg13[%swap3A_1301, %swap3A_1302] {strides = array<i32>} : memref<8x128xf32, #tpu.memory_space<vmem>>, vector<1x16xf32>,
          %swap3A_1304 = vector.shape_cast %swap3A_1303 : vector<1x16xf32> to vector<16xf32>
          %swap3A_1305 = vector.shape_cast %add3A_1262 : vector<16xf32> to vector<1x16xf32>
          tpu.vector_store %arg13[%swap3A_1301, %swap3A_1302], %swap3A_1305 {strides = array<i32>} : memref<8x128xf32, #tpu.memory_space<vmem>>, vector<1x16xf32>,
          %swap3A_1306 = arith.index_cast %add3A_144 : i32 to index
          %swap3A_1307 = arith.constant 112 : index
          %swap3A_1308 = tpu.vector_load %arg13[%swap3A_1306, %swap3A_1307] {strides = array<i32>} : memref<8x128xf32, #tpu.memory_space<vmem>>, vector<1x16xf32>,
          %swap3A_1309 = vector.shape_cast %swap3A_1308 : vector<1x16xf32> to vector<16xf32>
          %swap3A_1310 = vector.shape_cast %add3A_1271 : vector<16xf32> to vector<1x16xf32>
          tpu.vector_store %arg13[%swap3A_1306, %swap3A_1307], %swap3A_1310 {strides = array<i32>} : memref<8x128xf32, #tpu.memory_space<vmem>>, vector<1x16xf32>,
        }
        %scan3A_126 = arith.constant 8 : i32
        %add3A_127 = arith.addi %add3A_4, %add3A_108 : i32
        %mul3A_128 = arith.constant 8 : i32
        %mul3A_129 = arith.muli %add3A_127, %mul3A_128 : i32
        %dma_start3A_130 = arith.constant 0 : i32
        %dma_start3A_131 = tpu.memref_slice %arg4[%mul3A_129, %dma_start3A_130] : memref<40000x128xf32, #tpu.memory_space<hbm>> -> memref<8x128xf32, #tpu.memory_space<hbm>>
        %dma_start3A_132 = arith.constant 0 : i32
        %dma_start3A_133 = tpu.memref_slice %arg4[%mul3A_129, %dma_start3A_132] : memref<40000x128xf32, #tpu.memory_space<hbm>> -> memref<8x128xf32, #tpu.memory_space<hbm>>
        tpu.enqueue_dma source(%arg13 : memref<8x128xf32, #tpu.memory_space<vmem>>) target(%dma_start3A_133 : memref<8x128xf32, #tpu.memory_space<hbm>>) target_semaphore(%arg21 : memref<!tpu.dma_semaphore, #tpu.memory_space<semaphore_mem>>)
        %add3A_134 = arith.constant 4 : i32
        %add3A_135 = arith.addi %add3A_108, %add3A_134 : i32
        %lt3A_136 = arith.cmpi slt, %add3A_135, %add3A_8 : i32
        %convert_element_type3A_137 = arith.extui %lt3A_136 : i1 to i32
        %cond3A_138 = arith.constant 0 : i32
        %cond3A_139 = arith.cmpi ne, %convert_element_type3A_137, %cond3A_138 : i32
        scf.if %cond3A_139 {
          %add3A_140 = arith.constant 4 : i32
          %add3A_141 = arith.addi %add3A_108, %add3A_140 : i32
          %mul3A_142 = arith.constant 128 : i32
          %mul3A_143 = arith.muli %add3A_141, %mul3A_142 : i32
          %dma_start3A_144 = tpu.memref_slice %arg5[%mul3A_143] : memref<20096xi32, #tpu.memory_space<vmem>> -> memref<128xi32, #tpu.memory_space<vmem>>
          %dma_start3A_145 = arith.constant 0 : i32
          %dma_start3A_146 = arith.constant 0 : i32
          %dma_start3A_147 = tpu.memref_slice %arg2[%dma_start3A_145, %dma_start3A_146] : memref<40000x128xf32, #tpu.memory_space<hbm>> -> memref<40000x128xf32, #tpu.memory_space<hbm>>
          tpu.enqueue_indirect_dma source(%dma_start3A_147 : memref<40000x128xf32, #tpu.memory_space<hbm>>) target(%arg9 : memref<128x128xf32, #tpu.memory_space<vmem>>) offsets(%dma_start3A_144 : memref<128xi32, #tpu.memory_space<vmem>>) semaphore(%arg17 : memref<!tpu.dma_semaphore, #tpu.memory_space<semaphore_mem>>)
        } else {
        }
      } else {
      }
    }
    %scan3A_52 = arith.constant 40 : i32
    %dma_wait3A = arith.constant 0 : i32
    %dma_wait3A_53 = arith.constant 0 : i32
    %dma_wait3A_54 = tpu.memref_slice %arg4[%dma_wait3A, %dma_wait3A_53] : memref<40000x128xf32, #tpu.memory_space<hbm>> -> memref<8x128xf32, #tpu.memory_space<hbm>>
    %dma_wait3A_55 = arith.constant 0 : i32
    %dma_wait3A_56 = arith.constant 0 : i32
    %dma_wait3A_57 = tpu.memref_slice %arg4[%dma_wait3A_55, %dma_wait3A_56] : memref<40000x128xf32, #tpu.memory_space<hbm>> -> memref<8x128xf32, #tpu.memory_space<hbm>>
    tpu.wait_dma2 semaphore(%arg18 : memref<!tpu.dma_semaphore, #tpu.memory_space<semaphore_mem>>) src(%arg10 : memref<8x128xf32, #tpu.memory_space<vmem>>) dst(%dma_wait3A_57 : memref<8x128xf32, #tpu.memory_space<hbm>>)
    %dma_wait3A_58 = arith.constant 0 : i32
    %dma_wait3A_59 = arith.constant 0 : i32
    %dma_wait3A_60 = tpu.memref_slice %arg4[%dma_wait3A_58, %dma_wait3A_59] : memref<40000x128xf32, #tpu.memory_space<hbm>> -> memref<8x128xf32, #tpu.memory_space<hbm>>
    %dma_wait3A_61 = arith.constant 0 : i32
    %dma_wait3A_62 = arith.constant 0 : i32
    %dma_wait3A_63 = tpu.memref_slice %arg4[%dma_wait3A_61, %dma_wait3A_62] : memref<40000x128xf32, #tpu.memory_space<hbm>> -> memref<8x128xf32, #tpu.memory_space<hbm>>
    tpu.wait_dma2 semaphore(%arg19 : memref<!tpu.dma_semaphore, #tpu.memory_space<semaphore_mem>>) src(%arg11 : memref<8x128xf32, #tpu.memory_space<vmem>>) dst(%dma_wait3A_63 : memref<8x128xf32, #tpu.memory_space<hbm>>)
    %dma_wait3A_64 = arith.constant 0 : i32
    %dma_wait3A_65 = arith.constant 0 : i32
    %dma_wait3A_66 = tpu.memref_slice %arg4[%dma_wait3A_64, %dma_wait3A_65] : memref<40000x128xf32, #tpu.memory_space<hbm>> -> memref<8x128xf32, #tpu.memory_space<hbm>>
    %dma_wait3A_67 = arith.constant 0 : i32
    %dma_wait3A_68 = arith.constant 0 : i32
    %dma_wait3A_69 = tpu.memref_slice %arg4[%dma_wait3A_67, %dma_wait3A_68] : memref<40000x128xf32, #tpu.memory_space<hbm>> -> memref<8x128xf32, #tpu.memory_space<hbm>>
    tpu.wait_dma2 semaphore(%arg20 : memref<!tpu.dma_semaphore, #tpu.memory_space<semaphore_mem>>) src(%arg12 : memref<8x128xf32, #tpu.memory_space<vmem>>) dst(%dma_wait3A_69 : memref<8x128xf32, #tpu.memory_space<hbm>>)
    %dma_wait3A_70 = arith.constant 0 : i32
    %dma_wait3A_71 = arith.constant 0 : i32
    %dma_wait3A_72 = tpu.memref_slice %arg4[%dma_wait3A_70, %dma_wait3A_71] : memref<40000x128xf32, #tpu.memory_space<hbm>> -> memref<8x128xf32, #tpu.memory_space<hbm>>
    %dma_wait3A_73 = arith.constant 0 : i32
    %dma_wait3A_74 = arith.constant 0 : i32
    %dma_wait3A_75 = tpu.memref_slice %arg4[%dma_wait3A_73, %dma_wait3A_74] : memref<40000x128xf32, #tpu.memory_space<hbm>> -> memref<8x128xf32, #tpu.memory_space<hbm>>
    tpu.wait_dma2 semaphore(%arg21 : memref<!tpu.dma_semaphore, #tpu.memory_space<semaphore_mem>>) src(%arg13 : memref<8x128xf32, #tpu.memory_space<vmem>>) dst(%dma_wait3A_75 : memref<8x128xf32, #tpu.memory_space<hbm>>)
    return
  }
}

module attributes {stable_mosaic.version = 14 : i64} {
  func.func @_mm_body(%arg0: i32, %arg1: memref<2000x128xf32, #tpu.memory_space<vmem>>, %arg2: memref<128x128xf32, #tpu.memory_space<vmem>>, %arg3: memref<1x128xf32, #tpu.memory_space<vmem>>, %arg4: memref<2000x128xf32, #tpu.memory_space<vmem>>) attributes {dimension_semantics = [#tpu.dimension_semantics<arbitrary>], iteration_bounds = array<i64: 20>, scalar_prefetch = 0 : i64, scratch_operands = 0 : i64, tpu.core_type = #tpu.core_type<tc>, window_params = [{transform_indices = @transform_0, window_bounds = array<i64: 2000, 128>}, {pipeline_mode = #tpu.pipeline_mode<synchronous>, transform_indices = @transform_1, window_bounds = array<i64: 128, 128>}, {pipeline_mode = #tpu.pipeline_mode<synchronous>, transform_indices = @transform_2, window_bounds = array<i64: 1, 128>}, {transform_indices = @transform_3, window_bounds = array<i64: 2000, 128>}]} {
    %get3A = arith.constant 0 : index
    %get3A_0 = arith.constant 0 : index
    %get3A_1 = vector.load %arg1[%get3A, %get3A_0] : memref<2000x128xf32, #tpu.memory_space<vmem>>, vector<2000x128xf32>
    %get3A_2 = arith.constant 0 : index
    %get3A_3 = arith.constant 0 : index
    %get3A_4 = vector.load %arg2[%get3A_2, %get3A_3] : memref<128x128xf32, #tpu.memory_space<vmem>>, vector<128x128xf32>
    %dot_general3A = arith.constant dense<0.000000e+00> : vector<2000x128xf32>
    %dot_general3A_5 = tpu.matmul %get3A_1, %get3A_4, %dot_general3A {dimension_numbers = #tpu.dot_dimension_numbers<[1], [0], [0], [1], [0, 0, 1, 1], [], []>, transpose_lhs_hint = false} : vector<2000x128xf32>, vector<128x128xf32>, vector<2000x128xf32> -> vector<2000x128xf32>
    %get3A_6 = arith.constant 0 : index
    %get3A_7 = arith.constant 0 : index
    %get3A_8 = vector.load %arg3[%get3A_6, %get3A_7] : memref<1x128xf32, #tpu.memory_space<vmem>>, vector<1x128xf32>
    %add3A = vector.broadcast %get3A_8 : vector<1x128xf32> to vector<2000x128xf32>
    %add3A_9 = arith.addf %dot_general3A_5, %add3A : vector<2000x128xf32>
    %swap3A = arith.constant 0 : index
    %swap3A_10 = arith.constant 0 : index
    %swap3A_11 = vector.load %arg4[%swap3A, %swap3A_10] : memref<2000x128xf32, #tpu.memory_space<vmem>>, vector<2000x128xf32>
    tpu.vector_store %arg4[%swap3A, %swap3A_10], %add3A_9 {strides = array<i32>} : memref<2000x128xf32, #tpu.memory_space<vmem>>, vector<2000x128xf32>,
    return
  }
  func.func @transform_0(%arg0: i32) -> (i32, i32) {
    %c0_i32 = arith.constant 0 : i32
    %c0_i32_0 = arith.constant 0 : i32
    return %arg0, %c0_i32 : i32, i32
  }
  func.func @transform_1(%arg0: i32) -> (i32, i32) {
    %c0_i32 = arith.constant 0 : i32
    %c0_i32_0 = arith.constant 0 : i32
    %c0_i32_1 = arith.constant 0 : i32
    return %c0_i32, %c0_i32_0 : i32, i32
  }
  func.func @transform_2(%arg0: i32) -> (i32, i32) {
    %c0_i32 = arith.constant 0 : i32
    %c0_i32_0 = arith.constant 0 : i32
    %c0_i32_1 = arith.constant 0 : i32
    return %c0_i32, %c0_i32_0 : i32, i32
  }
  func.func @transform_3(%arg0: i32) -> (i32, i32) {
    %c0_i32 = arith.constant 0 : i32
    %c0_i32_0 = arith.constant 0 : i32
    return %arg0, %c0_i32 : i32, i32
  }
}

</mosaic_0001>

<sc_bundles>
// kernel: kernel.4.cloned.1.call-start
scs
__scs_entry_jumppad:
0x0: {  	(pc) =	sbr.rel $0x88, $3  }
0x1: {  	(tag) =	ssettag $0x0;
	lr =	simm.s32 $0x1  }
0x2: {  	[smem:$0x3F9D] =	sst lr;
	_ =	strace $0xD0000000  }
0x3: {  	_ = 	snop  }
0x4: {  	_ = 	snop  }
0x5: {  	_ = 	snop  }
0x6: {  	_ = 	snop  }
0x7: {  	_ = 	snop  }
__scs_overlays_trampoline_lowered:
0x8: {  	[smem:$0x3FAC] =	sst s0  }
0x9: {  	[smem:$0x3FAD] =	sst s1  }
0xa: {  	[smem:$0x3FAE] =	sst s2  }
0xb: {  	[smem:$0x3FAF] =	sst s3  }
0xc: {  	[smem:$0x3FB0] =	sst s4  }
0xd: {  	[smem:$0x3FB1] =	sst s5  }
0xe: {  	[smem:$0x3FB2] =	sst s6  }
0xf: {  	[smem:$0x3FB3] =	sst s7  }
0x10: {  	[smem:$0x3FB4] =	sst s8  }
0x11: {  	[smem:$0x3FB5] =	sst s9;
	s0 =	simm.s32 @!p0 $0x0  }
0x12: {  	s1 =	sld [smem:$0x3F9B];
	s0 =	simm.s32 @p0 $0x1  }
0x13: {  	[smem:$0x3FB6] =	sst s0;
	s0 =	simm.s32 @!p1 $0x0  }
0x14: {  	s2 =	sld [smem:$0x3F9A];
	s0 =	simm.s32 @p1 $0x1  }
0x15: {  	[smem:$0x3FB7] =	sst s0;
	s0 =	simm.s32 @!p2 $0x0  }
0x16: {  	s3 =	sld [smem:$0x3FDB];
	s0 =	simm.s32 @p2 $0x1  }
0x17: {  	s4 =	simm.s32 $0x1BF5;
	[smem:$0x3FB9] =	sst s0  }
0x18: {  	s0 =	sld [smem:$0x3F9C];
	_ =	swait.ge [sflag:s4], $0x0  }
0x19: {  	s7 =	sld [smem:$0x3F9D]  }
0x1a: {  	s8 =	sadd.s32 $0xFFFFE003, lr  }
0x1b: {  	s9 =	sadd.s32 $0xFFFFFEF7, lr;
	s5 =	simm.s32 $0xFFFFFFFF;
	p2 =	slt.u32 s8, $0xFFFFF086  }
0x1c: {  	p1 =	slt.u32 s9, $0xF7A;
	s5 =	simm.s32 @!p2 $0x0  }
0x1d: {  	s5 =	simm.s32 @p1 $0x1;
	p0 =	seq.s32 s7, s2  }
0x1e: {  	s7 =	smul.u32 @!p0 $0xF7A, s2;
	p2 =	seq.s32 @!p0 s5, $0x0  }
0x1f: {  	s9 =	smul.u32 $0xF7A, s1;
	s8 =	simm.s32 @!p0 $0x1BF5;
	p2 =	por !p2, p0  }
0x20: {  	[sflag:s8] =	ssyncset.s32 @!p0 $0xFFFFF086;
	s6 =	sadd.s32 @!p0 s3, s7;
	s7 =	simm.s32 @!p0 $0x108  }
0x21: {  	s3 =	sadd.s32 s3, s9;
	s6 =	sadd.s32 @!p0 $0x88, s6;
	s7 =	simm.s32 @p2 $0x1082  }
0x22: {  	[simem:s7], [sflag:s8] =	dma.local @!p0 [hbm:s6], $0xF7A  }
0x23: {  	s9 =	sor.u32 $0xD0000000, s2;
	s6 =	simm.s32 $0x108;
	_ =	swait.ge @!p0 [sflag:s8], $0x0  }
0x24: {  	s3 =	sadd.s32 $0x88, s3;
	s6 =	simm.s32 @!p1 $0x1082;
	[sflag:s4] =	ssyncset.s32 $0xFFFFF086  }
0x25: {  	[simem:s6], [sflag:s4] =	dma.local [hbm:s3], $0xF7A  }
0x26: {  	[smem:$0x3F9D] =	sst s1;
	(tag) =	ssettag s2;
	_ =	strace s9  }
0x27: {  	s1 =	sld [smem:$0x3FAD]  }
0x28: {  	s2 =	sld [smem:$0x3FAE]  }
0x29: {  	s4 =	sld [smem:$0x3FB0]  }
0x2a: {  	p0 =	seq.s32 s5, $0x0;
	s5 =	sld [smem:$0x3FB1]  }
0x2b: {  	s6 =	sld [smem:$0x3FB2]  }
0x2c: {  	s7 =	sld [smem:$0x3FB3]  }
0x2d: {  	s3 =	simm.s32 $0x108;
	s8 =	sld [smem:$0x3FB4]  }
0x2e: {  	s3 =	simm.s32 @!p0 $0x1082;
	s9 =	sld [smem:$0x3FB5]  }
0x2f: {  	lr =	sadd.s32 s0, s3;
	s0 =	sld [smem:$0x3FAC]  }
0x30: {  	s3 =	sld [smem:$0x3FAF]  }
0x31: {  	[smem:$0x3FB8] =	sst s10  }
0x32: {  	s10 =	sld [smem:$0x3FB6];
	_ =	sdelay $0x3  }
0x33: {  	p0 =	seq.s32 s10, $0x1;
	s10 =	sld [smem:$0x3FB8];
	_ =	sdelay $0x3  }
0x34: {  	[smem:$0x3FB8] =	sst s10  }
0x35: {  	s10 =	sld [smem:$0x3FB7];
	_ =	sdelay $0x3  }
0x36: {  	p1 =	seq.s32 s10, $0x1;
	s10 =	sld [smem:$0x3FB8];
	_ =	sdelay $0x3  }
0x37: {  	[smem:$0x3FB8] =	sst s10  }
0x38: {  	s10 =	sld [smem:$0x3FB9]  }
0x39: {  	_ = 	snop;
	(pc) =	sbr.ind lr, $3  }
0x3a: {  	_ = 	snop  }
0x3b: {  	_ = 	snop  }
0x3c: {  	p2 =	seq.s32 s10, $0x1;
	s10 =	sld [smem:$0x3FB8]  }
0x3d: {  	_ =	shalt  }
0x3e: {  	_ =	shalt  }
0x3f: {  	_ =	shalt  }
0x40: {  	_ =	shalt  }
0x41: {  	_ =	shalt  }
0x42: {  	_ =	shalt  }
0x43: {  	_ =	shalt  }
0x44: {  	_ =	shalt  }
0x45: {  	_ =	shalt  }
0x46: {  	_ =	shalt  }
0x47: {  	_ =	shalt  }
0x48: {  	_ =	shalt  }
0x49: {  	_ =	shalt  }
0x4a: {  	_ =	shalt  }
0x4b: {  	_ =	shalt  }
0x4c: {  	_ =	shalt  }
0x4d: {  	_ =	shalt  }
0x4e: {  	_ =	shalt  }
0x4f: {  	_ =	shalt  }
0x50: {  	_ =	shalt  }
0x51: {  	_ =	shalt  }
0x52: {  	_ =	shalt  }
0x53: {  	_ =	shalt  }
0x54: {  	_ =	shalt  }
0x55: {  	_ =	shalt  }
0x56: {  	_ =	shalt  }
0x57: {  	_ =	shalt  }
0x58: {  	_ =	shalt  }
0x59: {  	_ =	shalt  }
0x5a: {  	_ =	shalt  }
0x5b: {  	_ =	shalt  }
0x5c: {  	_ =	shalt  }
0x5d: {  	_ =	shalt  }
0x5e: {  	_ =	shalt  }
0x5f: {  	_ =	shalt  }
0x60: {  	_ =	shalt  }
0x61: {  	_ =	shalt  }
0x62: {  	_ =	shalt  }
0x63: {  	_ =	shalt  }
0x64: {  	_ =	shalt  }
0x65: {  	_ =	shalt  }
0x66: {  	_ =	shalt  }
0x67: {  	_ =	shalt  }
0x68: {  	_ =	shalt  }
0x69: {  	_ =	shalt  }
0x6a: {  	_ =	shalt  }
0x6b: {  	_ =	shalt  }
0x6c: {  	_ =	shalt  }
0x6d: {  	_ =	shalt  }
0x6e: {  	_ =	shalt  }
0x6f: {  	_ =	shalt  }
0x70: {  	_ =	shalt  }
0x71: {  	_ =	shalt  }
0x72: {  	_ =	shalt  }
0x73: {  	_ =	shalt  }
0x74: {  	_ =	shalt  }
0x75: {  	_ =	shalt  }
0x76: {  	_ =	shalt  }
0x77: {  	_ =	shalt  }
0x78: {  	_ =	shalt  }
0x79: {  	_ =	shalt  }
0x7a: {  	_ =	shalt  }
0x7b: {  	_ =	shalt  }
0x7c: {  	_ =	shalt  }
0x7d: {  	_ =	shalt  }
0x7e: {  	_ =	shalt  }
0x7f: {  	_ =	shalt  }
0x80: {  	_ =	shalt  }
0x81: {  	_ =	shalt  }
0x82: {  	_ =	shalt  }
0x83: {  	_ =	shalt  }
0x84: {  	_ =	shalt  }
0x85: {  	_ =	shalt  }
0x86: {  	_ =	shalt  }
0x87: {  	_ =	shalt  }
.Lfunc_end0:
.L_simem_size_0:
called_computation_lowered:
.L_overlay_start_0:
0x88: {  	s2 =	sld [smem:$0x3FD9]  }
0x89: {  	s3 =	sld [smem:$0x3FFE];
	_ =	sdelay $0x1  }
0x8a: {  	s1 =	srdreg.scid  }
0x8b: {  	s0 =	sand.u32 $0x1, s1  }
0x8c: {  	s17 =	sshll.u32 s0, $0xA;
	s2 =	sadd.s32 s3, s2  }
0x8d: {  	s2 =	sadd.s32 s2, s17  }
0x8e: {  	[smem:$0x3FC4] =	sst s2  }
0x8f: {  	_ = 	snop  }
0x90: {  	s2 =	sld [smem:$0x3FD0];
	(tm) =	ssettm $0x1  }
0x91: {  	s18 =	sld [smem:$0x3FFB];
	_ =	sdelay $0x3  }
0x92: {  	_ =	strace s18  }
0x93: {  	s3 =	sld [smem:$0x3FFC];
	_ =	sdelay $0x3  }
0x94: {  	_ =	strace s3  }
0x95: {  	s3 =	sld [smem:$0x3FFD];
	_ =	sdelay $0x3  }
0x96: {  	_ =	strace s3  }
0x97: {  	_ =	strace $0x8FFFFFFF  }
0x98: {  	s19 =	sld [smem:$0x3FDB];
	_ =	sdelay $0x1  }
0x99: {  	s4 =	simm.s32 $_scs_section_size  }
0x9a: {  	s5 =	simm.s32 $_size__tile_overlayer_lowered;
	s6 =	simm.s32 $_tile_overlayer_lowered  }
0x9b: {  	s22 =	simm.s32 $0x1BFF;
	s21 =	sshll.u32 s6, $0x1;
	s3 =	sadd.s32 s4, s19  }
0x9c: {  	s7 =	simm.s32 $0x0;
	s20 =	sshll.u32 s5, $0x1;
	s5 =	sadd.s32 s21, s3  }
0x9d: {  	[timem:s7], [sflag:s22] =	dma.local [hbm:s5], s20  }
0x9e: {  	_ =	swait.ge [sflag:s22], s20  }
0x9f: {  	s4 =	ssub.s32 $0x0, s20;
	[sflag:s22] =	ssyncset.done $0x0  }
0xa0: {  	[sflag:s22] =	ssyncadd.s32 s4;
	_ =	sdelay $0x1  }
0xa1: {  	s23 =	simm.s32 $0x1B8B  }
0xa2: {  	_ =	swait.ge [sflag:s23], $0x1  }
0xa3: {  	[sflag:s23] =	ssyncset.done $0x0  }
0xa4: {  	s25 =	simm.s32 $0x1B8E;
	s24 =	sld [smem:$0x3FFE];
	[sflag:s23] =	ssyncadd.s32 $0xFFFFFFFF  }
0xa5: {  	s26 =	simm.s32 $execute0_lowered;
	[smem:$0x3FD2] =	sst s25  }
0xa6: {  	s5 =	sshll.u32 s26, $0x1;
	_ =	strace $0x80000046;
	[dreg:$0x1] =	wrdreg $0xFFFFFFFF  }
0xa7: {  	s28 =	simm.s32 $_size_execute0_lowered;
	s3 =	sadd.s32 s3, s5;
	[dreg:$0x0] =	wrdreg $0x0  }
0xa8: {  	s5 =	sshll.u32 s28, $0x1;
	[dreg:$0x2] =	wrdreg s3  }
0xa9: {  	[dreg:$0x3] =	wrdreg s5  }
0xaa: {  	[dreg:$0x4] =	wrdreg $0xC0  }
0xab: {  	_ =	task [dreg:s7], $0x5FFFF  }
0xac: {  	[dreg:$0x1] =	wrdreg $0xFFFFFFFF  }
0xad: {  	[dreg:$0x0] =	wrdreg $0x60  }
0xae: {  	[dreg:$0x2] =	wrdreg s24  }
0xaf: {  	[dreg:$0x3] =	wrdreg s2  }
0xb0: {  	[dreg:$0x4] =	wrdreg $0x9  }
0xb1: {  	_ =	task.clear_ibuf [dreg:s7], $0x5FFFF;
	_ =	strace $0x90000046  }
0xb2: {  	s29 =	simm.s32 $0x9;
	_ =	strace $0x80000048  }
0xb3: {  	_ =	swait.ge [sflag:s29], $0x1  }
0xb4: {  	[sflag:s29] =	ssyncadd.s32 $0xFFFFFFFF  }
0xb5: {  	_ =	strace $0x90000048  }
0xb6: {  	_ =	sfence  }
0xb7: {  	s30 =	sld [smem:$0x0];
	_ =	sdelay $0x2  }
0xb8: {  	s31 =	sshll.u32 s1, $0xD;
	s1 =	sshrl.u32 s1, $0x2  }
0xb9: {  	s3 =	sand.u32 $0x4000, s31;
	s1 =	sadd.s32 s1, s30  }
0xba: {  	s0 =	sor.u32 s3, s0;
	s1 =	sshll.u32 s1, $0x11  }
0xbb: {  	s0 =	sor.u32 s1, s0  }
0xbc: {  	s0 =	sadd.s32 $0x8F2B, s0  }
0xbd: {  	[sflag:s0] =	ssyncadd.remote.s32 $0x1  }
0xbe: {  	_ =	sfence.sel $0xFFFF  }
0xbf: {  	[dreg:$0x0] =	wrdreg $0xFFFFFFFF;
	(pc) =	sbr.abs _section_cstart, $3  }
0xc0: {  	[dreg:$0x1] =	wrdreg $0xFFFFFFFF  }
0xc1: {  	_ =	task.clear_ibuf [dreg:s7], $0x2FFFF;
	_ =	strace $0x9FFFFFFF  }
0xc2: {  	(tm) =	ssettm $0x7FFFFFFF  }
0xc3: {  	_ =	shalt  }
tec
execute0_lowered:
.L_overlay_start_1:
0x0: {  	(tag) =	ssettag $0x1  }
0x1: {  	s0 =	srdreg.scid;
	s6 =	rddreg [dreg:$0x0]  }
0x2: {  	s12 =	stileid.u32;
	s2 =	rddreg [dreg:$0x1];
	s3 =	simm.s32 $0x0  }
0x3: {  	s18 =	simm.s32 $0x10E80;
	s19 =	simm.s32 $0x1;
	s20 =	simm.s32 $0x14E80  }
0x4: {  	s21 =	simm.s32 $0x2;
	s22 =	simm.s32 $0x15280;
	s23 =	simm.s32 $0x3  }
0x5: {  	s24 =	simm.s32 $0x15680;
	s25 =	simm.s32 $0x4;
	s28 =	simm.s32 $0x5  }
0x6: {  	s29 =	simm.s32 $0x6;
	s30 =	simm.s32 $0x7;
	s31 =	simm.s32 $0x8  }
0x7: {  	s0 =	sand.u32 $0x1, s0;
	s1 =	sshll.u32 s12, $0x1;
	[smem:$0x7FF] =	sst s3  }
0x8: {  	s5 =	sadd.s32 $0x14000, s6;
	s10 =	smul.u32 $0x138, s12;
	s1 =	sor.u32 s0, s1  }
0x9: {  	p0 =	slt.u32 s12, $0x4;
	s8 =	ssub.s32 $0x2, s0;
	s4 =	smul.u32 $0x9C, s1  }
0xa: {  	_ =	strace $0x80000047;
	s1 =	smin.u32 s1, $0x8;
	s26 =	sshrl.u32 s8, $0x1  }
0xb: {  	s0 =	smul.u32 $0x9C, s0;
	s11 =	ssub.s32 s8, s26;
	s4 =	sadd.s32 s1, s4  }
.Ltmp0:
0xc: {  	s26 =	simm.s32 $0x15A80;
	s7 =	sshll.u32 s4, $0x4;
	(pc) =	sbr.rel .LBB2_1-.Ltmp0, $4  }
0xd: {  	s1 =	sadd.s32 s10, s1;
	s9 =	sadd.s32 s7, s6;
	s6 =	simm.s32 $0x9D  }
0xe: {  	s10 =	sadd.s32 s0, s1;
	s1 =	simm.s32 $0x0;
	s6 =	simm.s32 @!p0 $0x9C  }
0xf: {  	s7 =	sadd.s32 $0x600, s9;
	s8 =	sadd.s32 $0xFC0, s9;
	s9 =	smax.u32 s11, $0x1  }
0x10: {  	p0 =	sgt.u32 s12, $0x3;
	s11 =	simm.s32 $0x9;
	s12 =	simm.s32 $0x80  }
.LBB2_21:
0x11: {  	_ =	swait.ge [sflag:s28], $0x400  }
0x12: {  	[sflag:s28] =	ssyncset.done $0x0  }
0x13: {  	[sflag:s28] =	ssyncadd.s32 $0xFFFFFC00  }
0x14: {  	_ =	swait.ge [sflag:s29], $0x400  }
0x15: {  	[sflag:s29] =	ssyncset.done $0x0  }
0x16: {  	s1 =	sadd.s32 $0x1, s1;
	[sflag:s29] =	ssyncadd.s32 $0xFFFFFC00  }
0x17: {  	p1 =	sne.s32 s1, s9;
	_ =	swait.ge [sflag:s30], $0x400  }
.Ltmp1:
0x18: {  	[sflag:s30] =	ssyncset.done $0x0;
	(pc) =	sbr.rel @!p1 .LBB2_22-.Ltmp1, $4  }
0x19: {  	[sflag:s30] =	ssyncadd.s32 $0xFFFFFC00  }
0x1a: {  	_ =	swait.ge [sflag:s31], $0x400  }
0x1b: {  	[sflag:s31] =	ssyncset.done $0x0  }
0x1c: {  	[sflag:s31] =	ssyncadd.s32 $0xFFFFFC00  }
.LBB2_1:
0x1d: {  	[tilespmem:s3], [sflag:$0x9] =	stream.linear.gather [hbm4b:s7+s3], $0x4E00, $0x38;
	[tilespmem:$0x15E80] =	vst v63  }
0x1e: {  	_ =	swait.ge [sflag:s11], $0x4E00  }
0x1f: {  	[sflag:s11] =	ssyncset.done $0x0  }
0x20: {  	s0 =	simm.s32 @!p0 $0x0;
	s13 =	simm.s32 @!p0 $0x4E00;
	[sflag:s11] =	ssyncadd.s32 $0xFFFFB200  }
0x21: {  	[tilespmem:s13], [sflag:$0x9] =	stream.linear.gather @!p0 [hbm4b:s8+s0], $0x80, $0x38;
	[tilespmem:$0x15E80] =	vst v63  }
0x22: {  	s0 =	simm.s32 @!p0 $0x9  }
0x23: {  	_ =	swait.ge @!p0 [sflag:s0], $0x80  }
0x24: {  	[sflag:s0] =	ssyncset.done @!p0 $0x0  }
0x25: {  	s17 =	sshll.u32 s10, $0x3;
	[sflag:s0] =	ssyncadd.s32 @!p0 $0xFFFFFF80;
	s0 =	simm.s32 $0x40  }
0x26: {  	p1 =	sne.s32 s6, $0x1;
	s13 =	smulhi.u32 $0xD1B71759, s17;
	v2 =	vld [tilespmem:s0+$0xFFFFFFC0]  }
.Ltmp2:
0x27: {  	v4 =	vld [tilespmem:s0+$0xFFFFFFD0];
	(pc) =	sbr.rel @!p1 .LBB2_3-.Ltmp2, $4  }
0x28: {  	s13 =	sshrl.u32 s13, $0xD;
	v3 =	vld [tilespmem:s0+$0xFFFFFFE0]  }
0x29: {  	s14 =	smul.u32 $0x2710, s13;
	v0 =	vld [tilespmem:s0+$0x0]  }
0x2a: {  	v1 =	vld [tilespmem:s0+$0x10]  }
0x2b: {  	s15 =	sadd.s32 $0xFFFFFFFF, s6;
	s16 =	smov.u32 s10;
	s13 =	simm.s32 $0x40;
	v5 =	vadd.s32 s14, v2;
	v2 =	vld [tilespmem:s0+$0x20]  }
.LBB2_2:
0x2c: {  	p1 =	sne.s32 s15, $0x1;
	[tilespmem:s0+$0xFFFFFFC0] =	vst v5;
	v4 =	vadd.s32 s14, v4;
	v5 =	vld [tilespmem:s0+$0x30];
	s16 =	sadd.s32 $0x1, s16  }
0x2d: {  	s0 =	sadd.s32 $0x80, s0;
	s17 =	sshll.u32 s16, $0x3;
	[tilespmem:s13+$0xFFFFFFD0] =	vst v4;
	v3 =	vadd.s32 s14, v3;
	v6 =	vld [tilespmem:s13+$0xFFFFFFF0]  }
0x2e: {  	s17 =	smulhi.u32 $0xD1B71759, s17;
	v7 =	vld [tilespmem:s0+$0xFFFFFFC0];
	[tilespmem:s13+$0xFFFFFFE0] =	vst v3;
	v0 =	vadd.s32 s14, v0  }
.Ltmp3:
0x2f: {  	v4 =	vld [tilespmem:s0+$0xFFFFFFD0];
	[tilespmem:s13+$0x0] =	vst v0;
	v0 =	vadd.s32 s14, v1;
	(pc) =	sbr.rel @p1 .LBB2_2-.Ltmp3, $4  }
0x30: {  	s17 =	sshrl.u32 s17, $0xD;
	v3 =	vld [tilespmem:s0+$0xFFFFFFE0];
	[tilespmem:s13+$0x10] =	vst v0;
	v1 =	vadd.s32 s14, v2  }
0x31: {  	s17 =	smul.u32 $0x2710, s17;
	v0 =	vld [tilespmem:s0+$0x0];
	[tilespmem:s13+$0x20] =	vst v1;
	v2 =	vadd.s32 s14, v5  }
0x32: {  	v1 =	vld [tilespmem:s0+$0x10];
	v6 =	vadd.s32 s14, v6;
	[tilespmem:s13+$0x30] =	vst v2  }
0x33: {  	s15 =	sadd.s32 $0xFFFFFFFF, s15;
	v5 =	vadd.s32 s17, v7;
	v2 =	vld [tilespmem:s0+$0x20];
	[tilespmem:s13+$0xFFFFFFF0] =	vst v6;
	s13 =	smov.u32 s0;
	s14 =	smov.u32 s17  }
.LBB2_3:
0x34: {  	[tilespmem:s0+$0xFFFFFFC0] =	vst v5;
	v4 =	vadd.s32 s14, v4;
	v58 =	vld [tilespmem:s0+$0x30]  }
0x35: {  	[tilespmem:s13+$0xFFFFFFD0] =	vst v4;
	v3 =	vadd.s32 s14, v3;
	v59 =	vld [tilespmem:s13+$0xFFFFFFF0]  }
0x36: {  	[tilespmem:s13+$0xFFFFFFE0] =	vst v3;
	v0 =	vadd.s32 s14, v0  }
0x37: {  	[tilespmem:s13+$0x0] =	vst v0;
	v60 =	vadd.s32 s14, v1  }
0x38: {  	[tilespmem:s13+$0x10] =	vst v60;
	v61 =	vadd.s32 s14, v2  }
0x39: {  	[tilespmem:s13+$0x20] =	vst v61;
	v62 =	vadd.s32 s14, v58  }
0x3a: {  	v63 =	vadd.s32 s14, v59;
	[tilespmem:s13+$0x30] =	vst v62  }
0x3b: {  	s0 =	simm.s32 $0x0;
	s17 =	simm.s32 $0x4E80;
	[tilespmem:s13+$0xFFFFFFF0] =	vst v63  }
0x3c: {  	[tilespmem:s17], [sflag:$0x1] =	stream.indirect.gather [hbm4b:s5+s12], $0x80, s0, s12, $0xb8;
	[tilespmem:$0x15E80] =	vst v63  }
0x3d: {  	s14 =	simm.s32 $0x8E80  }
0x3e: {  	[tilespmem:s14], [sflag:$0x2] =	stream.indirect.gather [hbm4b:s5+s12], $0x80, s12, s12, $0xb8;
	[tilespmem:$0x15E80] =	vst v63  }
.Ltmp4:
0x3f: {  	_ = 	snop;
	(pc) =	sbr.rel .LBB2_4-.Ltmp4, $4  }
0x40: {  	s15 =	simm.s32 $0x100;
	s16 =	simm.s32 $0xCE80  }
0x41: {  	[tilespmem:s16], [sflag:$0x3] =	stream.indirect.gather [hbm4b:s5+s12], $0x80, s15, s12, $0xb8;
	[tilespmem:$0x15E80] =	vst v63  }
0x42: {  	s17 =	simm.s32 $0x180  }
0x43: {  	[tilespmem:s18], [sflag:$0x4] =	stream.indirect.gather [hbm4b:s5+s12], $0x80, s17, s12, $0xb8;
	[tilespmem:$0x15E80] =	vst v63  }
.LBB2_20:
0x44: {  	s0 =	sadd.s32 $0x1, s0  }
0x45: {  	p1 =	sne.s32 s0, $0x28  }
.Ltmp5:
0x46: {  	_ = 	snop;
	(pc) =	sbr.rel @!p1 .LBB2_21-.Ltmp5, $1  }
0x47: {  	_ =	sdelay $0x3  }
.LBB2_4:
0x48: {  	s13 =	sshll.u32 s0, $0x2  }
0x49: {  	p2 =	sge.u32 s13, s6  }
.Ltmp6:
0x4a: {  	_ = 	snop;
	(pc) =	sbr.rel @p2 .LBB2_8-.Ltmp6, $2  }
0x4b: {  	_ =	sdelay $0x2  }
0x4c: {  	p1 =	seq.s32 s0, $0x0  }
0x4d: {  	_ =	swait.ge [sflag:s19], $0x4000  }
0x4e: {  	[sflag:s19] =	ssyncset.done $0x0  }
0x4f: {  	s14 =	simm.s32 @!p1 $0x5;
	[sflag:s19] =	ssyncadd.s32 $0xFFFFC000  }
0x50: {  	_ =	swait.ge @!p1 [sflag:s14], $0x400  }
0x51: {  	[sflag:s14] =	ssyncset.done @!p1 $0x0  }
0x52: {  	s15 =	simm.s32 $0x5280;
	[sflag:s14] =	ssyncadd.s32 @!p1 $0xFFFFFC00;
	s14 =	simm.s32 $0x0  }
.LBB2_6:
0x53: {  	v0 =	vld [tilespmem:s15+$0xFFFFFC00]  }
0x54: {  	v1 =	vld [tilespmem:s15+$0xFFFFFC10]  }
0x55: {  	v2 =	vld [tilespmem:s15+$0xFFFFFC20]  }
0x56: {  	v3 =	vld [tilespmem:s15+$0xFFFFFC30]  }
0x57: {  	v4 =	vld [tilespmem:s15+$0xFFFFFC40]  }
0x58: {  	v5 =	vld [tilespmem:s15+$0xFFFFFC50]  }
0x59: {  	v6 =	vld [tilespmem:s15+$0xFFFFFC60]  }
0x5a: {  	v7 =	vld [tilespmem:s15+$0xFFFFFC70]  }
0x5b: {  	v8 =	vld [tilespmem:s15+$0xFFFFFC80]  }
0x5c: {  	v9 =	vld [tilespmem:s15+$0xFFFFFC90]  }
0x5d: {  	v10 =	vld [tilespmem:s15+$0xFFFFFCA0]  }
0x5e: {  	v11 =	vld [tilespmem:s15+$0xFFFFFCB0]  }
0x5f: {  	v12 =	vld [tilespmem:s15+$0xFFFFFCC0]  }
0x60: {  	v13 =	vld [tilespmem:s15+$0xFFFFFCD0]  }
0x61: {  	v14 =	vld [tilespmem:s15+$0xFFFFFCE0]  }
0x62: {  	v15 =	vld [tilespmem:s15+$0xFFFFFCF0]  }
0x63: {  	v16 =	vld [tilespmem:s15+$0xFFFFFD00]  }
0x64: {  	v17 =	vld [tilespmem:s15+$0xFFFFFD10]  }
0x65: {  	v18 =	vld [tilespmem:s15+$0xFFFFFD20]  }
0x66: {  	v19 =	vld [tilespmem:s15+$0xFFFFFD30]  }
0x67: {  	v20 =	vld [tilespmem:s15+$0xFFFFFD40]  }
0x68: {  	v21 =	vld [tilespmem:s15+$0xFFFFFD50]  }
0x69: {  	v22 =	vld [tilespmem:s15+$0xFFFFFD60]  }
0x6a: {  	v23 =	vld [tilespmem:s15+$0xFFFFFD70]  }
0x6b: {  	v24 =	vld [tilespmem:s15+$0xFFFFFD80]  }
0x6c: {  	v25 =	vld [tilespmem:s15+$0xFFFFFD90]  }
0x6d: {  	v26 =	vld [tilespmem:s15+$0xFFFFFDA0]  }
0x6e: {  	v27 =	vld [tilespmem:s15+$0xFFFFFDB0]  }
0x6f: {  	v28 =	vld [tilespmem:s15+$0xFFFFFDC0]  }
0x70: {  	v29 =	vld [tilespmem:s15+$0xFFFFFDD0]  }
0x71: {  	v30 =	vld [tilespmem:s15+$0xFFFFFDE0]  }
0x72: {  	v31 =	vld [tilespmem:s15+$0xFFFFFDF0]  }
0x73: {  	v32 =	vld [tilespmem:s15+$0xFFFFFE00]  }
0x74: {  	v33 =	vld [tilespmem:s15+$0xFFFFFE10]  }
0x75: {  	v34 =	vld [tilespmem:s15+$0xFFFFFE20]  }
0x76: {  	v35 =	vld [tilespmem:s15+$0xFFFFFE30]  }
0x77: {  	v36 =	vld [tilespmem:s15+$0xFFFFFE40]  }
0x78: {  	v37 =	vld [tilespmem:s15+$0xFFFFFE50]  }
0x79: {  	v38 =	vld [tilespmem:s15+$0xFFFFFE60]  }
0x7a: {  	v39 =	vld [tilespmem:s15+$0xFFFFFE70]  }
0x7b: {  	v40 =	vld [tilespmem:s15+$0xFFFFFE80]  }
0x7c: {  	v41 =	vld [tilespmem:s15+$0xFFFFFE90]  }
0x7d: {  	v42 =	vld [tilespmem:s15+$0xFFFFFEA0]  }
0x7e: {  	v43 =	vld [tilespmem:s15+$0xFFFFFEB0]  }
0x7f: {  	v44 =	vld [tilespmem:s15+$0xFFFFFEC0]  }
0x80: {  	v45 =	vld [tilespmem:s15+$0xFFFFFED0]  }
0x81: {  	v46 =	vld [tilespmem:s15+$0xFFFFFEE0]  }
0x82: {  	v47 =	vld [tilespmem:s15+$0xFFFFFEF0]  }
0x83: {  	v48 =	vld [tilespmem:s15+$0xFFFFFF00]  }
0x84: {  	v49 =	vld [tilespmem:s15+$0xFFFFFF10]  }
0x85: {  	v50 =	vld [tilespmem:s15+$0xFFFFFF20]  }
0x86: {  	v51 =	vld [tilespmem:s15+$0xFFFFFF30]  }
0x87: {  	v52 =	vld [tilespmem:s15+$0xFFFFFF40]  }
0x88: {  	v53 =	vld [tilespmem:s15+$0xFFFFFF50]  }
0x89: {  	v54 =	vld [tilespmem:s15+$0xFFFFFF60]  }
0x8a: {  	v55 =	vld [tilespmem:s15+$0xFFFFFF70]  }
0x8b: {  	v56 =	vld [tilespmem:s15+$0xFFFFFF80]  }
0x8c: {  	v57 =	vld [tilespmem:s15+$0xFFFFFF90]  }
0x8d: {  	v58 =	vld [tilespmem:s15+$0xFFFFFFA0]  }
0x8e: {  	v62 =	vld [tilespmem:s15+$0xFFFFFFE0]  }
0x8f: {  	v59 =	vld [tilespmem:s15+$0xFFFFFFB0]  }
0x90: {  	v60 =	vld [tilespmem:s15+$0xFFFFFFC0]  }
0x91: {  	v61 =	vld [tilespmem:s15+$0xFFFFFFD0]  }
0x92: {  	v63 =	vld [tilespmem:s15+$0xFFFFFFF0]  }
0x93: {  	[tilespmem:$0x1FF60] =	vst v62;
	v62 =	vld [tilespmem:s15+$0x0]  }
0x94: {  	v1 =	vadd.f32 v9, v1;
	v9 =	vld [tilespmem:s15+$0xA0]  }
0x95: {  	v2 =	vadd.f32 v10, v2;
	v10 =	vld [tilespmem:s15+$0xB0]  }
0x96: {  	v3 =	vadd.f32 v11, v3;
	v11 =	vld [tilespmem:s15+$0xC0]  }
0x97: {  	v4 =	vadd.f32 v12, v4;
	v12 =	vld [tilespmem:s15+$0xD0]  }
0x98: {  	v5 =	vadd.f32 v13, v5;
	v13 =	vld [tilespmem:s15+$0xE0]  }
0x99: {  	v0 =	vadd.f32 v8, v0;
	v6 =	vadd.f32 v14, v6;
	v14 =	vld [tilespmem:s15+$0xF0]  }
0x9a: {  	v7 =	vadd.f32 v15, v7;
	v15 =	vld [tilespmem:s15+$0x100]  }
0x9b: {  	v0 =	vadd.f32 v16, v0;
	v16 =	vld [tilespmem:s15+$0x110]  }
0x9c: {  	v1 =	vadd.f32 v17, v1;
	v17 =	vld [tilespmem:s15+$0x120]  }
0x9d: {  	v2 =	vadd.f32 v18, v2;
	v18 =	vld [tilespmem:s15+$0x130]  }
0x9e: {  	v3 =	vadd.f32 v19, v3;
	v19 =	vld [tilespmem:s15+$0x140]  }
0x9f: {  	v4 =	vadd.f32 v20, v4;
	v20 =	vld [tilespmem:s15+$0x150]  }
0xa0: {  	v5 =	vadd.f32 v21, v5;
	v21 =	vld [tilespmem:s15+$0x160]  }
0xa1: {  	v6 =	vadd.f32 v22, v6;
	v22 =	vld [tilespmem:s15+$0x170]  }
0xa2: {  	v7 =	vadd.f32 v23, v7;
	v23 =	vld [tilespmem:s15+$0x180]  }
0xa3: {  	v0 =	vadd.f32 v24, v0;
	v24 =	vld [tilespmem:s15+$0x190]  }
0xa4: {  	[tilespmem:$0x1FF70] =	vst v62;
	v62 =	vld [tilespmem:s15+$0x10]  }
0xa5: {  	v1 =	vadd.f32 v25, v1;
	v25 =	vld [tilespmem:s15+$0x1A0]  }
0xa6: {  	v2 =	vadd.f32 v26, v2;
	v26 =	vld [tilespmem:s15+$0x1B0]  }
0xa7: {  	v3 =	vadd.f32 v27, v3;
	v27 =	vld [tilespmem:s15+$0x1C0]  }
0xa8: {  	v5 =	vadd.f32 v29, v5;
	v29 =	vld [tilespmem:s15+$0x1E0]  }
0xa9: {  	[tilespmem:$0x1FF80] =	vst v62;
	v62 =	vld [tilespmem:s15+$0x20]  }
0xaa: {  	v6 =	vadd.f32 v30, v6;
	v30 =	vld [tilespmem:s15+$0x1F0]  }
0xab: {  	v7 =	vadd.f32 v31, v7;
	v31 =	vld [tilespmem:s15+$0x200]  }
0xac: {  	v0 =	vadd.f32 v32, v0;
	v32 =	vld [tilespmem:s15+$0x210]  }
0xad: {  	v1 =	vadd.f32 v33, v1;
	v33 =	vld [tilespmem:s15+$0x220]  }
0xae: {  	[tilespmem:$0x1FF90] =	vst v62;
	v62 =	vld [tilespmem:s15+$0x30]  }
0xaf: {  	v4 =	vadd.f32 v28, v4;
	v2 =	vadd.f32 v34, v2;
	v34 =	vld [tilespmem:s15+$0x230]  }
0xb0: {  	v3 =	vadd.f32 v35, v3;
	v35 =	vld [tilespmem:s15+$0x240]  }
0xb1: {  	v4 =	vadd.f32 v36, v4;
	v36 =	vld [tilespmem:s15+$0x250]  }
0xb2: {  	v0 =	vadd.f32 v40, v0;
	v40 =	vld [tilespmem:s15+$0x2B0]  }
0xb3: {  	[tilespmem:$0x1FFA0] =	vst v62;
	v62 =	vld [tilespmem:s15+$0x40]  }
0xb4: {  	v5 =	vadd.f32 v37, v5;
	v1 =	vadd.f32 v41, v1;
	v41 =	vld [tilespmem:s15+$0x2C0]  }
0xb5: {  	v6 =	vadd.f32 v38, v6;
	v2 =	vadd.f32 v42, v2;
	v42 =	vld [tilespmem:s15+$0x2D0]  }
0xb6: {  	v7 =	vadd.f32 v39, v7;
	v3 =	vadd.f32 v43, v3;
	v43 =	vld [tilespmem:s15+$0x2E0]  }
0xb7: {  	v4 =	vadd.f32 v44, v4;
	v5 =	vadd.f32 v45, v5;
	v44 =	vld [tilespmem:s15+$0x2F0]  }
0xb8: {  	v6 =	vadd.f32 v46, v6;
	v7 =	vadd.f32 v47, v7;
	[tilespmem:$0x1FFB0] =	vst v62;
	v62 =	vld [tilespmem:s15+$0x50]  }
0xb9: {  	v0 =	vadd.f32 v48, v0;
	v4 =	vadd.f32 v52, v4;
	v52 =	vld [tilespmem:$0x1FF90]  }
0xba: {  	v45 =	vld [tilespmem:s15+$0x300];
	v1 =	vadd.f32 v49, v1;
	v2 =	vadd.f32 v50, v2  }
0xbb: {  	v3 =	vadd.f32 v51, v3;
	v5 =	vadd.f32 v53, v5;
	v49 =	vld [tilespmem:$0x1FF60]  }
0xbc: {  	v6 =	vadd.f32 v54, v6;
	v2 =	vadd.f32 v58, v2;
	v53 =	vld [tilespmem:$0x1FFA0]  }
0xbd: {  	v7 =	vadd.f32 v55, v7;
	v0 =	vadd.f32 v56, v0;
	[tilespmem:$0x1FFC0] =	vst v62;
	v62 =	vld [tilespmem:s15+$0x60]  }
0xbe: {  	v1 =	vadd.f32 v57, v1;
	v2 =	vadd.f32 v52, v2;
	v55 =	vld [tilespmem:$0x1FFB0]  }
0xbf: {  	v50 =	vld [tilespmem:$0x1FF70];
	v3 =	vadd.f32 v59, v3;
	v4 =	vadd.f32 v60, v4  }
0xc0: {  	v51 =	vld [tilespmem:$0x1FF80];
	v5 =	vadd.f32 v61, v5;
	v2 =	vadd.f32 v9, v2  }
0xc1: {  	v7 =	vadd.f32 v63, v7;
	v63 =	vld [tilespmem:s15+$0x2A0];
	v3 =	vadd.f32 v53, v3  }
0xc2: {  	v6 =	vadd.f32 v49, v6;
	v2 =	vadd.f32 v17, v2;
	[tilespmem:$0x1FFD0] =	vst v62;
	v62 =	vld [tilespmem:s15+$0x70]  }
0xc3: {  	v3 =	vadd.f32 v10, v3;
	v4 =	vadd.f32 v55, v4;
	v56 =	vld [tilespmem:$0x1FFC0]  }
0xc4: {  	v47 =	vld [tilespmem:s15+$0x320];
	v0 =	vadd.f32 v50, v0;
	v2 =	vadd.f32 v25, v2  }
0xc5: {  	v48 =	vld [tilespmem:s15+$0x1D0];
	v3 =	vadd.f32 v18, v3;
	v4 =	vadd.f32 v11, v4  }
0xc6: {  	v1 =	vadd.f32 v51, v1;
	v2 =	vadd.f32 v33, v2;
	v58 =	vld [tilespmem:$0x1FFD0]  }
0xc7: {  	v3 =	vadd.f32 v26, v3;
	v4 =	vadd.f32 v19, v4;
	[tilespmem:$0x1FFE0] =	vst v62;
	v62 =	vld [tilespmem:s15+$0x80]  }
0xc8: {  	v2 =	vadd.f32 v63, v2;
	v55 =	vld [tilespmem:s15+$0x3A0];
	v5 =	vadd.f32 v56, v5  }
0xc9: {  	v49 =	vld [tilespmem:s15+$0x340];
	v3 =	vadd.f32 v34, v3;
	v4 =	vadd.f32 v27, v4  }
0xca: {  	v2 =	vadd.f32 v47, v2;
	v5 =	vadd.f32 v12, v5;
	v59 =	vld [tilespmem:$0x1FFE0]  }
0xcb: {  	v46 =	vld [tilespmem:s15+$0x310];
	v3 =	vadd.f32 v40, v3;
	v4 =	vadd.f32 v35, v4  }
0xcc: {  	v5 =	vadd.f32 v20, v5;
	v6 =	vadd.f32 v58, v6;
	[tilespmem:$0x1FFF0] =	vst v62;
	v62 =	vld [tilespmem:s15+$0x90]  }
0xcd: {  	v2 =	vadd.f32 v55, v2;
	v4 =	vadd.f32 v41, v4;
	v61 =	vld [tilespmem:$0x1FFF0]  }
0xce: {  	v54 =	vld [tilespmem:s15+$0x260];
	v5 =	vadd.f32 v48, v5;
	v6 =	vadd.f32 v13, v6  }
0xcf: {  	v57 =	vld [tilespmem:s15+$0x270];
	v4 =	vadd.f32 v49, v4;
	v7 =	vadd.f32 v59, v7  }
0xd0: {  	v60 =	vld [tilespmem:s15+$0x280];
	v5 =	vadd.f32 v36, v5;
	v6 =	vadd.f32 v21, v6  }
0xd1: {  	v48 =	vld [tilespmem:s15+$0x330];
	v7 =	vadd.f32 v14, v7;
	v1 =	vadd.f32 v62, v1  }
0xd2: {  	v50 =	vld [tilespmem:s15+$0x350];
	v5 =	vadd.f32 v42, v5;
	v0 =	vadd.f32 v61, v0  }
0xd3: {  	v56 =	vld [tilespmem:s15+$0x3B0];
	v7 =	vadd.f32 v22, v7;
	v1 =	vadd.f32 v16, v1  }
0xd4: {  	v6 =	vadd.f32 v29, v6;
	v62 =	vld [tilespmem:s15+$0x290];
	v0 =	vadd.f32 v15, v0  }
0xd5: {  	v51 =	vld [tilespmem:s15+$0x360];
	v7 =	vadd.f32 v30, v7;
	v1 =	vadd.f32 v24, v1  }
0xd6: {  	v52 =	vld [tilespmem:s15+$0x370];
	v3 =	vadd.f32 v48, v3;
	v0 =	vadd.f32 v23, v0  }
0xd7: {  	v7 =	vadd.f32 v57, v7;
	v57 =	vld [tilespmem:s15+$0x3C0];
	v1 =	vadd.f32 v32, v1  }
0xd8: {  	v6 =	vadd.f32 v54, v6;
	v54 =	vld [tilespmem:s15+$0x390];
	v0 =	vadd.f32 v31, v0  }
0xd9: {  	v53 =	vld [tilespmem:s15+$0x380];
	v3 =	vadd.f32 v56, v3;
	v1 =	vadd.f32 v62, v1  }
0xda: {  	v59 =	vld [tilespmem:s15+$0x3E0];
	v6 =	vadd.f32 v43, v6;
	v0 =	vadd.f32 v60, v0  }
0xdb: {  	s16 =	sshra.s32 s14, $0x2;
	v7 =	vadd.f32 v44, v7;
	v60 =	vld [tilespmem:s15+$0x3F0];
	v1 =	vadd.f32 v46, v1  }
0xdc: {  	v58 =	vld [tilespmem:s15+$0x3D0];
	v4 =	vadd.f32 v57, v4;
	[tilespmem:s16+$0x14EA0] =	vst v2;
	v0 =	vadd.f32 v45, v0  }
0xdd: {  	v62 =	vadd.f32 v51, v6;
	[tilespmem:s16+$0x14EB0] =	vst v3;
	v1 =	vadd.f32 v54, v1  }
0xde: {  	p2 =	sne.s32 s14, $0xE00;
	v63 =	vadd.f32 v52, v7;
	[tilespmem:s16+$0x14EC0] =	vst v4;
	v0 =	vadd.f32 v53, v0  }
.Ltmp7:
0xdf: {  	v61 =	vadd.f32 v50, v5;
	[tilespmem:s16+$0x14E90] =	vst v1;
	v1 =	vadd.f32 v59, v62;
	(pc) =	sbr.rel @p2 .LBB2_6-.Ltmp7, $4  }
0xe0: {  	v2 =	vadd.f32 v60, v63;
	[tilespmem:s16+$0x14E80] =	vst v0  }
0xe1: {  	v0 =	vadd.f32 v58, v61;
	[tilespmem:s16+$0x14EE0] =	vst v1  }
0xe2: {  	[tilespmem:s16+$0x14EF0] =	vst v2  }
0xe3: {  	s14 =	sadd.s32 $0x200, s14;
	s15 =	sadd.s32 $0x800, s15;
	[tilespmem:s16+$0x14ED0] =	vst v0  }
0xe4: {  	s14 =	sadd.s32 s4, s13  }
0xe5: {  	s14 =	sshll.u32 s14, $0x7  }
0xe6: {  	s14 =	sand.u32 $0x1FFFFF80, s14  }
0xe7: {  	s14 =	sadd.s32 s2, s14  }
0xe8: {  	[hbm4b:s14+s3] =	stream.linear.scatter [tilespmem:s20], [sflag:$0x5], $0x400, $0x38;
	[tilespmem:$0x15E80] =	vst v63  }
0xe9: {  	s14 =	sadd.s32 $0x4, s13  }
0xea: {  	p2 =	sge.u32 s14, s6  }
0xeb: {  	s14 =	sshll.u32 @!p2 s14, $0x7  }
0xec: {  	s15 =	simm.s32 @!p2 $0x80;
	s16 =	simm.s32 @!p2 $0x4E80;
	s14 =	sand.u32 @!p2 $0x3FFFFF80, s14  }
0xed: {  	[tilespmem:s16], [sflag:$0x1] =	stream.indirect.gather @!p2 [hbm4b:s5+s15], $0x80, s14, s15, $0xb8;
	[tilespmem:$0x15E80] =	vst v63  }
.LBB2_8:
0xee: {  	s14 =	sor.u32 $0x1, s13  }
0xef: {  	p2 =	sge.u32 s14, s6  }
.Ltmp8:
0xf0: {  	_ = 	snop;
	(pc) =	sbr.rel @p2 .LBB2_12-.Ltmp8, $1  }
0xf1: {  	_ =	sdelay $0x3  }
0xf2: {  	_ =	swait.ge [sflag:s21], $0x4000  }
0xf3: {  	[sflag:s21] =	ssyncset.done $0x0  }
0xf4: {  	s15 =	simm.s32 @!p1 $0x6;
	[sflag:s21] =	ssyncadd.s32 $0xFFFFC000  }
0xf5: {  	_ =	swait.ge @!p1 [sflag:s15], $0x400  }
0xf6: {  	[sflag:s15] =	ssyncset.done @!p1 $0x0  }
0xf7: {  	s16 =	simm.s32 $0x9280;
	[sflag:s15] =	ssyncadd.s32 @!p1 $0xFFFFFC00;
	s15 =	simm.s32 $0x0  }
.LBB2_10:
0xf8: {  	v0 =	vld [tilespmem:s16+$0xFFFFFC00]  }
0xf9: {  	v1 =	vld [tilespmem:s16+$0xFFFFFC10]  }
0xfa: {  	v2 =	vld [tilespmem:s16+$0xFFFFFC20]  }
0xfb: {  	v3 =	vld [tilespmem:s16+$0xFFFFFC30]  }
0xfc: {  	v4 =	vld [tilespmem:s16+$0xFFFFFC40]  }
0xfd: {  	v5 =	vld [tilespmem:s16+$0xFFFFFC50]  }
0xfe: {  	v6 =	vld [tilespmem:s16+$0xFFFFFC60]  }
0xff: {  	v7 =	vld [tilespmem:s16+$0xFFFFFC70]  }
0x100: {  	v8 =	vld [tilespmem:s16+$0xFFFFFC80]  }
0x101: {  	v9 =	vld [tilespmem:s16+$0xFFFFFC90]  }
0x102: {  	v10 =	vld [tilespmem:s16+$0xFFFFFCA0]  }
0x103: {  	v11 =	vld [tilespmem:s16+$0xFFFFFCB0]  }
0x104: {  	v12 =	vld [tilespmem:s16+$0xFFFFFCC0]  }
0x105: {  	v13 =	vld [tilespmem:s16+$0xFFFFFCD0]  }
0x106: {  	v14 =	vld [tilespmem:s16+$0xFFFFFCE0]  }
0x107: {  	v15 =	vld [tilespmem:s16+$0xFFFFFCF0]  }
0x108: {  	v16 =	vld [tilespmem:s16+$0xFFFFFD00]  }
0x109: {  	v17 =	vld [tilespmem:s16+$0xFFFFFD10]  }
0x10a: {  	v18 =	vld [tilespmem:s16+$0xFFFFFD20]  }
0x10b: {  	v19 =	vld [tilespmem:s16+$0xFFFFFD30]  }
0x10c: {  	v20 =	vld [tilespmem:s16+$0xFFFFFD40]  }
0x10d: {  	v21 =	vld [tilespmem:s16+$0xFFFFFD50]  }
0x10e: {  	v22 =	vld [tilespmem:s16+$0xFFFFFD60]  }
0x10f: {  	v23 =	vld [tilespmem:s16+$0xFFFFFD70]  }
0x110: {  	v24 =	vld [tilespmem:s16+$0xFFFFFD80]  }
0x111: {  	v25 =	vld [tilespmem:s16+$0xFFFFFD90]  }
0x112: {  	v26 =	vld [tilespmem:s16+$0xFFFFFDA0]  }
0x113: {  	v27 =	vld [tilespmem:s16+$0xFFFFFDB0]  }
0x114: {  	v28 =	vld [tilespmem:s16+$0xFFFFFDC0]  }
0x115: {  	v29 =	vld [tilespmem:s16+$0xFFFFFDD0]  }
0x116: {  	v30 =	vld [tilespmem:s16+$0xFFFFFDE0]  }
0x117: {  	v31 =	vld [tilespmem:s16+$0xFFFFFDF0]  }
0x118: {  	v32 =	vld [tilespmem:s16+$0xFFFFFE00]  }
0x119: {  	v33 =	vld [tilespmem:s16+$0xFFFFFE10]  }
0x11a: {  	v34 =	vld [tilespmem:s16+$0xFFFFFE20]  }
0x11b: {  	v35 =	vld [tilespmem:s16+$0xFFFFFE30]  }
0x11c: {  	v36 =	vld [tilespmem:s16+$0xFFFFFE40]  }
0x11d: {  	v37 =	vld [tilespmem:s16+$0xFFFFFE50]  }
0x11e: {  	v38 =	vld [tilespmem:s16+$0xFFFFFE60]  }
0x11f: {  	v39 =	vld [tilespmem:s16+$0xFFFFFE70]  }
0x120: {  	v40 =	vld [tilespmem:s16+$0xFFFFFE80]  }
0x121: {  	v41 =	vld [tilespmem:s16+$0xFFFFFE90]  }
0x122: {  	v42 =	vld [tilespmem:s16+$0xFFFFFEA0]  }
0x123: {  	v43 =	vld [tilespmem:s16+$0xFFFFFEB0]  }
0x124: {  	v44 =	vld [tilespmem:s16+$0xFFFFFEC0]  }
0x125: {  	v45 =	vld [tilespmem:s16+$0xFFFFFED0]  }
0x126: {  	v46 =	vld [tilespmem:s16+$0xFFFFFEE0]  }
0x127: {  	v47 =	vld [tilespmem:s16+$0xFFFFFEF0]  }
0x128: {  	v48 =	vld [tilespmem:s16+$0xFFFFFF00]  }
0x129: {  	v49 =	vld [tilespmem:s16+$0xFFFFFF10]  }
0x12a: {  	v50 =	vld [tilespmem:s16+$0xFFFFFF20]  }
0x12b: {  	v51 =	vld [tilespmem:s16+$0xFFFFFF30]  }
0x12c: {  	v52 =	vld [tilespmem:s16+$0xFFFFFF40]  }
0x12d: {  	v53 =	vld [tilespmem:s16+$0xFFFFFF50]  }
0x12e: {  	v54 =	vld [tilespmem:s16+$0xFFFFFF60]  }
0x12f: {  	v55 =	vld [tilespmem:s16+$0xFFFFFF70]  }
0x130: {  	v56 =	vld [tilespmem:s16+$0xFFFFFF80]  }
0x131: {  	v57 =	vld [tilespmem:s16+$0xFFFFFF90]  }
0x132: {  	v58 =	vld [tilespmem:s16+$0xFFFFFFA0]  }
0x133: {  	v62 =	vld [tilespmem:s16+$0xFFFFFFE0]  }
0x134: {  	v59 =	vld [tilespmem:s16+$0xFFFFFFB0]  }
0x135: {  	v60 =	vld [tilespmem:s16+$0xFFFFFFC0]  }
0x136: {  	v61 =	vld [tilespmem:s16+$0xFFFFFFD0]  }
0x137: {  	v63 =	vld [tilespmem:s16+$0xFFFFFFF0]  }
0x138: {  	[tilespmem:$0x1FEC0] =	vst v62;
	v62 =	vld [tilespmem:s16+$0x0]  }
0x139: {  	v1 =	vadd.f32 v9, v1;
	v9 =	vld [tilespmem:s16+$0xA0]  }
0x13a: {  	v2 =	vadd.f32 v10, v2;
	v10 =	vld [tilespmem:s16+$0xB0]  }
0x13b: {  	v3 =	vadd.f32 v11, v3;
	v11 =	vld [tilespmem:s16+$0xC0]  }
0x13c: {  	v4 =	vadd.f32 v12, v4;
	v12 =	vld [tilespmem:s16+$0xD0]  }
0x13d: {  	v5 =	vadd.f32 v13, v5;
	v13 =	vld [tilespmem:s16+$0xE0]  }
0x13e: {  	v0 =	vadd.f32 v8, v0;
	v6 =	vadd.f32 v14, v6;
	v14 =	vld [tilespmem:s16+$0xF0]  }
0x13f: {  	v7 =	vadd.f32 v15, v7;
	v15 =	vld [tilespmem:s16+$0x100]  }
0x140: {  	v0 =	vadd.f32 v16, v0;
	v16 =	vld [tilespmem:s16+$0x110]  }
0x141: {  	v1 =	vadd.f32 v17, v1;
	v17 =	vld [tilespmem:s16+$0x120]  }
0x142: {  	v2 =	vadd.f32 v18, v2;
	v18 =	vld [tilespmem:s16+$0x130]  }
0x143: {  	v3 =	vadd.f32 v19, v3;
	v19 =	vld [tilespmem:s16+$0x140]  }
0x144: {  	v4 =	vadd.f32 v20, v4;
	v20 =	vld [tilespmem:s16+$0x150]  }
0x145: {  	v5 =	vadd.f32 v21, v5;
	v21 =	vld [tilespmem:s16+$0x160]  }
0x146: {  	v6 =	vadd.f32 v22, v6;
	v22 =	vld [tilespmem:s16+$0x170]  }
0x147: {  	v7 =	vadd.f32 v23, v7;
	v23 =	vld [tilespmem:s16+$0x180]  }
0x148: {  	v0 =	vadd.f32 v24, v0;
	v24 =	vld [tilespmem:s16+$0x190]  }
0x149: {  	[tilespmem:$0x1FED0] =	vst v62;
	v62 =	vld [tilespmem:s16+$0x10]  }
0x14a: {  	v1 =	vadd.f32 v25, v1;
	v25 =	vld [tilespmem:s16+$0x1A0]  }
0x14b: {  	v2 =	vadd.f32 v26, v2;
	v26 =	vld [tilespmem:s16+$0x1B0]  }
0x14c: {  	v3 =	vadd.f32 v27, v3;
	v27 =	vld [tilespmem:s16+$0x1C0]  }
0x14d: {  	v5 =	vadd.f32 v29, v5;
	v29 =	vld [tilespmem:s16+$0x1E0]  }
0x14e: {  	[tilespmem:$0x1FEE0] =	vst v62;
	v62 =	vld [tilespmem:s16+$0x20]  }
0x14f: {  	v6 =	vadd.f32 v30, v6;
	v30 =	vld [tilespmem:s16+$0x1F0]  }
0x150: {  	v7 =	vadd.f32 v31, v7;
	v31 =	vld [tilespmem:s16+$0x200]  }
0x151: {  	v0 =	vadd.f32 v32, v0;
	v32 =	vld [tilespmem:s16+$0x210]  }
0x152: {  	v1 =	vadd.f32 v33, v1;
	v33 =	vld [tilespmem:s16+$0x220]  }
0x153: {  	[tilespmem:$0x1FEF0] =	vst v62;
	v62 =	vld [tilespmem:s16+$0x30]  }
0x154: {  	v4 =	vadd.f32 v28, v4;
	v2 =	vadd.f32 v34, v2;
	v34 =	vld [tilespmem:s16+$0x230]  }
0x155: {  	v3 =	vadd.f32 v35, v3;
	v35 =	vld [tilespmem:s16+$0x240]  }
0x156: {  	v4 =	vadd.f32 v36, v4;
	v36 =	vld [tilespmem:s16+$0x250]  }
0x157: {  	v0 =	vadd.f32 v40, v0;
	v40 =	vld [tilespmem:s16+$0x2B0]  }
0x158: {  	[tilespmem:$0x1FF00] =	vst v62;
	v62 =	vld [tilespmem:s16+$0x40]  }
0x159: {  	v5 =	vadd.f32 v37, v5;
	v1 =	vadd.f32 v41, v1;
	v41 =	vld [tilespmem:s16+$0x2C0]  }
0x15a: {  	v6 =	vadd.f32 v38, v6;
	v2 =	vadd.f32 v42, v2;
	v42 =	vld [tilespmem:s16+$0x2D0]  }
0x15b: {  	v7 =	vadd.f32 v39, v7;
	v3 =	vadd.f32 v43, v3;
	v43 =	vld [tilespmem:s16+$0x2E0]  }
0x15c: {  	v4 =	vadd.f32 v44, v4;
	v5 =	vadd.f32 v45, v5;
	v44 =	vld [tilespmem:s16+$0x2F0]  }
0x15d: {  	v6 =	vadd.f32 v46, v6;
	v7 =	vadd.f32 v47, v7;
	[tilespmem:$0x1FF10] =	vst v62;
	v62 =	vld [tilespmem:s16+$0x50]  }
0x15e: {  	v0 =	vadd.f32 v48, v0;
	v4 =	vadd.f32 v52, v4;
	v52 =	vld [tilespmem:$0x1FEF0]  }
0x15f: {  	v45 =	vld [tilespmem:s16+$0x300];
	v1 =	vadd.f32 v49, v1;
	v2 =	vadd.f32 v50, v2  }
0x160: {  	v3 =	vadd.f32 v51, v3;
	v5 =	vadd.f32 v53, v5;
	v49 =	vld [tilespmem:$0x1FEC0]  }
0x161: {  	v6 =	vadd.f32 v54, v6;
	v2 =	vadd.f32 v58, v2;
	v53 =	vld [tilespmem:$0x1FF00]  }
0x162: {  	v7 =	vadd.f32 v55, v7;
	v0 =	vadd.f32 v56, v0;
	[tilespmem:$0x1FF20] =	vst v62;
	v62 =	vld [tilespmem:s16+$0x60]  }
0x163: {  	v1 =	vadd.f32 v57, v1;
	v2 =	vadd.f32 v52, v2;
	v55 =	vld [tilespmem:$0x1FF10]  }
0x164: {  	v50 =	vld [tilespmem:$0x1FED0];
	v3 =	vadd.f32 v59, v3;
	v4 =	vadd.f32 v60, v4  }
0x165: {  	v51 =	vld [tilespmem:$0x1FEE0];
	v5 =	vadd.f32 v61, v5;
	v2 =	vadd.f32 v9, v2  }
0x166: {  	v7 =	vadd.f32 v63, v7;
	v63 =	vld [tilespmem:s16+$0x2A0];
	v3 =	vadd.f32 v53, v3  }
0x167: {  	v6 =	vadd.f32 v49, v6;
	v2 =	vadd.f32 v17, v2;
	[tilespmem:$0x1FF30] =	vst v62;
	v62 =	vld [tilespmem:s16+$0x70]  }
0x168: {  	v3 =	vadd.f32 v10, v3;
	v4 =	vadd.f32 v55, v4;
	v56 =	vld [tilespmem:$0x1FF20]  }
0x169: {  	v47 =	vld [tilespmem:s16+$0x320];
	v0 =	vadd.f32 v50, v0;
	v2 =	vadd.f32 v25, v2  }
0x16a: {  	v48 =	vld [tilespmem:s16+$0x1D0];
	v3 =	vadd.f32 v18, v3;
	v4 =	vadd.f32 v11, v4  }
0x16b: {  	v1 =	vadd.f32 v51, v1;
	v2 =	vadd.f32 v33, v2;
	v58 =	vld [tilespmem:$0x1FF30]  }
0x16c: {  	v3 =	vadd.f32 v26, v3;
	v4 =	vadd.f32 v19, v4;
	[tilespmem:$0x1FF40] =	vst v62;
	v62 =	vld [tilespmem:s16+$0x80]  }
0x16d: {  	v2 =	vadd.f32 v63, v2;
	v55 =	vld [tilespmem:s16+$0x3A0];
	v5 =	vadd.f32 v56, v5  }
0x16e: {  	v49 =	vld [tilespmem:s16+$0x340];
	v3 =	vadd.f32 v34, v3;
	v4 =	vadd.f32 v27, v4  }
0x16f: {  	v2 =	vadd.f32 v47, v2;
	v5 =	vadd.f32 v12, v5;
	v59 =	vld [tilespmem:$0x1FF40]  }
0x170: {  	v46 =	vld [tilespmem:s16+$0x310];
	v3 =	vadd.f32 v40, v3;
	v4 =	vadd.f32 v35, v4  }
0x171: {  	v5 =	vadd.f32 v20, v5;
	v6 =	vadd.f32 v58, v6;
	[tilespmem:$0x1FF50] =	vst v62;
	v62 =	vld [tilespmem:s16+$0x90]  }
0x172: {  	v2 =	vadd.f32 v55, v2;
	v4 =	vadd.f32 v41, v4;
	v61 =	vld [tilespmem:$0x1FF50]  }
0x173: {  	v54 =	vld [tilespmem:s16+$0x260];
	v5 =	vadd.f32 v48, v5;
	v6 =	vadd.f32 v13, v6  }
0x174: {  	v57 =	vld [tilespmem:s16+$0x270];
	v4 =	vadd.f32 v49, v4;
	v7 =	vadd.f32 v59, v7  }
0x175: {  	v60 =	vld [tilespmem:s16+$0x280];
	v5 =	vadd.f32 v36, v5;
	v6 =	vadd.f32 v21, v6  }
0x176: {  	v48 =	vld [tilespmem:s16+$0x330];
	v7 =	vadd.f32 v14, v7;
	v1 =	vadd.f32 v62, v1  }
0x177: {  	v50 =	vld [tilespmem:s16+$0x350];
	v5 =	vadd.f32 v42, v5;
	v0 =	vadd.f32 v61, v0  }
0x178: {  	v56 =	vld [tilespmem:s16+$0x3B0];
	v7 =	vadd.f32 v22, v7;
	v1 =	vadd.f32 v16, v1  }
0x179: {  	v6 =	vadd.f32 v29, v6;
	v62 =	vld [tilespmem:s16+$0x290];
	v0 =	vadd.f32 v15, v0  }
0x17a: {  	v51 =	vld [tilespmem:s16+$0x360];
	v7 =	vadd.f32 v30, v7;
	v1 =	vadd.f32 v24, v1  }
0x17b: {  	v52 =	vld [tilespmem:s16+$0x370];
	v3 =	vadd.f32 v48, v3;
	v0 =	vadd.f32 v23, v0  }
0x17c: {  	v7 =	vadd.f32 v57, v7;
	v57 =	vld [tilespmem:s16+$0x3C0];
	v1 =	vadd.f32 v32, v1  }
0x17d: {  	v6 =	vadd.f32 v54, v6;
	v54 =	vld [tilespmem:s16+$0x390];
	v0 =	vadd.f32 v31, v0  }
0x17e: {  	v53 =	vld [tilespmem:s16+$0x380];
	v3 =	vadd.f32 v56, v3;
	v1 =	vadd.f32 v62, v1  }
0x17f: {  	v59 =	vld [tilespmem:s16+$0x3E0];
	v6 =	vadd.f32 v43, v6;
	v0 =	vadd.f32 v60, v0  }
0x180: {  	s17 =	sshra.s32 s15, $0x2;
	v7 =	vadd.f32 v44, v7;
	v60 =	vld [tilespmem:s16+$0x3F0];
	v1 =	vadd.f32 v46, v1  }
0x181: {  	v58 =	vld [tilespmem:s16+$0x3D0];
	v4 =	vadd.f32 v57, v4;
	[tilespmem:s17+$0x152A0] =	vst v2;
	v0 =	vadd.f32 v45, v0  }
0x182: {  	v62 =	vadd.f32 v51, v6;
	[tilespmem:s17+$0x152B0] =	vst v3;
	v1 =	vadd.f32 v54, v1  }
0x183: {  	p2 =	sne.s32 s15, $0xE00;
	v63 =	vadd.f32 v52, v7;
	[tilespmem:s17+$0x152C0] =	vst v4;
	v0 =	vadd.f32 v53, v0  }
.Ltmp9:
0x184: {  	v61 =	vadd.f32 v50, v5;
	[tilespmem:s17+$0x15290] =	vst v1;
	v1 =	vadd.f32 v59, v62;
	(pc) =	sbr.rel @p2 .LBB2_10-.Ltmp9, $4  }
0x185: {  	v2 =	vadd.f32 v60, v63;
	[tilespmem:s17+$0x15280] =	vst v0  }
0x186: {  	v0 =	vadd.f32 v58, v61;
	[tilespmem:s17+$0x152E0] =	vst v1  }
0x187: {  	[tilespmem:s17+$0x152F0] =	vst v2  }
0x188: {  	s15 =	sadd.s32 $0x200, s15;
	s16 =	sadd.s32 $0x800, s16;
	[tilespmem:s17+$0x152D0] =	vst v0  }
0x189: {  	s14 =	sadd.s32 s4, s14  }
0x18a: {  	s14 =	sshll.u32 s14, $0x7  }
0x18b: {  	s14 =	sand.u32 $0x1FFFFF80, s14  }
0x18c: {  	s14 =	sadd.s32 s2, s14  }
0x18d: {  	[hbm4b:s14+s3] =	stream.linear.scatter [tilespmem:s22], [sflag:$0x6], $0x400, $0x38;
	[tilespmem:$0x15E80] =	vst v63  }
0x18e: {  	s14 =	sadd.s32 $0x5, s13  }
0x18f: {  	p2 =	sge.u32 s14, s6  }
0x190: {  	s14 =	sshll.u32 @!p2 s14, $0x7  }
0x191: {  	s15 =	simm.s32 @!p2 $0x80;
	s16 =	simm.s32 @!p2 $0x8E80;
	s14 =	sand.u32 @!p2 $0x3FFFFF80, s14  }
0x192: {  	[tilespmem:s16], [sflag:$0x2] =	stream.indirect.gather @!p2 [hbm4b:s5+s15], $0x80, s14, s15, $0xb8;
	[tilespmem:$0x15E80] =	vst v63  }
.LBB2_12:
0x193: {  	s14 =	sor.u32 $0x2, s13  }
0x194: {  	p2 =	sge.u32 s14, s6  }
.Ltmp10:
0x195: {  	_ = 	snop;
	(pc) =	sbr.rel @p2 .LBB2_16-.Ltmp10, $1  }
0x196: {  	_ =	sdelay $0x3  }
0x197: {  	_ =	swait.ge [sflag:s23], $0x4000  }
0x198: {  	[sflag:s23] =	ssyncset.done $0x0  }
0x199: {  	s15 =	simm.s32 @!p1 $0x7;
	[sflag:s23] =	ssyncadd.s32 $0xFFFFC000  }
0x19a: {  	_ =	swait.ge @!p1 [sflag:s15], $0x400  }
0x19b: {  	[sflag:s15] =	ssyncset.done @!p1 $0x0  }
0x19c: {  	s16 =	simm.s32 $0xD280;
	[sflag:s15] =	ssyncadd.s32 @!p1 $0xFFFFFC00;
	s15 =	simm.s32 $0x0  }
.LBB2_14:
0x19d: {  	v0 =	vld [tilespmem:s16+$0xFFFFFC00]  }
0x19e: {  	v1 =	vld [tilespmem:s16+$0xFFFFFC10]  }
0x19f: {  	v2 =	vld [tilespmem:s16+$0xFFFFFC20]  }
0x1a0: {  	v3 =	vld [tilespmem:s16+$0xFFFFFC30]  }
0x1a1: {  	v4 =	vld [tilespmem:s16+$0xFFFFFC40]  }
0x1a2: {  	v5 =	vld [tilespmem:s16+$0xFFFFFC50]  }
0x1a3: {  	v6 =	vld [tilespmem:s16+$0xFFFFFC60]  }
0x1a4: {  	v7 =	vld [tilespmem:s16+$0xFFFFFC70]  }
0x1a5: {  	v8 =	vld [tilespmem:s16+$0xFFFFFC80]  }
0x1a6: {  	v9 =	vld [tilespmem:s16+$0xFFFFFC90]  }
0x1a7: {  	v10 =	vld [tilespmem:s16+$0xFFFFFCA0]  }
0x1a8: {  	v11 =	vld [tilespmem:s16+$0xFFFFFCB0]  }
0x1a9: {  	v12 =	vld [tilespmem:s16+$0xFFFFFCC0]  }
0x1aa: {  	v13 =	vld [tilespmem:s16+$0xFFFFFCD0]  }
0x1ab: {  	v14 =	vld [tilespmem:s16+$0xFFFFFCE0]  }
0x1ac: {  	v15 =	vld [tilespmem:s16+$0xFFFFFCF0]  }
0x1ad: {  	v16 =	vld [tilespmem:s16+$0xFFFFFD00]  }
0x1ae: {  	v17 =	vld [tilespmem:s16+$0xFFFFFD10]  }
0x1af: {  	v18 =	vld [tilespmem:s16+$0xFFFFFD20]  }
0x1b0: {  	v19 =	vld [tilespmem:s16+$0xFFFFFD30]  }
0x1b1: {  	v20 =	vld [tilespmem:s16+$0xFFFFFD40]  }
0x1b2: {  	v21 =	vld [tilespmem:s16+$0xFFFFFD50]  }
0x1b3: {  	v22 =	vld [tilespmem:s16+$0xFFFFFD60]  }
0x1b4: {  	v23 =	vld [tilespmem:s16+$0xFFFFFD70]  }
0x1b5: {  	v24 =	vld [tilespmem:s16+$0xFFFFFD80]  }
0x1b6: {  	v25 =	vld [tilespmem:s16+$0xFFFFFD90]  }
0x1b7: {  	v26 =	vld [tilespmem:s16+$0xFFFFFDA0]  }
0x1b8: {  	v27 =	vld [tilespmem:s16+$0xFFFFFDB0]  }
0x1b9: {  	v28 =	vld [tilespmem:s16+$0xFFFFFDC0]  }
0x1ba: {  	v29 =	vld [tilespmem:s16+$0xFFFFFDD0]  }
0x1bb: {  	v30 =	vld [tilespmem:s16+$0xFFFFFDE0]  }
0x1bc: {  	v31 =	vld [tilespmem:s16+$0xFFFFFDF0]  }
0x1bd: {  	v32 =	vld [tilespmem:s16+$0xFFFFFE00]  }
0x1be: {  	v33 =	vld [tilespmem:s16+$0xFFFFFE10]  }
0x1bf: {  	v34 =	vld [tilespmem:s16+$0xFFFFFE20]  }
0x1c0: {  	v35 =	vld [tilespmem:s16+$0xFFFFFE30]  }
0x1c1: {  	v36 =	vld [tilespmem:s16+$0xFFFFFE40]  }
0x1c2: {  	v37 =	vld [tilespmem:s16+$0xFFFFFE50]  }
0x1c3: {  	v38 =	vld [tilespmem:s16+$0xFFFFFE60]  }
0x1c4: {  	v39 =	vld [tilespmem:s16+$0xFFFFFE70]  }
0x1c5: {  	v40 =	vld [tilespmem:s16+$0xFFFFFE80]  }
0x1c6: {  	v41 =	vld [tilespmem:s16+$0xFFFFFE90]  }
0x1c7: {  	v42 =	vld [tilespmem:s16+$0xFFFFFEA0]  }
0x1c8: {  	v43 =	vld [tilespmem:s16+$0xFFFFFEB0]  }
0x1c9: {  	v44 =	vld [tilespmem:s16+$0xFFFFFEC0]  }
0x1ca: {  	v45 =	vld [tilespmem:s16+$0xFFFFFED0]  }
0x1cb: {  	v46 =	vld [tilespmem:s16+$0xFFFFFEE0]  }
0x1cc: {  	v47 =	vld [tilespmem:s16+$0xFFFFFEF0]  }
0x1cd: {  	v48 =	vld [tilespmem:s16+$0xFFFFFF00]  }
0x1ce: {  	v49 =	vld [tilespmem:s16+$0xFFFFFF10]  }
0x1cf: {  	v50 =	vld [tilespmem:s16+$0xFFFFFF20]  }
0x1d0: {  	v51 =	vld [tilespmem:s16+$0xFFFFFF30]  }
0x1d1: {  	v52 =	vld [tilespmem:s16+$0xFFFFFF40]  }
0x1d2: {  	v53 =	vld [tilespmem:s16+$0xFFFFFF50]  }
0x1d3: {  	v54 =	vld [tilespmem:s16+$0xFFFFFF60]  }
0x1d4: {  	v55 =	vld [tilespmem:s16+$0xFFFFFF70]  }
0x1d5: {  	v56 =	vld [tilespmem:s16+$0xFFFFFF80]  }
0x1d6: {  	v57 =	vld [tilespmem:s16+$0xFFFFFF90]  }
0x1d7: {  	v58 =	vld [tilespmem:s16+$0xFFFFFFA0]  }
0x1d8: {  	v62 =	vld [tilespmem:s16+$0xFFFFFFE0]  }
0x1d9: {  	v59 =	vld [tilespmem:s16+$0xFFFFFFB0]  }
0x1da: {  	v60 =	vld [tilespmem:s16+$0xFFFFFFC0]  }
0x1db: {  	v61 =	vld [tilespmem:s16+$0xFFFFFFD0]  }
0x1dc: {  	v63 =	vld [tilespmem:s16+$0xFFFFFFF0]  }
0x1dd: {  	[tilespmem:$0x1FE20] =	vst v62;
	v62 =	vld [tilespmem:s16+$0x0]  }
0x1de: {  	v1 =	vadd.f32 v9, v1;
	v9 =	vld [tilespmem:s16+$0xA0]  }
0x1df: {  	v2 =	vadd.f32 v10, v2;
	v10 =	vld [tilespmem:s16+$0xB0]  }
0x1e0: {  	v3 =	vadd.f32 v11, v3;
	v11 =	vld [tilespmem:s16+$0xC0]  }
0x1e1: {  	v4 =	vadd.f32 v12, v4;
	v12 =	vld [tilespmem:s16+$0xD0]  }
0x1e2: {  	v5 =	vadd.f32 v13, v5;
	v13 =	vld [tilespmem:s16+$0xE0]  }
0x1e3: {  	v0 =	vadd.f32 v8, v0;
	v6 =	vadd.f32 v14, v6;
	v14 =	vld [tilespmem:s16+$0xF0]  }
0x1e4: {  	v7 =	vadd.f32 v15, v7;
	v15 =	vld [tilespmem:s16+$0x100]  }
0x1e5: {  	v0 =	vadd.f32 v16, v0;
	v16 =	vld [tilespmem:s16+$0x110]  }
0x1e6: {  	v1 =	vadd.f32 v17, v1;
	v17 =	vld [tilespmem:s16+$0x120]  }
0x1e7: {  	v2 =	vadd.f32 v18, v2;
	v18 =	vld [tilespmem:s16+$0x130]  }
0x1e8: {  	v3 =	vadd.f32 v19, v3;
	v19 =	vld [tilespmem:s16+$0x140]  }
0x1e9: {  	v4 =	vadd.f32 v20, v4;
	v20 =	vld [tilespmem:s16+$0x150]  }
0x1ea: {  	v5 =	vadd.f32 v21, v5;
	v21 =	vld [tilespmem:s16+$0x160]  }
0x1eb: {  	v6 =	vadd.f32 v22, v6;
	v22 =	vld [tilespmem:s16+$0x170]  }
0x1ec: {  	v7 =	vadd.f32 v23, v7;
	v23 =	vld [tilespmem:s16+$0x180]  }
0x1ed: {  	v0 =	vadd.f32 v24, v0;
	v24 =	vld [tilespmem:s16+$0x190]  }
0x1ee: {  	[tilespmem:$0x1FE30] =	vst v62;
	v62 =	vld [tilespmem:s16+$0x10]  }
0x1ef: {  	v1 =	vadd.f32 v25, v1;
	v25 =	vld [tilespmem:s16+$0x1A0]  }
0x1f0: {  	v2 =	vadd.f32 v26, v2;
	v26 =	vld [tilespmem:s16+$0x1B0]  }
0x1f1: {  	v3 =	vadd.f32 v27, v3;
	v27 =	vld [tilespmem:s16+$0x1C0]  }
0x1f2: {  	v5 =	vadd.f32 v29, v5;
	v29 =	vld [tilespmem:s16+$0x1E0]  }
0x1f3: {  	[tilespmem:$0x1FE40] =	vst v62;
	v62 =	vld [tilespmem:s16+$0x20]  }
0x1f4: {  	v6 =	vadd.f32 v30, v6;
	v30 =	vld [tilespmem:s16+$0x1F0]  }
0x1f5: {  	v7 =	vadd.f32 v31, v7;
	v31 =	vld [tilespmem:s16+$0x200]  }
0x1f6: {  	v0 =	vadd.f32 v32, v0;
	v32 =	vld [tilespmem:s16+$0x210]  }
0x1f7: {  	v1 =	vadd.f32 v33, v1;
	v33 =	vld [tilespmem:s16+$0x220]  }
0x1f8: {  	[tilespmem:$0x1FE50] =	vst v62;
	v62 =	vld [tilespmem:s16+$0x30]  }
0x1f9: {  	v4 =	vadd.f32 v28, v4;
	v2 =	vadd.f32 v34, v2;
	v34 =	vld [tilespmem:s16+$0x230]  }
0x1fa: {  	v3 =	vadd.f32 v35, v3;
	v35 =	vld [tilespmem:s16+$0x240]  }
0x1fb: {  	v4 =	vadd.f32 v36, v4;
	v36 =	vld [tilespmem:s16+$0x250]  }
0x1fc: {  	v0 =	vadd.f32 v40, v0;
	v40 =	vld [tilespmem:s16+$0x2B0]  }
0x1fd: {  	[tilespmem:$0x1FE60] =	vst v62;
	v62 =	vld [tilespmem:s16+$0x40]  }
0x1fe: {  	v5 =	vadd.f32 v37, v5;
	v1 =	vadd.f32 v41, v1;
	v41 =	vld [tilespmem:s16+$0x2C0]  }
0x1ff: {  	v6 =	vadd.f32 v38, v6;
	v2 =	vadd.f32 v42, v2;
	v42 =	vld [tilespmem:s16+$0x2D0]  }
0x200: {  	v7 =	vadd.f32 v39, v7;
	v3 =	vadd.f32 v43, v3;
	v43 =	vld [tilespmem:s16+$0x2E0]  }
0x201: {  	v4 =	vadd.f32 v44, v4;
	v5 =	vadd.f32 v45, v5;
	v44 =	vld [tilespmem:s16+$0x2F0]  }
0x202: {  	v6 =	vadd.f32 v46, v6;
	v7 =	vadd.f32 v47, v7;
	[tilespmem:$0x1FE70] =	vst v62;
	v62 =	vld [tilespmem:s16+$0x50]  }
0x203: {  	v0 =	vadd.f32 v48, v0;
	v4 =	vadd.f32 v52, v4;
	v52 =	vld [tilespmem:$0x1FE50]  }
0x204: {  	v45 =	vld [tilespmem:s16+$0x300];
	v1 =	vadd.f32 v49, v1;
	v2 =	vadd.f32 v50, v2  }
0x205: {  	v3 =	vadd.f32 v51, v3;
	v5 =	vadd.f32 v53, v5;
	v49 =	vld [tilespmem:$0x1FE20]  }
0x206: {  	v6 =	vadd.f32 v54, v6;
	v2 =	vadd.f32 v58, v2;
	v53 =	vld [tilespmem:$0x1FE60]  }
0x207: {  	v7 =	vadd.f32 v55, v7;
	v0 =	vadd.f32 v56, v0;
	[tilespmem:$0x1FE80] =	vst v62;
	v62 =	vld [tilespmem:s16+$0x60]  }
0x208: {  	v1 =	vadd.f32 v57, v1;
	v2 =	vadd.f32 v52, v2;
	v55 =	vld [tilespmem:$0x1FE70]  }
0x209: {  	v50 =	vld [tilespmem:$0x1FE30];
	v3 =	vadd.f32 v59, v3;
	v4 =	vadd.f32 v60, v4  }
0x20a: {  	v51 =	vld [tilespmem:$0x1FE40];
	v5 =	vadd.f32 v61, v5;
	v2 =	vadd.f32 v9, v2  }
0x20b: {  	v7 =	vadd.f32 v63, v7;
	v63 =	vld [tilespmem:s16+$0x2A0];
	v3 =	vadd.f32 v53, v3  }
0x20c: {  	v6 =	vadd.f32 v49, v6;
	v2 =	vadd.f32 v17, v2;
	[tilespmem:$0x1FE90] =	vst v62;
	v62 =	vld [tilespmem:s16+$0x70]  }
0x20d: {  	v3 =	vadd.f32 v10, v3;
	v4 =	vadd.f32 v55, v4;
	v56 =	vld [tilespmem:$0x1FE80]  }
0x20e: {  	v47 =	vld [tilespmem:s16+$0x320];
	v0 =	vadd.f32 v50, v0;
	v2 =	vadd.f32 v25, v2  }
0x20f: {  	v48 =	vld [tilespmem:s16+$0x1D0];
	v3 =	vadd.f32 v18, v3;
	v4 =	vadd.f32 v11, v4  }
0x210: {  	v1 =	vadd.f32 v51, v1;
	v2 =	vadd.f32 v33, v2;
	v58 =	vld [tilespmem:$0x1FE90]  }
0x211: {  	v3 =	vadd.f32 v26, v3;
	v4 =	vadd.f32 v19, v4;
	[tilespmem:$0x1FEA0] =	vst v62;
	v62 =	vld [tilespmem:s16+$0x80]  }
0x212: {  	v2 =	vadd.f32 v63, v2;
	v55 =	vld [tilespmem:s16+$0x3A0];
	v5 =	vadd.f32 v56, v5  }
0x213: {  	v49 =	vld [tilespmem:s16+$0x340];
	v3 =	vadd.f32 v34, v3;
	v4 =	vadd.f32 v27, v4  }
0x214: {  	v2 =	vadd.f32 v47, v2;
	v5 =	vadd.f32 v12, v5;
	v59 =	vld [tilespmem:$0x1FEA0]  }
0x215: {  	v46 =	vld [tilespmem:s16+$0x310];
	v3 =	vadd.f32 v40, v3;
	v4 =	vadd.f32 v35, v4  }
0x216: {  	v5 =	vadd.f32 v20, v5;
	v6 =	vadd.f32 v58, v6;
	[tilespmem:$0x1FEB0] =	vst v62;
	v62 =	vld [tilespmem:s16+$0x90]  }
0x217: {  	v2 =	vadd.f32 v55, v2;
	v4 =	vadd.f32 v41, v4;
	v61 =	vld [tilespmem:$0x1FEB0]  }
0x218: {  	v54 =	vld [tilespmem:s16+$0x260];
	v5 =	vadd.f32 v48, v5;
	v6 =	vadd.f32 v13, v6  }
0x219: {  	v57 =	vld [tilespmem:s16+$0x270];
	v4 =	vadd.f32 v49, v4;
	v7 =	vadd.f32 v59, v7  }
0x21a: {  	v60 =	vld [tilespmem:s16+$0x280];
	v5 =	vadd.f32 v36, v5;
	v6 =	vadd.f32 v21, v6  }
0x21b: {  	v48 =	vld [tilespmem:s16+$0x330];
	v7 =	vadd.f32 v14, v7;
	v1 =	vadd.f32 v62, v1  }
0x21c: {  	v50 =	vld [tilespmem:s16+$0x350];
	v5 =	vadd.f32 v42, v5;
	v0 =	vadd.f32 v61, v0  }
0x21d: {  	v56 =	vld [tilespmem:s16+$0x3B0];
	v7 =	vadd.f32 v22, v7;
	v1 =	vadd.f32 v16, v1  }
0x21e: {  	v6 =	vadd.f32 v29, v6;
	v62 =	vld [tilespmem:s16+$0x290];
	v0 =	vadd.f32 v15, v0  }
0x21f: {  	v51 =	vld [tilespmem:s16+$0x360];
	v7 =	vadd.f32 v30, v7;
	v1 =	vadd.f32 v24, v1  }
0x220: {  	v52 =	vld [tilespmem:s16+$0x370];
	v3 =	vadd.f32 v48, v3;
	v0 =	vadd.f32 v23, v0  }
0x221: {  	v7 =	vadd.f32 v57, v7;
	v57 =	vld [tilespmem:s16+$0x3C0];
	v1 =	vadd.f32 v32, v1  }
0x222: {  	v6 =	vadd.f32 v54, v6;
	v54 =	vld [tilespmem:s16+$0x390];
	v0 =	vadd.f32 v31, v0  }
0x223: {  	v53 =	vld [tilespmem:s16+$0x380];
	v3 =	vadd.f32 v56, v3;
	v1 =	vadd.f32 v62, v1  }
0x224: {  	v59 =	vld [tilespmem:s16+$0x3E0];
	v6 =	vadd.f32 v43, v6;
	v0 =	vadd.f32 v60, v0  }
0x225: {  	s17 =	sshra.s32 s15, $0x2;
	v7 =	vadd.f32 v44, v7;
	v60 =	vld [tilespmem:s16+$0x3F0];
	v1 =	vadd.f32 v46, v1  }
0x226: {  	v58 =	vld [tilespmem:s16+$0x3D0];
	v4 =	vadd.f32 v57, v4;
	[tilespmem:s17+$0x156A0] =	vst v2;
	v0 =	vadd.f32 v45, v0  }
0x227: {  	v62 =	vadd.f32 v51, v6;
	[tilespmem:s17+$0x156B0] =	vst v3;
	v1 =	vadd.f32 v54, v1  }
0x228: {  	p2 =	sne.s32 s15, $0xE00;
	v63 =	vadd.f32 v52, v7;
	[tilespmem:s17+$0x156C0] =	vst v4;
	v0 =	vadd.f32 v53, v0  }
.Ltmp11:
0x229: {  	v61 =	vadd.f32 v50, v5;
	[tilespmem:s17+$0x15690] =	vst v1;
	v1 =	vadd.f32 v59, v62;
	(pc) =	sbr.rel @p2 .LBB2_14-.Ltmp11, $4  }
0x22a: {  	v2 =	vadd.f32 v60, v63;
	[tilespmem:s17+$0x15680] =	vst v0  }
0x22b: {  	v0 =	vadd.f32 v58, v61;
	[tilespmem:s17+$0x156E0] =	vst v1  }
0x22c: {  	[tilespmem:s17+$0x156F0] =	vst v2  }
0x22d: {  	s15 =	sadd.s32 $0x200, s15;
	s16 =	sadd.s32 $0x800, s16;
	[tilespmem:s17+$0x156D0] =	vst v0  }
0x22e: {  	s14 =	sadd.s32 s4, s14  }
0x22f: {  	s14 =	sshll.u32 s14, $0x7  }
0x230: {  	s14 =	sand.u32 $0x1FFFFF80, s14  }
0x231: {  	s14 =	sadd.s32 s2, s14  }
0x232: {  	[hbm4b:s14+s3] =	stream.linear.scatter [tilespmem:s24], [sflag:$0x7], $0x400, $0x38;
	[tilespmem:$0x15E80] =	vst v63  }
0x233: {  	s14 =	sadd.s32 $0x6, s13  }
0x234: {  	p2 =	sge.u32 s14, s6  }
0x235: {  	s14 =	sshll.u32 @!p2 s14, $0x7  }
0x236: {  	s15 =	simm.s32 @!p2 $0x80;
	s16 =	simm.s32 @!p2 $0xCE80;
	s14 =	sand.u32 @!p2 $0x3FFFFF80, s14  }
0x237: {  	[tilespmem:s16], [sflag:$0x3] =	stream.indirect.gather @!p2 [hbm4b:s5+s15], $0x80, s14, s15, $0xb8;
	[tilespmem:$0x15E80] =	vst v63  }
.LBB2_16:
0x238: {  	s14 =	sor.u32 $0x3, s13  }
0x239: {  	p2 =	sge.u32 s14, s6  }
.Ltmp12:
0x23a: {  	_ = 	snop;
	(pc) =	sbr.rel @p2 .LBB2_20-.Ltmp12, $1  }
0x23b: {  	_ =	sdelay $0x3  }
0x23c: {  	_ =	swait.ge [sflag:s25], $0x4000  }
0x23d: {  	[sflag:s25] =	ssyncset.done $0x0  }
0x23e: {  	s15 =	simm.s32 @!p1 $0x8;
	[sflag:s25] =	ssyncadd.s32 $0xFFFFC000  }
0x23f: {  	_ =	swait.ge @!p1 [sflag:s15], $0x400  }
0x240: {  	[sflag:s15] =	ssyncset.done @!p1 $0x0  }
0x241: {  	s16 =	simm.s32 $0x11280;
	[sflag:s15] =	ssyncadd.s32 @!p1 $0xFFFFFC00;
	s15 =	simm.s32 $0x0  }
.LBB2_18:
0x242: {  	v0 =	vld [tilespmem:s16+$0xFFFFFC00]  }
0x243: {  	v1 =	vld [tilespmem:s16+$0xFFFFFC10]  }
0x244: {  	v2 =	vld [tilespmem:s16+$0xFFFFFC20]  }
0x245: {  	v3 =	vld [tilespmem:s16+$0xFFFFFC30]  }
0x246: {  	v4 =	vld [tilespmem:s16+$0xFFFFFC40]  }
0x247: {  	v5 =	vld [tilespmem:s16+$0xFFFFFC50]  }
0x248: {  	v6 =	vld [tilespmem:s16+$0xFFFFFC60]  }
0x249: {  	v7 =	vld [tilespmem:s16+$0xFFFFFC70]  }
0x24a: {  	v8 =	vld [tilespmem:s16+$0xFFFFFC80]  }
0x24b: {  	v9 =	vld [tilespmem:s16+$0xFFFFFC90]  }
0x24c: {  	v10 =	vld [tilespmem:s16+$0xFFFFFCA0]  }
0x24d: {  	v11 =	vld [tilespmem:s16+$0xFFFFFCB0]  }
0x24e: {  	v12 =	vld [tilespmem:s16+$0xFFFFFCC0]  }
0x24f: {  	v13 =	vld [tilespmem:s16+$0xFFFFFCD0]  }
0x250: {  	v14 =	vld [tilespmem:s16+$0xFFFFFCE0]  }
0x251: {  	v15 =	vld [tilespmem:s16+$0xFFFFFCF0]  }
0x252: {  	v16 =	vld [tilespmem:s16+$0xFFFFFD00]  }
0x253: {  	v17 =	vld [tilespmem:s16+$0xFFFFFD10]  }
0x254: {  	v18 =	vld [tilespmem:s16+$0xFFFFFD20]  }
0x255: {  	v19 =	vld [tilespmem:s16+$0xFFFFFD30]  }
0x256: {  	v20 =	vld [tilespmem:s16+$0xFFFFFD40]  }
0x257: {  	v21 =	vld [tilespmem:s16+$0xFFFFFD50]  }
0x258: {  	v22 =	vld [tilespmem:s16+$0xFFFFFD60]  }
0x259: {  	v23 =	vld [tilespmem:s16+$0xFFFFFD70]  }
0x25a: {  	v24 =	vld [tilespmem:s16+$0xFFFFFD80]  }
0x25b: {  	v25 =	vld [tilespmem:s16+$0xFFFFFD90]  }
0x25c: {  	v26 =	vld [tilespmem:s16+$0xFFFFFDA0]  }
0x25d: {  	v27 =	vld [tilespmem:s16+$0xFFFFFDB0]  }
0x25e: {  	v28 =	vld [tilespmem:s16+$0xFFFFFDC0]  }
0x25f: {  	v29 =	vld [tilespmem:s16+$0xFFFFFDD0]  }
0x260: {  	v30 =	vld [tilespmem:s16+$0xFFFFFDE0]  }
0x261: {  	v31 =	vld [tilespmem:s16+$0xFFFFFDF0]  }
0x262: {  	v32 =	vld [tilespmem:s16+$0xFFFFFE00]  }
0x263: {  	v33 =	vld [tilespmem:s16+$0xFFFFFE10]  }
0x264: {  	v34 =	vld [tilespmem:s16+$0xFFFFFE20]  }
0x265: {  	v35 =	vld [tilespmem:s16+$0xFFFFFE30]  }
0x266: {  	v36 =	vld [tilespmem:s16+$0xFFFFFE40]  }
0x267: {  	v37 =	vld [tilespmem:s16+$0xFFFFFE50]  }
0x268: {  	v38 =	vld [tilespmem:s16+$0xFFFFFE60]  }
0x269: {  	v39 =	vld [tilespmem:s16+$0xFFFFFE70]  }
0x26a: {  	v40 =	vld [tilespmem:s16+$0xFFFFFE80]  }
0x26b: {  	v41 =	vld [tilespmem:s16+$0xFFFFFE90]  }
0x26c: {  	v42 =	vld [tilespmem:s16+$0xFFFFFEA0]  }
0x26d: {  	v43 =	vld [tilespmem:s16+$0xFFFFFEB0]  }
0x26e: {  	v44 =	vld [tilespmem:s16+$0xFFFFFEC0]  }
0x26f: {  	v45 =	vld [tilespmem:s16+$0xFFFFFED0]  }
0x270: {  	v46 =	vld [tilespmem:s16+$0xFFFFFEE0]  }
0x271: {  	v47 =	vld [tilespmem:s16+$0xFFFFFEF0]  }
0x272: {  	v48 =	vld [tilespmem:s16+$0xFFFFFF00]  }
0x273: {  	v49 =	vld [tilespmem:s16+$0xFFFFFF10]  }
0x274: {  	v50 =	vld [tilespmem:s16+$0xFFFFFF20]  }
0x275: {  	v51 =	vld [tilespmem:s16+$0xFFFFFF30]  }
0x276: {  	v52 =	vld [tilespmem:s16+$0xFFFFFF40]  }
0x277: {  	v53 =	vld [tilespmem:s16+$0xFFFFFF50]  }
0x278: {  	v54 =	vld [tilespmem:s16+$0xFFFFFF60]  }
0x279: {  	v55 =	vld [tilespmem:s16+$0xFFFFFF70]  }
0x27a: {  	v56 =	vld [tilespmem:s16+$0xFFFFFF80]  }
0x27b: {  	v57 =	vld [tilespmem:s16+$0xFFFFFF90]  }
0x27c: {  	v58 =	vld [tilespmem:s16+$0xFFFFFFA0]  }
0x27d: {  	v62 =	vld [tilespmem:s16+$0xFFFFFFE0]  }
0x27e: {  	v59 =	vld [tilespmem:s16+$0xFFFFFFB0]  }
0x27f: {  	v60 =	vld [tilespmem:s16+$0xFFFFFFC0]  }
0x280: {  	v61 =	vld [tilespmem:s16+$0xFFFFFFD0]  }
0x281: {  	v63 =	vld [tilespmem:s16+$0xFFFFFFF0]  }
0x282: {  	[tilespmem:$0x1FD80] =	vst v62;
	v62 =	vld [tilespmem:s16+$0x0]  }
0x283: {  	v1 =	vadd.f32 v9, v1;
	v9 =	vld [tilespmem:s16+$0xA0]  }
0x284: {  	v2 =	vadd.f32 v10, v2;
	v10 =	vld [tilespmem:s16+$0xB0]  }
0x285: {  	v3 =	vadd.f32 v11, v3;
	v11 =	vld [tilespmem:s16+$0xC0]  }
0x286: {  	v4 =	vadd.f32 v12, v4;
	v12 =	vld [tilespmem:s16+$0xD0]  }
0x287: {  	v5 =	vadd.f32 v13, v5;
	v13 =	vld [tilespmem:s16+$0xE0]  }
0x288: {  	v0 =	vadd.f32 v8, v0;
	v6 =	vadd.f32 v14, v6;
	v14 =	vld [tilespmem:s16+$0xF0]  }
0x289: {  	v7 =	vadd.f32 v15, v7;
	v15 =	vld [tilespmem:s16+$0x100]  }
0x28a: {  	v0 =	vadd.f32 v16, v0;
	v16 =	vld [tilespmem:s16+$0x110]  }
0x28b: {  	v1 =	vadd.f32 v17, v1;
	v17 =	vld [tilespmem:s16+$0x120]  }
0x28c: {  	v2 =	vadd.f32 v18, v2;
	v18 =	vld [tilespmem:s16+$0x130]  }
0x28d: {  	v3 =	vadd.f32 v19, v3;
	v19 =	vld [tilespmem:s16+$0x140]  }
0x28e: {  	v4 =	vadd.f32 v20, v4;
	v20 =	vld [tilespmem:s16+$0x150]  }
0x28f: {  	v5 =	vadd.f32 v21, v5;
	v21 =	vld [tilespmem:s16+$0x160]  }
0x290: {  	v6 =	vadd.f32 v22, v6;
	v22 =	vld [tilespmem:s16+$0x170]  }
0x291: {  	v7 =	vadd.f32 v23, v7;
	v23 =	vld [tilespmem:s16+$0x180]  }
0x292: {  	v0 =	vadd.f32 v24, v0;
	v24 =	vld [tilespmem:s16+$0x190]  }
0x293: {  	[tilespmem:$0x1FD90] =	vst v62;
	v62 =	vld [tilespmem:s16+$0x10]  }
0x294: {  	v1 =	vadd.f32 v25, v1;
	v25 =	vld [tilespmem:s16+$0x1A0]  }
0x295: {  	v2 =	vadd.f32 v26, v2;
	v26 =	vld [tilespmem:s16+$0x1B0]  }
0x296: {  	v3 =	vadd.f32 v27, v3;
	v27 =	vld [tilespmem:s16+$0x1C0]  }
0x297: {  	v5 =	vadd.f32 v29, v5;
	v29 =	vld [tilespmem:s16+$0x1E0]  }
0x298: {  	[tilespmem:$0x1FDA0] =	vst v62;
	v62 =	vld [tilespmem:s16+$0x20]  }
0x299: {  	v6 =	vadd.f32 v30, v6;
	v30 =	vld [tilespmem:s16+$0x1F0]  }
0x29a: {  	v7 =	vadd.f32 v31, v7;
	v31 =	vld [tilespmem:s16+$0x200]  }
0x29b: {  	v0 =	vadd.f32 v32, v0;
	v32 =	vld [tilespmem:s16+$0x210]  }
0x29c: {  	v1 =	vadd.f32 v33, v1;
	v33 =	vld [tilespmem:s16+$0x220]  }
0x29d: {  	[tilespmem:$0x1FDB0] =	vst v62;
	v62 =	vld [tilespmem:s16+$0x30]  }
0x29e: {  	v4 =	vadd.f32 v28, v4;
	v2 =	vadd.f32 v34, v2;
	v34 =	vld [tilespmem:s16+$0x230]  }
0x29f: {  	v3 =	vadd.f32 v35, v3;
	v35 =	vld [tilespmem:s16+$0x240]  }
0x2a0: {  	v4 =	vadd.f32 v36, v4;
	v36 =	vld [tilespmem:s16+$0x250]  }
0x2a1: {  	v0 =	vadd.f32 v40, v0;
	v40 =	vld [tilespmem:s16+$0x2B0]  }
0x2a2: {  	[tilespmem:$0x1FDC0] =	vst v62;
	v62 =	vld [tilespmem:s16+$0x40]  }
0x2a3: {  	v5 =	vadd.f32 v37, v5;
	v1 =	vadd.f32 v41, v1;
	v41 =	vld [tilespmem:s16+$0x2C0]  }
0x2a4: {  	v6 =	vadd.f32 v38, v6;
	v2 =	vadd.f32 v42, v2;
	v42 =	vld [tilespmem:s16+$0x2D0]  }
0x2a5: {  	v7 =	vadd.f32 v39, v7;
	v3 =	vadd.f32 v43, v3;
	v43 =	vld [tilespmem:s16+$0x2E0]  }
0x2a6: {  	v4 =	vadd.f32 v44, v4;
	v5 =	vadd.f32 v45, v5;
	v44 =	vld [tilespmem:s16+$0x2F0]  }
0x2a7: {  	v6 =	vadd.f32 v46, v6;
	v7 =	vadd.f32 v47, v7;
	[tilespmem:$0x1FDD0] =	vst v62;
	v62 =	vld [tilespmem:s16+$0x50]  }
0x2a8: {  	v0 =	vadd.f32 v48, v0;
	v4 =	vadd.f32 v52, v4;
	v52 =	vld [tilespmem:$0x1FDB0]  }
0x2a9: {  	v45 =	vld [tilespmem:s16+$0x300];
	v1 =	vadd.f32 v49, v1;
	v2 =	vadd.f32 v50, v2  }
0x2aa: {  	v3 =	vadd.f32 v51, v3;
	v5 =	vadd.f32 v53, v5;
	v49 =	vld [tilespmem:$0x1FD80]  }
0x2ab: {  	v6 =	vadd.f32 v54, v6;
	v2 =	vadd.f32 v58, v2;
	v53 =	vld [tilespmem:$0x1FDC0]  }
0x2ac: {  	v7 =	vadd.f32 v55, v7;
	v0 =	vadd.f32 v56, v0;
	[tilespmem:$0x1FDE0] =	vst v62;
	v62 =	vld [tilespmem:s16+$0x60]  }
0x2ad: {  	v1 =	vadd.f32 v57, v1;
	v2 =	vadd.f32 v52, v2;
	v55 =	vld [tilespmem:$0x1FDD0]  }
0x2ae: {  	v50 =	vld [tilespmem:$0x1FD90];
	v3 =	vadd.f32 v59, v3;
	v4 =	vadd.f32 v60, v4  }
0x2af: {  	v51 =	vld [tilespmem:$0x1FDA0];
	v5 =	vadd.f32 v61, v5;
	v2 =	vadd.f32 v9, v2  }
0x2b0: {  	v7 =	vadd.f32 v63, v7;
	v63 =	vld [tilespmem:s16+$0x2A0];
	v3 =	vadd.f32 v53, v3  }
0x2b1: {  	v6 =	vadd.f32 v49, v6;
	v2 =	vadd.f32 v17, v2;
	[tilespmem:$0x1FDF0] =	vst v62;
	v62 =	vld [tilespmem:s16+$0x70]  }
0x2b2: {  	v3 =	vadd.f32 v10, v3;
	v4 =	vadd.f32 v55, v4;
	v56 =	vld [tilespmem:$0x1FDE0]  }
0x2b3: {  	v47 =	vld [tilespmem:s16+$0x320];
	v0 =	vadd.f32 v50, v0;
	v2 =	vadd.f32 v25, v2  }
0x2b4: {  	v48 =	vld [tilespmem:s16+$0x1D0];
	v3 =	vadd.f32 v18, v3;
	v4 =	vadd.f32 v11, v4  }
0x2b5: {  	v1 =	vadd.f32 v51, v1;
	v2 =	vadd.f32 v33, v2;
	v58 =	vld [tilespmem:$0x1FDF0]  }
0x2b6: {  	v3 =	vadd.f32 v26, v3;
	v4 =	vadd.f32 v19, v4;
	[tilespmem:$0x1FE00] =	vst v62;
	v62 =	vld [tilespmem:s16+$0x80]  }
0x2b7: {  	v2 =	vadd.f32 v63, v2;
	v55 =	vld [tilespmem:s16+$0x3A0];
	v5 =	vadd.f32 v56, v5  }
0x2b8: {  	v49 =	vld [tilespmem:s16+$0x340];
	v3 =	vadd.f32 v34, v3;
	v4 =	vadd.f32 v27, v4  }
0x2b9: {  	v2 =	vadd.f32 v47, v2;
	v5 =	vadd.f32 v12, v5;
	v59 =	vld [tilespmem:$0x1FE00]  }
0x2ba: {  	v46 =	vld [tilespmem:s16+$0x310];
	v3 =	vadd.f32 v40, v3;
	v4 =	vadd.f32 v35, v4  }
0x2bb: {  	v5 =	vadd.f32 v20, v5;
	v6 =	vadd.f32 v58, v6;
	[tilespmem:$0x1FE10] =	vst v62;
	v62 =	vld [tilespmem:s16+$0x90]  }
0x2bc: {  	v2 =	vadd.f32 v55, v2;
	v4 =	vadd.f32 v41, v4;
	v61 =	vld [tilespmem:$0x1FE10]  }
0x2bd: {  	v54 =	vld [tilespmem:s16+$0x260];
	v5 =	vadd.f32 v48, v5;
	v6 =	vadd.f32 v13, v6  }
0x2be: {  	v57 =	vld [tilespmem:s16+$0x270];
	v4 =	vadd.f32 v49, v4;
	v7 =	vadd.f32 v59, v7  }
0x2bf: {  	v60 =	vld [tilespmem:s16+$0x280];
	v5 =	vadd.f32 v36, v5;
	v6 =	vadd.f32 v21, v6  }
0x2c0: {  	v48 =	vld [tilespmem:s16+$0x330];
	v7 =	vadd.f32 v14, v7;
	v1 =	vadd.f32 v62, v1  }
0x2c1: {  	v50 =	vld [tilespmem:s16+$0x350];
	v5 =	vadd.f32 v42, v5;
	v0 =	vadd.f32 v61, v0  }
0x2c2: {  	v56 =	vld [tilespmem:s16+$0x3B0];
	v7 =	vadd.f32 v22, v7;
	v1 =	vadd.f32 v16, v1  }
0x2c3: {  	v6 =	vadd.f32 v29, v6;
	v62 =	vld [tilespmem:s16+$0x290];
	v0 =	vadd.f32 v15, v0  }
0x2c4: {  	v51 =	vld [tilespmem:s16+$0x360];
	v7 =	vadd.f32 v30, v7;
	v1 =	vadd.f32 v24, v1  }
0x2c5: {  	v52 =	vld [tilespmem:s16+$0x370];
	v3 =	vadd.f32 v48, v3;
	v0 =	vadd.f32 v23, v0  }
0x2c6: {  	v7 =	vadd.f32 v57, v7;
	v57 =	vld [tilespmem:s16+$0x3C0];
	v1 =	vadd.f32 v32, v1  }
0x2c7: {  	v6 =	vadd.f32 v54, v6;
	v54 =	vld [tilespmem:s16+$0x390];
	v0 =	vadd.f32 v31, v0  }
0x2c8: {  	v53 =	vld [tilespmem:s16+$0x380];
	v3 =	vadd.f32 v56, v3;
	v1 =	vadd.f32 v62, v1  }
0x2c9: {  	v59 =	vld [tilespmem:s16+$0x3E0];
	v6 =	vadd.f32 v43, v6;
	v0 =	vadd.f32 v60, v0  }
0x2ca: {  	s17 =	sshra.s32 s15, $0x2;
	v7 =	vadd.f32 v44, v7;
	v60 =	vld [tilespmem:s16+$0x3F0];
	v1 =	vadd.f32 v46, v1  }
0x2cb: {  	v58 =	vld [tilespmem:s16+$0x3D0];
	v4 =	vadd.f32 v57, v4;
	[tilespmem:s17+$0x15AA0] =	vst v2;
	v0 =	vadd.f32 v45, v0  }
0x2cc: {  	v62 =	vadd.f32 v51, v6;
	[tilespmem:s17+$0x15AB0] =	vst v3;
	v1 =	vadd.f32 v54, v1  }
0x2cd: {  	p1 =	sne.s32 s15, $0xE00;
	v63 =	vadd.f32 v52, v7;
	[tilespmem:s17+$0x15AC0] =	vst v4;
	v0 =	vadd.f32 v53, v0  }
.Ltmp13:
0x2ce: {  	v61 =	vadd.f32 v50, v5;
	[tilespmem:s17+$0x15A90] =	vst v1;
	v1 =	vadd.f32 v59, v62;
	(pc) =	sbr.rel @p1 .LBB2_18-.Ltmp13, $4  }
0x2cf: {  	v2 =	vadd.f32 v60, v63;
	[tilespmem:s17+$0x15A80] =	vst v0  }
0x2d0: {  	v0 =	vadd.f32 v58, v61;
	[tilespmem:s17+$0x15AE0] =	vst v1  }
0x2d1: {  	[tilespmem:s17+$0x15AF0] =	vst v2  }
0x2d2: {  	s15 =	sadd.s32 $0x200, s15;
	s16 =	sadd.s32 $0x800, s16;
	[tilespmem:s17+$0x15AD0] =	vst v0  }
0x2d3: {  	s14 =	sadd.s32 s4, s14  }
0x2d4: {  	s13 =	sadd.s32 $0x7, s13;
	s14 =	sshll.u32 s14, $0x7  }
.Ltmp14:
0x2d5: {  	p1 =	sge.u32 s13, s6;
	s14 =	sand.u32 $0x1FFFFF80, s14;
	(pc) =	sbr.rel .LBB2_20-.Ltmp14, $4  }
0x2d6: {  	s13 =	sshll.u32 @!p1 s13, $0x7;
	s14 =	sadd.s32 s2, s14  }
0x2d7: {  	[hbm4b:s14+s3] =	stream.linear.scatter [tilespmem:s26], [sflag:$0x8], $0x400, $0x38;
	[tilespmem:$0x15E80] =	vst v63  }
0x2d8: {  	s15 =	simm.s32 @!p1 $0x10E80;
	s13 =	sand.u32 @!p1 $0x3FFFFF80, s13;
	s14 =	simm.s32 @!p1 $0x80  }
0x2d9: {  	[tilespmem:s15], [sflag:$0x4] =	stream.indirect.gather @!p1 [hbm4b:s5+s14], $0x80, s13, s14, $0xb8;
	[tilespmem:$0x15E80] =	vst v63  }
.LBB2_22:
0x2da: {  	_ =	sfence.sel $0x180000  }
0x2db: {  	[bflag:$0x0] =	sbarrier.arrive $0xFFFF  }
0x2dc: {  	_ =	strace $0x90000047  }
0x2dd: {  	s0 =	stileid.u32;
	[bflag:$0x2] =	sbarrier.arrive $0xFFFF  }
0x2de: {  	p0 =	sne.s32 s0, $0x0;
	s0 =	rddreg [dreg:$0x2]  }
0x2df: {  	s0 =	sadd.s32 @!p0 $0x100000, s0  }
0x2e0: {  	[sflag:s0] =	ssyncadd.tile.s32 @!p0 $0x1;
	_ =	shalt  }
.Lfunc_end2:
_tile_overlayer_lowered:
.L_overlay_start_2:
0x2e1: {  	(tag) =	ssettag $0x2  }
0x2e2: {  	s0 =	rddreg [dreg:$0x0];
	s2 =	stileid.u32  }
0x2e3: {  	s1 =	rddreg [dreg:$0x1];
	p0 =	sne.s32 s2, $0x0  }
0x2e4: {  	s3 =	rddreg [dreg:$0x2];
	[bflag:$0x3] =	sbarrier.arrive $0xFFFF;
	s2 =	simm.s32 @!p0 $0x1C09  }
0x2e5: {  	[timem:s3], [sflag:s2] =	dma.local @!p0 [hbm:s0], s1  }
0x2e6: {  	s0 =	simm.s32 @!p0 $0x9  }
0x2e7: {  	_ =	swait.ge @!p0 [sflag:s0], s1  }
0x2e8: {  	s1 =	ssub.s32 @!p0 $0x0, s1;
	[sflag:s0] =	ssyncset.done @!p0 $0x0  }
0x2e9: {  	[sflag:s0] =	ssyncadd.s32 @!p0 s1  }
0x2ea: {  	[bflag:$0x3] =	sbarrier.arrive $0xFFFF  }
0x2eb: {  	_ =	shalt  }

</sc_bundles>
